<compile_context>
chip_gen: v7x
topology: tpu7x:2x2x1
jax: 0.10.2.dev20260603
libtpu: 0.0.44.dev20260713+nightly
codegen_flags: <defaults>
</compile_context>

<pallas_src>
import functools

import jax
import jax.numpy as jnp
from jax import lax
from jax.experimental import pallas as pl
from jax.experimental.pallas import tpu as pltpu
from jax.experimental.pallas import tpu_sc as plsc

N = 10000
E = 320000
D_IN = 128
HID = 128
K = 64
OUT = 64

NC = 2
NS = 16
NW = NC * NS
CHUNK = 125
NCHUNK = E // (NW * CHUNK)
NBUF = 4
N_PAD = 10240
RPT = N_PAD // NS


def _stage_indices_and_zero(ei4, row_v, col_v, znk, acc, w, sid):
    pltpu.sync_copy(ei4.at[0, w], row_v)
    pltpu.sync_copy(ei4.at[1, w], col_v)
    sl = pl.ds(sid * RPT, RPT)
    pltpu.sync_copy(znk.at[sl], acc.at[sl])
    return sl


def _scatter_pipeline(tab, row_v, col_v, vals, acc, gsem, ssem, deg_args):
    for b in range(NBUF):
        pltpu.async_copy(tab.at[row_v.at[b]], vals.at[b], gsem.at[b])

    def quad(i, carry):
        for b in range(NBUF):
            j = NBUF * i + b
            pltpu.make_async_copy(tab.at[row_v.at[j]], vals.at[b],
                                  gsem.at[b]).wait()
            pltpu.async_copy(vals.at[b], acc.at[col_v.at[j]], ssem.at[b],
                             add=True)
            if deg_args is not None:
                ones_v, deg, dsem = deg_args
                pltpu.async_copy(ones_v, deg.at[col_v.at[j]], dsem,
                                 add=True)

            @pl.when(j + NBUF < NCHUNK)
            def _():
                pltpu.make_async_copy(vals.at[b], acc.at[col_v.at[j]],
                                      ssem.at[b]).wait()
                pltpu.async_copy(tab.at[row_v.at[j + NBUF]], vals.at[b],
                                 gsem.at[b])
            if deg_args is not None:
                ones_v, deg, dsem = deg_args

                @pl.when(j >= NBUF)
                def _():
                    pltpu.make_async_copy(ones_v, deg.at[col_v.at[j]],
                                          dsem).wait()
        return carry

    lax.fori_loop(0, NCHUNK // NBUF, quad, 0)

    for b in range(NBUF):
        j = NCHUNK - NBUF + b
        pltpu.make_async_copy(vals.at[b], acc.at[col_v.at[j]],
                              ssem.at[b]).wait()
        if deg_args is not None:
            ones_v, deg, dsem = deg_args
            pltpu.make_async_copy(ones_v, deg.at[col_v.at[j]], dsem).wait()


def _segsum_deg_body(tab, ei4, znk, zn, ones_h, out, outdeg,
                     row_v, col_v, vals, ones_v, acc, deg, gsem, ssem, dsem):
    cid = lax.axis_index("c")
    sid = lax.axis_index("s")
    w = cid * NS + sid
    sl = _stage_indices_and_zero(ei4, row_v, col_v, znk, acc, w, sid)
    pltpu.sync_copy(ones_h, ones_v)

    @pl.when(sid == 0)
    def _():
        pltpu.sync_copy(zn, deg)
    plsc.subcore_barrier()

    _scatter_pipeline(tab, row_v, col_v, vals, acc, gsem, ssem,
                      (ones_v, deg, dsem))

    plsc.subcore_barrier()
    pltpu.sync_copy(acc.at[sl], out.at[cid, sl])

    @pl.when(sid == 0)
    def _():
        pltpu.sync_copy(deg, outdeg.at[cid])


def _segsum_num_body(tab, ei4, znk, outnum,
                     row_v, col_v, vals, num_v, acc, gsem, ssem):
    cid = lax.axis_index("c")
    sid = lax.axis_index("s")
    w = cid * NS + sid
    _stage_indices_and_zero(ei4, row_v, col_v, znk, acc, w, sid)
    plsc.subcore_barrier()

    _scatter_pipeline(tab, row_v, col_v, vals, acc, gsem, ssem, None)

    plsc.subcore_barrier()

    base = sid * RPT
    total = jnp.zeros((16,), jnp.float32)
    off = 0
    for sz in [120, 120, 120, 120, 120, 40]:
        pltpu.sync_copy(acc.at[pl.ds(base + off, sz)],
                        vals.at[0, pl.ds(0, sz)])
        pltpu.sync_copy(tab.at[pl.ds(base + off, sz)],
                        vals.at[1, pl.ds(0, sz)])

        def rowbody(q, c):
            c0, c1, c2, c3 = c
            for u in range(4):
                r = 4 * q + u
                c0 = c0 + vals[0, r, pl.ds(0, 16)] * vals[1, r, pl.ds(0, 16)]
                c1 = c1 + vals[0, r, pl.ds(16, 16)] * vals[1, r, pl.ds(16, 16)]
                c2 = c2 + vals[0, r, pl.ds(32, 16)] * vals[1, r, pl.ds(32, 16)]
                c3 = c3 + vals[0, r, pl.ds(48, 16)] * vals[1, r, pl.ds(48, 16)]
            return (c0, c1, c2, c3)

        z16 = jnp.zeros((16,), jnp.float32)
        c0, c1, c2, c3 = lax.fori_loop(0, sz // 4, rowbody,
                                       (z16, z16, z16, z16))
        total = total + c0 + c1 + c2 + c3
        off += sz
    num_v[...] = total
    pltpu.sync_copy(num_v, outnum.at[cid, sid])


@functools.cache
def _make_segsum_deg():
    mesh = plsc.VectorSubcoreMesh(core_axis_name="c", subcore_axis_name="s",
                                  num_cores=NC, num_subcores=NS)
    return pl.kernel(
        _segsum_deg_body,
        out_type=[jax.ShapeDtypeStruct((NC, N_PAD, K), jnp.float32),
                  jax.ShapeDtypeStruct((NC, N_PAD, 16), jnp.float32)],
        mesh=mesh,
        scratch_types=[
            pltpu.VMEM((NCHUNK, CHUNK), jnp.int32),
            pltpu.VMEM((NCHUNK, CHUNK), jnp.int32),
            pltpu.VMEM((NBUF, CHUNK, K), jnp.float32),
            pltpu.VMEM((CHUNK, 16), jnp.float32),
            pltpu.VMEM_SHARED((N_PAD, K), jnp.float32),
            pltpu.VMEM_SHARED((N_PAD, 16), jnp.float32),
            pltpu.SemaphoreType.DMA((NBUF,)),
            pltpu.SemaphoreType.DMA((NBUF,)),
            pltpu.SemaphoreType.DMA,
        ],
        compiler_params=pltpu.CompilerParams(use_tc_tiling_on_sc=False))


@functools.cache
def _make_segsum_num():
    mesh = plsc.VectorSubcoreMesh(core_axis_name="c", subcore_axis_name="s",
                                  num_cores=NC, num_subcores=NS)
    return pl.kernel(
        _segsum_num_body,
        out_type=jax.ShapeDtypeStruct((NC, NS, 16), jnp.float32),
        mesh=mesh,
        scratch_types=[
            pltpu.VMEM((NCHUNK, CHUNK), jnp.int32),
            pltpu.VMEM((NCHUNK, CHUNK), jnp.int32),
            pltpu.VMEM((NBUF, CHUNK, K), jnp.float32),
            pltpu.VMEM((16,), jnp.float32),
            pltpu.VMEM_SHARED((N_PAD, K), jnp.float32),
            pltpu.SemaphoreType.DMA((NBUF,)),
            pltpu.SemaphoreType.DMA((NBUF,)),
        ],
        compiler_params=pltpu.CompilerParams(use_tc_tiling_on_sc=False))


BM = 2000
BMS = 2048


def _softmax_body(p, beig, s_ref):
    xa = p[0] + p[1] + beig[...]
    m = jnp.max(xa, axis=1, keepdims=True)
    e = jnp.exp(xa - m)
    s_ref[...] = e / jnp.sum(e, axis=1, keepdims=True)


def _mm_body(x, wx, bx, xx_ref):
    xx_ref[...] = (jnp.dot(x[...], wx[...], preferred_element_type=jnp.float32)
                   + bx[...])


def _dense_body(s_in, xx, dg, wf, bf, z_ref, ss_ref, den_ref, ss_acc,
                den_acc):
    i = pl.program_id(0)

    @pl.when(i == 0)
    def _():
        ss_acc[...] = jnp.zeros_like(ss_acc)
        den_acc[0, 0] = 0.0

    sb = s_in[...]
    deg = dg[0][:, 0:1] + dg[1][:, 0:1]
    ssq = jnp.sum(sb * sb, axis=1, keepdims=True)
    den_acc[0, 0] += jnp.sum(deg * ssq)
    ss_acc[...] += lax.dot_general(sb, sb, (((0,), (0,)), ((), ())),
                                   preferred_element_type=jnp.float32)

    z = (jnp.dot(xx[...], wf[:HID, :], preferred_element_type=jnp.float32)
         + jnp.dot(sb, wf[HID:, :], preferred_element_type=jnp.float32)
         + bf[...])
    m = jnp.max(z, axis=1, keepdims=True)
    z_ref[...] = z - m - jnp.log(jnp.sum(jnp.exp(z - m), axis=1,
                                         keepdims=True))

    @pl.when(i == pl.num_programs(0) - 1)
    def _():
        ss_ref[...] = ss_acc[...]
        den_ref[...] = jnp.full((1, 1), den_acc[0, 0], jnp.float32)


def _loss_body(ss, den, nump, loss_ref):
    SS = ss[...]
    fro = jnp.sqrt(jnp.sum(SS * SS))
    r = lax.broadcasted_iota(jnp.int32, (K, K), 0)
    c = lax.broadcasted_iota(jnp.int32, (K, K), 1)
    eye = jnp.where(r == c, 1.0, 0.0).astype(jnp.float32)
    T = SS / (fro + 1e-10) - eye / jnp.sqrt(jnp.float32(K))
    ortho = jnp.sqrt(jnp.sum(T * T))
    num = jnp.sum(nump[...])
    pump = -(num / (jnp.sum(den[...]) + 1e-10))
    loss_ref[...] = jnp.full((1, 1), pump + ortho, jnp.float32)


def kernel(x, edge_index, W_eig, b_eig, W_x, b_x, W_f, b_f):
    ei4 = edge_index.reshape(2, NW, NCHUNK, CHUNK)
    znk = jnp.zeros((N_PAD, K), jnp.float32)
    zn = jnp.zeros((N_PAD, 16), jnp.float32)
    ones_c = jnp.zeros((CHUNK, 16), jnp.float32).at[:, 0].set(1.0)

    grid = (N // BM,)

    xx = pl.pallas_call(
        _mm_body,
        grid=grid,
        in_specs=[
            pl.BlockSpec((BM, D_IN), lambda i: (i, 0)),
            pl.BlockSpec((D_IN, HID), lambda i: (0, 0)),
            pl.BlockSpec((1, HID), lambda i: (0, 0)),
        ],
        out_specs=pl.BlockSpec((BM, HID), lambda i: (i, 0)),
        out_shape=jax.ShapeDtypeStruct((N, HID), jnp.float32),
    )(x, W_x, b_x.reshape(1, HID))

    xap, degp = _make_segsum_deg()(W_eig, ei4, znk, zn, ones_c)

    s = pl.pallas_call(
        _softmax_body,
        grid=(N_PAD // BMS,),
        in_specs=[
            pl.BlockSpec((NC, BMS, K), lambda i: (0, i, 0)),
            pl.BlockSpec((1, K), lambda i: (0, 0)),
        ],
        out_specs=pl.BlockSpec((BMS, K), lambda i: (i, 0)),
        out_shape=jax.ShapeDtypeStruct((N_PAD, K), jnp.float32),
    )(xap, b_eig.reshape(1, K))

    nump = _make_segsum_num()(s, ei4, znk)

    z, ss, den = pl.pallas_call(
        _dense_body,
        grid=grid,
        in_specs=[
            pl.BlockSpec((BM, K), lambda i: (i, 0)),
            pl.BlockSpec((BM, HID), lambda i: (i, 0)),
            pl.BlockSpec((NC, BM, 16), lambda i: (0, i, 0)),
            pl.BlockSpec((HID + K, OUT), lambda i: (0, 0)),
            pl.BlockSpec((1, OUT), lambda i: (0, 0)),
        ],
        out_specs=[
            pl.BlockSpec((BM, OUT), lambda i: (i, 0)),
            pl.BlockSpec((K, K), lambda i: (0, 0)),
            pl.BlockSpec((1, 1), lambda i: (0, 0)),
        ],
        out_shape=[
            jax.ShapeDtypeStruct((N, OUT), jnp.float32),
            jax.ShapeDtypeStruct((K, K), jnp.float32),
            jax.ShapeDtypeStruct((1, 1), jnp.float32),
        ],
        scratch_shapes=[
            pltpu.VMEM((K, K), jnp.float32),
            pltpu.SMEM((1, 1), jnp.float32),
        ],
    )(s, xx, degp, W_f, b_f.reshape(1, OUT))

    loss = pl.pallas_call(
        _loss_body,
        grid=(1,),
        in_specs=[
            pl.BlockSpec((K, K), lambda i: (0, 0)),
            pl.BlockSpec((1, 1), lambda i: (0, 0)),
            pl.BlockSpec((NC, NS, 16), lambda i: (0, 0, 0)),
        ],
        out_specs=pl.BlockSpec((1, 1), lambda i: (0, 0)),
        out_shape=jax.ShapeDtypeStruct((1, 1), jnp.float32),
    )(ss, den, nump)

    return z, loss[0, 0]

# --- scband reference (transcript-rebuilt; emitter-appended) ---
"""Pipeline reference for scband-eigenx-81398220194162 (READ-ONLY COPY).

The authoritative reference and input builder live on the scoring server;
editing this copy changes nothing except your own understanding.
"""

import jax, jax.numpy as jnp
import numpy as np

N = 10000
E = 320000
D_IN = 128
HID = 128
K = 64
OUT = 64


def setup_inputs(seed: int = 0) -> dict:
    key = jax.random.key(seed)
    ks = jax.random.split(key, 8)
    x = jax.random.normal(ks[0], (N, D_IN), dtype=jnp.float32)
    edge_index = jax.random.randint(ks[1], (2, E), 0, N, dtype=jnp.int32)
    # Linear(num_nodes, num_eigen): store transposed weight [N, K] directly (MLP.weight.t())
    W_eig = jax.random.normal(ks[2], (N, K), dtype=jnp.float32) / np.sqrt(N)
    b_eig = jax.random.normal(ks[3], (K,), dtype=jnp.float32) / np.sqrt(N)
    # mlpx: Linear(in_channels, hidden)
    W_x = jax.random.normal(ks[4], (D_IN, HID), dtype=jnp.float32) / np.sqrt(D_IN)
    b_x = jnp.zeros((HID,), dtype=jnp.float32)
    # mlpFinal: Linear(hidden + num_eigen, out)
    W_f = jax.random.normal(ks[5], (HID + K, OUT), dtype=jnp.float32) / np.sqrt(HID + K)
    b_f = jnp.zeros((OUT,), dtype=jnp.float32)
    return {"x": x, "edge_index": edge_index, "W_eig": W_eig, "b_eig": b_eig,
            "W_x": W_x, "b_x": b_x, "W_f": W_f, "b_f": b_f}


def _pump(xA, row, col):
    # MinCut/PUMP-style: soft cluster assignments, spectral cut loss + orthogonality loss
    s = jax.nn.softmax(xA, axis=-1)  # [N, K]
    # adj @ s where adj has sparse indices (col, row): out[c] = sum_{e: col[e]=c} s[row[e]]
    As = jax.ops.segment_sum(jnp.take(s, row, axis=0), col, num_segments=N)
    num = jnp.sum(s * As)  # trace(S^T A S)
    deg = jax.ops.segment_sum(jnp.ones((E,), jnp.float32), col, num_segments=N)
    den = jnp.sum(deg[:, None] * s * s)  # trace(S^T D S)
    pump_loss = -(num / (den + 1e-10))
    SS = s.T @ s  # [K, K]
    ortho_loss = jnp.linalg.norm(SS / (jnp.linalg.norm(SS) + 1e-10) - jnp.eye(K, dtype=s.dtype) / jnp.sqrt(K))
    return s[None], pump_loss, ortho_loss


def reference(x, edge_index, W_eig, b_eig, W_x, b_x, W_f, b_f):
    row = edge_index[0]
    col = edge_index[1]
    # spmm(adj, MLP.weight.t()) with adj indices = stack([col, row]):
    # xA[c] = sum_{e: col[e]=c} W_eig[row[e]]
    xA = jax.ops.segment_sum(jnp.take(W_eig, row, axis=0), col, num_segments=N)
    xA = xA + b_eig
    xX = x @ W_x + b_x
    xA3, pump_loss, ortho_loss = _pump(xA, row, col)
    xA = xA3[0]  # squeeze(0)
    z = jnp.concatenate([xX, xA], axis=1)
    # dropout is identity in eval mode (training=False)
    z = z @ W_f + b_f
    z = jax.nn.log_softmax(z, axis=-1)
    return z, pump_loss + ortho_loss

if __name__ == "__main__":
    import jax
    _d = setup_inputs()
    print(jax.jit(kernel)(*tuple(_d.values())))

</pallas_src>

<mosaic_0001>
#map = affine_map<(d0, d1) -> (0, 0)>
#map1 = affine_map<(d0, d1) -> (0, 0, 0, 0)>
#map2 = affine_map<(d0, d1) -> (0, 0, 0)>
module attributes {stable_mosaic.version = 14 : i64} {
  func.func @_segsum_deg_body(%arg0: i32, %arg1: i32, %arg2: memref<10000x64xf32, #tpu.memory_space<hbm>>, %arg3: memref<2x32x80x125xi32, #tpu.memory_space<hbm>>, %arg4: memref<10240x64xf32, #tpu.memory_space<hbm>>, %arg5: memref<10240x16xf32, #tpu.memory_space<hbm>>, %arg6: memref<125x16xf32, #tpu.memory_space<hbm>>, %arg7: memref<2x10240x64xf32, #tpu.memory_space<hbm>>, %arg8: memref<2x10240x16xf32, #tpu.memory_space<hbm>>, %arg9: memref<80x125xi32, #tpu.memory_space<vmem>>, %arg10: memref<80x125xi32, #tpu.memory_space<vmem>>, %arg11: memref<4x125x64xf32, #tpu.memory_space<vmem>>, %arg12: memref<125x16xf32, #tpu.memory_space<vmem>>, %arg13: memref<10240x64xf32, #tpu.memory_space<vmem_shared>>, %arg14: memref<10240x16xf32, #tpu.memory_space<vmem_shared>>, %arg15: memref<4x!tpu.dma_semaphore, #tpu.memory_space<semaphore_mem>>, %arg16: memref<4x!tpu.dma_semaphore, #tpu.memory_space<semaphore_mem>>, %arg17: memref<!tpu.dma_semaphore, #tpu.memory_space<semaphore_mem>>) attributes {dimension_semantics = [#tpu.dimension_semantics<core_parallel>, #tpu.dimension_semantics<subcore_parallel>], iteration_bounds = array<i64: 2, 16>, scalar_prefetch = 0 : i64, scratch_operands = 9 : i64, tpu.core_type = #tpu.core_type<sc_vector_subcore>, window_params = [{transform_indices = #map}, {transform_indices = #map1}, {transform_indices = #map}, {transform_indices = #map}, {transform_indices = #map}, {transform_indices = #map2}, {transform_indices = #map2}]} {
    %mul3A = arith.constant 16 : i32
    %mul3A_0 = arith.muli %arg0, %mul3A : i32
    %add3A = arith.addi %mul3A_0, %arg1 : i32
    %run_scoped3A = arith.constant 0 : i32
    "tpu.region"() ({
      %run_scoped3A_163 = tpu.sem_alloc : memref<!tpu.dma_semaphore, #tpu.memory_space<semaphore_mem>>
      %dma_start3A_164 = arith.constant 0 : i32
      %dma_start3A_165 = arith.constant 0 : i32
      %dma_start3A_166 = tpu.memref_slice %arg3[%run_scoped3A, %add3A, %dma_start3A_164, %dma_start3A_165] : memref<2x32x80x125xi32, #tpu.memory_space<hbm>> -> memref<1x1x80x125xi32, #tpu.memory_space<hbm>>
      %dma_start3A_167 = tpu.memref_squeeze %dma_start3A_166 : memref<1x1x80x125xi32, #tpu.memory_space<hbm>> -> memref<80x125xi32, #tpu.memory_space<hbm>>
      %dma_start3A_168 = arith.constant 0 : i32
      %dma_start3A_169 = arith.constant 0 : i32
      %dma_start3A_170 = tpu.memref_slice %arg3[%run_scoped3A, %add3A, %dma_start3A_168, %dma_start3A_169] : memref<2x32x80x125xi32, #tpu.memory_space<hbm>> -> memref<1x1x80x125xi32, #tpu.memory_space<hbm>>
      %dma_start3A_171 = tpu.memref_squeeze %dma_start3A_170 : memref<1x1x80x125xi32, #tpu.memory_space<hbm>> -> memref<80x125xi32, #tpu.memory_space<hbm>>
      tpu.enqueue_dma source(%dma_start3A_171 : memref<80x125xi32, #tpu.memory_space<hbm>>) target(%arg9 : memref<80x125xi32, #tpu.memory_space<vmem>>) target_semaphore(%run_scoped3A_163 : memref<!tpu.dma_semaphore, #tpu.memory_space<semaphore_mem>>)
      %dma_wait3A_172 = arith.constant 0 : i32
      %dma_wait3A_173 = arith.constant 0 : i32
      %dma_wait3A_174 = tpu.memref_slice %arg3[%run_scoped3A, %add3A, %dma_wait3A_172, %dma_wait3A_173] : memref<2x32x80x125xi32, #tpu.memory_space<hbm>> -> memref<1x1x80x125xi32, #tpu.memory_space<hbm>>
      %dma_wait3A_175 = tpu.memref_squeeze %dma_wait3A_174 : memref<1x1x80x125xi32, #tpu.memory_space<hbm>> -> memref<80x125xi32, #tpu.memory_space<hbm>>
      %dma_wait3A_176 = arith.constant 0 : i32
      %dma_wait3A_177 = arith.constant 0 : i32
      %dma_wait3A_178 = tpu.memref_slice %arg3[%run_scoped3A, %add3A, %dma_wait3A_176, %dma_wait3A_177] : memref<2x32x80x125xi32, #tpu.memory_space<hbm>> -> memref<1x1x80x125xi32, #tpu.memory_space<hbm>>
      %dma_wait3A_179 = tpu.memref_squeeze %dma_wait3A_178 : memref<1x1x80x125xi32, #tpu.memory_space<hbm>> -> memref<80x125xi32, #tpu.memory_space<hbm>>
      tpu.wait_dma2 semaphore(%run_scoped3A_163 : memref<!tpu.dma_semaphore, #tpu.memory_space<semaphore_mem>>) src(%dma_wait3A_179 : memref<80x125xi32, #tpu.memory_space<hbm>>) dst(%arg9 : memref<80x125xi32, #tpu.memory_space<vmem>>)
      tpu.yield
    }) : () -> ()
    %run_scoped3A_1 = arith.constant 1 : i32
    "tpu.region"() ({
      %run_scoped3A_163 = tpu.sem_alloc : memref<!tpu.dma_semaphore, #tpu.memory_space<semaphore_mem>>
      %dma_start3A_164 = arith.constant 0 : i32
      %dma_start3A_165 = arith.constant 0 : i32
      %dma_start3A_166 = tpu.memref_slice %arg3[%run_scoped3A_1, %add3A, %dma_start3A_164, %dma_start3A_165] : memref<2x32x80x125xi32, #tpu.memory_space<hbm>> -> memref<1x1x80x125xi32, #tpu.memory_space<hbm>>
      %dma_start3A_167 = tpu.memref_squeeze %dma_start3A_166 : memref<1x1x80x125xi32, #tpu.memory_space<hbm>> -> memref<80x125xi32, #tpu.memory_space<hbm>>
      %dma_start3A_168 = arith.constant 0 : i32
      %dma_start3A_169 = arith.constant 0 : i32
      %dma_start3A_170 = tpu.memref_slice %arg3[%run_scoped3A_1, %add3A, %dma_start3A_168, %dma_start3A_169] : memref<2x32x80x125xi32, #tpu.memory_space<hbm>> -> memref<1x1x80x125xi32, #tpu.memory_space<hbm>>
      %dma_start3A_171 = tpu.memref_squeeze %dma_start3A_170 : memref<1x1x80x125xi32, #tpu.memory_space<hbm>> -> memref<80x125xi32, #tpu.memory_space<hbm>>
      tpu.enqueue_dma source(%dma_start3A_171 : memref<80x125xi32, #tpu.memory_space<hbm>>) target(%arg10 : memref<80x125xi32, #tpu.memory_space<vmem>>) target_semaphore(%run_scoped3A_163 : memref<!tpu.dma_semaphore, #tpu.memory_space<semaphore_mem>>)
      %dma_wait3A_172 = arith.constant 0 : i32
      %dma_wait3A_173 = arith.constant 0 : i32
      %dma_wait3A_174 = tpu.memref_slice %arg3[%run_scoped3A_1, %add3A, %dma_wait3A_172, %dma_wait3A_173] : memref<2x32x80x125xi32, #tpu.memory_space<hbm>> -> memref<1x1x80x125xi32, #tpu.memory_space<hbm>>
      %dma_wait3A_175 = tpu.memref_squeeze %dma_wait3A_174 : memref<1x1x80x125xi32, #tpu.memory_space<hbm>> -> memref<80x125xi32, #tpu.memory_space<hbm>>
      %dma_wait3A_176 = arith.constant 0 : i32
      %dma_wait3A_177 = arith.constant 0 : i32
      %dma_wait3A_178 = tpu.memref_slice %arg3[%run_scoped3A_1, %add3A, %dma_wait3A_176, %dma_wait3A_177] : memref<2x32x80x125xi32, #tpu.memory_space<hbm>> -> memref<1x1x80x125xi32, #tpu.memory_space<hbm>>
      %dma_wait3A_179 = tpu.memref_squeeze %dma_wait3A_178 : memref<1x1x80x125xi32, #tpu.memory_space<hbm>> -> memref<80x125xi32, #tpu.memory_space<hbm>>
      tpu.wait_dma2 semaphore(%run_scoped3A_163 : memref<!tpu.dma_semaphore, #tpu.memory_space<semaphore_mem>>) src(%dma_wait3A_179 : memref<80x125xi32, #tpu.memory_space<hbm>>) dst(%arg10 : memref<80x125xi32, #tpu.memory_space<vmem>>)
      tpu.yield
    }) : () -> ()
    %mul3A_2 = arith.constant 640 : i32
    %mul3A_3 = arith.muli %arg1, %mul3A_2 : i32
    "tpu.region"() ({
      %run_scoped3A_163 = tpu.sem_alloc : memref<!tpu.dma_semaphore, #tpu.memory_space<semaphore_mem>>
      %dma_start3A_164 = arith.constant 0 : i32
      %dma_start3A_165 = tpu.memref_slice %arg13[%mul3A_3, %dma_start3A_164] : memref<10240x64xf32, #tpu.memory_space<vmem_shared>> -> memref<640x64xf32, #tpu.memory_space<vmem_shared>>
      %dma_start3A_166 = arith.constant 0 : i32
      %dma_start3A_167 = tpu.memref_slice %arg4[%mul3A_3, %dma_start3A_166] : memref<10240x64xf32, #tpu.memory_space<hbm>> -> memref<640x64xf32, #tpu.memory_space<hbm>>
      tpu.enqueue_dma source(%dma_start3A_167 : memref<640x64xf32, #tpu.memory_space<hbm>>) target(%dma_start3A_165 : memref<640x64xf32, #tpu.memory_space<vmem_shared>>) target_semaphore(%run_scoped3A_163 : memref<!tpu.dma_semaphore, #tpu.memory_space<semaphore_mem>>)
      %dma_wait3A_168 = arith.constant 0 : i32
      %dma_wait3A_169 = tpu.memref_slice %arg13[%mul3A_3, %dma_wait3A_168] : memref<10240x64xf32, #tpu.memory_space<vmem_shared>> -> memref<640x64xf32, #tpu.memory_space<vmem_shared>>
      %dma_wait3A_170 = arith.constant 0 : i32
      %dma_wait3A_171 = tpu.memref_slice %arg4[%mul3A_3, %dma_wait3A_170] : memref<10240x64xf32, #tpu.memory_space<hbm>> -> memref<640x64xf32, #tpu.memory_space<hbm>>
      tpu.wait_dma2 semaphore(%run_scoped3A_163 : memref<!tpu.dma_semaphore, #tpu.memory_space<semaphore_mem>>) src(%dma_wait3A_171 : memref<640x64xf32, #tpu.memory_space<hbm>>) dst(%dma_wait3A_169 : memref<640x64xf32, #tpu.memory_space<vmem_shared>>)
      tpu.yield
    }) : () -> ()
    "tpu.region"() ({
      %run_scoped3A_163 = tpu.sem_alloc : memref<!tpu.dma_semaphore, #tpu.memory_space<semaphore_mem>>
      tpu.enqueue_dma source(%arg6 : memref<125x16xf32, #tpu.memory_space<hbm>>) target(%arg12 : memref<125x16xf32, #tpu.memory_space<vmem>>) target_semaphore(%run_scoped3A_163 : memref<!tpu.dma_semaphore, #tpu.memory_space<semaphore_mem>>)
      tpu.wait_dma2 semaphore(%run_scoped3A_163 : memref<!tpu.dma_semaphore, #tpu.memory_space<semaphore_mem>>) src(%arg6 : memref<125x16xf32, #tpu.memory_space<hbm>>) dst(%arg12 : memref<125x16xf32, #tpu.memory_space<vmem>>)
      tpu.yield
    }) : () -> ()
    %eq3A = arith.constant 0 : i32
    %eq3A_4 = arith.cmpi eq, %arg1, %eq3A : i32
    %convert_element_type3A = arith.extui %eq3A_4 : i1 to i32
    %cond3A = arith.constant 0 : i32
    %cond3A_5 = arith.cmpi ne, %convert_element_type3A, %cond3A : i32
    scf.if %cond3A_5 {
      "tpu.region"() ({
        %run_scoped3A_163 = tpu.sem_alloc : memref<!tpu.dma_semaphore, #tpu.memory_space<semaphore_mem>>
        tpu.enqueue_dma source(%arg5 : memref<10240x16xf32, #tpu.memory_space<hbm>>) target(%arg14 : memref<10240x16xf32, #tpu.memory_space<vmem_shared>>) target_semaphore(%run_scoped3A_163 : memref<!tpu.dma_semaphore, #tpu.memory_space<semaphore_mem>>)
        tpu.wait_dma2 semaphore(%run_scoped3A_163 : memref<!tpu.dma_semaphore, #tpu.memory_space<semaphore_mem>>) src(%arg5 : memref<10240x16xf32, #tpu.memory_space<hbm>>) dst(%arg14 : memref<10240x16xf32, #tpu.memory_space<vmem_shared>>)
        tpu.yield
      }) : () -> ()
    } else {
    }
    %barrier3A = arith.constant 0 : index
    tpu.barrier barrier_id(%barrier3A)
    %dma_start3A = arith.constant 0 : i32
    %dma_start3A_6 = arith.constant 0 : i32
    %dma_start3A_7 = arith.constant 0 : i32
    %dma_start3A_8 = arith.constant 0 : i32
    %dma_start3A_9 = arith.constant 0 : i32
    %dma_start3A_10 = tpu.memref_slice %arg11[%dma_start3A_6, %dma_start3A_8, %dma_start3A_9] : memref<4x125x64xf32, #tpu.memory_space<vmem>> -> memref<1x125x64xf32, #tpu.memory_space<vmem>>
    %dma_start3A_11 = tpu.memref_squeeze %dma_start3A_10 : memref<1x125x64xf32, #tpu.memory_space<vmem>> -> memref<125x64xf32, #tpu.memory_space<vmem>>
    %dma_start3A_12 = arith.constant 0 : i32
    %dma_start3A_13 = tpu.memref_slice %arg9[%dma_start3A, %dma_start3A_12] : memref<80x125xi32, #tpu.memory_space<vmem>> -> memref<1x125xi32, #tpu.memory_space<vmem>>
    %dma_start3A_14 = tpu.memref_squeeze %dma_start3A_13 : memref<1x125xi32, #tpu.memory_space<vmem>> -> memref<125xi32, #tpu.memory_space<vmem>>
    %dma_start3A_15 = arith.constant 0 : i32
    %dma_start3A_16 = arith.constant 0 : i32
    %dma_start3A_17 = tpu.memref_slice %arg2[%dma_start3A_15, %dma_start3A_16] : memref<10000x64xf32, #tpu.memory_space<hbm>> -> memref<10000x64xf32, #tpu.memory_space<hbm>>
    %dma_start3A_18 = tpu.memref_slice %arg15[%dma_start3A_7] : memref<4x!tpu.dma_semaphore, #tpu.memory_space<semaphore_mem>> -> memref<1x!tpu.dma_semaphore, #tpu.memory_space<semaphore_mem>>
    %dma_start3A_19 = tpu.memref_squeeze %dma_start3A_18 : memref<1x!tpu.dma_semaphore, #tpu.memory_space<semaphore_mem>> -> memref<!tpu.dma_semaphore, #tpu.memory_space<semaphore_mem>>
    tpu.enqueue_indirect_dma source(%dma_start3A_17 : memref<10000x64xf32, #tpu.memory_space<hbm>>) target(%dma_start3A_11 : memref<125x64xf32, #tpu.memory_space<vmem>>) offsets(%dma_start3A_14 : memref<125xi32, #tpu.memory_space<vmem>>) semaphore(%dma_start3A_19 : memref<!tpu.dma_semaphore, #tpu.memory_space<semaphore_mem>>)
    %dma_start3A_20 = arith.constant 1 : i32
    %dma_start3A_21 = arith.constant 1 : i32
    %dma_start3A_22 = arith.constant 1 : i32
    %dma_start3A_23 = arith.constant 0 : i32
    %dma_start3A_24 = arith.constant 0 : i32
    %dma_start3A_25 = tpu.memref_slice %arg11[%dma_start3A_21, %dma_start3A_23, %dma_start3A_24] : memref<4x125x64xf32, #tpu.memory_space<vmem>> -> memref<1x125x64xf32, #tpu.memory_space<vmem>>
    %dma_start3A_26 = tpu.memref_squeeze %dma_start3A_25 : memref<1x125x64xf32, #tpu.memory_space<vmem>> -> memref<125x64xf32, #tpu.memory_space<vmem>>
    %dma_start3A_27 = arith.constant 0 : i32
    %dma_start3A_28 = tpu.memref_slice %arg9[%dma_start3A_20, %dma_start3A_27] : memref<80x125xi32, #tpu.memory_space<vmem>> -> memref<1x125xi32, #tpu.memory_space<vmem>>
    %dma_start3A_29 = tpu.memref_squeeze %dma_start3A_28 : memref<1x125xi32, #tpu.memory_space<vmem>> -> memref<125xi32, #tpu.memory_space<vmem>>
    %dma_start3A_30 = arith.constant 0 : i32
    %dma_start3A_31 = arith.constant 0 : i32
    %dma_start3A_32 = tpu.memref_slice %arg2[%dma_start3A_30, %dma_start3A_31] : memref<10000x64xf32, #tpu.memory_space<hbm>> -> memref<10000x64xf32, #tpu.memory_space<hbm>>
    %dma_start3A_33 = tpu.memref_slice %arg15[%dma_start3A_22] : memref<4x!tpu.dma_semaphore, #tpu.memory_space<semaphore_mem>> -> memref<1x!tpu.dma_semaphore, #tpu.memory_space<semaphore_mem>>
    %dma_start3A_34 = tpu.memref_squeeze %dma_start3A_33 : memref<1x!tpu.dma_semaphore, #tpu.memory_space<semaphore_mem>> -> memref<!tpu.dma_semaphore, #tpu.memory_space<semaphore_mem>>
    tpu.enqueue_indirect_dma source(%dma_start3A_32 : memref<10000x64xf32, #tpu.memory_space<hbm>>) target(%dma_start3A_26 : memref<125x64xf32, #tpu.memory_space<vmem>>) offsets(%dma_start3A_29 : memref<125xi32, #tpu.memory_space<vmem>>) semaphore(%dma_start3A_34 : memref<!tpu.dma_semaphore, #tpu.memory_space<semaphore_mem>>)
    %dma_start3A_35 = arith.constant 2 : i32
    %dma_start3A_36 = arith.constant 2 : i32
    %dma_start3A_37 = arith.constant 2 : i32
    %dma_start3A_38 = arith.constant 0 : i32
    %dma_start3A_39 = arith.constant 0 : i32
    %dma_start3A_40 = tpu.memref_slice %arg11[%dma_start3A_36, %dma_start3A_38, %dma_start3A_39] : memref<4x125x64xf32, #tpu.memory_space<vmem>> -> memref<1x125x64xf32, #tpu.memory_space<vmem>>
    %dma_start3A_41 = tpu.memref_squeeze %dma_start3A_40 : memref<1x125x64xf32, #tpu.memory_space<vmem>> -> memref<125x64xf32, #tpu.memory_space<vmem>>
    %dma_start3A_42 = arith.constant 0 : i32
    %dma_start3A_43 = tpu.memref_slice %arg9[%dma_start3A_35, %dma_start3A_42] : memref<80x125xi32, #tpu.memory_space<vmem>> -> memref<1x125xi32, #tpu.memory_space<vmem>>
    %dma_start3A_44 = tpu.memref_squeeze %dma_start3A_43 : memref<1x125xi32, #tpu.memory_space<vmem>> -> memref<125xi32, #tpu.memory_space<vmem>>
    %dma_start3A_45 = arith.constant 0 : i32
    %dma_start3A_46 = arith.constant 0 : i32
    %dma_start3A_47 = tpu.memref_slice %arg2[%dma_start3A_45, %dma_start3A_46] : memref<10000x64xf32, #tpu.memory_space<hbm>> -> memref<10000x64xf32, #tpu.memory_space<hbm>>
    %dma_start3A_48 = tpu.memref_slice %arg15[%dma_start3A_37] : memref<4x!tpu.dma_semaphore, #tpu.memory_space<semaphore_mem>> -> memref<1x!tpu.dma_semaphore, #tpu.memory_space<semaphore_mem>>
    %dma_start3A_49 = tpu.memref_squeeze %dma_start3A_48 : memref<1x!tpu.dma_semaphore, #tpu.memory_space<semaphore_mem>> -> memref<!tpu.dma_semaphore, #tpu.memory_space<semaphore_mem>>
    tpu.enqueue_indirect_dma source(%dma_start3A_47 : memref<10000x64xf32, #tpu.memory_space<hbm>>) target(%dma_start3A_41 : memref<125x64xf32, #tpu.memory_space<vmem>>) offsets(%dma_start3A_44 : memref<125xi32, #tpu.memory_space<vmem>>) semaphore(%dma_start3A_49 : memref<!tpu.dma_semaphore, #tpu.memory_space<semaphore_mem>>)
    %dma_start3A_50 = arith.constant 3 : i32
    %dma_start3A_51 = arith.constant 3 : i32
    %dma_start3A_52 = arith.constant 3 : i32
    %dma_start3A_53 = arith.constant 0 : i32
    %dma_start3A_54 = arith.constant 0 : i32
    %dma_start3A_55 = tpu.memref_slice %arg11[%dma_start3A_51, %dma_start3A_53, %dma_start3A_54] : memref<4x125x64xf32, #tpu.memory_space<vmem>> -> memref<1x125x64xf32, #tpu.memory_space<vmem>>
    %dma_start3A_56 = tpu.memref_squeeze %dma_start3A_55 : memref<1x125x64xf32, #tpu.memory_space<vmem>> -> memref<125x64xf32, #tpu.memory_space<vmem>>
    %dma_start3A_57 = arith.constant 0 : i32
    %dma_start3A_58 = tpu.memref_slice %arg9[%dma_start3A_50, %dma_start3A_57] : memref<80x125xi32, #tpu.memory_space<vmem>> -> memref<1x125xi32, #tpu.memory_space<vmem>>
    %dma_start3A_59 = tpu.memref_squeeze %dma_start3A_58 : memref<1x125xi32, #tpu.memory_space<vmem>> -> memref<125xi32, #tpu.memory_space<vmem>>
    %dma_start3A_60 = arith.constant 0 : i32
    %dma_start3A_61 = arith.constant 0 : i32
    %dma_start3A_62 = tpu.memref_slice %arg2[%dma_start3A_60, %dma_start3A_61] : memref<10000x64xf32, #tpu.memory_space<hbm>> -> memref<10000x64xf32, #tpu.memory_space<hbm>>
    %dma_start3A_63 = tpu.memref_slice %arg15[%dma_start3A_52] : memref<4x!tpu.dma_semaphore, #tpu.memory_space<semaphore_mem>> -> memref<1x!tpu.dma_semaphore, #tpu.memory_space<semaphore_mem>>
    %dma_start3A_64 = tpu.memref_squeeze %dma_start3A_63 : memref<1x!tpu.dma_semaphore, #tpu.memory_space<semaphore_mem>> -> memref<!tpu.dma_semaphore, #tpu.memory_space<semaphore_mem>>
    tpu.enqueue_indirect_dma source(%dma_start3A_62 : memref<10000x64xf32, #tpu.memory_space<hbm>>) target(%dma_start3A_56 : memref<125x64xf32, #tpu.memory_space<vmem>>) offsets(%dma_start3A_59 : memref<125xi32, #tpu.memory_space<vmem>>) semaphore(%dma_start3A_64 : memref<!tpu.dma_semaphore, #tpu.memory_space<semaphore_mem>>)
    %scan3A = arith.constant 0 : i32
    %scan3A_65 = arith.constant 0 : i32
    %scan3A_66 = arith.constant 20 : i32
    %scan3A_67 = arith.addi %scan3A_65, %scan3A_66 : i32
    %scan3A_68 = arith.constant 1 : i32
    scf.for %scan3A_163 = %scan3A_65 to %scan3A_67 step %scan3A_68  : i32 {
      %mul3A_164 = arith.constant 4 : i32
      %mul3A_165 = arith.muli %mul3A_164, %scan3A_163 : i32
      %add3A_166 = arith.constant 0 : i32
      %add3A_167 = arith.addi %mul3A_165, %add3A_166 : i32
      %dma_wait3A_168 = arith.constant 0 : i32
      %dma_wait3A_169 = arith.constant 0 : i32
      %dma_wait3A_170 = arith.constant 0 : i32
      %dma_wait3A_171 = arith.constant 0 : i32
      %dma_wait3A_172 = tpu.memref_slice %arg11[%dma_wait3A_168, %dma_wait3A_170, %dma_wait3A_171] : memref<4x125x64xf32, #tpu.memory_space<vmem>> -> memref<1x125x64xf32, #tpu.memory_space<vmem>>
      %dma_wait3A_173 = tpu.memref_squeeze %dma_wait3A_172 : memref<1x125x64xf32, #tpu.memory_space<vmem>> -> memref<125x64xf32, #tpu.memory_space<vmem>>
      %dma_wait3A_174 = arith.constant 0 : i32
      %dma_wait3A_175 = tpu.memref_slice %arg9[%add3A_167, %dma_wait3A_174] : memref<80x125xi32, #tpu.memory_space<vmem>> -> memref<1x125xi32, #tpu.memory_space<vmem>>
      %dma_wait3A_176 = tpu.memref_squeeze %dma_wait3A_175 : memref<1x125xi32, #tpu.memory_space<vmem>> -> memref<125xi32, #tpu.memory_space<vmem>>
      %dma_wait3A_177 = arith.constant 0 : i32
      %dma_wait3A_178 = arith.constant 0 : i32
      %dma_wait3A_179 = tpu.memref_slice %arg2[%dma_wait3A_177, %dma_wait3A_178] : memref<10000x64xf32, #tpu.memory_space<hbm>> -> memref<10000x64xf32, #tpu.memory_space<hbm>>
      %dma_wait3A_180 = tpu.memref_slice %arg15[%dma_wait3A_169] : memref<4x!tpu.dma_semaphore, #tpu.memory_space<semaphore_mem>> -> memref<1x!tpu.dma_semaphore, #tpu.memory_space<semaphore_mem>>
      %dma_wait3A_181 = tpu.memref_squeeze %dma_wait3A_180 : memref<1x!tpu.dma_semaphore, #tpu.memory_space<semaphore_mem>> -> memref<!tpu.dma_semaphore, #tpu.memory_space<semaphore_mem>>
      tpu.wait_indirect_dma semaphore(%dma_wait3A_181 : memref<!tpu.dma_semaphore, #tpu.memory_space<semaphore_mem>>) src(%dma_wait3A_179 : memref<10000x64xf32, #tpu.memory_space<hbm>>) dst(%dma_wait3A_173 : memref<125x64xf32, #tpu.memory_space<vmem>>)
      %dma_start3A_182 = arith.constant 0 : i32
      %dma_start3A_183 = arith.constant 0 : i32
      %dma_start3A_184 = arith.constant 0 : i32
      %dma_start3A_185 = arith.constant 0 : i32
      %dma_start3A_186 = tpu.memref_slice %arg11[%dma_start3A_182, %dma_start3A_184, %dma_start3A_185] : memref<4x125x64xf32, #tpu.memory_space<vmem>> -> memref<1x125x64xf32, #tpu.memory_space<vmem>>
      %dma_start3A_187 = tpu.memref_squeeze %dma_start3A_186 : memref<1x125x64xf32, #tpu.memory_space<vmem>> -> memref<125x64xf32, #tpu.memory_space<vmem>>
      %dma_start3A_188 = arith.constant 0 : i32
      %dma_start3A_189 = tpu.memref_slice %arg10[%add3A_167, %dma_start3A_188] : memref<80x125xi32, #tpu.memory_space<vmem>> -> memref<1x125xi32, #tpu.memory_space<vmem>>
      %dma_start3A_190 = tpu.memref_squeeze %dma_start3A_189 : memref<1x125xi32, #tpu.memory_space<vmem>> -> memref<125xi32, #tpu.memory_space<vmem>>
      %dma_start3A_191 = arith.constant 0 : i32
      %dma_start3A_192 = arith.constant 0 : i32
      %dma_start3A_193 = tpu.memref_slice %arg13[%dma_start3A_191, %dma_start3A_192] : memref<10240x64xf32, #tpu.memory_space<vmem_shared>> -> memref<10240x64xf32, #tpu.memory_space<vmem_shared>>
      %dma_start3A_194 = tpu.memref_slice %arg16[%dma_start3A_183] : memref<4x!tpu.dma_semaphore, #tpu.memory_space<semaphore_mem>> -> memref<1x!tpu.dma_semaphore, #tpu.memory_space<semaphore_mem>>
      %dma_start3A_195 = tpu.memref_squeeze %dma_start3A_194 : memref<1x!tpu.dma_semaphore, #tpu.memory_space<semaphore_mem>> -> memref<!tpu.dma_semaphore, #tpu.memory_space<semaphore_mem>>
      tpu.enqueue_indirect_dma source(%dma_start3A_187 : memref<125x64xf32, #tpu.memory_space<vmem>>) target(%dma_start3A_193 : memref<10240x64xf32, #tpu.memory_space<vmem_shared>>) offsets(%dma_start3A_190 : memref<125xi32, #tpu.memory_space<vmem>>) semaphore(%dma_start3A_195 : memref<!tpu.dma_semaphore, #tpu.memory_space<semaphore_mem>>) {add = true}
      %dma_start3A_196 = arith.constant 0 : i32
      %dma_start3A_197 = tpu.memref_slice %arg10[%add3A_167, %dma_start3A_196] : memref<80x125xi32, #tpu.memory_space<vmem>> -> memref<1x125xi32, #tpu.memory_space<vmem>>
      %dma_start3A_198 = tpu.memref_squeeze %dma_start3A_197 : memref<1x125xi32, #tpu.memory_space<vmem>> -> memref<125xi32, #tpu.memory_space<vmem>>
      %dma_start3A_199 = arith.constant 0 : i32
      %dma_start3A_200 = arith.constant 0 : i32
      %dma_start3A_201 = tpu.memref_slice %arg14[%dma_start3A_199, %dma_start3A_200] : memref<10240x16xf32, #tpu.memory_space<vmem_shared>> -> memref<10240x16xf32, #tpu.memory_space<vmem_shared>>
      tpu.enqueue_indirect_dma source(%arg12 : memref<125x16xf32, #tpu.memory_space<vmem>>) target(%dma_start3A_201 : memref<10240x16xf32, #tpu.memory_space<vmem_shared>>) offsets(%dma_start3A_198 : memref<125xi32, #tpu.memory_space<vmem>>) semaphore(%arg17 : memref<!tpu.dma_semaphore, #tpu.memory_space<semaphore_mem>>) {add = true}
      %add3A_202 = arith.constant 4 : i32
      %add3A_203 = arith.addi %add3A_167, %add3A_202 : i32
      %lt3A = arith.constant 80 : i32
      %lt3A_204 = arith.cmpi slt, %add3A_203, %lt3A : i32
      %convert_element_type3A_205 = arith.extui %lt3A_204 : i1 to i32
      %cond3A_206 = arith.constant 0 : i32
      %cond3A_207 = arith.cmpi ne, %convert_element_type3A_205, %cond3A_206 : i32
      scf.if %cond3A_207 {
        %dma_wait3A_362 = arith.constant 0 : i32
        %dma_wait3A_363 = arith.constant 0 : i32
        %dma_wait3A_364 = arith.constant 0 : i32
        %dma_wait3A_365 = arith.constant 0 : i32
        %dma_wait3A_366 = tpu.memref_slice %arg11[%dma_wait3A_362, %dma_wait3A_364, %dma_wait3A_365] : memref<4x125x64xf32, #tpu.memory_space<vmem>> -> memref<1x125x64xf32, #tpu.memory_space<vmem>>
        %dma_wait3A_367 = tpu.memref_squeeze %dma_wait3A_366 : memref<1x125x64xf32, #tpu.memory_space<vmem>> -> memref<125x64xf32, #tpu.memory_space<vmem>>
        %dma_wait3A_368 = arith.constant 0 : i32
        %dma_wait3A_369 = tpu.memref_slice %arg10[%add3A_167, %dma_wait3A_368] : memref<80x125xi32, #tpu.memory_space<vmem>> -> memref<1x125xi32, #tpu.memory_space<vmem>>
        %dma_wait3A_370 = tpu.memref_squeeze %dma_wait3A_369 : memref<1x125xi32, #tpu.memory_space<vmem>> -> memref<125xi32, #tpu.memory_space<vmem>>
        %dma_wait3A_371 = arith.constant 0 : i32
        %dma_wait3A_372 = arith.constant 0 : i32
        %dma_wait3A_373 = tpu.memref_slice %arg13[%dma_wait3A_371, %dma_wait3A_372] : memref<10240x64xf32, #tpu.memory_space<vmem_shared>> -> memref<10240x64xf32, #tpu.memory_space<vmem_shared>>
        %dma_wait3A_374 = tpu.memref_slice %arg16[%dma_wait3A_363] : memref<4x!tpu.dma_semaphore, #tpu.memory_space<semaphore_mem>> -> memref<1x!tpu.dma_semaphore, #tpu.memory_space<semaphore_mem>>
        %dma_wait3A_375 = tpu.memref_squeeze %dma_wait3A_374 : memref<1x!tpu.dma_semaphore, #tpu.memory_space<semaphore_mem>> -> memref<!tpu.dma_semaphore, #tpu.memory_space<semaphore_mem>>
        tpu.wait_indirect_dma semaphore(%dma_wait3A_375 : memref<!tpu.dma_semaphore, #tpu.memory_space<semaphore_mem>>) src(%dma_wait3A_367 : memref<125x64xf32, #tpu.memory_space<vmem>>) dst(%dma_wait3A_373 : memref<10240x64xf32, #tpu.memory_space<vmem_shared>>)
        %add3A_376 = arith.constant 4 : i32
        %add3A_377 = arith.addi %add3A_167, %add3A_376 : i32
        %dma_start3A_378 = arith.constant 0 : i32
        %dma_start3A_379 = arith.constant 0 : i32
        %dma_start3A_380 = arith.constant 0 : i32
        %dma_start3A_381 = arith.constant 0 : i32
        %dma_start3A_382 = tpu.memref_slice %arg11[%dma_start3A_378, %dma_start3A_380, %dma_start3A_381] : memref<4x125x64xf32, #tpu.memory_space<vmem>> -> memref<1x125x64xf32, #tpu.memory_space<vmem>>
        %dma_start3A_383 = tpu.memref_squeeze %dma_start3A_382 : memref<1x125x64xf32, #tpu.memory_space<vmem>> -> memref<125x64xf32, #tpu.memory_space<vmem>>
        %dma_start3A_384 = arith.constant 0 : i32
        %dma_start3A_385 = tpu.memref_slice %arg9[%add3A_377, %dma_start3A_384] : memref<80x125xi32, #tpu.memory_space<vmem>> -> memref<1x125xi32, #tpu.memory_space<vmem>>
        %dma_start3A_386 = tpu.memref_squeeze %dma_start3A_385 : memref<1x125xi32, #tpu.memory_space<vmem>> -> memref<125xi32, #tpu.memory_space<vmem>>
        %dma_start3A_387 = arith.constant 0 : i32
        %dma_start3A_388 = arith.constant 0 : i32
        %dma_start3A_389 = tpu.memref_slice %arg2[%dma_start3A_387, %dma_start3A_388] : memref<10000x64xf32, #tpu.memory_space<hbm>> -> memref<10000x64xf32, #tpu.memory_space<hbm>>
        %dma_start3A_390 = tpu.memref_slice %arg15[%dma_start3A_379] : memref<4x!tpu.dma_semaphore, #tpu.memory_space<semaphore_mem>> -> memref<1x!tpu.dma_semaphore, #tpu.memory_space<semaphore_mem>>
        %dma_start3A_391 = tpu.memref_squeeze %dma_start3A_390 : memref<1x!tpu.dma_semaphore, #tpu.memory_space<semaphore_mem>> -> memref<!tpu.dma_semaphore, #tpu.memory_space<semaphore_mem>>
        tpu.enqueue_indirect_dma source(%dma_start3A_389 : memref<10000x64xf32, #tpu.memory_space<hbm>>) target(%dma_start3A_383 : memref<125x64xf32, #tpu.memory_space<vmem>>) offsets(%dma_start3A_386 : memref<125xi32, #tpu.memory_space<vmem>>) semaphore(%dma_start3A_391 : memref<!tpu.dma_semaphore, #tpu.memory_space<semaphore_mem>>)
      } else {
      }
      %ge3A = arith.constant 4 : i32
      %ge3A_208 = arith.cmpi sge, %add3A_167, %ge3A : i32
      %convert_element_type3A_209 = arith.extui %ge3A_208 : i1 to i32
      %cond3A_210 = arith.constant 0 : i32
      %cond3A_211 = arith.cmpi ne, %convert_element_type3A_209, %cond3A_210 : i32
      scf.if %cond3A_211 {
        %dma_wait3A_362 = arith.constant 0 : i32
        %dma_wait3A_363 = tpu.memref_slice %arg10[%add3A_167, %dma_wait3A_362] : memref<80x125xi32, #tpu.memory_space<vmem>> -> memref<1x125xi32, #tpu.memory_space<vmem>>
        %dma_wait3A_364 = tpu.memref_squeeze %dma_wait3A_363 : memref<1x125xi32, #tpu.memory_space<vmem>> -> memref<125xi32, #tpu.memory_space<vmem>>
        %dma_wait3A_365 = arith.constant 0 : i32
        %dma_wait3A_366 = arith.constant 0 : i32
        %dma_wait3A_367 = tpu.memref_slice %arg14[%dma_wait3A_365, %dma_wait3A_366] : memref<10240x16xf32, #tpu.memory_space<vmem_shared>> -> memref<10240x16xf32, #tpu.memory_space<vmem_shared>>
        tpu.wait_indirect_dma semaphore(%arg17 : memref<!tpu.dma_semaphore, #tpu.memory_space<semaphore_mem>>) src(%arg12 : memref<125x16xf32, #tpu.memory_space<vmem>>) dst(%dma_wait3A_367 : memref<10240x16xf32, #tpu.memory_space<vmem_shared>>)
      } else {
      }
      %mul3A_212 = arith.constant 4 : i32
      %mul3A_213 = arith.muli %mul3A_212, %scan3A_163 : i32
      %add3A_214 = arith.constant 1 : i32
      %add3A_215 = arith.addi %mul3A_213, %add3A_214 : i32
      %dma_wait3A_216 = arith.constant 1 : i32
      %dma_wait3A_217 = arith.constant 1 : i32
      %dma_wait3A_218 = arith.constant 0 : i32
      %dma_wait3A_219 = arith.constant 0 : i32
      %dma_wait3A_220 = tpu.memref_slice %arg11[%dma_wait3A_216, %dma_wait3A_218, %dma_wait3A_219] : memref<4x125x64xf32, #tpu.memory_space<vmem>> -> memref<1x125x64xf32, #tpu.memory_space<vmem>>
      %dma_wait3A_221 = tpu.memref_squeeze %dma_wait3A_220 : memref<1x125x64xf32, #tpu.memory_space<vmem>> -> memref<125x64xf32, #tpu.memory_space<vmem>>
      %dma_wait3A_222 = arith.constant 0 : i32
      %dma_wait3A_223 = tpu.memref_slice %arg9[%add3A_215, %dma_wait3A_222] : memref<80x125xi32, #tpu.memory_space<vmem>> -> memref<1x125xi32, #tpu.memory_space<vmem>>
      %dma_wait3A_224 = tpu.memref_squeeze %dma_wait3A_223 : memref<1x125xi32, #tpu.memory_space<vmem>> -> memref<125xi32, #tpu.memory_space<vmem>>
      %dma_wait3A_225 = arith.constant 0 : i32
      %dma_wait3A_226 = arith.constant 0 : i32
      %dma_wait3A_227 = tpu.memref_slice %arg2[%dma_wait3A_225, %dma_wait3A_226] : memref<10000x64xf32, #tpu.memory_space<hbm>> -> memref<10000x64xf32, #tpu.memory_space<hbm>>
      %dma_wait3A_228 = tpu.memref_slice %arg15[%dma_wait3A_217] : memref<4x!tpu.dma_semaphore, #tpu.memory_space<semaphore_mem>> -> memref<1x!tpu.dma_semaphore, #tpu.memory_space<semaphore_mem>>
      %dma_wait3A_229 = tpu.memref_squeeze %dma_wait3A_228 : memref<1x!tpu.dma_semaphore, #tpu.memory_space<semaphore_mem>> -> memref<!tpu.dma_semaphore, #tpu.memory_space<semaphore_mem>>
      tpu.wait_indirect_dma semaphore(%dma_wait3A_229 : memref<!tpu.dma_semaphore, #tpu.memory_space<semaphore_mem>>) src(%dma_wait3A_227 : memref<10000x64xf32, #tpu.memory_space<hbm>>) dst(%dma_wait3A_221 : memref<125x64xf32, #tpu.memory_space<vmem>>)
      %dma_start3A_230 = arith.constant 1 : i32
      %dma_start3A_231 = arith.constant 1 : i32
      %dma_start3A_232 = arith.constant 0 : i32
      %dma_start3A_233 = arith.constant 0 : i32
      %dma_start3A_234 = tpu.memref_slice %arg11[%dma_start3A_230, %dma_start3A_232, %dma_start3A_233] : memref<4x125x64xf32, #tpu.memory_space<vmem>> -> memref<1x125x64xf32, #tpu.memory_space<vmem>>
      %dma_start3A_235 = tpu.memref_squeeze %dma_start3A_234 : memref<1x125x64xf32, #tpu.memory_space<vmem>> -> memref<125x64xf32, #tpu.memory_space<vmem>>
      %dma_start3A_236 = arith.constant 0 : i32
      %dma_start3A_237 = tpu.memref_slice %arg10[%add3A_215, %dma_start3A_236] : memref<80x125xi32, #tpu.memory_space<vmem>> -> memref<1x125xi32, #tpu.memory_space<vmem>>
      %dma_start3A_238 = tpu.memref_squeeze %dma_start3A_237 : memref<1x125xi32, #tpu.memory_space<vmem>> -> memref<125xi32, #tpu.memory_space<vmem>>
      %dma_start3A_239 = arith.constant 0 : i32
      %dma_start3A_240 = arith.constant 0 : i32
      %dma_start3A_241 = tpu.memref_slice %arg13[%dma_start3A_239, %dma_start3A_240] : memref<10240x64xf32, #tpu.memory_space<vmem_shared>> -> memref<10240x64xf32, #tpu.memory_space<vmem_shared>>
      %dma_start3A_242 = tpu.memref_slice %arg16[%dma_start3A_231] : memref<4x!tpu.dma_semaphore, #tpu.memory_space<semaphore_mem>> -> memref<1x!tpu.dma_semaphore, #tpu.memory_space<semaphore_mem>>
      %dma_start3A_243 = tpu.memref_squeeze %dma_start3A_242 : memref<1x!tpu.dma_semaphore, #tpu.memory_space<semaphore_mem>> -> memref<!tpu.dma_semaphore, #tpu.memory_space<semaphore_mem>>
      tpu.enqueue_indirect_dma source(%dma_start3A_235 : memref<125x64xf32, #tpu.memory_space<vmem>>) target(%dma_start3A_241 : memref<10240x64xf32, #tpu.memory_space<vmem_shared>>) offsets(%dma_start3A_238 : memref<125xi32, #tpu.memory_space<vmem>>) semaphore(%dma_start3A_243 : memref<!tpu.dma_semaphore, #tpu.memory_space<semaphore_mem>>) {add = true}
      %dma_start3A_244 = arith.constant 0 : i32
      %dma_start3A_245 = tpu.memref_slice %arg10[%add3A_215, %dma_start3A_244] : memref<80x125xi32, #tpu.memory_space<vmem>> -> memref<1x125xi32, #tpu.memory_space<vmem>>
      %dma_start3A_246 = tpu.memref_squeeze %dma_start3A_245 : memref<1x125xi32, #tpu.memory_space<vmem>> -> memref<125xi32, #tpu.memory_space<vmem>>
      %dma_start3A_247 = arith.constant 0 : i32
      %dma_start3A_248 = arith.constant 0 : i32
      %dma_start3A_249 = tpu.memref_slice %arg14[%dma_start3A_247, %dma_start3A_248] : memref<10240x16xf32, #tpu.memory_space<vmem_shared>> -> memref<10240x16xf32, #tpu.memory_space<vmem_shared>>
      tpu.enqueue_indirect_dma source(%arg12 : memref<125x16xf32, #tpu.memory_space<vmem>>) target(%dma_start3A_249 : memref<10240x16xf32, #tpu.memory_space<vmem_shared>>) offsets(%dma_start3A_246 : memref<125xi32, #tpu.memory_space<vmem>>) semaphore(%arg17 : memref<!tpu.dma_semaphore, #tpu.memory_space<semaphore_mem>>) {add = true}
      %add3A_250 = arith.constant 4 : i32
      %add3A_251 = arith.addi %add3A_215, %add3A_250 : i32
      %lt3A_252 = arith.constant 80 : i32
      %lt3A_253 = arith.cmpi slt, %add3A_251, %lt3A_252 : i32
      %convert_element_type3A_254 = arith.extui %lt3A_253 : i1 to i32
      %cond3A_255 = arith.constant 0 : i32
      %cond3A_256 = arith.cmpi ne, %convert_element_type3A_254, %cond3A_255 : i32
      scf.if %cond3A_256 {
        %dma_wait3A_362 = arith.constant 1 : i32
        %dma_wait3A_363 = arith.constant 1 : i32
        %dma_wait3A_364 = arith.constant 0 : i32
        %dma_wait3A_365 = arith.constant 0 : i32
        %dma_wait3A_366 = tpu.memref_slice %arg11[%dma_wait3A_362, %dma_wait3A_364, %dma_wait3A_365] : memref<4x125x64xf32, #tpu.memory_space<vmem>> -> memref<1x125x64xf32, #tpu.memory_space<vmem>>
        %dma_wait3A_367 = tpu.memref_squeeze %dma_wait3A_366 : memref<1x125x64xf32, #tpu.memory_space<vmem>> -> memref<125x64xf32, #tpu.memory_space<vmem>>
        %dma_wait3A_368 = arith.constant 0 : i32
        %dma_wait3A_369 = tpu.memref_slice %arg10[%add3A_215, %dma_wait3A_368] : memref<80x125xi32, #tpu.memory_space<vmem>> -> memref<1x125xi32, #tpu.memory_space<vmem>>
        %dma_wait3A_370 = tpu.memref_squeeze %dma_wait3A_369 : memref<1x125xi32, #tpu.memory_space<vmem>> -> memref<125xi32, #tpu.memory_space<vmem>>
        %dma_wait3A_371 = arith.constant 0 : i32
        %dma_wait3A_372 = arith.constant 0 : i32
        %dma_wait3A_373 = tpu.memref_slice %arg13[%dma_wait3A_371, %dma_wait3A_372] : memref<10240x64xf32, #tpu.memory_space<vmem_shared>> -> memref<10240x64xf32, #tpu.memory_space<vmem_shared>>
        %dma_wait3A_374 = tpu.memref_slice %arg16[%dma_wait3A_363] : memref<4x!tpu.dma_semaphore, #tpu.memory_space<semaphore_mem>> -> memref<1x!tpu.dma_semaphore, #tpu.memory_space<semaphore_mem>>
        %dma_wait3A_375 = tpu.memref_squeeze %dma_wait3A_374 : memref<1x!tpu.dma_semaphore, #tpu.memory_space<semaphore_mem>> -> memref<!tpu.dma_semaphore, #tpu.memory_space<semaphore_mem>>
        tpu.wait_indirect_dma semaphore(%dma_wait3A_375 : memref<!tpu.dma_semaphore, #tpu.memory_space<semaphore_mem>>) src(%dma_wait3A_367 : memref<125x64xf32, #tpu.memory_space<vmem>>) dst(%dma_wait3A_373 : memref<10240x64xf32, #tpu.memory_space<vmem_shared>>)
        %add3A_376 = arith.constant 4 : i32
        %add3A_377 = arith.addi %add3A_215, %add3A_376 : i32
        %dma_start3A_378 = arith.constant 1 : i32
        %dma_start3A_379 = arith.constant 1 : i32
        %dma_start3A_380 = arith.constant 0 : i32
        %dma_start3A_381 = arith.constant 0 : i32
        %dma_start3A_382 = tpu.memref_slice %arg11[%dma_start3A_378, %dma_start3A_380, %dma_start3A_381] : memref<4x125x64xf32, #tpu.memory_space<vmem>> -> memref<1x125x64xf32, #tpu.memory_space<vmem>>
        %dma_start3A_383 = tpu.memref_squeeze %dma_start3A_382 : memref<1x125x64xf32, #tpu.memory_space<vmem>> -> memref<125x64xf32, #tpu.memory_space<vmem>>
        %dma_start3A_384 = arith.constant 0 : i32
        %dma_start3A_385 = tpu.memref_slice %arg9[%add3A_377, %dma_start3A_384] : memref<80x125xi32, #tpu.memory_space<vmem>> -> memref<1x125xi32, #tpu.memory_space<vmem>>
        %dma_start3A_386 = tpu.memref_squeeze %dma_start3A_385 : memref<1x125xi32, #tpu.memory_space<vmem>> -> memref<125xi32, #tpu.memory_space<vmem>>
        %dma_start3A_387 = arith.constant 0 : i32
        %dma_start3A_388 = arith.constant 0 : i32
        %dma_start3A_389 = tpu.memref_slice %arg2[%dma_start3A_387, %dma_start3A_388] : memref<10000x64xf32, #tpu.memory_space<hbm>> -> memref<10000x64xf32, #tpu.memory_space<hbm>>
        %dma_start3A_390 = tpu.memref_slice %arg15[%dma_start3A_379] : memref<4x!tpu.dma_semaphore, #tpu.memory_space<semaphore_mem>> -> memref<1x!tpu.dma_semaphore, #tpu.memory_space<semaphore_mem>>
        %dma_start3A_391 = tpu.memref_squeeze %dma_start3A_390 : memref<1x!tpu.dma_semaphore, #tpu.memory_space<semaphore_mem>> -> memref<!tpu.dma_semaphore, #tpu.memory_space<semaphore_mem>>
        tpu.enqueue_indirect_dma source(%dma_start3A_389 : memref<10000x64xf32, #tpu.memory_space<hbm>>) target(%dma_start3A_383 : memref<125x64xf32, #tpu.memory_space<vmem>>) offsets(%dma_start3A_386 : memref<125xi32, #tpu.memory_space<vmem>>) semaphore(%dma_start3A_391 : memref<!tpu.dma_semaphore, #tpu.memory_space<semaphore_mem>>)
      } else {
      }
      %ge3A_257 = arith.constant 4 : i32
      %ge3A_258 = arith.cmpi sge, %add3A_215, %ge3A_257 : i32
      %convert_element_type3A_259 = arith.extui %ge3A_258 : i1 to i32
      %cond3A_260 = arith.constant 0 : i32
      %cond3A_261 = arith.cmpi ne, %convert_element_type3A_259, %cond3A_260 : i32
      scf.if %cond3A_261 {
        %dma_wait3A_362 = arith.constant 0 : i32
        %dma_wait3A_363 = tpu.memref_slice %arg10[%add3A_215, %dma_wait3A_362] : memref<80x125xi32, #tpu.memory_space<vmem>> -> memref<1x125xi32, #tpu.memory_space<vmem>>
        %dma_wait3A_364 = tpu.memref_squeeze %dma_wait3A_363 : memref<1x125xi32, #tpu.memory_space<vmem>> -> memref<125xi32, #tpu.memory_space<vmem>>
        %dma_wait3A_365 = arith.constant 0 : i32
        %dma_wait3A_366 = arith.constant 0 : i32
        %dma_wait3A_367 = tpu.memref_slice %arg14[%dma_wait3A_365, %dma_wait3A_366] : memref<10240x16xf32, #tpu.memory_space<vmem_shared>> -> memref<10240x16xf32, #tpu.memory_space<vmem_shared>>
        tpu.wait_indirect_dma semaphore(%arg17 : memref<!tpu.dma_semaphore, #tpu.memory_space<semaphore_mem>>) src(%arg12 : memref<125x16xf32, #tpu.memory_space<vmem>>) dst(%dma_wait3A_367 : memref<10240x16xf32, #tpu.memory_space<vmem_shared>>)
      } else {
      }
      %mul3A_262 = arith.constant 4 : i32
      %mul3A_263 = arith.muli %mul3A_262, %scan3A_163 : i32
      %add3A_264 = arith.constant 2 : i32
      %add3A_265 = arith.addi %mul3A_263, %add3A_264 : i32
      %dma_wait3A_266 = arith.constant 2 : i32
      %dma_wait3A_267 = arith.constant 2 : i32
      %dma_wait3A_268 = arith.constant 0 : i32
      %dma_wait3A_269 = arith.constant 0 : i32
      %dma_wait3A_270 = tpu.memref_slice %arg11[%dma_wait3A_266, %dma_wait3A_268, %dma_wait3A_269] : memref<4x125x64xf32, #tpu.memory_space<vmem>> -> memref<1x125x64xf32, #tpu.memory_space<vmem>>
      %dma_wait3A_271 = tpu.memref_squeeze %dma_wait3A_270 : memref<1x125x64xf32, #tpu.memory_space<vmem>> -> memref<125x64xf32, #tpu.memory_space<vmem>>
      %dma_wait3A_272 = arith.constant 0 : i32
      %dma_wait3A_273 = tpu.memref_slice %arg9[%add3A_265, %dma_wait3A_272] : memref<80x125xi32, #tpu.memory_space<vmem>> -> memref<1x125xi32, #tpu.memory_space<vmem>>
      %dma_wait3A_274 = tpu.memref_squeeze %dma_wait3A_273 : memref<1x125xi32, #tpu.memory_space<vmem>> -> memref<125xi32, #tpu.memory_space<vmem>>
      %dma_wait3A_275 = arith.constant 0 : i32
      %dma_wait3A_276 = arith.constant 0 : i32
      %dma_wait3A_277 = tpu.memref_slice %arg2[%dma_wait3A_275, %dma_wait3A_276] : memref<10000x64xf32, #tpu.memory_space<hbm>> -> memref<10000x64xf32, #tpu.memory_space<hbm>>
      %dma_wait3A_278 = tpu.memref_slice %arg15[%dma_wait3A_267] : memref<4x!tpu.dma_semaphore, #tpu.memory_space<semaphore_mem>> -> memref<1x!tpu.dma_semaphore, #tpu.memory_space<semaphore_mem>>
      %dma_wait3A_279 = tpu.memref_squeeze %dma_wait3A_278 : memref<1x!tpu.dma_semaphore, #tpu.memory_space<semaphore_mem>> -> memref<!tpu.dma_semaphore, #tpu.memory_space<semaphore_mem>>
      tpu.wait_indirect_dma semaphore(%dma_wait3A_279 : memref<!tpu.dma_semaphore, #tpu.memory_space<semaphore_mem>>) src(%dma_wait3A_277 : memref<10000x64xf32, #tpu.memory_space<hbm>>) dst(%dma_wait3A_271 : memref<125x64xf32, #tpu.memory_space<vmem>>)
      %dma_start3A_280 = arith.constant 2 : i32
      %dma_start3A_281 = arith.constant 2 : i32
      %dma_start3A_282 = arith.constant 0 : i32
      %dma_start3A_283 = arith.constant 0 : i32
      %dma_start3A_284 = tpu.memref_slice %arg11[%dma_start3A_280, %dma_start3A_282, %dma_start3A_283] : memref<4x125x64xf32, #tpu.memory_space<vmem>> -> memref<1x125x64xf32, #tpu.memory_space<vmem>>
      %dma_start3A_285 = tpu.memref_squeeze %dma_start3A_284 : memref<1x125x64xf32, #tpu.memory_space<vmem>> -> memref<125x64xf32, #tpu.memory_space<vmem>>
      %dma_start3A_286 = arith.constant 0 : i32
      %dma_start3A_287 = tpu.memref_slice %arg10[%add3A_265, %dma_start3A_286] : memref<80x125xi32, #tpu.memory_space<vmem>> -> memref<1x125xi32, #tpu.memory_space<vmem>>
      %dma_start3A_288 = tpu.memref_squeeze %dma_start3A_287 : memref<1x125xi32, #tpu.memory_space<vmem>> -> memref<125xi32, #tpu.memory_space<vmem>>
      %dma_start3A_289 = arith.constant 0 : i32
      %dma_start3A_290 = arith.constant 0 : i32
      %dma_start3A_291 = tpu.memref_slice %arg13[%dma_start3A_289, %dma_start3A_290] : memref<10240x64xf32, #tpu.memory_space<vmem_shared>> -> memref<10240x64xf32, #tpu.memory_space<vmem_shared>>
      %dma_start3A_292 = tpu.memref_slice %arg16[%dma_start3A_281] : memref<4x!tpu.dma_semaphore, #tpu.memory_space<semaphore_mem>> -> memref<1x!tpu.dma_semaphore, #tpu.memory_space<semaphore_mem>>
      %dma_start3A_293 = tpu.memref_squeeze %dma_start3A_292 : memref<1x!tpu.dma_semaphore, #tpu.memory_space<semaphore_mem>> -> memref<!tpu.dma_semaphore, #tpu.memory_space<semaphore_mem>>
      tpu.enqueue_indirect_dma source(%dma_start3A_285 : memref<125x64xf32, #tpu.memory_space<vmem>>) target(%dma_start3A_291 : memref<10240x64xf32, #tpu.memory_space<vmem_shared>>) offsets(%dma_start3A_288 : memref<125xi32, #tpu.memory_space<vmem>>) semaphore(%dma_start3A_293 : memref<!tpu.dma_semaphore, #tpu.memory_space<semaphore_mem>>) {add = true}
      %dma_start3A_294 = arith.constant 0 : i32
      %dma_start3A_295 = tpu.memref_slice %arg10[%add3A_265, %dma_start3A_294] : memref<80x125xi32, #tpu.memory_space<vmem>> -> memref<1x125xi32, #tpu.memory_space<vmem>>
      %dma_start3A_296 = tpu.memref_squeeze %dma_start3A_295 : memref<1x125xi32, #tpu.memory_space<vmem>> -> memref<125xi32, #tpu.memory_space<vmem>>
      %dma_start3A_297 = arith.constant 0 : i32
      %dma_start3A_298 = arith.constant 0 : i32
      %dma_start3A_299 = tpu.memref_slice %arg14[%dma_start3A_297, %dma_start3A_298] : memref<10240x16xf32, #tpu.memory_space<vmem_shared>> -> memref<10240x16xf32, #tpu.memory_space<vmem_shared>>
      tpu.enqueue_indirect_dma source(%arg12 : memref<125x16xf32, #tpu.memory_space<vmem>>) target(%dma_start3A_299 : memref<10240x16xf32, #tpu.memory_space<vmem_shared>>) offsets(%dma_start3A_296 : memref<125xi32, #tpu.memory_space<vmem>>) semaphore(%arg17 : memref<!tpu.dma_semaphore, #tpu.memory_space<semaphore_mem>>) {add = true}
      %add3A_300 = arith.constant 4 : i32
      %add3A_301 = arith.addi %add3A_265, %add3A_300 : i32
      %lt3A_302 = arith.constant 80 : i32
      %lt3A_303 = arith.cmpi slt, %add3A_301, %lt3A_302 : i32
      %convert_element_type3A_304 = arith.extui %lt3A_303 : i1 to i32
      %cond3A_305 = arith.constant 0 : i32
      %cond3A_306 = arith.cmpi ne, %convert_element_type3A_304, %cond3A_305 : i32
      scf.if %cond3A_306 {
        %dma_wait3A_362 = arith.constant 2 : i32
        %dma_wait3A_363 = arith.constant 2 : i32
        %dma_wait3A_364 = arith.constant 0 : i32
        %dma_wait3A_365 = arith.constant 0 : i32
        %dma_wait3A_366 = tpu.memref_slice %arg11[%dma_wait3A_362, %dma_wait3A_364, %dma_wait3A_365] : memref<4x125x64xf32, #tpu.memory_space<vmem>> -> memref<1x125x64xf32, #tpu.memory_space<vmem>>
        %dma_wait3A_367 = tpu.memref_squeeze %dma_wait3A_366 : memref<1x125x64xf32, #tpu.memory_space<vmem>> -> memref<125x64xf32, #tpu.memory_space<vmem>>
        %dma_wait3A_368 = arith.constant 0 : i32
        %dma_wait3A_369 = tpu.memref_slice %arg10[%add3A_265, %dma_wait3A_368] : memref<80x125xi32, #tpu.memory_space<vmem>> -> memref<1x125xi32, #tpu.memory_space<vmem>>
        %dma_wait3A_370 = tpu.memref_squeeze %dma_wait3A_369 : memref<1x125xi32, #tpu.memory_space<vmem>> -> memref<125xi32, #tpu.memory_space<vmem>>
        %dma_wait3A_371 = arith.constant 0 : i32
        %dma_wait3A_372 = arith.constant 0 : i32
        %dma_wait3A_373 = tpu.memref_slice %arg13[%dma_wait3A_371, %dma_wait3A_372] : memref<10240x64xf32, #tpu.memory_space<vmem_shared>> -> memref<10240x64xf32, #tpu.memory_space<vmem_shared>>
        %dma_wait3A_374 = tpu.memref_slice %arg16[%dma_wait3A_363] : memref<4x!tpu.dma_semaphore, #tpu.memory_space<semaphore_mem>> -> memref<1x!tpu.dma_semaphore, #tpu.memory_space<semaphore_mem>>
        %dma_wait3A_375 = tpu.memref_squeeze %dma_wait3A_374 : memref<1x!tpu.dma_semaphore, #tpu.memory_space<semaphore_mem>> -> memref<!tpu.dma_semaphore, #tpu.memory_space<semaphore_mem>>
        tpu.wait_indirect_dma semaphore(%dma_wait3A_375 : memref<!tpu.dma_semaphore, #tpu.memory_space<semaphore_mem>>) src(%dma_wait3A_367 : memref<125x64xf32, #tpu.memory_space<vmem>>) dst(%dma_wait3A_373 : memref<10240x64xf32, #tpu.memory_space<vmem_shared>>)
        %add3A_376 = arith.constant 4 : i32
        %add3A_377 = arith.addi %add3A_265, %add3A_376 : i32
        %dma_start3A_378 = arith.constant 2 : i32
        %dma_start3A_379 = arith.constant 2 : i32
        %dma_start3A_380 = arith.constant 0 : i32
        %dma_start3A_381 = arith.constant 0 : i32
        %dma_start3A_382 = tpu.memref_slice %arg11[%dma_start3A_378, %dma_start3A_380, %dma_start3A_381] : memref<4x125x64xf32, #tpu.memory_space<vmem>> -> memref<1x125x64xf32, #tpu.memory_space<vmem>>
        %dma_start3A_383 = tpu.memref_squeeze %dma_start3A_382 : memref<1x125x64xf32, #tpu.memory_space<vmem>> -> memref<125x64xf32, #tpu.memory_space<vmem>>
        %dma_start3A_384 = arith.constant 0 : i32
        %dma_start3A_385 = tpu.memref_slice %arg9[%add3A_377, %dma_start3A_384] : memref<80x125xi32, #tpu.memory_space<vmem>> -> memref<1x125xi32, #tpu.memory_space<vmem>>
        %dma_start3A_386 = tpu.memref_squeeze %dma_start3A_385 : memref<1x125xi32, #tpu.memory_space<vmem>> -> memref<125xi32, #tpu.memory_space<vmem>>
        %dma_start3A_387 = arith.constant 0 : i32
        %dma_start3A_388 = arith.constant 0 : i32
        %dma_start3A_389 = tpu.memref_slice %arg2[%dma_start3A_387, %dma_start3A_388] : memref<10000x64xf32, #tpu.memory_space<hbm>> -> memref<10000x64xf32, #tpu.memory_space<hbm>>
        %dma_start3A_390 = tpu.memref_slice %arg15[%dma_start3A_379] : memref<4x!tpu.dma_semaphore, #tpu.memory_space<semaphore_mem>> -> memref<1x!tpu.dma_semaphore, #tpu.memory_space<semaphore_mem>>
        %dma_start3A_391 = tpu.memref_squeeze %dma_start3A_390 : memref<1x!tpu.dma_semaphore, #tpu.memory_space<semaphore_mem>> -> memref<!tpu.dma_semaphore, #tpu.memory_space<semaphore_mem>>
        tpu.enqueue_indirect_dma source(%dma_start3A_389 : memref<10000x64xf32, #tpu.memory_space<hbm>>) target(%dma_start3A_383 : memref<125x64xf32, #tpu.memory_space<vmem>>) offsets(%dma_start3A_386 : memref<125xi32, #tpu.memory_space<vmem>>) semaphore(%dma_start3A_391 : memref<!tpu.dma_semaphore, #tpu.memory_space<semaphore_mem>>)
      } else {
      }
      %ge3A_307 = arith.constant 4 : i32
      %ge3A_308 = arith.cmpi sge, %add3A_265, %ge3A_307 : i32
      %convert_element_type3A_309 = arith.extui %ge3A_308 : i1 to i32
      %cond3A_310 = arith.constant 0 : i32
      %cond3A_311 = arith.cmpi ne, %convert_element_type3A_309, %cond3A_310 : i32
      scf.if %cond3A_311 {
        %dma_wait3A_362 = arith.constant 0 : i32
        %dma_wait3A_363 = tpu.memref_slice %arg10[%add3A_265, %dma_wait3A_362] : memref<80x125xi32, #tpu.memory_space<vmem>> -> memref<1x125xi32, #tpu.memory_space<vmem>>
        %dma_wait3A_364 = tpu.memref_squeeze %dma_wait3A_363 : memref<1x125xi32, #tpu.memory_space<vmem>> -> memref<125xi32, #tpu.memory_space<vmem>>
        %dma_wait3A_365 = arith.constant 0 : i32
        %dma_wait3A_366 = arith.constant 0 : i32
        %dma_wait3A_367 = tpu.memref_slice %arg14[%dma_wait3A_365, %dma_wait3A_366] : memref<10240x16xf32, #tpu.memory_space<vmem_shared>> -> memref<10240x16xf32, #tpu.memory_space<vmem_shared>>
        tpu.wait_indirect_dma semaphore(%arg17 : memref<!tpu.dma_semaphore, #tpu.memory_space<semaphore_mem>>) src(%arg12 : memref<125x16xf32, #tpu.memory_space<vmem>>) dst(%dma_wait3A_367 : memref<10240x16xf32, #tpu.memory_space<vmem_shared>>)
      } else {
      }
      %mul3A_312 = arith.constant 4 : i32
      %mul3A_313 = arith.muli %mul3A_312, %scan3A_163 : i32
      %add3A_314 = arith.constant 3 : i32
      %add3A_315 = arith.addi %mul3A_313, %add3A_314 : i32
      %dma_wait3A_316 = arith.constant 3 : i32
      %dma_wait3A_317 = arith.constant 3 : i32
      %dma_wait3A_318 = arith.constant 0 : i32
      %dma_wait3A_319 = arith.constant 0 : i32
      %dma_wait3A_320 = tpu.memref_slice %arg11[%dma_wait3A_316, %dma_wait3A_318, %dma_wait3A_319] : memref<4x125x64xf32, #tpu.memory_space<vmem>> -> memref<1x125x64xf32, #tpu.memory_space<vmem>>
      %dma_wait3A_321 = tpu.memref_squeeze %dma_wait3A_320 : memref<1x125x64xf32, #tpu.memory_space<vmem>> -> memref<125x64xf32, #tpu.memory_space<vmem>>
      %dma_wait3A_322 = arith.constant 0 : i32
      %dma_wait3A_323 = tpu.memref_slice %arg9[%add3A_315, %dma_wait3A_322] : memref<80x125xi32, #tpu.memory_space<vmem>> -> memref<1x125xi32, #tpu.memory_space<vmem>>
      %dma_wait3A_324 = tpu.memref_squeeze %dma_wait3A_323 : memref<1x125xi32, #tpu.memory_space<vmem>> -> memref<125xi32, #tpu.memory_space<vmem>>
      %dma_wait3A_325 = arith.constant 0 : i32
      %dma_wait3A_326 = arith.constant 0 : i32
      %dma_wait3A_327 = tpu.memref_slice %arg2[%dma_wait3A_325, %dma_wait3A_326] : memref<10000x64xf32, #tpu.memory_space<hbm>> -> memref<10000x64xf32, #tpu.memory_space<hbm>>
      %dma_wait3A_328 = tpu.memref_slice %arg15[%dma_wait3A_317] : memref<4x!tpu.dma_semaphore, #tpu.memory_space<semaphore_mem>> -> memref<1x!tpu.dma_semaphore, #tpu.memory_space<semaphore_mem>>
      %dma_wait3A_329 = tpu.memref_squeeze %dma_wait3A_328 : memref<1x!tpu.dma_semaphore, #tpu.memory_space<semaphore_mem>> -> memref<!tpu.dma_semaphore, #tpu.memory_space<semaphore_mem>>
      tpu.wait_indirect_dma semaphore(%dma_wait3A_329 : memref<!tpu.dma_semaphore, #tpu.memory_space<semaphore_mem>>) src(%dma_wait3A_327 : memref<10000x64xf32, #tpu.memory_space<hbm>>) dst(%dma_wait3A_321 : memref<125x64xf32, #tpu.memory_space<vmem>>)
      %dma_start3A_330 = arith.constant 3 : i32
      %dma_start3A_331 = arith.constant 3 : i32
      %dma_start3A_332 = arith.constant 0 : i32
      %dma_start3A_333 = arith.constant 0 : i32
      %dma_start3A_334 = tpu.memref_slice %arg11[%dma_start3A_330, %dma_start3A_332, %dma_start3A_333] : memref<4x125x64xf32, #tpu.memory_space<vmem>> -> memref<1x125x64xf32, #tpu.memory_space<vmem>>
      %dma_start3A_335 = tpu.memref_squeeze %dma_start3A_334 : memref<1x125x64xf32, #tpu.memory_space<vmem>> -> memref<125x64xf32, #tpu.memory_space<vmem>>
      %dma_start3A_336 = arith.constant 0 : i32
      %dma_start3A_337 = tpu.memref_slice %arg10[%add3A_315, %dma_start3A_336] : memref<80x125xi32, #tpu.memory_space<vmem>> -> memref<1x125xi32, #tpu.memory_space<vmem>>
      %dma_start3A_338 = tpu.memref_squeeze %dma_start3A_337 : memref<1x125xi32, #tpu.memory_space<vmem>> -> memref<125xi32, #tpu.memory_space<vmem>>
      %dma_start3A_339 = arith.constant 0 : i32
      %dma_start3A_340 = arith.constant 0 : i32
      %dma_start3A_341 = tpu.memref_slice %arg13[%dma_start3A_339, %dma_start3A_340] : memref<10240x64xf32, #tpu.memory_space<vmem_shared>> -> memref<10240x64xf32, #tpu.memory_space<vmem_shared>>
      %dma_start3A_342 = tpu.memref_slice %arg16[%dma_start3A_331] : memref<4x!tpu.dma_semaphore, #tpu.memory_space<semaphore_mem>> -> memref<1x!tpu.dma_semaphore, #tpu.memory_space<semaphore_mem>>
      %dma_start3A_343 = tpu.memref_squeeze %dma_start3A_342 : memref<1x!tpu.dma_semaphore, #tpu.memory_space<semaphore_mem>> -> memref<!tpu.dma_semaphore, #tpu.memory_space<semaphore_mem>>
      tpu.enqueue_indirect_dma source(%dma_start3A_335 : memref<125x64xf32, #tpu.memory_space<vmem>>) target(%dma_start3A_341 : memref<10240x64xf32, #tpu.memory_space<vmem_shared>>) offsets(%dma_start3A_338 : memref<125xi32, #tpu.memory_space<vmem>>) semaphore(%dma_start3A_343 : memref<!tpu.dma_semaphore, #tpu.memory_space<semaphore_mem>>) {add = true}
      %dma_start3A_344 = arith.constant 0 : i32
      %dma_start3A_345 = tpu.memref_slice %arg10[%add3A_315, %dma_start3A_344] : memref<80x125xi32, #tpu.memory_space<vmem>> -> memref<1x125xi32, #tpu.memory_space<vmem>>
      %dma_start3A_346 = tpu.memref_squeeze %dma_start3A_345 : memref<1x125xi32, #tpu.memory_space<vmem>> -> memref<125xi32, #tpu.memory_space<vmem>>
      %dma_start3A_347 = arith.constant 0 : i32
      %dma_start3A_348 = arith.constant 0 : i32
      %dma_start3A_349 = tpu.memref_slice %arg14[%dma_start3A_347, %dma_start3A_348] : memref<10240x16xf32, #tpu.memory_space<vmem_shared>> -> memref<10240x16xf32, #tpu.memory_space<vmem_shared>>
      tpu.enqueue_indirect_dma source(%arg12 : memref<125x16xf32, #tpu.memory_space<vmem>>) target(%dma_start3A_349 : memref<10240x16xf32, #tpu.memory_space<vmem_shared>>) offsets(%dma_start3A_346 : memref<125xi32, #tpu.memory_space<vmem>>) semaphore(%arg17 : memref<!tpu.dma_semaphore, #tpu.memory_space<semaphore_mem>>) {add = true}
      %add3A_350 = arith.constant 4 : i32
      %add3A_351 = arith.addi %add3A_315, %add3A_350 : i32
      %lt3A_352 = arith.constant 80 : i32
      %lt3A_353 = arith.cmpi slt, %add3A_351, %lt3A_352 : i32
      %convert_element_type3A_354 = arith.extui %lt3A_353 : i1 to i32
      %cond3A_355 = arith.constant 0 : i32
      %cond3A_356 = arith.cmpi ne, %convert_element_type3A_354, %cond3A_355 : i32
      scf.if %cond3A_356 {
        %dma_wait3A_362 = arith.constant 3 : i32
        %dma_wait3A_363 = arith.constant 3 : i32
        %dma_wait3A_364 = arith.constant 0 : i32
        %dma_wait3A_365 = arith.constant 0 : i32
        %dma_wait3A_366 = tpu.memref_slice %arg11[%dma_wait3A_362, %dma_wait3A_364, %dma_wait3A_365] : memref<4x125x64xf32, #tpu.memory_space<vmem>> -> memref<1x125x64xf32, #tpu.memory_space<vmem>>
        %dma_wait3A_367 = tpu.memref_squeeze %dma_wait3A_366 : memref<1x125x64xf32, #tpu.memory_space<vmem>> -> memref<125x64xf32, #tpu.memory_space<vmem>>
        %dma_wait3A_368 = arith.constant 0 : i32
        %dma_wait3A_369 = tpu.memref_slice %arg10[%add3A_315, %dma_wait3A_368] : memref<80x125xi32, #tpu.memory_space<vmem>> -> memref<1x125xi32, #tpu.memory_space<vmem>>
        %dma_wait3A_370 = tpu.memref_squeeze %dma_wait3A_369 : memref<1x125xi32, #tpu.memory_space<vmem>> -> memref<125xi32, #tpu.memory_space<vmem>>
        %dma_wait3A_371 = arith.constant 0 : i32
        %dma_wait3A_372 = arith.constant 0 : i32
        %dma_wait3A_373 = tpu.memref_slice %arg13[%dma_wait3A_371, %dma_wait3A_372] : memref<10240x64xf32, #tpu.memory_space<vmem_shared>> -> memref<10240x64xf32, #tpu.memory_space<vmem_shared>>
        %dma_wait3A_374 = tpu.memref_slice %arg16[%dma_wait3A_363] : memref<4x!tpu.dma_semaphore, #tpu.memory_space<semaphore_mem>> -> memref<1x!tpu.dma_semaphore, #tpu.memory_space<semaphore_mem>>
        %dma_wait3A_375 = tpu.memref_squeeze %dma_wait3A_374 : memref<1x!tpu.dma_semaphore, #tpu.memory_space<semaphore_mem>> -> memref<!tpu.dma_semaphore, #tpu.memory_space<semaphore_mem>>
        tpu.wait_indirect_dma semaphore(%dma_wait3A_375 : memref<!tpu.dma_semaphore, #tpu.memory_space<semaphore_mem>>) src(%dma_wait3A_367 : memref<125x64xf32, #tpu.memory_space<vmem>>) dst(%dma_wait3A_373 : memref<10240x64xf32, #tpu.memory_space<vmem_shared>>)
        %add3A_376 = arith.constant 4 : i32
        %add3A_377 = arith.addi %add3A_315, %add3A_376 : i32
        %dma_start3A_378 = arith.constant 3 : i32
        %dma_start3A_379 = arith.constant 3 : i32
        %dma_start3A_380 = arith.constant 0 : i32
        %dma_start3A_381 = arith.constant 0 : i32
        %dma_start3A_382 = tpu.memref_slice %arg11[%dma_start3A_378, %dma_start3A_380, %dma_start3A_381] : memref<4x125x64xf32, #tpu.memory_space<vmem>> -> memref<1x125x64xf32, #tpu.memory_space<vmem>>
        %dma_start3A_383 = tpu.memref_squeeze %dma_start3A_382 : memref<1x125x64xf32, #tpu.memory_space<vmem>> -> memref<125x64xf32, #tpu.memory_space<vmem>>
        %dma_start3A_384 = arith.constant 0 : i32
        %dma_start3A_385 = tpu.memref_slice %arg9[%add3A_377, %dma_start3A_384] : memref<80x125xi32, #tpu.memory_space<vmem>> -> memref<1x125xi32, #tpu.memory_space<vmem>>
        %dma_start3A_386 = tpu.memref_squeeze %dma_start3A_385 : memref<1x125xi32, #tpu.memory_space<vmem>> -> memref<125xi32, #tpu.memory_space<vmem>>
        %dma_start3A_387 = arith.constant 0 : i32
        %dma_start3A_388 = arith.constant 0 : i32
        %dma_start3A_389 = tpu.memref_slice %arg2[%dma_start3A_387, %dma_start3A_388] : memref<10000x64xf32, #tpu.memory_space<hbm>> -> memref<10000x64xf32, #tpu.memory_space<hbm>>
        %dma_start3A_390 = tpu.memref_slice %arg15[%dma_start3A_379] : memref<4x!tpu.dma_semaphore, #tpu.memory_space<semaphore_mem>> -> memref<1x!tpu.dma_semaphore, #tpu.memory_space<semaphore_mem>>
        %dma_start3A_391 = tpu.memref_squeeze %dma_start3A_390 : memref<1x!tpu.dma_semaphore, #tpu.memory_space<semaphore_mem>> -> memref<!tpu.dma_semaphore, #tpu.memory_space<semaphore_mem>>
        tpu.enqueue_indirect_dma source(%dma_start3A_389 : memref<10000x64xf32, #tpu.memory_space<hbm>>) target(%dma_start3A_383 : memref<125x64xf32, #tpu.memory_space<vmem>>) offsets(%dma_start3A_386 : memref<125xi32, #tpu.memory_space<vmem>>) semaphore(%dma_start3A_391 : memref<!tpu.dma_semaphore, #tpu.memory_space<semaphore_mem>>)
      } else {
      }
      %ge3A_357 = arith.constant 4 : i32
      %ge3A_358 = arith.cmpi sge, %add3A_315, %ge3A_357 : i32
      %convert_element_type3A_359 = arith.extui %ge3A_358 : i1 to i32
      %cond3A_360 = arith.constant 0 : i32
      %cond3A_361 = arith.cmpi ne, %convert_element_type3A_359, %cond3A_360 : i32
      scf.if %cond3A_361 {
        %dma_wait3A_362 = arith.constant 0 : i32
        %dma_wait3A_363 = tpu.memref_slice %arg10[%add3A_315, %dma_wait3A_362] : memref<80x125xi32, #tpu.memory_space<vmem>> -> memref<1x125xi32, #tpu.memory_space<vmem>>
        %dma_wait3A_364 = tpu.memref_squeeze %dma_wait3A_363 : memref<1x125xi32, #tpu.memory_space<vmem>> -> memref<125xi32, #tpu.memory_space<vmem>>
        %dma_wait3A_365 = arith.constant 0 : i32
        %dma_wait3A_366 = arith.constant 0 : i32
        %dma_wait3A_367 = tpu.memref_slice %arg14[%dma_wait3A_365, %dma_wait3A_366] : memref<10240x16xf32, #tpu.memory_space<vmem_shared>> -> memref<10240x16xf32, #tpu.memory_space<vmem_shared>>
        tpu.wait_indirect_dma semaphore(%arg17 : memref<!tpu.dma_semaphore, #tpu.memory_space<semaphore_mem>>) src(%arg12 : memref<125x16xf32, #tpu.memory_space<vmem>>) dst(%dma_wait3A_367 : memref<10240x16xf32, #tpu.memory_space<vmem_shared>>)
      } else {
      }
    }
    %scan3A_69 = arith.constant 20 : i32
    %dma_wait3A = arith.constant 0 : i32
    %dma_wait3A_70 = arith.constant 76 : i32
    %dma_wait3A_71 = arith.constant 0 : i32
    %dma_wait3A_72 = arith.constant 0 : i32
    %dma_wait3A_73 = arith.constant 0 : i32
    %dma_wait3A_74 = tpu.memref_slice %arg11[%dma_wait3A, %dma_wait3A_72, %dma_wait3A_73] : memref<4x125x64xf32, #tpu.memory_space<vmem>> -> memref<1x125x64xf32, #tpu.memory_space<vmem>>
    %dma_wait3A_75 = tpu.memref_squeeze %dma_wait3A_74 : memref<1x125x64xf32, #tpu.memory_space<vmem>> -> memref<125x64xf32, #tpu.memory_space<vmem>>
    %dma_wait3A_76 = arith.constant 0 : i32
    %dma_wait3A_77 = tpu.memref_slice %arg10[%dma_wait3A_70, %dma_wait3A_76] : memref<80x125xi32, #tpu.memory_space<vmem>> -> memref<1x125xi32, #tpu.memory_space<vmem>>
    %dma_wait3A_78 = tpu.memref_squeeze %dma_wait3A_77 : memref<1x125xi32, #tpu.memory_space<vmem>> -> memref<125xi32, #tpu.memory_space<vmem>>
    %dma_wait3A_79 = arith.constant 0 : i32
    %dma_wait3A_80 = arith.constant 0 : i32
    %dma_wait3A_81 = tpu.memref_slice %arg13[%dma_wait3A_79, %dma_wait3A_80] : memref<10240x64xf32, #tpu.memory_space<vmem_shared>> -> memref<10240x64xf32, #tpu.memory_space<vmem_shared>>
    %dma_wait3A_82 = tpu.memref_slice %arg16[%dma_wait3A_71] : memref<4x!tpu.dma_semaphore, #tpu.memory_space<semaphore_mem>> -> memref<1x!tpu.dma_semaphore, #tpu.memory_space<semaphore_mem>>
    %dma_wait3A_83 = tpu.memref_squeeze %dma_wait3A_82 : memref<1x!tpu.dma_semaphore, #tpu.memory_space<semaphore_mem>> -> memref<!tpu.dma_semaphore, #tpu.memory_space<semaphore_mem>>
    tpu.wait_indirect_dma semaphore(%dma_wait3A_83 : memref<!tpu.dma_semaphore, #tpu.memory_space<semaphore_mem>>) src(%dma_wait3A_75 : memref<125x64xf32, #tpu.memory_space<vmem>>) dst(%dma_wait3A_81 : memref<10240x64xf32, #tpu.memory_space<vmem_shared>>)
    %dma_wait3A_84 = arith.constant 76 : i32
    %dma_wait3A_85 = arith.constant 0 : i32
    %dma_wait3A_86 = tpu.memref_slice %arg10[%dma_wait3A_84, %dma_wait3A_85] : memref<80x125xi32, #tpu.memory_space<vmem>> -> memref<1x125xi32, #tpu.memory_space<vmem>>
    %dma_wait3A_87 = tpu.memref_squeeze %dma_wait3A_86 : memref<1x125xi32, #tpu.memory_space<vmem>> -> memref<125xi32, #tpu.memory_space<vmem>>
    %dma_wait3A_88 = arith.constant 0 : i32
    %dma_wait3A_89 = arith.constant 0 : i32
    %dma_wait3A_90 = tpu.memref_slice %arg14[%dma_wait3A_88, %dma_wait3A_89] : memref<10240x16xf32, #tpu.memory_space<vmem_shared>> -> memref<10240x16xf32, #tpu.memory_space<vmem_shared>>
    tpu.wait_indirect_dma semaphore(%arg17 : memref<!tpu.dma_semaphore, #tpu.memory_space<semaphore_mem>>) src(%arg12 : memref<125x16xf32, #tpu.memory_space<vmem>>) dst(%dma_wait3A_90 : memref<10240x16xf32, #tpu.memory_space<vmem_shared>>)
    %dma_wait3A_91 = arith.constant 1 : i32
    %dma_wait3A_92 = arith.constant 77 : i32
    %dma_wait3A_93 = arith.constant 1 : i32
    %dma_wait3A_94 = arith.constant 0 : i32
    %dma_wait3A_95 = arith.constant 0 : i32
    %dma_wait3A_96 = tpu.memref_slice %arg11[%dma_wait3A_91, %dma_wait3A_94, %dma_wait3A_95] : memref<4x125x64xf32, #tpu.memory_space<vmem>> -> memref<1x125x64xf32, #tpu.memory_space<vmem>>
    %dma_wait3A_97 = tpu.memref_squeeze %dma_wait3A_96 : memref<1x125x64xf32, #tpu.memory_space<vmem>> -> memref<125x64xf32, #tpu.memory_space<vmem>>
    %dma_wait3A_98 = arith.constant 0 : i32
    %dma_wait3A_99 = tpu.memref_slice %arg10[%dma_wait3A_92, %dma_wait3A_98] : memref<80x125xi32, #tpu.memory_space<vmem>> -> memref<1x125xi32, #tpu.memory_space<vmem>>
    %dma_wait3A_100 = tpu.memref_squeeze %dma_wait3A_99 : memref<1x125xi32, #tpu.memory_space<vmem>> -> memref<125xi32, #tpu.memory_space<vmem>>
    %dma_wait3A_101 = arith.constant 0 : i32
    %dma_wait3A_102 = arith.constant 0 : i32
    %dma_wait3A_103 = tpu.memref_slice %arg13[%dma_wait3A_101, %dma_wait3A_102] : memref<10240x64xf32, #tpu.memory_space<vmem_shared>> -> memref<10240x64xf32, #tpu.memory_space<vmem_shared>>
    %dma_wait3A_104 = tpu.memref_slice %arg16[%dma_wait3A_93] : memref<4x!tpu.dma_semaphore, #tpu.memory_space<semaphore_mem>> -> memref<1x!tpu.dma_semaphore, #tpu.memory_space<semaphore_mem>>
    %dma_wait3A_105 = tpu.memref_squeeze %dma_wait3A_104 : memref<1x!tpu.dma_semaphore, #tpu.memory_space<semaphore_mem>> -> memref<!tpu.dma_semaphore, #tpu.memory_space<semaphore_mem>>
    tpu.wait_indirect_dma semaphore(%dma_wait3A_105 : memref<!tpu.dma_semaphore, #tpu.memory_space<semaphore_mem>>) src(%dma_wait3A_97 : memref<125x64xf32, #tpu.memory_space<vmem>>) dst(%dma_wait3A_103 : memref<10240x64xf32, #tpu.memory_space<vmem_shared>>)
    %dma_wait3A_106 = arith.constant 77 : i32
    %dma_wait3A_107 = arith.constant 0 : i32
    %dma_wait3A_108 = tpu.memref_slice %arg10[%dma_wait3A_106, %dma_wait3A_107] : memref<80x125xi32, #tpu.memory_space<vmem>> -> memref<1x125xi32, #tpu.memory_space<vmem>>
    %dma_wait3A_109 = tpu.memref_squeeze %dma_wait3A_108 : memref<1x125xi32, #tpu.memory_space<vmem>> -> memref<125xi32, #tpu.memory_space<vmem>>
    %dma_wait3A_110 = arith.constant 0 : i32
    %dma_wait3A_111 = arith.constant 0 : i32
    %dma_wait3A_112 = tpu.memref_slice %arg14[%dma_wait3A_110, %dma_wait3A_111] : memref<10240x16xf32, #tpu.memory_space<vmem_shared>> -> memref<10240x16xf32, #tpu.memory_space<vmem_shared>>
    tpu.wait_indirect_dma semaphore(%arg17 : memref<!tpu.dma_semaphore, #tpu.memory_space<semaphore_mem>>) src(%arg12 : memref<125x16xf32, #tpu.memory_space<vmem>>) dst(%dma_wait3A_112 : memref<10240x16xf32, #tpu.memory_space<vmem_shared>>)
    %dma_wait3A_113 = arith.constant 2 : i32
    %dma_wait3A_114 = arith.constant 78 : i32
    %dma_wait3A_115 = arith.constant 2 : i32
    %dma_wait3A_116 = arith.constant 0 : i32
    %dma_wait3A_117 = arith.constant 0 : i32
    %dma_wait3A_118 = tpu.memref_slice %arg11[%dma_wait3A_113, %dma_wait3A_116, %dma_wait3A_117] : memref<4x125x64xf32, #tpu.memory_space<vmem>> -> memref<1x125x64xf32, #tpu.memory_space<vmem>>
    %dma_wait3A_119 = tpu.memref_squeeze %dma_wait3A_118 : memref<1x125x64xf32, #tpu.memory_space<vmem>> -> memref<125x64xf32, #tpu.memory_space<vmem>>
    %dma_wait3A_120 = arith.constant 0 : i32
    %dma_wait3A_121 = tpu.memref_slice %arg10[%dma_wait3A_114, %dma_wait3A_120] : memref<80x125xi32, #tpu.memory_space<vmem>> -> memref<1x125xi32, #tpu.memory_space<vmem>>
    %dma_wait3A_122 = tpu.memref_squeeze %dma_wait3A_121 : memref<1x125xi32, #tpu.memory_space<vmem>> -> memref<125xi32, #tpu.memory_space<vmem>>
    %dma_wait3A_123 = arith.constant 0 : i32
    %dma_wait3A_124 = arith.constant 0 : i32
    %dma_wait3A_125 = tpu.memref_slice %arg13[%dma_wait3A_123, %dma_wait3A_124] : memref<10240x64xf32, #tpu.memory_space<vmem_shared>> -> memref<10240x64xf32, #tpu.memory_space<vmem_shared>>
    %dma_wait3A_126 = tpu.memref_slice %arg16[%dma_wait3A_115] : memref<4x!tpu.dma_semaphore, #tpu.memory_space<semaphore_mem>> -> memref<1x!tpu.dma_semaphore, #tpu.memory_space<semaphore_mem>>
    %dma_wait3A_127 = tpu.memref_squeeze %dma_wait3A_126 : memref<1x!tpu.dma_semaphore, #tpu.memory_space<semaphore_mem>> -> memref<!tpu.dma_semaphore, #tpu.memory_space<semaphore_mem>>
    tpu.wait_indirect_dma semaphore(%dma_wait3A_127 : memref<!tpu.dma_semaphore, #tpu.memory_space<semaphore_mem>>) src(%dma_wait3A_119 : memref<125x64xf32, #tpu.memory_space<vmem>>) dst(%dma_wait3A_125 : memref<10240x64xf32, #tpu.memory_space<vmem_shared>>)
    %dma_wait3A_128 = arith.constant 78 : i32
    %dma_wait3A_129 = arith.constant 0 : i32
    %dma_wait3A_130 = tpu.memref_slice %arg10[%dma_wait3A_128, %dma_wait3A_129] : memref<80x125xi32, #tpu.memory_space<vmem>> -> memref<1x125xi32, #tpu.memory_space<vmem>>
    %dma_wait3A_131 = tpu.memref_squeeze %dma_wait3A_130 : memref<1x125xi32, #tpu.memory_space<vmem>> -> memref<125xi32, #tpu.memory_space<vmem>>
    %dma_wait3A_132 = arith.constant 0 : i32
    %dma_wait3A_133 = arith.constant 0 : i32
    %dma_wait3A_134 = tpu.memref_slice %arg14[%dma_wait3A_132, %dma_wait3A_133] : memref<10240x16xf32, #tpu.memory_space<vmem_shared>> -> memref<10240x16xf32, #tpu.memory_space<vmem_shared>>
    tpu.wait_indirect_dma semaphore(%arg17 : memref<!tpu.dma_semaphore, #tpu.memory_space<semaphore_mem>>) src(%arg12 : memref<125x16xf32, #tpu.memory_space<vmem>>) dst(%dma_wait3A_134 : memref<10240x16xf32, #tpu.memory_space<vmem_shared>>)
    %dma_wait3A_135 = arith.constant 3 : i32
    %dma_wait3A_136 = arith.constant 79 : i32
    %dma_wait3A_137 = arith.constant 3 : i32
    %dma_wait3A_138 = arith.constant 0 : i32
    %dma_wait3A_139 = arith.constant 0 : i32
    %dma_wait3A_140 = tpu.memref_slice %arg11[%dma_wait3A_135, %dma_wait3A_138, %dma_wait3A_139] : memref<4x125x64xf32, #tpu.memory_space<vmem>> -> memref<1x125x64xf32, #tpu.memory_space<vmem>>
    %dma_wait3A_141 = tpu.memref_squeeze %dma_wait3A_140 : memref<1x125x64xf32, #tpu.memory_space<vmem>> -> memref<125x64xf32, #tpu.memory_space<vmem>>
    %dma_wait3A_142 = arith.constant 0 : i32
    %dma_wait3A_143 = tpu.memref_slice %arg10[%dma_wait3A_136, %dma_wait3A_142] : memref<80x125xi32, #tpu.memory_space<vmem>> -> memref<1x125xi32, #tpu.memory_space<vmem>>
    %dma_wait3A_144 = tpu.memref_squeeze %dma_wait3A_143 : memref<1x125xi32, #tpu.memory_space<vmem>> -> memref<125xi32, #tpu.memory_space<vmem>>
    %dma_wait3A_145 = arith.constant 0 : i32
    %dma_wait3A_146 = arith.constant 0 : i32
    %dma_wait3A_147 = tpu.memref_slice %arg13[%dma_wait3A_145, %dma_wait3A_146] : memref<10240x64xf32, #tpu.memory_space<vmem_shared>> -> memref<10240x64xf32, #tpu.memory_space<vmem_shared>>
    %dma_wait3A_148 = tpu.memref_slice %arg16[%dma_wait3A_137] : memref<4x!tpu.dma_semaphore, #tpu.memory_space<semaphore_mem>> -> memref<1x!tpu.dma_semaphore, #tpu.memory_space<semaphore_mem>>
    %dma_wait3A_149 = tpu.memref_squeeze %dma_wait3A_148 : memref<1x!tpu.dma_semaphore, #tpu.memory_space<semaphore_mem>> -> memref<!tpu.dma_semaphore, #tpu.memory_space<semaphore_mem>>
    tpu.wait_indirect_dma semaphore(%dma_wait3A_149 : memref<!tpu.dma_semaphore, #tpu.memory_space<semaphore_mem>>) src(%dma_wait3A_141 : memref<125x64xf32, #tpu.memory_space<vmem>>) dst(%dma_wait3A_147 : memref<10240x64xf32, #tpu.memory_space<vmem_shared>>)
    %dma_wait3A_150 = arith.constant 79 : i32
    %dma_wait3A_151 = arith.constant 0 : i32
    %dma_wait3A_152 = tpu.memref_slice %arg10[%dma_wait3A_150, %dma_wait3A_151] : memref<80x125xi32, #tpu.memory_space<vmem>> -> memref<1x125xi32, #tpu.memory_space<vmem>>
    %dma_wait3A_153 = tpu.memref_squeeze %dma_wait3A_152 : memref<1x125xi32, #tpu.memory_space<vmem>> -> memref<125xi32, #tpu.memory_space<vmem>>
    %dma_wait3A_154 = arith.constant 0 : i32
    %dma_wait3A_155 = arith.constant 0 : i32
    %dma_wait3A_156 = tpu.memref_slice %arg14[%dma_wait3A_154, %dma_wait3A_155] : memref<10240x16xf32, #tpu.memory_space<vmem_shared>> -> memref<10240x16xf32, #tpu.memory_space<vmem_shared>>
    tpu.wait_indirect_dma semaphore(%arg17 : memref<!tpu.dma_semaphore, #tpu.memory_space<semaphore_mem>>) src(%arg12 : memref<125x16xf32, #tpu.memory_space<vmem>>) dst(%dma_wait3A_156 : memref<10240x16xf32, #tpu.memory_space<vmem_shared>>)
    %barrier3A_157 = arith.constant 0 : index
    tpu.barrier barrier_id(%barrier3A_157)
    "tpu.region"() ({
      %run_scoped3A_163 = tpu.sem_alloc : memref<!tpu.dma_semaphore, #tpu.memory_space<semaphore_mem>>
      %dma_start3A_164 = arith.constant 0 : i32
      %dma_start3A_165 = tpu.memref_slice %arg7[%arg0, %mul3A_3, %dma_start3A_164] : memref<2x10240x64xf32, #tpu.memory_space<hbm>> -> memref<1x640x64xf32, #tpu.memory_space<hbm>>
      %dma_start3A_166 = tpu.memref_squeeze %dma_start3A_165 : memref<1x640x64xf32, #tpu.memory_space<hbm>> -> memref<640x64xf32, #tpu.memory_space<hbm>>
      %dma_start3A_167 = arith.constant 0 : i32
      %dma_start3A_168 = tpu.memref_slice %arg13[%mul3A_3, %dma_start3A_167] : memref<10240x64xf32, #tpu.memory_space<vmem_shared>> -> memref<640x64xf32, #tpu.memory_space<vmem_shared>>
      tpu.enqueue_dma source(%dma_start3A_168 : memref<640x64xf32, #tpu.memory_space<vmem_shared>>) target(%dma_start3A_166 : memref<640x64xf32, #tpu.memory_space<hbm>>) target_semaphore(%run_scoped3A_163 : memref<!tpu.dma_semaphore, #tpu.memory_space<semaphore_mem>>)
      %dma_wait3A_169 = arith.constant 0 : i32
      %dma_wait3A_170 = tpu.memref_slice %arg7[%arg0, %mul3A_3, %dma_wait3A_169] : memref<2x10240x64xf32, #tpu.memory_space<hbm>> -> memref<1x640x64xf32, #tpu.memory_space<hbm>>
      %dma_wait3A_171 = tpu.memref_squeeze %dma_wait3A_170 : memref<1x640x64xf32, #tpu.memory_space<hbm>> -> memref<640x64xf32, #tpu.memory_space<hbm>>
      %dma_wait3A_172 = arith.constant 0 : i32
      %dma_wait3A_173 = tpu.memref_slice %arg13[%mul3A_3, %dma_wait3A_172] : memref<10240x64xf32, #tpu.memory_space<vmem_shared>> -> memref<640x64xf32, #tpu.memory_space<vmem_shared>>
      tpu.wait_dma2 semaphore(%run_scoped3A_163 : memref<!tpu.dma_semaphore, #tpu.memory_space<semaphore_mem>>) src(%dma_wait3A_173 : memref<640x64xf32, #tpu.memory_space<vmem_shared>>) dst(%dma_wait3A_171 : memref<640x64xf32, #tpu.memory_space<hbm>>)
      tpu.yield
    }) : () -> ()
    %eq3A_158 = arith.constant 0 : i32
    %eq3A_159 = arith.cmpi eq, %arg1, %eq3A_158 : i32
    %convert_element_type3A_160 = arith.extui %eq3A_159 : i1 to i32
    %cond3A_161 = arith.constant 0 : i32
    %cond3A_162 = arith.cmpi ne, %convert_element_type3A_160, %cond3A_161 : i32
    scf.if %cond3A_162 {
      "tpu.region"() ({
        %run_scoped3A_163 = tpu.sem_alloc : memref<!tpu.dma_semaphore, #tpu.memory_space<semaphore_mem>>
        %dma_start3A_164 = arith.constant 0 : i32
        %dma_start3A_165 = arith.constant 0 : i32
        %dma_start3A_166 = tpu.memref_slice %arg8[%arg0, %dma_start3A_164, %dma_start3A_165] : memref<2x10240x16xf32, #tpu.memory_space<hbm>> -> memref<1x10240x16xf32, #tpu.memory_space<hbm>>
        %dma_start3A_167 = tpu.memref_squeeze %dma_start3A_166 : memref<1x10240x16xf32, #tpu.memory_space<hbm>> -> memref<10240x16xf32, #tpu.memory_space<hbm>>
        tpu.enqueue_dma source(%arg14 : memref<10240x16xf32, #tpu.memory_space<vmem_shared>>) target(%dma_start3A_167 : memref<10240x16xf32, #tpu.memory_space<hbm>>) target_semaphore(%run_scoped3A_163 : memref<!tpu.dma_semaphore, #tpu.memory_space<semaphore_mem>>)
        %dma_wait3A_168 = arith.constant 0 : i32
        %dma_wait3A_169 = arith.constant 0 : i32
        %dma_wait3A_170 = tpu.memref_slice %arg8[%arg0, %dma_wait3A_168, %dma_wait3A_169] : memref<2x10240x16xf32, #tpu.memory_space<hbm>> -> memref<1x10240x16xf32, #tpu.memory_space<hbm>>
        %dma_wait3A_171 = tpu.memref_squeeze %dma_wait3A_170 : memref<1x10240x16xf32, #tpu.memory_space<hbm>> -> memref<10240x16xf32, #tpu.memory_space<hbm>>
        tpu.wait_dma2 semaphore(%run_scoped3A_163 : memref<!tpu.dma_semaphore, #tpu.memory_space<semaphore_mem>>) src(%arg14 : memref<10240x16xf32, #tpu.memory_space<vmem_shared>>) dst(%dma_wait3A_171 : memref<10240x16xf32, #tpu.memory_space<hbm>>)
        tpu.yield
      }) : () -> ()
    } else {
    }
    return
  }
}

#map = affine_map<(d0, d1) -> (0, 0)>
#map1 = affine_map<(d0, d1) -> (0, 0, 0, 0)>
#map2 = affine_map<(d0, d1) -> (0, 0, 0)>
module attributes {stable_mosaic.version = 14 : i64} {
  func.func @_segsum_num_body(%arg0: i32, %arg1: i32, %arg2: memref<10240x64xf32, #tpu.memory_space<hbm>>, %arg3: memref<2x32x80x125xi32, #tpu.memory_space<hbm>>, %arg4: memref<10240x64xf32, #tpu.memory_space<hbm>>, %arg5: memref<2x16x16xf32, #tpu.memory_space<hbm>>, %arg6: memref<80x125xi32, #tpu.memory_space<vmem>>, %arg7: memref<80x125xi32, #tpu.memory_space<vmem>>, %arg8: memref<4x125x64xf32, #tpu.memory_space<vmem>>, %arg9: memref<16xf32, #tpu.memory_space<vmem>>, %arg10: memref<10240x64xf32, #tpu.memory_space<vmem_shared>>, %arg11: memref<4x!tpu.dma_semaphore, #tpu.memory_space<semaphore_mem>>, %arg12: memref<4x!tpu.dma_semaphore, #tpu.memory_space<semaphore_mem>>) attributes {dimension_semantics = [#tpu.dimension_semantics<core_parallel>, #tpu.dimension_semantics<subcore_parallel>], iteration_bounds = array<i64: 2, 16>, scalar_prefetch = 0 : i64, scratch_operands = 7 : i64, tpu.core_type = #tpu.core_type<sc_vector_subcore>, window_params = [{transform_indices = #map}, {transform_indices = #map1}, {transform_indices = #map}, {transform_indices = #map2}]} {
    %mul3A = arith.constant 16 : i32
    %mul3A_0 = arith.muli %arg0, %mul3A : i32
    %add3A = arith.addi %mul3A_0, %arg1 : i32
    %run_scoped3A = arith.constant 0 : i32
    "tpu.region"() ({
      %run_scoped3A_242 = tpu.sem_alloc : memref<!tpu.dma_semaphore, #tpu.memory_space<semaphore_mem>>
      %dma_start3A_243 = arith.constant 0 : i32
      %dma_start3A_244 = arith.constant 0 : i32
      %dma_start3A_245 = tpu.memref_slice %arg3[%run_scoped3A, %add3A, %dma_start3A_243, %dma_start3A_244] : memref<2x32x80x125xi32, #tpu.memory_space<hbm>> -> memref<1x1x80x125xi32, #tpu.memory_space<hbm>>
      %dma_start3A_246 = tpu.memref_squeeze %dma_start3A_245 : memref<1x1x80x125xi32, #tpu.memory_space<hbm>> -> memref<80x125xi32, #tpu.memory_space<hbm>>
      %dma_start3A_247 = arith.constant 0 : i32
      %dma_start3A_248 = arith.constant 0 : i32
      %dma_start3A_249 = tpu.memref_slice %arg3[%run_scoped3A, %add3A, %dma_start3A_247, %dma_start3A_248] : memref<2x32x80x125xi32, #tpu.memory_space<hbm>> -> memref<1x1x80x125xi32, #tpu.memory_space<hbm>>
      %dma_start3A_250 = tpu.memref_squeeze %dma_start3A_249 : memref<1x1x80x125xi32, #tpu.memory_space<hbm>> -> memref<80x125xi32, #tpu.memory_space<hbm>>
      tpu.enqueue_dma source(%dma_start3A_250 : memref<80x125xi32, #tpu.memory_space<hbm>>) target(%arg6 : memref<80x125xi32, #tpu.memory_space<vmem>>) target_semaphore(%run_scoped3A_242 : memref<!tpu.dma_semaphore, #tpu.memory_space<semaphore_mem>>)
      %dma_wait3A_251 = arith.constant 0 : i32
      %dma_wait3A_252 = arith.constant 0 : i32
      %dma_wait3A_253 = tpu.memref_slice %arg3[%run_scoped3A, %add3A, %dma_wait3A_251, %dma_wait3A_252] : memref<2x32x80x125xi32, #tpu.memory_space<hbm>> -> memref<1x1x80x125xi32, #tpu.memory_space<hbm>>
      %dma_wait3A_254 = tpu.memref_squeeze %dma_wait3A_253 : memref<1x1x80x125xi32, #tpu.memory_space<hbm>> -> memref<80x125xi32, #tpu.memory_space<hbm>>
      %dma_wait3A_255 = arith.constant 0 : i32
      %dma_wait3A_256 = arith.constant 0 : i32
      %dma_wait3A_257 = tpu.memref_slice %arg3[%run_scoped3A, %add3A, %dma_wait3A_255, %dma_wait3A_256] : memref<2x32x80x125xi32, #tpu.memory_space<hbm>> -> memref<1x1x80x125xi32, #tpu.memory_space<hbm>>
      %dma_wait3A_258 = tpu.memref_squeeze %dma_wait3A_257 : memref<1x1x80x125xi32, #tpu.memory_space<hbm>> -> memref<80x125xi32, #tpu.memory_space<hbm>>
      tpu.wait_dma2 semaphore(%run_scoped3A_242 : memref<!tpu.dma_semaphore, #tpu.memory_space<semaphore_mem>>) src(%dma_wait3A_258 : memref<80x125xi32, #tpu.memory_space<hbm>>) dst(%arg6 : memref<80x125xi32, #tpu.memory_space<vmem>>)
      tpu.yield
    }) : () -> ()
    %run_scoped3A_1 = arith.constant 1 : i32
    "tpu.region"() ({
      %run_scoped3A_242 = tpu.sem_alloc : memref<!tpu.dma_semaphore, #tpu.memory_space<semaphore_mem>>
      %dma_start3A_243 = arith.constant 0 : i32
      %dma_start3A_244 = arith.constant 0 : i32
      %dma_start3A_245 = tpu.memref_slice %arg3[%run_scoped3A_1, %add3A, %dma_start3A_243, %dma_start3A_244] : memref<2x32x80x125xi32, #tpu.memory_space<hbm>> -> memref<1x1x80x125xi32, #tpu.memory_space<hbm>>
      %dma_start3A_246 = tpu.memref_squeeze %dma_start3A_245 : memref<1x1x80x125xi32, #tpu.memory_space<hbm>> -> memref<80x125xi32, #tpu.memory_space<hbm>>
      %dma_start3A_247 = arith.constant 0 : i32
      %dma_start3A_248 = arith.constant 0 : i32
      %dma_start3A_249 = tpu.memref_slice %arg3[%run_scoped3A_1, %add3A, %dma_start3A_247, %dma_start3A_248] : memref<2x32x80x125xi32, #tpu.memory_space<hbm>> -> memref<1x1x80x125xi32, #tpu.memory_space<hbm>>
      %dma_start3A_250 = tpu.memref_squeeze %dma_start3A_249 : memref<1x1x80x125xi32, #tpu.memory_space<hbm>> -> memref<80x125xi32, #tpu.memory_space<hbm>>
      tpu.enqueue_dma source(%dma_start3A_250 : memref<80x125xi32, #tpu.memory_space<hbm>>) target(%arg7 : memref<80x125xi32, #tpu.memory_space<vmem>>) target_semaphore(%run_scoped3A_242 : memref<!tpu.dma_semaphore, #tpu.memory_space<semaphore_mem>>)
      %dma_wait3A_251 = arith.constant 0 : i32
      %dma_wait3A_252 = arith.constant 0 : i32
      %dma_wait3A_253 = tpu.memref_slice %arg3[%run_scoped3A_1, %add3A, %dma_wait3A_251, %dma_wait3A_252] : memref<2x32x80x125xi32, #tpu.memory_space<hbm>> -> memref<1x1x80x125xi32, #tpu.memory_space<hbm>>
      %dma_wait3A_254 = tpu.memref_squeeze %dma_wait3A_253 : memref<1x1x80x125xi32, #tpu.memory_space<hbm>> -> memref<80x125xi32, #tpu.memory_space<hbm>>
      %dma_wait3A_255 = arith.constant 0 : i32
      %dma_wait3A_256 = arith.constant 0 : i32
      %dma_wait3A_257 = tpu.memref_slice %arg3[%run_scoped3A_1, %add3A, %dma_wait3A_255, %dma_wait3A_256] : memref<2x32x80x125xi32, #tpu.memory_space<hbm>> -> memref<1x1x80x125xi32, #tpu.memory_space<hbm>>
      %dma_wait3A_258 = tpu.memref_squeeze %dma_wait3A_257 : memref<1x1x80x125xi32, #tpu.memory_space<hbm>> -> memref<80x125xi32, #tpu.memory_space<hbm>>
      tpu.wait_dma2 semaphore(%run_scoped3A_242 : memref<!tpu.dma_semaphore, #tpu.memory_space<semaphore_mem>>) src(%dma_wait3A_258 : memref<80x125xi32, #tpu.memory_space<hbm>>) dst(%arg7 : memref<80x125xi32, #tpu.memory_space<vmem>>)
      tpu.yield
    }) : () -> ()
    %mul3A_2 = arith.constant 640 : i32
    %mul3A_3 = arith.muli %arg1, %mul3A_2 : i32
    "tpu.region"() ({
      %run_scoped3A_242 = tpu.sem_alloc : memref<!tpu.dma_semaphore, #tpu.memory_space<semaphore_mem>>
      %dma_start3A_243 = arith.constant 0 : i32
      %dma_start3A_244 = tpu.memref_slice %arg10[%mul3A_3, %dma_start3A_243] : memref<10240x64xf32, #tpu.memory_space<vmem_shared>> -> memref<640x64xf32, #tpu.memory_space<vmem_shared>>
      %dma_start3A_245 = arith.constant 0 : i32
      %dma_start3A_246 = tpu.memref_slice %arg4[%mul3A_3, %dma_start3A_245] : memref<10240x64xf32, #tpu.memory_space<hbm>> -> memref<640x64xf32, #tpu.memory_space<hbm>>
      tpu.enqueue_dma source(%dma_start3A_246 : memref<640x64xf32, #tpu.memory_space<hbm>>) target(%dma_start3A_244 : memref<640x64xf32, #tpu.memory_space<vmem_shared>>) target_semaphore(%run_scoped3A_242 : memref<!tpu.dma_semaphore, #tpu.memory_space<semaphore_mem>>)
      %dma_wait3A_247 = arith.constant 0 : i32
      %dma_wait3A_248 = tpu.memref_slice %arg10[%mul3A_3, %dma_wait3A_247] : memref<10240x64xf32, #tpu.memory_space<vmem_shared>> -> memref<640x64xf32, #tpu.memory_space<vmem_shared>>
      %dma_wait3A_249 = arith.constant 0 : i32
      %dma_wait3A_250 = tpu.memref_slice %arg4[%mul3A_3, %dma_wait3A_249] : memref<10240x64xf32, #tpu.memory_space<hbm>> -> memref<640x64xf32, #tpu.memory_space<hbm>>
      tpu.wait_dma2 semaphore(%run_scoped3A_242 : memref<!tpu.dma_semaphore, #tpu.memory_space<semaphore_mem>>) src(%dma_wait3A_250 : memref<640x64xf32, #tpu.memory_space<hbm>>) dst(%dma_wait3A_248 : memref<640x64xf32, #tpu.memory_space<vmem_shared>>)
      tpu.yield
    }) : () -> ()
    %barrier3A = arith.constant 0 : index
    tpu.barrier barrier_id(%barrier3A)
    %dma_start3A = arith.constant 0 : i32
    %dma_start3A_4 = arith.constant 0 : i32
    %dma_start3A_5 = arith.constant 0 : i32
    %dma_start3A_6 = arith.constant 0 : i32
    %dma_start3A_7 = arith.constant 0 : i32
    %dma_start3A_8 = tpu.memref_slice %arg8[%dma_start3A_4, %dma_start3A_6, %dma_start3A_7] : memref<4x125x64xf32, #tpu.memory_space<vmem>> -> memref<1x125x64xf32, #tpu.memory_space<vmem>>
    %dma_start3A_9 = tpu.memref_squeeze %dma_start3A_8 : memref<1x125x64xf32, #tpu.memory_space<vmem>> -> memref<125x64xf32, #tpu.memory_space<vmem>>
    %dma_start3A_10 = arith.constant 0 : i32
    %dma_start3A_11 = tpu.memref_slice %arg6[%dma_start3A, %dma_start3A_10] : memref<80x125xi32, #tpu.memory_space<vmem>> -> memref<1x125xi32, #tpu.memory_space<vmem>>
    %dma_start3A_12 = tpu.memref_squeeze %dma_start3A_11 : memref<1x125xi32, #tpu.memory_space<vmem>> -> memref<125xi32, #tpu.memory_space<vmem>>
    %dma_start3A_13 = arith.constant 0 : i32
    %dma_start3A_14 = arith.constant 0 : i32
    %dma_start3A_15 = tpu.memref_slice %arg2[%dma_start3A_13, %dma_start3A_14] : memref<10240x64xf32, #tpu.memory_space<hbm>> -> memref<10240x64xf32, #tpu.memory_space<hbm>>
    %dma_start3A_16 = tpu.memref_slice %arg11[%dma_start3A_5] : memref<4x!tpu.dma_semaphore, #tpu.memory_space<semaphore_mem>> -> memref<1x!tpu.dma_semaphore, #tpu.memory_space<semaphore_mem>>
    %dma_start3A_17 = tpu.memref_squeeze %dma_start3A_16 : memref<1x!tpu.dma_semaphore, #tpu.memory_space<semaphore_mem>> -> memref<!tpu.dma_semaphore, #tpu.memory_space<semaphore_mem>>
    tpu.enqueue_indirect_dma source(%dma_start3A_15 : memref<10240x64xf32, #tpu.memory_space<hbm>>) target(%dma_start3A_9 : memref<125x64xf32, #tpu.memory_space<vmem>>) offsets(%dma_start3A_12 : memref<125xi32, #tpu.memory_space<vmem>>) semaphore(%dma_start3A_17 : memref<!tpu.dma_semaphore, #tpu.memory_space<semaphore_mem>>)
    %dma_start3A_18 = arith.constant 1 : i32
    %dma_start3A_19 = arith.constant 1 : i32
    %dma_start3A_20 = arith.constant 1 : i32
    %dma_start3A_21 = arith.constant 0 : i32
    %dma_start3A_22 = arith.constant 0 : i32
    %dma_start3A_23 = tpu.memref_slice %arg8[%dma_start3A_19, %dma_start3A_21, %dma_start3A_22] : memref<4x125x64xf32, #tpu.memory_space<vmem>> -> memref<1x125x64xf32, #tpu.memory_space<vmem>>
    %dma_start3A_24 = tpu.memref_squeeze %dma_start3A_23 : memref<1x125x64xf32, #tpu.memory_space<vmem>> -> memref<125x64xf32, #tpu.memory_space<vmem>>
    %dma_start3A_25 = arith.constant 0 : i32
    %dma_start3A_26 = tpu.memref_slice %arg6[%dma_start3A_18, %dma_start3A_25] : memref<80x125xi32, #tpu.memory_space<vmem>> -> memref<1x125xi32, #tpu.memory_space<vmem>>
    %dma_start3A_27 = tpu.memref_squeeze %dma_start3A_26 : memref<1x125xi32, #tpu.memory_space<vmem>> -> memref<125xi32, #tpu.memory_space<vmem>>
    %dma_start3A_28 = arith.constant 0 : i32
    %dma_start3A_29 = arith.constant 0 : i32
    %dma_start3A_30 = tpu.memref_slice %arg2[%dma_start3A_28, %dma_start3A_29] : memref<10240x64xf32, #tpu.memory_space<hbm>> -> memref<10240x64xf32, #tpu.memory_space<hbm>>
    %dma_start3A_31 = tpu.memref_slice %arg11[%dma_start3A_20] : memref<4x!tpu.dma_semaphore, #tpu.memory_space<semaphore_mem>> -> memref<1x!tpu.dma_semaphore, #tpu.memory_space<semaphore_mem>>
    %dma_start3A_32 = tpu.memref_squeeze %dma_start3A_31 : memref<1x!tpu.dma_semaphore, #tpu.memory_space<semaphore_mem>> -> memref<!tpu.dma_semaphore, #tpu.memory_space<semaphore_mem>>
    tpu.enqueue_indirect_dma source(%dma_start3A_30 : memref<10240x64xf32, #tpu.memory_space<hbm>>) target(%dma_start3A_24 : memref<125x64xf32, #tpu.memory_space<vmem>>) offsets(%dma_start3A_27 : memref<125xi32, #tpu.memory_space<vmem>>) semaphore(%dma_start3A_32 : memref<!tpu.dma_semaphore, #tpu.memory_space<semaphore_mem>>)
    %dma_start3A_33 = arith.constant 2 : i32
    %dma_start3A_34 = arith.constant 2 : i32
    %dma_start3A_35 = arith.constant 2 : i32
    %dma_start3A_36 = arith.constant 0 : i32
    %dma_start3A_37 = arith.constant 0 : i32
    %dma_start3A_38 = tpu.memref_slice %arg8[%dma_start3A_34, %dma_start3A_36, %dma_start3A_37] : memref<4x125x64xf32, #tpu.memory_space<vmem>> -> memref<1x125x64xf32, #tpu.memory_space<vmem>>
    %dma_start3A_39 = tpu.memref_squeeze %dma_start3A_38 : memref<1x125x64xf32, #tpu.memory_space<vmem>> -> memref<125x64xf32, #tpu.memory_space<vmem>>
    %dma_start3A_40 = arith.constant 0 : i32
    %dma_start3A_41 = tpu.memref_slice %arg6[%dma_start3A_33, %dma_start3A_40] : memref<80x125xi32, #tpu.memory_space<vmem>> -> memref<1x125xi32, #tpu.memory_space<vmem>>
    %dma_start3A_42 = tpu.memref_squeeze %dma_start3A_41 : memref<1x125xi32, #tpu.memory_space<vmem>> -> memref<125xi32, #tpu.memory_space<vmem>>
    %dma_start3A_43 = arith.constant 0 : i32
    %dma_start3A_44 = arith.constant 0 : i32
    %dma_start3A_45 = tpu.memref_slice %arg2[%dma_start3A_43, %dma_start3A_44] : memref<10240x64xf32, #tpu.memory_space<hbm>> -> memref<10240x64xf32, #tpu.memory_space<hbm>>
    %dma_start3A_46 = tpu.memref_slice %arg11[%dma_start3A_35] : memref<4x!tpu.dma_semaphore, #tpu.memory_space<semaphore_mem>> -> memref<1x!tpu.dma_semaphore, #tpu.memory_space<semaphore_mem>>
    %dma_start3A_47 = tpu.memref_squeeze %dma_start3A_46 : memref<1x!tpu.dma_semaphore, #tpu.memory_space<semaphore_mem>> -> memref<!tpu.dma_semaphore, #tpu.memory_space<semaphore_mem>>
    tpu.enqueue_indirect_dma source(%dma_start3A_45 : memref<10240x64xf32, #tpu.memory_space<hbm>>) target(%dma_start3A_39 : memref<125x64xf32, #tpu.memory_space<vmem>>) offsets(%dma_start3A_42 : memref<125xi32, #tpu.memory_space<vmem>>) semaphore(%dma_start3A_47 : memref<!tpu.dma_semaphore, #tpu.memory_space<semaphore_mem>>)
    %dma_start3A_48 = arith.constant 3 : i32
    %dma_start3A_49 = arith.constant 3 : i32
    %dma_start3A_50 = arith.constant 3 : i32
    %dma_start3A_51 = arith.constant 0 : i32
    %dma_start3A_52 = arith.constant 0 : i32
    %dma_start3A_53 = tpu.memref_slice %arg8[%dma_start3A_49, %dma_start3A_51, %dma_start3A_52] : memref<4x125x64xf32, #tpu.memory_space<vmem>> -> memref<1x125x64xf32, #tpu.memory_space<vmem>>
    %dma_start3A_54 = tpu.memref_squeeze %dma_start3A_53 : memref<1x125x64xf32, #tpu.memory_space<vmem>> -> memref<125x64xf32, #tpu.memory_space<vmem>>
    %dma_start3A_55 = arith.constant 0 : i32
    %dma_start3A_56 = tpu.memref_slice %arg6[%dma_start3A_48, %dma_start3A_55] : memref<80x125xi32, #tpu.memory_space<vmem>> -> memref<1x125xi32, #tpu.memory_space<vmem>>
    %dma_start3A_57 = tpu.memref_squeeze %dma_start3A_56 : memref<1x125xi32, #tpu.memory_space<vmem>> -> memref<125xi32, #tpu.memory_space<vmem>>
    %dma_start3A_58 = arith.constant 0 : i32
    %dma_start3A_59 = arith.constant 0 : i32
    %dma_start3A_60 = tpu.memref_slice %arg2[%dma_start3A_58, %dma_start3A_59] : memref<10240x64xf32, #tpu.memory_space<hbm>> -> memref<10240x64xf32, #tpu.memory_space<hbm>>
    %dma_start3A_61 = tpu.memref_slice %arg11[%dma_start3A_50] : memref<4x!tpu.dma_semaphore, #tpu.memory_space<semaphore_mem>> -> memref<1x!tpu.dma_semaphore, #tpu.memory_space<semaphore_mem>>
    %dma_start3A_62 = tpu.memref_squeeze %dma_start3A_61 : memref<1x!tpu.dma_semaphore, #tpu.memory_space<semaphore_mem>> -> memref<!tpu.dma_semaphore, #tpu.memory_space<semaphore_mem>>
    tpu.enqueue_indirect_dma source(%dma_start3A_60 : memref<10240x64xf32, #tpu.memory_space<hbm>>) target(%dma_start3A_54 : memref<125x64xf32, #tpu.memory_space<vmem>>) offsets(%dma_start3A_57 : memref<125xi32, #tpu.memory_space<vmem>>) semaphore(%dma_start3A_62 : memref<!tpu.dma_semaphore, #tpu.memory_space<semaphore_mem>>)
    %scan3A = arith.constant 0 : i32
    %scan3A_63 = arith.constant 0 : i32
    %scan3A_64 = arith.constant 20 : i32
    %scan3A_65 = arith.addi %scan3A_63, %scan3A_64 : i32
    %scan3A_66 = arith.constant 1 : i32
    scf.for %scan3A_242 = %scan3A_63 to %scan3A_65 step %scan3A_66  : i32 {
      %mul3A_243 = arith.constant 4 : i32
      %mul3A_244 = arith.muli %mul3A_243, %scan3A_242 : i32
      %add3A_245 = arith.constant 0 : i32
      %add3A_246 = arith.addi %mul3A_244, %add3A_245 : i32
      %dma_wait3A_247 = arith.constant 0 : i32
      %dma_wait3A_248 = arith.constant 0 : i32
      %dma_wait3A_249 = arith.constant 0 : i32
      %dma_wait3A_250 = arith.constant 0 : i32
      %dma_wait3A_251 = tpu.memref_slice %arg8[%dma_wait3A_247, %dma_wait3A_249, %dma_wait3A_250] : memref<4x125x64xf32, #tpu.memory_space<vmem>> -> memref<1x125x64xf32, #tpu.memory_space<vmem>>
      %dma_wait3A_252 = tpu.memref_squeeze %dma_wait3A_251 : memref<1x125x64xf32, #tpu.memory_space<vmem>> -> memref<125x64xf32, #tpu.memory_space<vmem>>
      %dma_wait3A_253 = arith.constant 0 : i32
      %dma_wait3A_254 = tpu.memref_slice %arg6[%add3A_246, %dma_wait3A_253] : memref<80x125xi32, #tpu.memory_space<vmem>> -> memref<1x125xi32, #tpu.memory_space<vmem>>
      %dma_wait3A_255 = tpu.memref_squeeze %dma_wait3A_254 : memref<1x125xi32, #tpu.memory_space<vmem>> -> memref<125xi32, #tpu.memory_space<vmem>>
      %dma_wait3A_256 = arith.constant 0 : i32
      %dma_wait3A_257 = arith.constant 0 : i32
      %dma_wait3A_258 = tpu.memref_slice %arg2[%dma_wait3A_256, %dma_wait3A_257] : memref<10240x64xf32, #tpu.memory_space<hbm>> -> memref<10240x64xf32, #tpu.memory_space<hbm>>
      %dma_wait3A_259 = tpu.memref_slice %arg11[%dma_wait3A_248] : memref<4x!tpu.dma_semaphore, #tpu.memory_space<semaphore_mem>> -> memref<1x!tpu.dma_semaphore, #tpu.memory_space<semaphore_mem>>
      %dma_wait3A_260 = tpu.memref_squeeze %dma_wait3A_259 : memref<1x!tpu.dma_semaphore, #tpu.memory_space<semaphore_mem>> -> memref<!tpu.dma_semaphore, #tpu.memory_space<semaphore_mem>>
      tpu.wait_indirect_dma semaphore(%dma_wait3A_260 : memref<!tpu.dma_semaphore, #tpu.memory_space<semaphore_mem>>) src(%dma_wait3A_258 : memref<10240x64xf32, #tpu.memory_space<hbm>>) dst(%dma_wait3A_252 : memref<125x64xf32, #tpu.memory_space<vmem>>)
      %dma_start3A_261 = arith.constant 0 : i32
      %dma_start3A_262 = arith.constant 0 : i32
      %dma_start3A_263 = arith.constant 0 : i32
      %dma_start3A_264 = arith.constant 0 : i32
      %dma_start3A_265 = tpu.memref_slice %arg8[%dma_start3A_261, %dma_start3A_263, %dma_start3A_264] : memref<4x125x64xf32, #tpu.memory_space<vmem>> -> memref<1x125x64xf32, #tpu.memory_space<vmem>>
      %dma_start3A_266 = tpu.memref_squeeze %dma_start3A_265 : memref<1x125x64xf32, #tpu.memory_space<vmem>> -> memref<125x64xf32, #tpu.memory_space<vmem>>
      %dma_start3A_267 = arith.constant 0 : i32
      %dma_start3A_268 = tpu.memref_slice %arg7[%add3A_246, %dma_start3A_267] : memref<80x125xi32, #tpu.memory_space<vmem>> -> memref<1x125xi32, #tpu.memory_space<vmem>>
      %dma_start3A_269 = tpu.memref_squeeze %dma_start3A_268 : memref<1x125xi32, #tpu.memory_space<vmem>> -> memref<125xi32, #tpu.memory_space<vmem>>
      %dma_start3A_270 = arith.constant 0 : i32
      %dma_start3A_271 = arith.constant 0 : i32
      %dma_start3A_272 = tpu.memref_slice %arg10[%dma_start3A_270, %dma_start3A_271] : memref<10240x64xf32, #tpu.memory_space<vmem_shared>> -> memref<10240x64xf32, #tpu.memory_space<vmem_shared>>
      %dma_start3A_273 = tpu.memref_slice %arg12[%dma_start3A_262] : memref<4x!tpu.dma_semaphore, #tpu.memory_space<semaphore_mem>> -> memref<1x!tpu.dma_semaphore, #tpu.memory_space<semaphore_mem>>
      %dma_start3A_274 = tpu.memref_squeeze %dma_start3A_273 : memref<1x!tpu.dma_semaphore, #tpu.memory_space<semaphore_mem>> -> memref<!tpu.dma_semaphore, #tpu.memory_space<semaphore_mem>>
      tpu.enqueue_indirect_dma source(%dma_start3A_266 : memref<125x64xf32, #tpu.memory_space<vmem>>) target(%dma_start3A_272 : memref<10240x64xf32, #tpu.memory_space<vmem_shared>>) offsets(%dma_start3A_269 : memref<125xi32, #tpu.memory_space<vmem>>) semaphore(%dma_start3A_274 : memref<!tpu.dma_semaphore, #tpu.memory_space<semaphore_mem>>) {add = true}
      %add3A_275 = arith.constant 4 : i32
      %add3A_276 = arith.addi %add3A_246, %add3A_275 : i32
      %lt3A = arith.constant 80 : i32
      %lt3A_277 = arith.cmpi slt, %add3A_276, %lt3A : i32
      %convert_element_type3A = arith.extui %lt3A_277 : i1 to i32
      %cond3A = arith.constant 0 : i32
      %cond3A_278 = arith.cmpi ne, %convert_element_type3A, %cond3A : i32
      scf.if %cond3A_278 {
        %dma_wait3A_396 = arith.constant 0 : i32
        %dma_wait3A_397 = arith.constant 0 : i32
        %dma_wait3A_398 = arith.constant 0 : i32
        %dma_wait3A_399 = arith.constant 0 : i32
        %dma_wait3A_400 = tpu.memref_slice %arg8[%dma_wait3A_396, %dma_wait3A_398, %dma_wait3A_399] : memref<4x125x64xf32, #tpu.memory_space<vmem>> -> memref<1x125x64xf32, #tpu.memory_space<vmem>>
        %dma_wait3A_401 = tpu.memref_squeeze %dma_wait3A_400 : memref<1x125x64xf32, #tpu.memory_space<vmem>> -> memref<125x64xf32, #tpu.memory_space<vmem>>
        %dma_wait3A_402 = arith.constant 0 : i32
        %dma_wait3A_403 = tpu.memref_slice %arg7[%add3A_246, %dma_wait3A_402] : memref<80x125xi32, #tpu.memory_space<vmem>> -> memref<1x125xi32, #tpu.memory_space<vmem>>
        %dma_wait3A_404 = tpu.memref_squeeze %dma_wait3A_403 : memref<1x125xi32, #tpu.memory_space<vmem>> -> memref<125xi32, #tpu.memory_space<vmem>>
        %dma_wait3A_405 = arith.constant 0 : i32
        %dma_wait3A_406 = arith.constant 0 : i32
        %dma_wait3A_407 = tpu.memref_slice %arg10[%dma_wait3A_405, %dma_wait3A_406] : memref<10240x64xf32, #tpu.memory_space<vmem_shared>> -> memref<10240x64xf32, #tpu.memory_space<vmem_shared>>
        %dma_wait3A_408 = tpu.memref_slice %arg12[%dma_wait3A_397] : memref<4x!tpu.dma_semaphore, #tpu.memory_space<semaphore_mem>> -> memref<1x!tpu.dma_semaphore, #tpu.memory_space<semaphore_mem>>
        %dma_wait3A_409 = tpu.memref_squeeze %dma_wait3A_408 : memref<1x!tpu.dma_semaphore, #tpu.memory_space<semaphore_mem>> -> memref<!tpu.dma_semaphore, #tpu.memory_space<semaphore_mem>>
        tpu.wait_indirect_dma semaphore(%dma_wait3A_409 : memref<!tpu.dma_semaphore, #tpu.memory_space<semaphore_mem>>) src(%dma_wait3A_401 : memref<125x64xf32, #tpu.memory_space<vmem>>) dst(%dma_wait3A_407 : memref<10240x64xf32, #tpu.memory_space<vmem_shared>>)
        %add3A_410 = arith.constant 4 : i32
        %add3A_411 = arith.addi %add3A_246, %add3A_410 : i32
        %dma_start3A_412 = arith.constant 0 : i32
        %dma_start3A_413 = arith.constant 0 : i32
        %dma_start3A_414 = arith.constant 0 : i32
        %dma_start3A_415 = arith.constant 0 : i32
        %dma_start3A_416 = tpu.memref_slice %arg8[%dma_start3A_412, %dma_start3A_414, %dma_start3A_415] : memref<4x125x64xf32, #tpu.memory_space<vmem>> -> memref<1x125x64xf32, #tpu.memory_space<vmem>>
        %dma_start3A_417 = tpu.memref_squeeze %dma_start3A_416 : memref<1x125x64xf32, #tpu.memory_space<vmem>> -> memref<125x64xf32, #tpu.memory_space<vmem>>
        %dma_start3A_418 = arith.constant 0 : i32
        %dma_start3A_419 = tpu.memref_slice %arg6[%add3A_411, %dma_start3A_418] : memref<80x125xi32, #tpu.memory_space<vmem>> -> memref<1x125xi32, #tpu.memory_space<vmem>>
        %dma_start3A_420 = tpu.memref_squeeze %dma_start3A_419 : memref<1x125xi32, #tpu.memory_space<vmem>> -> memref<125xi32, #tpu.memory_space<vmem>>
        %dma_start3A_421 = arith.constant 0 : i32
        %dma_start3A_422 = arith.constant 0 : i32
        %dma_start3A_423 = tpu.memref_slice %arg2[%dma_start3A_421, %dma_start3A_422] : memref<10240x64xf32, #tpu.memory_space<hbm>> -> memref<10240x64xf32, #tpu.memory_space<hbm>>
        %dma_start3A_424 = tpu.memref_slice %arg11[%dma_start3A_413] : memref<4x!tpu.dma_semaphore, #tpu.memory_space<semaphore_mem>> -> memref<1x!tpu.dma_semaphore, #tpu.memory_space<semaphore_mem>>
        %dma_start3A_425 = tpu.memref_squeeze %dma_start3A_424 : memref<1x!tpu.dma_semaphore, #tpu.memory_space<semaphore_mem>> -> memref<!tpu.dma_semaphore, #tpu.memory_space<semaphore_mem>>
        tpu.enqueue_indirect_dma source(%dma_start3A_423 : memref<10240x64xf32, #tpu.memory_space<hbm>>) target(%dma_start3A_417 : memref<125x64xf32, #tpu.memory_space<vmem>>) offsets(%dma_start3A_420 : memref<125xi32, #tpu.memory_space<vmem>>) semaphore(%dma_start3A_425 : memref<!tpu.dma_semaphore, #tpu.memory_space<semaphore_mem>>)
      } else {
      }
      %mul3A_279 = arith.constant 4 : i32
      %mul3A_280 = arith.muli %mul3A_279, %scan3A_242 : i32
      %add3A_281 = arith.constant 1 : i32
      %add3A_282 = arith.addi %mul3A_280, %add3A_281 : i32
      %dma_wait3A_283 = arith.constant 1 : i32
      %dma_wait3A_284 = arith.constant 1 : i32
      %dma_wait3A_285 = arith.constant 0 : i32
      %dma_wait3A_286 = arith.constant 0 : i32
      %dma_wait3A_287 = tpu.memref_slice %arg8[%dma_wait3A_283, %dma_wait3A_285, %dma_wait3A_286] : memref<4x125x64xf32, #tpu.memory_space<vmem>> -> memref<1x125x64xf32, #tpu.memory_space<vmem>>
      %dma_wait3A_288 = tpu.memref_squeeze %dma_wait3A_287 : memref<1x125x64xf32, #tpu.memory_space<vmem>> -> memref<125x64xf32, #tpu.memory_space<vmem>>
      %dma_wait3A_289 = arith.constant 0 : i32
      %dma_wait3A_290 = tpu.memref_slice %arg6[%add3A_282, %dma_wait3A_289] : memref<80x125xi32, #tpu.memory_space<vmem>> -> memref<1x125xi32, #tpu.memory_space<vmem>>
      %dma_wait3A_291 = tpu.memref_squeeze %dma_wait3A_290 : memref<1x125xi32, #tpu.memory_space<vmem>> -> memref<125xi32, #tpu.memory_space<vmem>>
      %dma_wait3A_292 = arith.constant 0 : i32
      %dma_wait3A_293 = arith.constant 0 : i32
      %dma_wait3A_294 = tpu.memref_slice %arg2[%dma_wait3A_292, %dma_wait3A_293] : memref<10240x64xf32, #tpu.memory_space<hbm>> -> memref<10240x64xf32, #tpu.memory_space<hbm>>
      %dma_wait3A_295 = tpu.memref_slice %arg11[%dma_wait3A_284] : memref<4x!tpu.dma_semaphore, #tpu.memory_space<semaphore_mem>> -> memref<1x!tpu.dma_semaphore, #tpu.memory_space<semaphore_mem>>
      %dma_wait3A_296 = tpu.memref_squeeze %dma_wait3A_295 : memref<1x!tpu.dma_semaphore, #tpu.memory_space<semaphore_mem>> -> memref<!tpu.dma_semaphore, #tpu.memory_space<semaphore_mem>>
      tpu.wait_indirect_dma semaphore(%dma_wait3A_296 : memref<!tpu.dma_semaphore, #tpu.memory_space<semaphore_mem>>) src(%dma_wait3A_294 : memref<10240x64xf32, #tpu.memory_space<hbm>>) dst(%dma_wait3A_288 : memref<125x64xf32, #tpu.memory_space<vmem>>)
      %dma_start3A_297 = arith.constant 1 : i32
      %dma_start3A_298 = arith.constant 1 : i32
      %dma_start3A_299 = arith.constant 0 : i32
      %dma_start3A_300 = arith.constant 0 : i32
      %dma_start3A_301 = tpu.memref_slice %arg8[%dma_start3A_297, %dma_start3A_299, %dma_start3A_300] : memref<4x125x64xf32, #tpu.memory_space<vmem>> -> memref<1x125x64xf32, #tpu.memory_space<vmem>>
      %dma_start3A_302 = tpu.memref_squeeze %dma_start3A_301 : memref<1x125x64xf32, #tpu.memory_space<vmem>> -> memref<125x64xf32, #tpu.memory_space<vmem>>
      %dma_start3A_303 = arith.constant 0 : i32
      %dma_start3A_304 = tpu.memref_slice %arg7[%add3A_282, %dma_start3A_303] : memref<80x125xi32, #tpu.memory_space<vmem>> -> memref<1x125xi32, #tpu.memory_space<vmem>>
      %dma_start3A_305 = tpu.memref_squeeze %dma_start3A_304 : memref<1x125xi32, #tpu.memory_space<vmem>> -> memref<125xi32, #tpu.memory_space<vmem>>
      %dma_start3A_306 = arith.constant 0 : i32
      %dma_start3A_307 = arith.constant 0 : i32
      %dma_start3A_308 = tpu.memref_slice %arg10[%dma_start3A_306, %dma_start3A_307] : memref<10240x64xf32, #tpu.memory_space<vmem_shared>> -> memref<10240x64xf32, #tpu.memory_space<vmem_shared>>
      %dma_start3A_309 = tpu.memref_slice %arg12[%dma_start3A_298] : memref<4x!tpu.dma_semaphore, #tpu.memory_space<semaphore_mem>> -> memref<1x!tpu.dma_semaphore, #tpu.memory_space<semaphore_mem>>
      %dma_start3A_310 = tpu.memref_squeeze %dma_start3A_309 : memref<1x!tpu.dma_semaphore, #tpu.memory_space<semaphore_mem>> -> memref<!tpu.dma_semaphore, #tpu.memory_space<semaphore_mem>>
      tpu.enqueue_indirect_dma source(%dma_start3A_302 : memref<125x64xf32, #tpu.memory_space<vmem>>) target(%dma_start3A_308 : memref<10240x64xf32, #tpu.memory_space<vmem_shared>>) offsets(%dma_start3A_305 : memref<125xi32, #tpu.memory_space<vmem>>) semaphore(%dma_start3A_310 : memref<!tpu.dma_semaphore, #tpu.memory_space<semaphore_mem>>) {add = true}
      %add3A_311 = arith.constant 4 : i32
      %add3A_312 = arith.addi %add3A_282, %add3A_311 : i32
      %lt3A_313 = arith.constant 80 : i32
      %lt3A_314 = arith.cmpi slt, %add3A_312, %lt3A_313 : i32
      %convert_element_type3A_315 = arith.extui %lt3A_314 : i1 to i32
      %cond3A_316 = arith.constant 0 : i32
      %cond3A_317 = arith.cmpi ne, %convert_element_type3A_315, %cond3A_316 : i32
      scf.if %cond3A_317 {
        %dma_wait3A_396 = arith.constant 1 : i32
        %dma_wait3A_397 = arith.constant 1 : i32
        %dma_wait3A_398 = arith.constant 0 : i32
        %dma_wait3A_399 = arith.constant 0 : i32
        %dma_wait3A_400 = tpu.memref_slice %arg8[%dma_wait3A_396, %dma_wait3A_398, %dma_wait3A_399] : memref<4x125x64xf32, #tpu.memory_space<vmem>> -> memref<1x125x64xf32, #tpu.memory_space<vmem>>
        %dma_wait3A_401 = tpu.memref_squeeze %dma_wait3A_400 : memref<1x125x64xf32, #tpu.memory_space<vmem>> -> memref<125x64xf32, #tpu.memory_space<vmem>>
        %dma_wait3A_402 = arith.constant 0 : i32
        %dma_wait3A_403 = tpu.memref_slice %arg7[%add3A_282, %dma_wait3A_402] : memref<80x125xi32, #tpu.memory_space<vmem>> -> memref<1x125xi32, #tpu.memory_space<vmem>>
        %dma_wait3A_404 = tpu.memref_squeeze %dma_wait3A_403 : memref<1x125xi32, #tpu.memory_space<vmem>> -> memref<125xi32, #tpu.memory_space<vmem>>
        %dma_wait3A_405 = arith.constant 0 : i32
        %dma_wait3A_406 = arith.constant 0 : i32
        %dma_wait3A_407 = tpu.memref_slice %arg10[%dma_wait3A_405, %dma_wait3A_406] : memref<10240x64xf32, #tpu.memory_space<vmem_shared>> -> memref<10240x64xf32, #tpu.memory_space<vmem_shared>>
        %dma_wait3A_408 = tpu.memref_slice %arg12[%dma_wait3A_397] : memref<4x!tpu.dma_semaphore, #tpu.memory_space<semaphore_mem>> -> memref<1x!tpu.dma_semaphore, #tpu.memory_space<semaphore_mem>>
        %dma_wait3A_409 = tpu.memref_squeeze %dma_wait3A_408 : memref<1x!tpu.dma_semaphore, #tpu.memory_space<semaphore_mem>> -> memref<!tpu.dma_semaphore, #tpu.memory_space<semaphore_mem>>
        tpu.wait_indirect_dma semaphore(%dma_wait3A_409 : memref<!tpu.dma_semaphore, #tpu.memory_space<semaphore_mem>>) src(%dma_wait3A_401 : memref<125x64xf32, #tpu.memory_space<vmem>>) dst(%dma_wait3A_407 : memref<10240x64xf32, #tpu.memory_space<vmem_shared>>)
        %add3A_410 = arith.constant 4 : i32
        %add3A_411 = arith.addi %add3A_282, %add3A_410 : i32
        %dma_start3A_412 = arith.constant 1 : i32
        %dma_start3A_413 = arith.constant 1 : i32
        %dma_start3A_414 = arith.constant 0 : i32
        %dma_start3A_415 = arith.constant 0 : i32
        %dma_start3A_416 = tpu.memref_slice %arg8[%dma_start3A_412, %dma_start3A_414, %dma_start3A_415] : memref<4x125x64xf32, #tpu.memory_space<vmem>> -> memref<1x125x64xf32, #tpu.memory_space<vmem>>
        %dma_start3A_417 = tpu.memref_squeeze %dma_start3A_416 : memref<1x125x64xf32, #tpu.memory_space<vmem>> -> memref<125x64xf32, #tpu.memory_space<vmem>>
        %dma_start3A_418 = arith.constant 0 : i32
        %dma_start3A_419 = tpu.memref_slice %arg6[%add3A_411, %dma_start3A_418] : memref<80x125xi32, #tpu.memory_space<vmem>> -> memref<1x125xi32, #tpu.memory_space<vmem>>
        %dma_start3A_420 = tpu.memref_squeeze %dma_start3A_419 : memref<1x125xi32, #tpu.memory_space<vmem>> -> memref<125xi32, #tpu.memory_space<vmem>>
        %dma_start3A_421 = arith.constant 0 : i32
        %dma_start3A_422 = arith.constant 0 : i32
        %dma_start3A_423 = tpu.memref_slice %arg2[%dma_start3A_421, %dma_start3A_422] : memref<10240x64xf32, #tpu.memory_space<hbm>> -> memref<10240x64xf32, #tpu.memory_space<hbm>>
        %dma_start3A_424 = tpu.memref_slice %arg11[%dma_start3A_413] : memref<4x!tpu.dma_semaphore, #tpu.memory_space<semaphore_mem>> -> memref<1x!tpu.dma_semaphore, #tpu.memory_space<semaphore_mem>>
        %dma_start3A_425 = tpu.memref_squeeze %dma_start3A_424 : memref<1x!tpu.dma_semaphore, #tpu.memory_space<semaphore_mem>> -> memref<!tpu.dma_semaphore, #tpu.memory_space<semaphore_mem>>
        tpu.enqueue_indirect_dma source(%dma_start3A_423 : memref<10240x64xf32, #tpu.memory_space<hbm>>) target(%dma_start3A_417 : memref<125x64xf32, #tpu.memory_space<vmem>>) offsets(%dma_start3A_420 : memref<125xi32, #tpu.memory_space<vmem>>) semaphore(%dma_start3A_425 : memref<!tpu.dma_semaphore, #tpu.memory_space<semaphore_mem>>)
      } else {
      }
      %mul3A_318 = arith.constant 4 : i32
      %mul3A_319 = arith.muli %mul3A_318, %scan3A_242 : i32
      %add3A_320 = arith.constant 2 : i32
      %add3A_321 = arith.addi %mul3A_319, %add3A_320 : i32
      %dma_wait3A_322 = arith.constant 2 : i32
      %dma_wait3A_323 = arith.constant 2 : i32
      %dma_wait3A_324 = arith.constant 0 : i32
      %dma_wait3A_325 = arith.constant 0 : i32
      %dma_wait3A_326 = tpu.memref_slice %arg8[%dma_wait3A_322, %dma_wait3A_324, %dma_wait3A_325] : memref<4x125x64xf32, #tpu.memory_space<vmem>> -> memref<1x125x64xf32, #tpu.memory_space<vmem>>
      %dma_wait3A_327 = tpu.memref_squeeze %dma_wait3A_326 : memref<1x125x64xf32, #tpu.memory_space<vmem>> -> memref<125x64xf32, #tpu.memory_space<vmem>>
      %dma_wait3A_328 = arith.constant 0 : i32
      %dma_wait3A_329 = tpu.memref_slice %arg6[%add3A_321, %dma_wait3A_328] : memref<80x125xi32, #tpu.memory_space<vmem>> -> memref<1x125xi32, #tpu.memory_space<vmem>>
      %dma_wait3A_330 = tpu.memref_squeeze %dma_wait3A_329 : memref<1x125xi32, #tpu.memory_space<vmem>> -> memref<125xi32, #tpu.memory_space<vmem>>
      %dma_wait3A_331 = arith.constant 0 : i32
      %dma_wait3A_332 = arith.constant 0 : i32
      %dma_wait3A_333 = tpu.memref_slice %arg2[%dma_wait3A_331, %dma_wait3A_332] : memref<10240x64xf32, #tpu.memory_space<hbm>> -> memref<10240x64xf32, #tpu.memory_space<hbm>>
      %dma_wait3A_334 = tpu.memref_slice %arg11[%dma_wait3A_323] : memref<4x!tpu.dma_semaphore, #tpu.memory_space<semaphore_mem>> -> memref<1x!tpu.dma_semaphore, #tpu.memory_space<semaphore_mem>>
      %dma_wait3A_335 = tpu.memref_squeeze %dma_wait3A_334 : memref<1x!tpu.dma_semaphore, #tpu.memory_space<semaphore_mem>> -> memref<!tpu.dma_semaphore, #tpu.memory_space<semaphore_mem>>
      tpu.wait_indirect_dma semaphore(%dma_wait3A_335 : memref<!tpu.dma_semaphore, #tpu.memory_space<semaphore_mem>>) src(%dma_wait3A_333 : memref<10240x64xf32, #tpu.memory_space<hbm>>) dst(%dma_wait3A_327 : memref<125x64xf32, #tpu.memory_space<vmem>>)
      %dma_start3A_336 = arith.constant 2 : i32
      %dma_start3A_337 = arith.constant 2 : i32
      %dma_start3A_338 = arith.constant 0 : i32
      %dma_start3A_339 = arith.constant 0 : i32
      %dma_start3A_340 = tpu.memref_slice %arg8[%dma_start3A_336, %dma_start3A_338, %dma_start3A_339] : memref<4x125x64xf32, #tpu.memory_space<vmem>> -> memref<1x125x64xf32, #tpu.memory_space<vmem>>
      %dma_start3A_341 = tpu.memref_squeeze %dma_start3A_340 : memref<1x125x64xf32, #tpu.memory_space<vmem>> -> memref<125x64xf32, #tpu.memory_space<vmem>>
      %dma_start3A_342 = arith.constant 0 : i32
      %dma_start3A_343 = tpu.memref_slice %arg7[%add3A_321, %dma_start3A_342] : memref<80x125xi32, #tpu.memory_space<vmem>> -> memref<1x125xi32, #tpu.memory_space<vmem>>
      %dma_start3A_344 = tpu.memref_squeeze %dma_start3A_343 : memref<1x125xi32, #tpu.memory_space<vmem>> -> memref<125xi32, #tpu.memory_space<vmem>>
      %dma_start3A_345 = arith.constant 0 : i32
      %dma_start3A_346 = arith.constant 0 : i32
      %dma_start3A_347 = tpu.memref_slice %arg10[%dma_start3A_345, %dma_start3A_346] : memref<10240x64xf32, #tpu.memory_space<vmem_shared>> -> memref<10240x64xf32, #tpu.memory_space<vmem_shared>>
      %dma_start3A_348 = tpu.memref_slice %arg12[%dma_start3A_337] : memref<4x!tpu.dma_semaphore, #tpu.memory_space<semaphore_mem>> -> memref<1x!tpu.dma_semaphore, #tpu.memory_space<semaphore_mem>>
      %dma_start3A_349 = tpu.memref_squeeze %dma_start3A_348 : memref<1x!tpu.dma_semaphore, #tpu.memory_space<semaphore_mem>> -> memref<!tpu.dma_semaphore, #tpu.memory_space<semaphore_mem>>
      tpu.enqueue_indirect_dma source(%dma_start3A_341 : memref<125x64xf32, #tpu.memory_space<vmem>>) target(%dma_start3A_347 : memref<10240x64xf32, #tpu.memory_space<vmem_shared>>) offsets(%dma_start3A_344 : memref<125xi32, #tpu.memory_space<vmem>>) semaphore(%dma_start3A_349 : memref<!tpu.dma_semaphore, #tpu.memory_space<semaphore_mem>>) {add = true}
      %add3A_350 = arith.constant 4 : i32
      %add3A_351 = arith.addi %add3A_321, %add3A_350 : i32
      %lt3A_352 = arith.constant 80 : i32
      %lt3A_353 = arith.cmpi slt, %add3A_351, %lt3A_352 : i32
      %convert_element_type3A_354 = arith.extui %lt3A_353 : i1 to i32
      %cond3A_355 = arith.constant 0 : i32
      %cond3A_356 = arith.cmpi ne, %convert_element_type3A_354, %cond3A_355 : i32
      scf.if %cond3A_356 {
        %dma_wait3A_396 = arith.constant 2 : i32
        %dma_wait3A_397 = arith.constant 2 : i32
        %dma_wait3A_398 = arith.constant 0 : i32
        %dma_wait3A_399 = arith.constant 0 : i32
        %dma_wait3A_400 = tpu.memref_slice %arg8[%dma_wait3A_396, %dma_wait3A_398, %dma_wait3A_399] : memref<4x125x64xf32, #tpu.memory_space<vmem>> -> memref<1x125x64xf32, #tpu.memory_space<vmem>>
        %dma_wait3A_401 = tpu.memref_squeeze %dma_wait3A_400 : memref<1x125x64xf32, #tpu.memory_space<vmem>> -> memref<125x64xf32, #tpu.memory_space<vmem>>
        %dma_wait3A_402 = arith.constant 0 : i32
        %dma_wait3A_403 = tpu.memref_slice %arg7[%add3A_321, %dma_wait3A_402] : memref<80x125xi32, #tpu.memory_space<vmem>> -> memref<1x125xi32, #tpu.memory_space<vmem>>
        %dma_wait3A_404 = tpu.memref_squeeze %dma_wait3A_403 : memref<1x125xi32, #tpu.memory_space<vmem>> -> memref<125xi32, #tpu.memory_space<vmem>>
        %dma_wait3A_405 = arith.constant 0 : i32
        %dma_wait3A_406 = arith.constant 0 : i32
        %dma_wait3A_407 = tpu.memref_slice %arg10[%dma_wait3A_405, %dma_wait3A_406] : memref<10240x64xf32, #tpu.memory_space<vmem_shared>> -> memref<10240x64xf32, #tpu.memory_space<vmem_shared>>
        %dma_wait3A_408 = tpu.memref_slice %arg12[%dma_wait3A_397] : memref<4x!tpu.dma_semaphore, #tpu.memory_space<semaphore_mem>> -> memref<1x!tpu.dma_semaphore, #tpu.memory_space<semaphore_mem>>
        %dma_wait3A_409 = tpu.memref_squeeze %dma_wait3A_408 : memref<1x!tpu.dma_semaphore, #tpu.memory_space<semaphore_mem>> -> memref<!tpu.dma_semaphore, #tpu.memory_space<semaphore_mem>>
        tpu.wait_indirect_dma semaphore(%dma_wait3A_409 : memref<!tpu.dma_semaphore, #tpu.memory_space<semaphore_mem>>) src(%dma_wait3A_401 : memref<125x64xf32, #tpu.memory_space<vmem>>) dst(%dma_wait3A_407 : memref<10240x64xf32, #tpu.memory_space<vmem_shared>>)
        %add3A_410 = arith.constant 4 : i32
        %add3A_411 = arith.addi %add3A_321, %add3A_410 : i32
        %dma_start3A_412 = arith.constant 2 : i32
        %dma_start3A_413 = arith.constant 2 : i32
        %dma_start3A_414 = arith.constant 0 : i32
        %dma_start3A_415 = arith.constant 0 : i32
        %dma_start3A_416 = tpu.memref_slice %arg8[%dma_start3A_412, %dma_start3A_414, %dma_start3A_415] : memref<4x125x64xf32, #tpu.memory_space<vmem>> -> memref<1x125x64xf32, #tpu.memory_space<vmem>>
        %dma_start3A_417 = tpu.memref_squeeze %dma_start3A_416 : memref<1x125x64xf32, #tpu.memory_space<vmem>> -> memref<125x64xf32, #tpu.memory_space<vmem>>
        %dma_start3A_418 = arith.constant 0 : i32
        %dma_start3A_419 = tpu.memref_slice %arg6[%add3A_411, %dma_start3A_418] : memref<80x125xi32, #tpu.memory_space<vmem>> -> memref<1x125xi32, #tpu.memory_space<vmem>>
        %dma_start3A_420 = tpu.memref_squeeze %dma_start3A_419 : memref<1x125xi32, #tpu.memory_space<vmem>> -> memref<125xi32, #tpu.memory_space<vmem>>
        %dma_start3A_421 = arith.constant 0 : i32
        %dma_start3A_422 = arith.constant 0 : i32
        %dma_start3A_423 = tpu.memref_slice %arg2[%dma_start3A_421, %dma_start3A_422] : memref<10240x64xf32, #tpu.memory_space<hbm>> -> memref<10240x64xf32, #tpu.memory_space<hbm>>
        %dma_start3A_424 = tpu.memref_slice %arg11[%dma_start3A_413] : memref<4x!tpu.dma_semaphore, #tpu.memory_space<semaphore_mem>> -> memref<1x!tpu.dma_semaphore, #tpu.memory_space<semaphore_mem>>
        %dma_start3A_425 = tpu.memref_squeeze %dma_start3A_424 : memref<1x!tpu.dma_semaphore, #tpu.memory_space<semaphore_mem>> -> memref<!tpu.dma_semaphore, #tpu.memory_space<semaphore_mem>>
        tpu.enqueue_indirect_dma source(%dma_start3A_423 : memref<10240x64xf32, #tpu.memory_space<hbm>>) target(%dma_start3A_417 : memref<125x64xf32, #tpu.memory_space<vmem>>) offsets(%dma_start3A_420 : memref<125xi32, #tpu.memory_space<vmem>>) semaphore(%dma_start3A_425 : memref<!tpu.dma_semaphore, #tpu.memory_space<semaphore_mem>>)
      } else {
      }
      %mul3A_357 = arith.constant 4 : i32
      %mul3A_358 = arith.muli %mul3A_357, %scan3A_242 : i32
      %add3A_359 = arith.constant 3 : i32
      %add3A_360 = arith.addi %mul3A_358, %add3A_359 : i32
      %dma_wait3A_361 = arith.constant 3 : i32
      %dma_wait3A_362 = arith.constant 3 : i32
      %dma_wait3A_363 = arith.constant 0 : i32
      %dma_wait3A_364 = arith.constant 0 : i32
      %dma_wait3A_365 = tpu.memref_slice %arg8[%dma_wait3A_361, %dma_wait3A_363, %dma_wait3A_364] : memref<4x125x64xf32, #tpu.memory_space<vmem>> -> memref<1x125x64xf32, #tpu.memory_space<vmem>>
      %dma_wait3A_366 = tpu.memref_squeeze %dma_wait3A_365 : memref<1x125x64xf32, #tpu.memory_space<vmem>> -> memref<125x64xf32, #tpu.memory_space<vmem>>
      %dma_wait3A_367 = arith.constant 0 : i32
      %dma_wait3A_368 = tpu.memref_slice %arg6[%add3A_360, %dma_wait3A_367] : memref<80x125xi32, #tpu.memory_space<vmem>> -> memref<1x125xi32, #tpu.memory_space<vmem>>
      %dma_wait3A_369 = tpu.memref_squeeze %dma_wait3A_368 : memref<1x125xi32, #tpu.memory_space<vmem>> -> memref<125xi32, #tpu.memory_space<vmem>>
      %dma_wait3A_370 = arith.constant 0 : i32
      %dma_wait3A_371 = arith.constant 0 : i32
      %dma_wait3A_372 = tpu.memref_slice %arg2[%dma_wait3A_370, %dma_wait3A_371] : memref<10240x64xf32, #tpu.memory_space<hbm>> -> memref<10240x64xf32, #tpu.memory_space<hbm>>
      %dma_wait3A_373 = tpu.memref_slice %arg11[%dma_wait3A_362] : memref<4x!tpu.dma_semaphore, #tpu.memory_space<semaphore_mem>> -> memref<1x!tpu.dma_semaphore, #tpu.memory_space<semaphore_mem>>
      %dma_wait3A_374 = tpu.memref_squeeze %dma_wait3A_373 : memref<1x!tpu.dma_semaphore, #tpu.memory_space<semaphore_mem>> -> memref<!tpu.dma_semaphore, #tpu.memory_space<semaphore_mem>>
      tpu.wait_indirect_dma semaphore(%dma_wait3A_374 : memref<!tpu.dma_semaphore, #tpu.memory_space<semaphore_mem>>) src(%dma_wait3A_372 : memref<10240x64xf32, #tpu.memory_space<hbm>>) dst(%dma_wait3A_366 : memref<125x64xf32, #tpu.memory_space<vmem>>)
      %dma_start3A_375 = arith.constant 3 : i32
      %dma_start3A_376 = arith.constant 3 : i32
      %dma_start3A_377 = arith.constant 0 : i32
      %dma_start3A_378 = arith.constant 0 : i32
      %dma_start3A_379 = tpu.memref_slice %arg8[%dma_start3A_375, %dma_start3A_377, %dma_start3A_378] : memref<4x125x64xf32, #tpu.memory_space<vmem>> -> memref<1x125x64xf32, #tpu.memory_space<vmem>>
      %dma_start3A_380 = tpu.memref_squeeze %dma_start3A_379 : memref<1x125x64xf32, #tpu.memory_space<vmem>> -> memref<125x64xf32, #tpu.memory_space<vmem>>
      %dma_start3A_381 = arith.constant 0 : i32
      %dma_start3A_382 = tpu.memref_slice %arg7[%add3A_360, %dma_start3A_381] : memref<80x125xi32, #tpu.memory_space<vmem>> -> memref<1x125xi32, #tpu.memory_space<vmem>>
      %dma_start3A_383 = tpu.memref_squeeze %dma_start3A_382 : memref<1x125xi32, #tpu.memory_space<vmem>> -> memref<125xi32, #tpu.memory_space<vmem>>
      %dma_start3A_384 = arith.constant 0 : i32
      %dma_start3A_385 = arith.constant 0 : i32
      %dma_start3A_386 = tpu.memref_slice %arg10[%dma_start3A_384, %dma_start3A_385] : memref<10240x64xf32, #tpu.memory_space<vmem_shared>> -> memref<10240x64xf32, #tpu.memory_space<vmem_shared>>
      %dma_start3A_387 = tpu.memref_slice %arg12[%dma_start3A_376] : memref<4x!tpu.dma_semaphore, #tpu.memory_space<semaphore_mem>> -> memref<1x!tpu.dma_semaphore, #tpu.memory_space<semaphore_mem>>
      %dma_start3A_388 = tpu.memref_squeeze %dma_start3A_387 : memref<1x!tpu.dma_semaphore, #tpu.memory_space<semaphore_mem>> -> memref<!tpu.dma_semaphore, #tpu.memory_space<semaphore_mem>>
      tpu.enqueue_indirect_dma source(%dma_start3A_380 : memref<125x64xf32, #tpu.memory_space<vmem>>) target(%dma_start3A_386 : memref<10240x64xf32, #tpu.memory_space<vmem_shared>>) offsets(%dma_start3A_383 : memref<125xi32, #tpu.memory_space<vmem>>) semaphore(%dma_start3A_388 : memref<!tpu.dma_semaphore, #tpu.memory_space<semaphore_mem>>) {add = true}
      %add3A_389 = arith.constant 4 : i32
      %add3A_390 = arith.addi %add3A_360, %add3A_389 : i32
      %lt3A_391 = arith.constant 80 : i32
      %lt3A_392 = arith.cmpi slt, %add3A_390, %lt3A_391 : i32
      %convert_element_type3A_393 = arith.extui %lt3A_392 : i1 to i32
      %cond3A_394 = arith.constant 0 : i32
      %cond3A_395 = arith.cmpi ne, %convert_element_type3A_393, %cond3A_394 : i32
      scf.if %cond3A_395 {
        %dma_wait3A_396 = arith.constant 3 : i32
        %dma_wait3A_397 = arith.constant 3 : i32
        %dma_wait3A_398 = arith.constant 0 : i32
        %dma_wait3A_399 = arith.constant 0 : i32
        %dma_wait3A_400 = tpu.memref_slice %arg8[%dma_wait3A_396, %dma_wait3A_398, %dma_wait3A_399] : memref<4x125x64xf32, #tpu.memory_space<vmem>> -> memref<1x125x64xf32, #tpu.memory_space<vmem>>
        %dma_wait3A_401 = tpu.memref_squeeze %dma_wait3A_400 : memref<1x125x64xf32, #tpu.memory_space<vmem>> -> memref<125x64xf32, #tpu.memory_space<vmem>>
        %dma_wait3A_402 = arith.constant 0 : i32
        %dma_wait3A_403 = tpu.memref_slice %arg7[%add3A_360, %dma_wait3A_402] : memref<80x125xi32, #tpu.memory_space<vmem>> -> memref<1x125xi32, #tpu.memory_space<vmem>>
        %dma_wait3A_404 = tpu.memref_squeeze %dma_wait3A_403 : memref<1x125xi32, #tpu.memory_space<vmem>> -> memref<125xi32, #tpu.memory_space<vmem>>
        %dma_wait3A_405 = arith.constant 0 : i32
        %dma_wait3A_406 = arith.constant 0 : i32
        %dma_wait3A_407 = tpu.memref_slice %arg10[%dma_wait3A_405, %dma_wait3A_406] : memref<10240x64xf32, #tpu.memory_space<vmem_shared>> -> memref<10240x64xf32, #tpu.memory_space<vmem_shared>>
        %dma_wait3A_408 = tpu.memref_slice %arg12[%dma_wait3A_397] : memref<4x!tpu.dma_semaphore, #tpu.memory_space<semaphore_mem>> -> memref<1x!tpu.dma_semaphore, #tpu.memory_space<semaphore_mem>>
        %dma_wait3A_409 = tpu.memref_squeeze %dma_wait3A_408 : memref<1x!tpu.dma_semaphore, #tpu.memory_space<semaphore_mem>> -> memref<!tpu.dma_semaphore, #tpu.memory_space<semaphore_mem>>
        tpu.wait_indirect_dma semaphore(%dma_wait3A_409 : memref<!tpu.dma_semaphore, #tpu.memory_space<semaphore_mem>>) src(%dma_wait3A_401 : memref<125x64xf32, #tpu.memory_space<vmem>>) dst(%dma_wait3A_407 : memref<10240x64xf32, #tpu.memory_space<vmem_shared>>)
        %add3A_410 = arith.constant 4 : i32
        %add3A_411 = arith.addi %add3A_360, %add3A_410 : i32
        %dma_start3A_412 = arith.constant 3 : i32
        %dma_start3A_413 = arith.constant 3 : i32
        %dma_start3A_414 = arith.constant 0 : i32
        %dma_start3A_415 = arith.constant 0 : i32
        %dma_start3A_416 = tpu.memref_slice %arg8[%dma_start3A_412, %dma_start3A_414, %dma_start3A_415] : memref<4x125x64xf32, #tpu.memory_space<vmem>> -> memref<1x125x64xf32, #tpu.memory_space<vmem>>
        %dma_start3A_417 = tpu.memref_squeeze %dma_start3A_416 : memref<1x125x64xf32, #tpu.memory_space<vmem>> -> memref<125x64xf32, #tpu.memory_space<vmem>>
        %dma_start3A_418 = arith.constant 0 : i32
        %dma_start3A_419 = tpu.memref_slice %arg6[%add3A_411, %dma_start3A_418] : memref<80x125xi32, #tpu.memory_space<vmem>> -> memref<1x125xi32, #tpu.memory_space<vmem>>
        %dma_start3A_420 = tpu.memref_squeeze %dma_start3A_419 : memref<1x125xi32, #tpu.memory_space<vmem>> -> memref<125xi32, #tpu.memory_space<vmem>>
        %dma_start3A_421 = arith.constant 0 : i32
        %dma_start3A_422 = arith.constant 0 : i32
        %dma_start3A_423 = tpu.memref_slice %arg2[%dma_start3A_421, %dma_start3A_422] : memref<10240x64xf32, #tpu.memory_space<hbm>> -> memref<10240x64xf32, #tpu.memory_space<hbm>>
        %dma_start3A_424 = tpu.memref_slice %arg11[%dma_start3A_413] : memref<4x!tpu.dma_semaphore, #tpu.memory_space<semaphore_mem>> -> memref<1x!tpu.dma_semaphore, #tpu.memory_space<semaphore_mem>>
        %dma_start3A_425 = tpu.memref_squeeze %dma_start3A_424 : memref<1x!tpu.dma_semaphore, #tpu.memory_space<semaphore_mem>> -> memref<!tpu.dma_semaphore, #tpu.memory_space<semaphore_mem>>
        tpu.enqueue_indirect_dma source(%dma_start3A_423 : memref<10240x64xf32, #tpu.memory_space<hbm>>) target(%dma_start3A_417 : memref<125x64xf32, #tpu.memory_space<vmem>>) offsets(%dma_start3A_420 : memref<125xi32, #tpu.memory_space<vmem>>) semaphore(%dma_start3A_425 : memref<!tpu.dma_semaphore, #tpu.memory_space<semaphore_mem>>)
      } else {
      }
    }
    %scan3A_67 = arith.constant 20 : i32
    %dma_wait3A = arith.constant 0 : i32
    %dma_wait3A_68 = arith.constant 76 : i32
    %dma_wait3A_69 = arith.constant 0 : i32
    %dma_wait3A_70 = arith.constant 0 : i32
    %dma_wait3A_71 = arith.constant 0 : i32
    %dma_wait3A_72 = tpu.memref_slice %arg8[%dma_wait3A, %dma_wait3A_70, %dma_wait3A_71] : memref<4x125x64xf32, #tpu.memory_space<vmem>> -> memref<1x125x64xf32, #tpu.memory_space<vmem>>
    %dma_wait3A_73 = tpu.memref_squeeze %dma_wait3A_72 : memref<1x125x64xf32, #tpu.memory_space<vmem>> -> memref<125x64xf32, #tpu.memory_space<vmem>>
    %dma_wait3A_74 = arith.constant 0 : i32
    %dma_wait3A_75 = tpu.memref_slice %arg7[%dma_wait3A_68, %dma_wait3A_74] : memref<80x125xi32, #tpu.memory_space<vmem>> -> memref<1x125xi32, #tpu.memory_space<vmem>>
    %dma_wait3A_76 = tpu.memref_squeeze %dma_wait3A_75 : memref<1x125xi32, #tpu.memory_space<vmem>> -> memref<125xi32, #tpu.memory_space<vmem>>
    %dma_wait3A_77 = arith.constant 0 : i32
    %dma_wait3A_78 = arith.constant 0 : i32
    %dma_wait3A_79 = tpu.memref_slice %arg10[%dma_wait3A_77, %dma_wait3A_78] : memref<10240x64xf32, #tpu.memory_space<vmem_shared>> -> memref<10240x64xf32, #tpu.memory_space<vmem_shared>>
    %dma_wait3A_80 = tpu.memref_slice %arg12[%dma_wait3A_69] : memref<4x!tpu.dma_semaphore, #tpu.memory_space<semaphore_mem>> -> memref<1x!tpu.dma_semaphore, #tpu.memory_space<semaphore_mem>>
    %dma_wait3A_81 = tpu.memref_squeeze %dma_wait3A_80 : memref<1x!tpu.dma_semaphore, #tpu.memory_space<semaphore_mem>> -> memref<!tpu.dma_semaphore, #tpu.memory_space<semaphore_mem>>
    tpu.wait_indirect_dma semaphore(%dma_wait3A_81 : memref<!tpu.dma_semaphore, #tpu.memory_space<semaphore_mem>>) src(%dma_wait3A_73 : memref<125x64xf32, #tpu.memory_space<vmem>>) dst(%dma_wait3A_79 : memref<10240x64xf32, #tpu.memory_space<vmem_shared>>)
    %dma_wait3A_82 = arith.constant 1 : i32
    %dma_wait3A_83 = arith.constant 77 : i32
    %dma_wait3A_84 = arith.constant 1 : i32
    %dma_wait3A_85 = arith.constant 0 : i32
    %dma_wait3A_86 = arith.constant 0 : i32
    %dma_wait3A_87 = tpu.memref_slice %arg8[%dma_wait3A_82, %dma_wait3A_85, %dma_wait3A_86] : memref<4x125x64xf32, #tpu.memory_space<vmem>> -> memref<1x125x64xf32, #tpu.memory_space<vmem>>
    %dma_wait3A_88 = tpu.memref_squeeze %dma_wait3A_87 : memref<1x125x64xf32, #tpu.memory_space<vmem>> -> memref<125x64xf32, #tpu.memory_space<vmem>>
    %dma_wait3A_89 = arith.constant 0 : i32
    %dma_wait3A_90 = tpu.memref_slice %arg7[%dma_wait3A_83, %dma_wait3A_89] : memref<80x125xi32, #tpu.memory_space<vmem>> -> memref<1x125xi32, #tpu.memory_space<vmem>>
    %dma_wait3A_91 = tpu.memref_squeeze %dma_wait3A_90 : memref<1x125xi32, #tpu.memory_space<vmem>> -> memref<125xi32, #tpu.memory_space<vmem>>
    %dma_wait3A_92 = arith.constant 0 : i32
    %dma_wait3A_93 = arith.constant 0 : i32
    %dma_wait3A_94 = tpu.memref_slice %arg10[%dma_wait3A_92, %dma_wait3A_93] : memref<10240x64xf32, #tpu.memory_space<vmem_shared>> -> memref<10240x64xf32, #tpu.memory_space<vmem_shared>>
    %dma_wait3A_95 = tpu.memref_slice %arg12[%dma_wait3A_84] : memref<4x!tpu.dma_semaphore, #tpu.memory_space<semaphore_mem>> -> memref<1x!tpu.dma_semaphore, #tpu.memory_space<semaphore_mem>>
    %dma_wait3A_96 = tpu.memref_squeeze %dma_wait3A_95 : memref<1x!tpu.dma_semaphore, #tpu.memory_space<semaphore_mem>> -> memref<!tpu.dma_semaphore, #tpu.memory_space<semaphore_mem>>
    tpu.wait_indirect_dma semaphore(%dma_wait3A_96 : memref<!tpu.dma_semaphore, #tpu.memory_space<semaphore_mem>>) src(%dma_wait3A_88 : memref<125x64xf32, #tpu.memory_space<vmem>>) dst(%dma_wait3A_94 : memref<10240x64xf32, #tpu.memory_space<vmem_shared>>)
    %dma_wait3A_97 = arith.constant 2 : i32
    %dma_wait3A_98 = arith.constant 78 : i32
    %dma_wait3A_99 = arith.constant 2 : i32
    %dma_wait3A_100 = arith.constant 0 : i32
    %dma_wait3A_101 = arith.constant 0 : i32
    %dma_wait3A_102 = tpu.memref_slice %arg8[%dma_wait3A_97, %dma_wait3A_100, %dma_wait3A_101] : memref<4x125x64xf32, #tpu.memory_space<vmem>> -> memref<1x125x64xf32, #tpu.memory_space<vmem>>
    %dma_wait3A_103 = tpu.memref_squeeze %dma_wait3A_102 : memref<1x125x64xf32, #tpu.memory_space<vmem>> -> memref<125x64xf32, #tpu.memory_space<vmem>>
    %dma_wait3A_104 = arith.constant 0 : i32
    %dma_wait3A_105 = tpu.memref_slice %arg7[%dma_wait3A_98, %dma_wait3A_104] : memref<80x125xi32, #tpu.memory_space<vmem>> -> memref<1x125xi32, #tpu.memory_space<vmem>>
    %dma_wait3A_106 = tpu.memref_squeeze %dma_wait3A_105 : memref<1x125xi32, #tpu.memory_space<vmem>> -> memref<125xi32, #tpu.memory_space<vmem>>
    %dma_wait3A_107 = arith.constant 0 : i32
    %dma_wait3A_108 = arith.constant 0 : i32
    %dma_wait3A_109 = tpu.memref_slice %arg10[%dma_wait3A_107, %dma_wait3A_108] : memref<10240x64xf32, #tpu.memory_space<vmem_shared>> -> memref<10240x64xf32, #tpu.memory_space<vmem_shared>>
    %dma_wait3A_110 = tpu.memref_slice %arg12[%dma_wait3A_99] : memref<4x!tpu.dma_semaphore, #tpu.memory_space<semaphore_mem>> -> memref<1x!tpu.dma_semaphore, #tpu.memory_space<semaphore_mem>>
    %dma_wait3A_111 = tpu.memref_squeeze %dma_wait3A_110 : memref<1x!tpu.dma_semaphore, #tpu.memory_space<semaphore_mem>> -> memref<!tpu.dma_semaphore, #tpu.memory_space<semaphore_mem>>
    tpu.wait_indirect_dma semaphore(%dma_wait3A_111 : memref<!tpu.dma_semaphore, #tpu.memory_space<semaphore_mem>>) src(%dma_wait3A_103 : memref<125x64xf32, #tpu.memory_space<vmem>>) dst(%dma_wait3A_109 : memref<10240x64xf32, #tpu.memory_space<vmem_shared>>)
    %dma_wait3A_112 = arith.constant 3 : i32
    %dma_wait3A_113 = arith.constant 79 : i32
    %dma_wait3A_114 = arith.constant 3 : i32
    %dma_wait3A_115 = arith.constant 0 : i32
    %dma_wait3A_116 = arith.constant 0 : i32
    %dma_wait3A_117 = tpu.memref_slice %arg8[%dma_wait3A_112, %dma_wait3A_115, %dma_wait3A_116] : memref<4x125x64xf32, #tpu.memory_space<vmem>> -> memref<1x125x64xf32, #tpu.memory_space<vmem>>
    %dma_wait3A_118 = tpu.memref_squeeze %dma_wait3A_117 : memref<1x125x64xf32, #tpu.memory_space<vmem>> -> memref<125x64xf32, #tpu.memory_space<vmem>>
    %dma_wait3A_119 = arith.constant 0 : i32
    %dma_wait3A_120 = tpu.memref_slice %arg7[%dma_wait3A_113, %dma_wait3A_119] : memref<80x125xi32, #tpu.memory_space<vmem>> -> memref<1x125xi32, #tpu.memory_space<vmem>>
    %dma_wait3A_121 = tpu.memref_squeeze %dma_wait3A_120 : memref<1x125xi32, #tpu.memory_space<vmem>> -> memref<125xi32, #tpu.memory_space<vmem>>
    %dma_wait3A_122 = arith.constant 0 : i32
    %dma_wait3A_123 = arith.constant 0 : i32
    %dma_wait3A_124 = tpu.memref_slice %arg10[%dma_wait3A_122, %dma_wait3A_123] : memref<10240x64xf32, #tpu.memory_space<vmem_shared>> -> memref<10240x64xf32, #tpu.memory_space<vmem_shared>>
    %dma_wait3A_125 = tpu.memref_slice %arg12[%dma_wait3A_114] : memref<4x!tpu.dma_semaphore, #tpu.memory_space<semaphore_mem>> -> memref<1x!tpu.dma_semaphore, #tpu.memory_space<semaphore_mem>>
    %dma_wait3A_126 = tpu.memref_squeeze %dma_wait3A_125 : memref<1x!tpu.dma_semaphore, #tpu.memory_space<semaphore_mem>> -> memref<!tpu.dma_semaphore, #tpu.memory_space<semaphore_mem>>
    tpu.wait_indirect_dma semaphore(%dma_wait3A_126 : memref<!tpu.dma_semaphore, #tpu.memory_space<semaphore_mem>>) src(%dma_wait3A_118 : memref<125x64xf32, #tpu.memory_space<vmem>>) dst(%dma_wait3A_124 : memref<10240x64xf32, #tpu.memory_space<vmem_shared>>)
    %barrier3A_127 = arith.constant 0 : index
    tpu.barrier barrier_id(%barrier3A_127)
    %mul3A_128 = arith.constant 640 : i32
    %mul3A_129 = arith.muli %arg1, %mul3A_128 : i32
    %broadcast_in_dim3A = arith.constant 0.000000e+00 : f32
    %broadcast_in_dim3A_130 = vector.broadcast %broadcast_in_dim3A : f32 to vector<16xf32>
    %add3A_131 = arith.constant 0 : i32
    %add3A_132 = arith.addi %mul3A_129, %add3A_131 : i32
    %run_scoped3A_133 = arith.constant 0 : i32
    "tpu.region"() ({
      %run_scoped3A_242 = tpu.sem_alloc : memref<!tpu.dma_semaphore, #tpu.memory_space<semaphore_mem>>
      %dma_start3A_243 = arith.constant 0 : i32
      %dma_start3A_244 = arith.constant 0 : i32
      %dma_start3A_245 = tpu.memref_slice %arg8[%run_scoped3A_133, %dma_start3A_243, %dma_start3A_244] : memref<4x125x64xf32, #tpu.memory_space<vmem>> -> memref<1x120x64xf32, #tpu.memory_space<vmem>>
      %dma_start3A_246 = tpu.memref_squeeze %dma_start3A_245 : memref<1x120x64xf32, #tpu.memory_space<vmem>> -> memref<120x64xf32, #tpu.memory_space<vmem>>
      %dma_start3A_247 = arith.constant 0 : i32
      %dma_start3A_248 = tpu.memref_slice %arg10[%add3A_132, %dma_start3A_247] : memref<10240x64xf32, #tpu.memory_space<vmem_shared>> -> memref<120x64xf32, #tpu.memory_space<vmem_shared>>
      %dma_start3A_249 = arith.constant 0 : i32
      %dma_start3A_250 = arith.constant 0 : i32
      %dma_start3A_251 = tpu.memref_slice %arg8[%run_scoped3A_133, %dma_start3A_249, %dma_start3A_250] : memref<4x125x64xf32, #tpu.memory_space<vmem>> -> memref<1x120x64xf32, #tpu.memory_space<vmem>>
      %dma_start3A_252 = tpu.memref_squeeze %dma_start3A_251 : memref<1x120x64xf32, #tpu.memory_space<vmem>> -> memref<120x64xf32, #tpu.memory_space<vmem>>
      %dma_start3A_253 = arith.constant 0 : i32
      %dma_start3A_254 = tpu.memref_slice %arg10[%add3A_132, %dma_start3A_253] : memref<10240x64xf32, #tpu.memory_space<vmem_shared>> -> memref<120x64xf32, #tpu.memory_space<vmem_shared>>
      tpu.enqueue_dma source(%dma_start3A_254 : memref<120x64xf32, #tpu.memory_space<vmem_shared>>) target(%dma_start3A_252 : memref<120x64xf32, #tpu.memory_space<vmem>>) target_semaphore(%run_scoped3A_242 : memref<!tpu.dma_semaphore, #tpu.memory_space<semaphore_mem>>)
      %dma_wait3A_255 = arith.constant 0 : i32
      %dma_wait3A_256 = arith.constant 0 : i32
      %dma_wait3A_257 = tpu.memref_slice %arg8[%run_scoped3A_133, %dma_wait3A_255, %dma_wait3A_256] : memref<4x125x64xf32, #tpu.memory_space<vmem>> -> memref<1x120x64xf32, #tpu.memory_space<vmem>>
      %dma_wait3A_258 = tpu.memref_squeeze %dma_wait3A_257 : memref<1x120x64xf32, #tpu.memory_space<vmem>> -> memref<120x64xf32, #tpu.memory_space<vmem>>
      %dma_wait3A_259 = arith.constant 0 : i32
      %dma_wait3A_260 = tpu.memref_slice %arg10[%add3A_132, %dma_wait3A_259] : memref<10240x64xf32, #tpu.memory_space<vmem_shared>> -> memref<120x64xf32, #tpu.memory_space<vmem_shared>>
      %dma_wait3A_261 = arith.constant 0 : i32
      %dma_wait3A_262 = arith.constant 0 : i32
      %dma_wait3A_263 = tpu.memref_slice %arg8[%run_scoped3A_133, %dma_wait3A_261, %dma_wait3A_262] : memref<4x125x64xf32, #tpu.memory_space<vmem>> -> memref<1x120x64xf32, #tpu.memory_space<vmem>>
      %dma_wait3A_264 = tpu.memref_squeeze %dma_wait3A_263 : memref<1x120x64xf32, #tpu.memory_space<vmem>> -> memref<120x64xf32, #tpu.memory_space<vmem>>
      %dma_wait3A_265 = arith.constant 0 : i32
      %dma_wait3A_266 = tpu.memref_slice %arg10[%add3A_132, %dma_wait3A_265] : memref<10240x64xf32, #tpu.memory_space<vmem_shared>> -> memref<120x64xf32, #tpu.memory_space<vmem_shared>>
      tpu.wait_dma2 semaphore(%run_scoped3A_242 : memref<!tpu.dma_semaphore, #tpu.memory_space<semaphore_mem>>) src(%dma_wait3A_266 : memref<120x64xf32, #tpu.memory_space<vmem_shared>>) dst(%dma_wait3A_264 : memref<120x64xf32, #tpu.memory_space<vmem>>)
      tpu.yield
    }) : () -> ()
    %add3A_134 = arith.constant 0 : i32
    %add3A_135 = arith.addi %mul3A_129, %add3A_134 : i32
    %run_scoped3A_136 = arith.constant 1 : i32
    "tpu.region"() ({
      %run_scoped3A_242 = tpu.sem_alloc : memref<!tpu.dma_semaphore, #tpu.memory_space<semaphore_mem>>
      %dma_start3A_243 = arith.constant 0 : i32
      %dma_start3A_244 = arith.constant 0 : i32
      %dma_start3A_245 = tpu.memref_slice %arg8[%run_scoped3A_136, %dma_start3A_243, %dma_start3A_244] : memref<4x125x64xf32, #tpu.memory_space<vmem>> -> memref<1x120x64xf32, #tpu.memory_space<vmem>>
      %dma_start3A_246 = tpu.memref_squeeze %dma_start3A_245 : memref<1x120x64xf32, #tpu.memory_space<vmem>> -> memref<120x64xf32, #tpu.memory_space<vmem>>
      %dma_start3A_247 = arith.constant 0 : i32
      %dma_start3A_248 = tpu.memref_slice %arg2[%add3A_135, %dma_start3A_247] : memref<10240x64xf32, #tpu.memory_space<hbm>> -> memref<120x64xf32, #tpu.memory_space<hbm>>
      %dma_start3A_249 = arith.constant 0 : i32
      %dma_start3A_250 = arith.constant 0 : i32
      %dma_start3A_251 = tpu.memref_slice %arg8[%run_scoped3A_136, %dma_start3A_249, %dma_start3A_250] : memref<4x125x64xf32, #tpu.memory_space<vmem>> -> memref<1x120x64xf32, #tpu.memory_space<vmem>>
      %dma_start3A_252 = tpu.memref_squeeze %dma_start3A_251 : memref<1x120x64xf32, #tpu.memory_space<vmem>> -> memref<120x64xf32, #tpu.memory_space<vmem>>
      %dma_start3A_253 = arith.constant 0 : i32
      %dma_start3A_254 = tpu.memref_slice %arg2[%add3A_135, %dma_start3A_253] : memref<10240x64xf32, #tpu.memory_space<hbm>> -> memref<120x64xf32, #tpu.memory_space<hbm>>
      tpu.enqueue_dma source(%dma_start3A_254 : memref<120x64xf32, #tpu.memory_space<hbm>>) target(%dma_start3A_252 : memref<120x64xf32, #tpu.memory_space<vmem>>) target_semaphore(%run_scoped3A_242 : memref<!tpu.dma_semaphore, #tpu.memory_space<semaphore_mem>>)
      %dma_wait3A_255 = arith.constant 0 : i32
      %dma_wait3A_256 = arith.constant 0 : i32
      %dma_wait3A_257 = tpu.memref_slice %arg8[%run_scoped3A_136, %dma_wait3A_255, %dma_wait3A_256] : memref<4x125x64xf32, #tpu.memory_space<vmem>> -> memref<1x120x64xf32, #tpu.memory_space<vmem>>
      %dma_wait3A_258 = tpu.memref_squeeze %dma_wait3A_257 : memref<1x120x64xf32, #tpu.memory_space<vmem>> -> memref<120x64xf32, #tpu.memory_space<vmem>>
      %dma_wait3A_259 = arith.constant 0 : i32
      %dma_wait3A_260 = tpu.memref_slice %arg2[%add3A_135, %dma_wait3A_259] : memref<10240x64xf32, #tpu.memory_space<hbm>> -> memref<120x64xf32, #tpu.memory_space<hbm>>
      %dma_wait3A_261 = arith.constant 0 : i32
      %dma_wait3A_262 = arith.constant 0 : i32
      %dma_wait3A_263 = tpu.memref_slice %arg8[%run_scoped3A_136, %dma_wait3A_261, %dma_wait3A_262] : memref<4x125x64xf32, #tpu.memory_space<vmem>> -> memref<1x120x64xf32, #tpu.memory_space<vmem>>
      %dma_wait3A_264 = tpu.memref_squeeze %dma_wait3A_263 : memref<1x120x64xf32, #tpu.memory_space<vmem>> -> memref<120x64xf32, #tpu.memory_space<vmem>>
      %dma_wait3A_265 = arith.constant 0 : i32
      %dma_wait3A_266 = tpu.memref_slice %arg2[%add3A_135, %dma_wait3A_265] : memref<10240x64xf32, #tpu.memory_space<hbm>> -> memref<120x64xf32, #tpu.memory_space<hbm>>
      tpu.wait_dma2 semaphore(%run_scoped3A_242 : memref<!tpu.dma_semaphore, #tpu.memory_space<semaphore_mem>>) src(%dma_wait3A_266 : memref<120x64xf32, #tpu.memory_space<hbm>>) dst(%dma_wait3A_264 : memref<120x64xf32, #tpu.memory_space<vmem>>)
      tpu.yield
    }) : () -> ()
    %broadcast_in_dim3A_137 = arith.constant 0.000000e+00 : f32
    %broadcast_in_dim3A_138 = vector.broadcast %broadcast_in_dim3A_137 : f32 to vector<16xf32>
    %scan3A_139 = arith.constant 0 : i32
    %scan3A_140 = arith.constant 30 : i32
    %scan3A_141 = arith.addi %scan3A_139, %scan3A_140 : i32
    %scan3A_142 = arith.constant 1 : i32
    %scan3A_143:4 = scf.for %scan3A_242 = %scan3A_139 to %scan3A_141 step %scan3A_142 iter_args(%scan3A_243 = %broadcast_in_dim3A_138, %scan3A_244 = %broadcast_in_dim3A_138, %scan3A_245 = %broadcast_in_dim3A_138, %scan3A_246 = %broadcast_in_dim3A_138) -> (vector<16xf32>, vector<16xf32>, vector<16xf32>, vector<16xf32>)  : i32 {
      %mul3A_247 = arith.constant 4 : i32
      %mul3A_248 = arith.muli %mul3A_247, %scan3A_242 : i32
      %add3A_249 = arith.constant 0 : i32
      %add3A_250 = arith.addi %mul3A_248, %add3A_249 : i32
      %get3A = arith.constant 0 : i32
      %get3A_251 = arith.index_cast %get3A : i32 to index
      %get3A_252 = arith.index_cast %add3A_250 : i32 to index
      %get3A_253 = arith.constant 0 : index
      %get3A_254 = tpu.vector_load %arg8[%get3A_251, %get3A_252, %get3A_253] {strides = array<i32>} : memref<4x125x64xf32, #tpu.memory_space<vmem>>, vector<1x1x16xf32>,
      %get3A_255 = vector.shape_cast %get3A_254 : vector<1x1x16xf32> to vector<16xf32>
      %get3A_256 = arith.constant 1 : i32
      %get3A_257 = arith.index_cast %get3A_256 : i32 to index
      %get3A_258 = arith.index_cast %add3A_250 : i32 to index
      %get3A_259 = arith.constant 0 : index
      %get3A_260 = tpu.vector_load %arg8[%get3A_257, %get3A_258, %get3A_259] {strides = array<i32>} : memref<4x125x64xf32, #tpu.memory_space<vmem>>, vector<1x1x16xf32>,
      %get3A_261 = vector.shape_cast %get3A_260 : vector<1x1x16xf32> to vector<16xf32>
      %mul3A_262 = arith.mulf %get3A_255, %get3A_261 : vector<16xf32>
      %add3A_263 = arith.addf %scan3A_243, %mul3A_262 : vector<16xf32>
      %get3A_264 = arith.constant 0 : i32
      %get3A_265 = arith.index_cast %get3A_264 : i32 to index
      %get3A_266 = arith.index_cast %add3A_250 : i32 to index
      %get3A_267 = arith.constant 16 : index
      %get3A_268 = tpu.vector_load %arg8[%get3A_265, %get3A_266, %get3A_267] {strides = array<i32>} : memref<4x125x64xf32, #tpu.memory_space<vmem>>, vector<1x1x16xf32>,
      %get3A_269 = vector.shape_cast %get3A_268 : vector<1x1x16xf32> to vector<16xf32>
      %get3A_270 = arith.constant 1 : i32
      %get3A_271 = arith.index_cast %get3A_270 : i32 to index
      %get3A_272 = arith.index_cast %add3A_250 : i32 to index
      %get3A_273 = arith.constant 16 : index
      %get3A_274 = tpu.vector_load %arg8[%get3A_271, %get3A_272, %get3A_273] {strides = array<i32>} : memref<4x125x64xf32, #tpu.memory_space<vmem>>, vector<1x1x16xf32>,
      %get3A_275 = vector.shape_cast %get3A_274 : vector<1x1x16xf32> to vector<16xf32>
      %mul3A_276 = arith.mulf %get3A_269, %get3A_275 : vector<16xf32>
      %add3A_277 = arith.addf %scan3A_244, %mul3A_276 : vector<16xf32>
      %get3A_278 = arith.constant 0 : i32
      %get3A_279 = arith.index_cast %get3A_278 : i32 to index
      %get3A_280 = arith.index_cast %add3A_250 : i32 to index
      %get3A_281 = arith.constant 32 : index
      %get3A_282 = tpu.vector_load %arg8[%get3A_279, %get3A_280, %get3A_281] {strides = array<i32>} : memref<4x125x64xf32, #tpu.memory_space<vmem>>, vector<1x1x16xf32>,
      %get3A_283 = vector.shape_cast %get3A_282 : vector<1x1x16xf32> to vector<16xf32>
      %get3A_284 = arith.constant 1 : i32
      %get3A_285 = arith.index_cast %get3A_284 : i32 to index
      %get3A_286 = arith.index_cast %add3A_250 : i32 to index
      %get3A_287 = arith.constant 32 : index
      %get3A_288 = tpu.vector_load %arg8[%get3A_285, %get3A_286, %get3A_287] {strides = array<i32>} : memref<4x125x64xf32, #tpu.memory_space<vmem>>, vector<1x1x16xf32>,
      %get3A_289 = vector.shape_cast %get3A_288 : vector<1x1x16xf32> to vector<16xf32>
      %mul3A_290 = arith.mulf %get3A_283, %get3A_289 : vector<16xf32>
      %add3A_291 = arith.addf %scan3A_245, %mul3A_290 : vector<16xf32>
      %get3A_292 = arith.constant 0 : i32
      %get3A_293 = arith.index_cast %get3A_292 : i32 to index
      %get3A_294 = arith.index_cast %add3A_250 : i32 to index
      %get3A_295 = arith.constant 48 : index
      %get3A_296 = tpu.vector_load %arg8[%get3A_293, %get3A_294, %get3A_295] {strides = array<i32>} : memref<4x125x64xf32, #tpu.memory_space<vmem>>, vector<1x1x16xf32>,
      %get3A_297 = vector.shape_cast %get3A_296 : vector<1x1x16xf32> to vector<16xf32>
      %get3A_298 = arith.constant 1 : i32
      %get3A_299 = arith.index_cast %get3A_298 : i32 to index
      %get3A_300 = arith.index_cast %add3A_250 : i32 to index
      %get3A_301 = arith.constant 48 : index
      %get3A_302 = tpu.vector_load %arg8[%get3A_299, %get3A_300, %get3A_301] {strides = array<i32>} : memref<4x125x64xf32, #tpu.memory_space<vmem>>, vector<1x1x16xf32>,
      %get3A_303 = vector.shape_cast %get3A_302 : vector<1x1x16xf32> to vector<16xf32>
      %mul3A_304 = arith.mulf %get3A_297, %get3A_303 : vector<16xf32>
      %add3A_305 = arith.addf %scan3A_246, %mul3A_304 : vector<16xf32>
      %mul3A_306 = arith.constant 4 : i32
      %mul3A_307 = arith.muli %mul3A_306, %scan3A_242 : i32
      %add3A_308 = arith.constant 1 : i32
      %add3A_309 = arith.addi %mul3A_307, %add3A_308 : i32
      %get3A_310 = arith.constant 0 : i32
      %get3A_311 = arith.index_cast %get3A_310 : i32 to index
      %get3A_312 = arith.index_cast %add3A_309 : i32 to index
      %get3A_313 = arith.constant 0 : index
      %get3A_314 = tpu.vector_load %arg8[%get3A_311, %get3A_312, %get3A_313] {strides = array<i32>} : memref<4x125x64xf32, #tpu.memory_space<vmem>>, vector<1x1x16xf32>,
      %get3A_315 = vector.shape_cast %get3A_314 : vector<1x1x16xf32> to vector<16xf32>
      %get3A_316 = arith.constant 1 : i32
      %get3A_317 = arith.index_cast %get3A_316 : i32 to index
      %get3A_318 = arith.index_cast %add3A_309 : i32 to index
      %get3A_319 = arith.constant 0 : index
      %get3A_320 = tpu.vector_load %arg8[%get3A_317, %get3A_318, %get3A_319] {strides = array<i32>} : memref<4x125x64xf32, #tpu.memory_space<vmem>>, vector<1x1x16xf32>,
      %get3A_321 = vector.shape_cast %get3A_320 : vector<1x1x16xf32> to vector<16xf32>
      %mul3A_322 = arith.mulf %get3A_315, %get3A_321 : vector<16xf32>
      %add3A_323 = arith.addf %add3A_263, %mul3A_322 : vector<16xf32>
      %get3A_324 = arith.constant 0 : i32
      %get3A_325 = arith.index_cast %get3A_324 : i32 to index
      %get3A_326 = arith.index_cast %add3A_309 : i32 to index
      %get3A_327 = arith.constant 16 : index
      %get3A_328 = tpu.vector_load %arg8[%get3A_325, %get3A_326, %get3A_327] {strides = array<i32>} : memref<4x125x64xf32, #tpu.memory_space<vmem>>, vector<1x1x16xf32>,
      %get3A_329 = vector.shape_cast %get3A_328 : vector<1x1x16xf32> to vector<16xf32>
      %get3A_330 = arith.constant 1 : i32
      %get3A_331 = arith.index_cast %get3A_330 : i32 to index
      %get3A_332 = arith.index_cast %add3A_309 : i32 to index
      %get3A_333 = arith.constant 16 : index
      %get3A_334 = tpu.vector_load %arg8[%get3A_331, %get3A_332, %get3A_333] {strides = array<i32>} : memref<4x125x64xf32, #tpu.memory_space<vmem>>, vector<1x1x16xf32>,
      %get3A_335 = vector.shape_cast %get3A_334 : vector<1x1x16xf32> to vector<16xf32>
      %mul3A_336 = arith.mulf %get3A_329, %get3A_335 : vector<16xf32>
      %add3A_337 = arith.addf %add3A_277, %mul3A_336 : vector<16xf32>
      %get3A_338 = arith.constant 0 : i32
      %get3A_339 = arith.index_cast %get3A_338 : i32 to index
      %get3A_340 = arith.index_cast %add3A_309 : i32 to index
      %get3A_341 = arith.constant 32 : index
      %get3A_342 = tpu.vector_load %arg8[%get3A_339, %get3A_340, %get3A_341] {strides = array<i32>} : memref<4x125x64xf32, #tpu.memory_space<vmem>>, vector<1x1x16xf32>,
      %get3A_343 = vector.shape_cast %get3A_342 : vector<1x1x16xf32> to vector<16xf32>
      %get3A_344 = arith.constant 1 : i32
      %get3A_345 = arith.index_cast %get3A_344 : i32 to index
      %get3A_346 = arith.index_cast %add3A_309 : i32 to index
      %get3A_347 = arith.constant 32 : index
      %get3A_348 = tpu.vector_load %arg8[%get3A_345, %get3A_346, %get3A_347] {strides = array<i32>} : memref<4x125x64xf32, #tpu.memory_space<vmem>>, vector<1x1x16xf32>,
      %get3A_349 = vector.shape_cast %get3A_348 : vector<1x1x16xf32> to vector<16xf32>
      %mul3A_350 = arith.mulf %get3A_343, %get3A_349 : vector<16xf32>
      %add3A_351 = arith.addf %add3A_291, %mul3A_350 : vector<16xf32>
      %get3A_352 = arith.constant 0 : i32
      %get3A_353 = arith.index_cast %get3A_352 : i32 to index
      %get3A_354 = arith.index_cast %add3A_309 : i32 to index
      %get3A_355 = arith.constant 48 : index
      %get3A_356 = tpu.vector_load %arg8[%get3A_353, %get3A_354, %get3A_355] {strides = array<i32>} : memref<4x125x64xf32, #tpu.memory_space<vmem>>, vector<1x1x16xf32>,
      %get3A_357 = vector.shape_cast %get3A_356 : vector<1x1x16xf32> to vector<16xf32>
      %get3A_358 = arith.constant 1 : i32
      %get3A_359 = arith.index_cast %get3A_358 : i32 to index
      %get3A_360 = arith.index_cast %add3A_309 : i32 to index
      %get3A_361 = arith.constant 48 : index
      %get3A_362 = tpu.vector_load %arg8[%get3A_359, %get3A_360, %get3A_361] {strides = array<i32>} : memref<4x125x64xf32, #tpu.memory_space<vmem>>, vector<1x1x16xf32>,
      %get3A_363 = vector.shape_cast %get3A_362 : vector<1x1x16xf32> to vector<16xf32>
      %mul3A_364 = arith.mulf %get3A_357, %get3A_363 : vector<16xf32>
      %add3A_365 = arith.addf %add3A_305, %mul3A_364 : vector<16xf32>
      %mul3A_366 = arith.constant 4 : i32
      %mul3A_367 = arith.muli %mul3A_366, %scan3A_242 : i32
      %add3A_368 = arith.constant 2 : i32
      %add3A_369 = arith.addi %mul3A_367, %add3A_368 : i32
      %get3A_370 = arith.constant 0 : i32
      %get3A_371 = arith.index_cast %get3A_370 : i32 to index
      %get3A_372 = arith.index_cast %add3A_369 : i32 to index
      %get3A_373 = arith.constant 0 : index
      %get3A_374 = tpu.vector_load %arg8[%get3A_371, %get3A_372, %get3A_373] {strides = array<i32>} : memref<4x125x64xf32, #tpu.memory_space<vmem>>, vector<1x1x16xf32>,
      %get3A_375 = vector.shape_cast %get3A_374 : vector<1x1x16xf32> to vector<16xf32>
      %get3A_376 = arith.constant 1 : i32
      %get3A_377 = arith.index_cast %get3A_376 : i32 to index
      %get3A_378 = arith.index_cast %add3A_369 : i32 to index
      %get3A_379 = arith.constant 0 : index
      %get3A_380 = tpu.vector_load %arg8[%get3A_377, %get3A_378, %get3A_379] {strides = array<i32>} : memref<4x125x64xf32, #tpu.memory_space<vmem>>, vector<1x1x16xf32>,
      %get3A_381 = vector.shape_cast %get3A_380 : vector<1x1x16xf32> to vector<16xf32>
      %mul3A_382 = arith.mulf %get3A_375, %get3A_381 : vector<16xf32>
      %add3A_383 = arith.addf %add3A_323, %mul3A_382 : vector<16xf32>
      %get3A_384 = arith.constant 0 : i32
      %get3A_385 = arith.index_cast %get3A_384 : i32 to index
      %get3A_386 = arith.index_cast %add3A_369 : i32 to index
      %get3A_387 = arith.constant 16 : index
      %get3A_388 = tpu.vector_load %arg8[%get3A_385, %get3A_386, %get3A_387] {strides = array<i32>} : memref<4x125x64xf32, #tpu.memory_space<vmem>>, vector<1x1x16xf32>,
      %get3A_389 = vector.shape_cast %get3A_388 : vector<1x1x16xf32> to vector<16xf32>
      %get3A_390 = arith.constant 1 : i32
      %get3A_391 = arith.index_cast %get3A_390 : i32 to index
      %get3A_392 = arith.index_cast %add3A_369 : i32 to index
      %get3A_393 = arith.constant 16 : index
      %get3A_394 = tpu.vector_load %arg8[%get3A_391, %get3A_392, %get3A_393] {strides = array<i32>} : memref<4x125x64xf32, #tpu.memory_space<vmem>>, vector<1x1x16xf32>,
      %get3A_395 = vector.shape_cast %get3A_394 : vector<1x1x16xf32> to vector<16xf32>
      %mul3A_396 = arith.mulf %get3A_389, %get3A_395 : vector<16xf32>
      %add3A_397 = arith.addf %add3A_337, %mul3A_396 : vector<16xf32>
      %get3A_398 = arith.constant 0 : i32
      %get3A_399 = arith.index_cast %get3A_398 : i32 to index
      %get3A_400 = arith.index_cast %add3A_369 : i32 to index
      %get3A_401 = arith.constant 32 : index
      %get3A_402 = tpu.vector_load %arg8[%get3A_399, %get3A_400, %get3A_401] {strides = array<i32>} : memref<4x125x64xf32, #tpu.memory_space<vmem>>, vector<1x1x16xf32>,
      %get3A_403 = vector.shape_cast %get3A_402 : vector<1x1x16xf32> to vector<16xf32>
      %get3A_404 = arith.constant 1 : i32
      %get3A_405 = arith.index_cast %get3A_404 : i32 to index
      %get3A_406 = arith.index_cast %add3A_369 : i32 to index
      %get3A_407 = arith.constant 32 : index
      %get3A_408 = tpu.vector_load %arg8[%get3A_405, %get3A_406, %get3A_407] {strides = array<i32>} : memref<4x125x64xf32, #tpu.memory_space<vmem>>, vector<1x1x16xf32>,
      %get3A_409 = vector.shape_cast %get3A_408 : vector<1x1x16xf32> to vector<16xf32>
      %mul3A_410 = arith.mulf %get3A_403, %get3A_409 : vector<16xf32>
      %add3A_411 = arith.addf %add3A_351, %mul3A_410 : vector<16xf32>
      %get3A_412 = arith.constant 0 : i32
      %get3A_413 = arith.index_cast %get3A_412 : i32 to index
      %get3A_414 = arith.index_cast %add3A_369 : i32 to index
      %get3A_415 = arith.constant 48 : index
      %get3A_416 = tpu.vector_load %arg8[%get3A_413, %get3A_414, %get3A_415] {strides = array<i32>} : memref<4x125x64xf32, #tpu.memory_space<vmem>>, vector<1x1x16xf32>,
      %get3A_417 = vector.shape_cast %get3A_416 : vector<1x1x16xf32> to vector<16xf32>
      %get3A_418 = arith.constant 1 : i32
      %get3A_419 = arith.index_cast %get3A_418 : i32 to index
      %get3A_420 = arith.index_cast %add3A_369 : i32 to index
      %get3A_421 = arith.constant 48 : index
      %get3A_422 = tpu.vector_load %arg8[%get3A_419, %get3A_420, %get3A_421] {strides = array<i32>} : memref<4x125x64xf32, #tpu.memory_space<vmem>>, vector<1x1x16xf32>,
      %get3A_423 = vector.shape_cast %get3A_422 : vector<1x1x16xf32> to vector<16xf32>
      %mul3A_424 = arith.mulf %get3A_417, %get3A_423 : vector<16xf32>
      %add3A_425 = arith.addf %add3A_365, %mul3A_424 : vector<16xf32>
      %mul3A_426 = arith.constant 4 : i32
      %mul3A_427 = arith.muli %mul3A_426, %scan3A_242 : i32
      %add3A_428 = arith.constant 3 : i32
      %add3A_429 = arith.addi %mul3A_427, %add3A_428 : i32
      %get3A_430 = arith.constant 0 : i32
      %get3A_431 = arith.index_cast %get3A_430 : i32 to index
      %get3A_432 = arith.index_cast %add3A_429 : i32 to index
      %get3A_433 = arith.constant 0 : index
      %get3A_434 = tpu.vector_load %arg8[%get3A_431, %get3A_432, %get3A_433] {strides = array<i32>} : memref<4x125x64xf32, #tpu.memory_space<vmem>>, vector<1x1x16xf32>,
      %get3A_435 = vector.shape_cast %get3A_434 : vector<1x1x16xf32> to vector<16xf32>
      %get3A_436 = arith.constant 1 : i32
      %get3A_437 = arith.index_cast %get3A_436 : i32 to index
      %get3A_438 = arith.index_cast %add3A_429 : i32 to index
      %get3A_439 = arith.constant 0 : index
      %get3A_440 = tpu.vector_load %arg8[%get3A_437, %get3A_438, %get3A_439] {strides = array<i32>} : memref<4x125x64xf32, #tpu.memory_space<vmem>>, vector<1x1x16xf32>,
      %get3A_441 = vector.shape_cast %get3A_440 : vector<1x1x16xf32> to vector<16xf32>
      %mul3A_442 = arith.mulf %get3A_435, %get3A_441 : vector<16xf32>
      %add3A_443 = arith.addf %add3A_383, %mul3A_442 : vector<16xf32>
      %get3A_444 = arith.constant 0 : i32
      %get3A_445 = arith.index_cast %get3A_444 : i32 to index
      %get3A_446 = arith.index_cast %add3A_429 : i32 to index
      %get3A_447 = arith.constant 16 : index
      %get3A_448 = tpu.vector_load %arg8[%get3A_445, %get3A_446, %get3A_447] {strides = array<i32>} : memref<4x125x64xf32, #tpu.memory_space<vmem>>, vector<1x1x16xf32>,
      %get3A_449 = vector.shape_cast %get3A_448 : vector<1x1x16xf32> to vector<16xf32>
      %get3A_450 = arith.constant 1 : i32
      %get3A_451 = arith.index_cast %get3A_450 : i32 to index
      %get3A_452 = arith.index_cast %add3A_429 : i32 to index
      %get3A_453 = arith.constant 16 : index
      %get3A_454 = tpu.vector_load %arg8[%get3A_451, %get3A_452, %get3A_453] {strides = array<i32>} : memref<4x125x64xf32, #tpu.memory_space<vmem>>, vector<1x1x16xf32>,
      %get3A_455 = vector.shape_cast %get3A_454 : vector<1x1x16xf32> to vector<16xf32>
      %mul3A_456 = arith.mulf %get3A_449, %get3A_455 : vector<16xf32>
      %add3A_457 = arith.addf %add3A_397, %mul3A_456 : vector<16xf32>
      %get3A_458 = arith.constant 0 : i32
      %get3A_459 = arith.index_cast %get3A_458 : i32 to index
      %get3A_460 = arith.index_cast %add3A_429 : i32 to index
      %get3A_461 = arith.constant 32 : index
      %get3A_462 = tpu.vector_load %arg8[%get3A_459, %get3A_460, %get3A_461] {strides = array<i32>} : memref<4x125x64xf32, #tpu.memory_space<vmem>>, vector<1x1x16xf32>,
      %get3A_463 = vector.shape_cast %get3A_462 : vector<1x1x16xf32> to vector<16xf32>
      %get3A_464 = arith.constant 1 : i32
      %get3A_465 = arith.index_cast %get3A_464 : i32 to index
      %get3A_466 = arith.index_cast %add3A_429 : i32 to index
      %get3A_467 = arith.constant 32 : index
      %get3A_468 = tpu.vector_load %arg8[%get3A_465, %get3A_466, %get3A_467] {strides = array<i32>} : memref<4x125x64xf32, #tpu.memory_space<vmem>>, vector<1x1x16xf32>,
      %get3A_469 = vector.shape_cast %get3A_468 : vector<1x1x16xf32> to vector<16xf32>
      %mul3A_470 = arith.mulf %get3A_463, %get3A_469 : vector<16xf32>
      %add3A_471 = arith.addf %add3A_411, %mul3A_470 : vector<16xf32>
      %get3A_472 = arith.constant 0 : i32
      %get3A_473 = arith.index_cast %get3A_472 : i32 to index
      %get3A_474 = arith.index_cast %add3A_429 : i32 to index
      %get3A_475 = arith.constant 48 : index
      %get3A_476 = tpu.vector_load %arg8[%get3A_473, %get3A_474, %get3A_475] {strides = array<i32>} : memref<4x125x64xf32, #tpu.memory_space<vmem>>, vector<1x1x16xf32>,
      %get3A_477 = vector.shape_cast %get3A_476 : vector<1x1x16xf32> to vector<16xf32>
      %get3A_478 = arith.constant 1 : i32
      %get3A_479 = arith.index_cast %get3A_478 : i32 to index
      %get3A_480 = arith.index_cast %add3A_429 : i32 to index
      %get3A_481 = arith.constant 48 : index
      %get3A_482 = tpu.vector_load %arg8[%get3A_479, %get3A_480, %get3A_481] {strides = array<i32>} : memref<4x125x64xf32, #tpu.memory_space<vmem>>, vector<1x1x16xf32>,
      %get3A_483 = vector.shape_cast %get3A_482 : vector<1x1x16xf32> to vector<16xf32>
      %mul3A_484 = arith.mulf %get3A_477, %get3A_483 : vector<16xf32>
      %add3A_485 = arith.addf %add3A_425, %mul3A_484 : vector<16xf32>
      scf.yield %add3A_443, %add3A_457, %add3A_471, %add3A_485 : vector<16xf32>, vector<16xf32>, vector<16xf32>, vector<16xf32>
    }
    %scan3A_144 = arith.constant 30 : i32
    %add3A_145 = arith.addf %broadcast_in_dim3A_130, %scan3A_143#0 : vector<16xf32>
    %add3A_146 = arith.addf %add3A_145, %scan3A_143#1 : vector<16xf32>
    %add3A_147 = arith.addf %add3A_146, %scan3A_143#2 : vector<16xf32>
    %add3A_148 = arith.addf %add3A_147, %scan3A_143#3 : vector<16xf32>
    %add3A_149 = arith.constant 120 : i32
    %add3A_150 = arith.addi %mul3A_129, %add3A_149 : i32
    %run_scoped3A_151 = arith.constant 0 : i32
    "tpu.region"() ({
      %run_scoped3A_242 = tpu.sem_alloc : memref<!tpu.dma_semaphore, #tpu.memory_space<semaphore_mem>>
      %dma_start3A_243 = arith.constant 0 : i32
      %dma_start3A_244 = arith.constant 0 : i32
      %dma_start3A_245 = tpu.memref_slice %arg8[%run_scoped3A_151, %dma_start3A_243, %dma_start3A_244] : memref<4x125x64xf32, #tpu.memory_space<vmem>> -> memref<1x120x64xf32, #tpu.memory_space<vmem>>
      %dma_start3A_246 = tpu.memref_squeeze %dma_start3A_245 : memref<1x120x64xf32, #tpu.memory_space<vmem>> -> memref<120x64xf32, #tpu.memory_space<vmem>>
      %dma_start3A_247 = arith.constant 0 : i32
      %dma_start3A_248 = tpu.memref_slice %arg10[%add3A_150, %dma_start3A_247] : memref<10240x64xf32, #tpu.memory_space<vmem_shared>> -> memref<120x64xf32, #tpu.memory_space<vmem_shared>>
      %dma_start3A_249 = arith.constant 0 : i32
      %dma_start3A_250 = arith.constant 0 : i32
      %dma_start3A_251 = tpu.memref_slice %arg8[%run_scoped3A_151, %dma_start3A_249, %dma_start3A_250] : memref<4x125x64xf32, #tpu.memory_space<vmem>> -> memref<1x120x64xf32, #tpu.memory_space<vmem>>
      %dma_start3A_252 = tpu.memref_squeeze %dma_start3A_251 : memref<1x120x64xf32, #tpu.memory_space<vmem>> -> memref<120x64xf32, #tpu.memory_space<vmem>>
      %dma_start3A_253 = arith.constant 0 : i32
      %dma_start3A_254 = tpu.memref_slice %arg10[%add3A_150, %dma_start3A_253] : memref<10240x64xf32, #tpu.memory_space<vmem_shared>> -> memref<120x64xf32, #tpu.memory_space<vmem_shared>>
      tpu.enqueue_dma source(%dma_start3A_254 : memref<120x64xf32, #tpu.memory_space<vmem_shared>>) target(%dma_start3A_252 : memref<120x64xf32, #tpu.memory_space<vmem>>) target_semaphore(%run_scoped3A_242 : memref<!tpu.dma_semaphore, #tpu.memory_space<semaphore_mem>>)
      %dma_wait3A_255 = arith.constant 0 : i32
      %dma_wait3A_256 = arith.constant 0 : i32
      %dma_wait3A_257 = tpu.memref_slice %arg8[%run_scoped3A_151, %dma_wait3A_255, %dma_wait3A_256] : memref<4x125x64xf32, #tpu.memory_space<vmem>> -> memref<1x120x64xf32, #tpu.memory_space<vmem>>
      %dma_wait3A_258 = tpu.memref_squeeze %dma_wait3A_257 : memref<1x120x64xf32, #tpu.memory_space<vmem>> -> memref<120x64xf32, #tpu.memory_space<vmem>>
      %dma_wait3A_259 = arith.constant 0 : i32
      %dma_wait3A_260 = tpu.memref_slice %arg10[%add3A_150, %dma_wait3A_259] : memref<10240x64xf32, #tpu.memory_space<vmem_shared>> -> memref<120x64xf32, #tpu.memory_space<vmem_shared>>
      %dma_wait3A_261 = arith.constant 0 : i32
      %dma_wait3A_262 = arith.constant 0 : i32
      %dma_wait3A_263 = tpu.memref_slice %arg8[%run_scoped3A_151, %dma_wait3A_261, %dma_wait3A_262] : memref<4x125x64xf32, #tpu.memory_space<vmem>> -> memref<1x120x64xf32, #tpu.memory_space<vmem>>
      %dma_wait3A_264 = tpu.memref_squeeze %dma_wait3A_263 : memref<1x120x64xf32, #tpu.memory_space<vmem>> -> memref<120x64xf32, #tpu.memory_space<vmem>>
      %dma_wait3A_265 = arith.constant 0 : i32
      %dma_wait3A_266 = tpu.memref_slice %arg10[%add3A_150, %dma_wait3A_265] : memref<10240x64xf32, #tpu.memory_space<vmem_shared>> -> memref<120x64xf32, #tpu.memory_space<vmem_shared>>
      tpu.wait_dma2 semaphore(%run_scoped3A_242 : memref<!tpu.dma_semaphore, #tpu.memory_space<semaphore_mem>>) src(%dma_wait3A_266 : memref<120x64xf32, #tpu.memory_space<vmem_shared>>) dst(%dma_wait3A_264 : memref<120x64xf32, #tpu.memory_space<vmem>>)
      tpu.yield
    }) : () -> ()
    %add3A_152 = arith.constant 120 : i32
    %add3A_153 = arith.addi %mul3A_129, %add3A_152 : i32
    %run_scoped3A_154 = arith.constant 1 : i32
    "tpu.region"() ({
      %run_scoped3A_242 = tpu.sem_alloc : memref<!tpu.dma_semaphore, #tpu.memory_space<semaphore_mem>>
      %dma_start3A_243 = arith.constant 0 : i32
      %dma_start3A_244 = arith.constant 0 : i32
      %dma_start3A_245 = tpu.memref_slice %arg8[%run_scoped3A_154, %dma_start3A_243, %dma_start3A_244] : memref<4x125x64xf32, #tpu.memory_space<vmem>> -> memref<1x120x64xf32, #tpu.memory_space<vmem>>
      %dma_start3A_246 = tpu.memref_squeeze %dma_start3A_245 : memref<1x120x64xf32, #tpu.memory_space<vmem>> -> memref<120x64xf32, #tpu.memory_space<vmem>>
      %dma_start3A_247 = arith.constant 0 : i32
      %dma_start3A_248 = tpu.memref_slice %arg2[%add3A_153, %dma_start3A_247] : memref<10240x64xf32, #tpu.memory_space<hbm>> -> memref<120x64xf32, #tpu.memory_space<hbm>>
      %dma_start3A_249 = arith.constant 0 : i32
      %dma_start3A_250 = arith.constant 0 : i32
      %dma_start3A_251 = tpu.memref_slice %arg8[%run_scoped3A_154, %dma_start3A_249, %dma_start3A_250] : memref<4x125x64xf32, #tpu.memory_space<vmem>> -> memref<1x120x64xf32, #tpu.memory_space<vmem>>
      %dma_start3A_252 = tpu.memref_squeeze %dma_start3A_251 : memref<1x120x64xf32, #tpu.memory_space<vmem>> -> memref<120x64xf32, #tpu.memory_space<vmem>>
      %dma_start3A_253 = arith.constant 0 : i32
      %dma_start3A_254 = tpu.memref_slice %arg2[%add3A_153, %dma_start3A_253] : memref<10240x64xf32, #tpu.memory_space<hbm>> -> memref<120x64xf32, #tpu.memory_space<hbm>>
      tpu.enqueue_dma source(%dma_start3A_254 : memref<120x64xf32, #tpu.memory_space<hbm>>) target(%dma_start3A_252 : memref<120x64xf32, #tpu.memory_space<vmem>>) target_semaphore(%run_scoped3A_242 : memref<!tpu.dma_semaphore, #tpu.memory_space<semaphore_mem>>)
      %dma_wait3A_255 = arith.constant 0 : i32
      %dma_wait3A_256 = arith.constant 0 : i32
      %dma_wait3A_257 = tpu.memref_slice %arg8[%run_scoped3A_154, %dma_wait3A_255, %dma_wait3A_256] : memref<4x125x64xf32, #tpu.memory_space<vmem>> -> memref<1x120x64xf32, #tpu.memory_space<vmem>>
      %dma_wait3A_258 = tpu.memref_squeeze %dma_wait3A_257 : memref<1x120x64xf32, #tpu.memory_space<vmem>> -> memref<120x64xf32, #tpu.memory_space<vmem>>
      %dma_wait3A_259 = arith.constant 0 : i32
      %dma_wait3A_260 = tpu.memref_slice %arg2[%add3A_153, %dma_wait3A_259] : memref<10240x64xf32, #tpu.memory_space<hbm>> -> memref<120x64xf32, #tpu.memory_space<hbm>>
      %dma_wait3A_261 = arith.constant 0 : i32
      %dma_wait3A_262 = arith.constant 0 : i32
      %dma_wait3A_263 = tpu.memref_slice %arg8[%run_scoped3A_154, %dma_wait3A_261, %dma_wait3A_262] : memref<4x125x64xf32, #tpu.memory_space<vmem>> -> memref<1x120x64xf32, #tpu.memory_space<vmem>>
      %dma_wait3A_264 = tpu.memref_squeeze %dma_wait3A_263 : memref<1x120x64xf32, #tpu.memory_space<vmem>> -> memref<120x64xf32, #tpu.memory_space<vmem>>
      %dma_wait3A_265 = arith.constant 0 : i32
      %dma_wait3A_266 = tpu.memref_slice %arg2[%add3A_153, %dma_wait3A_265] : memref<10240x64xf32, #tpu.memory_space<hbm>> -> memref<120x64xf32, #tpu.memory_space<hbm>>
      tpu.wait_dma2 semaphore(%run_scoped3A_242 : memref<!tpu.dma_semaphore, #tpu.memory_space<semaphore_mem>>) src(%dma_wait3A_266 : memref<120x64xf32, #tpu.memory_space<hbm>>) dst(%dma_wait3A_264 : memref<120x64xf32, #tpu.memory_space<vmem>>)
      tpu.yield
    }) : () -> ()
    %broadcast_in_dim3A_155 = arith.constant 0.000000e+00 : f32
    %broadcast_in_dim3A_156 = vector.broadcast %broadcast_in_dim3A_155 : f32 to vector<16xf32>
    %scan3A_157 = arith.constant 0 : i32
    %scan3A_158 = arith.constant 30 : i32
    %scan3A_159 = arith.addi %scan3A_157, %scan3A_158 : i32
    %scan3A_160 = arith.constant 1 : i32
    %scan3A_161:4 = scf.for %scan3A_242 = %scan3A_157 to %scan3A_159 step %scan3A_160 iter_args(%scan3A_243 = %broadcast_in_dim3A_156, %scan3A_244 = %broadcast_in_dim3A_156, %scan3A_245 = %broadcast_in_dim3A_156, %scan3A_246 = %broadcast_in_dim3A_156) -> (vector<16xf32>, vector<16xf32>, vector<16xf32>, vector<16xf32>)  : i32 {
      %mul3A_247 = arith.constant 4 : i32
      %mul3A_248 = arith.muli %mul3A_247, %scan3A_242 : i32
      %add3A_249 = arith.constant 0 : i32
      %add3A_250 = arith.addi %mul3A_248, %add3A_249 : i32
      %get3A = arith.constant 0 : i32
      %get3A_251 = arith.index_cast %get3A : i32 to index
      %get3A_252 = arith.index_cast %add3A_250 : i32 to index
      %get3A_253 = arith.constant 0 : index
      %get3A_254 = tpu.vector_load %arg8[%get3A_251, %get3A_252, %get3A_253] {strides = array<i32>} : memref<4x125x64xf32, #tpu.memory_space<vmem>>, vector<1x1x16xf32>,
      %get3A_255 = vector.shape_cast %get3A_254 : vector<1x1x16xf32> to vector<16xf32>
      %get3A_256 = arith.constant 1 : i32
      %get3A_257 = arith.index_cast %get3A_256 : i32 to index
      %get3A_258 = arith.index_cast %add3A_250 : i32 to index
      %get3A_259 = arith.constant 0 : index
      %get3A_260 = tpu.vector_load %arg8[%get3A_257, %get3A_258, %get3A_259] {strides = array<i32>} : memref<4x125x64xf32, #tpu.memory_space<vmem>>, vector<1x1x16xf32>,
      %get3A_261 = vector.shape_cast %get3A_260 : vector<1x1x16xf32> to vector<16xf32>
      %mul3A_262 = arith.mulf %get3A_255, %get3A_261 : vector<16xf32>
      %add3A_263 = arith.addf %scan3A_243, %mul3A_262 : vector<16xf32>
      %get3A_264 = arith.constant 0 : i32
      %get3A_265 = arith.index_cast %get3A_264 : i32 to index
      %get3A_266 = arith.index_cast %add3A_250 : i32 to index
      %get3A_267 = arith.constant 16 : index
      %get3A_268 = tpu.vector_load %arg8[%get3A_265, %get3A_266, %get3A_267] {strides = array<i32>} : memref<4x125x64xf32, #tpu.memory_space<vmem>>, vector<1x1x16xf32>,
      %get3A_269 = vector.shape_cast %get3A_268 : vector<1x1x16xf32> to vector<16xf32>
      %get3A_270 = arith.constant 1 : i32
      %get3A_271 = arith.index_cast %get3A_270 : i32 to index
      %get3A_272 = arith.index_cast %add3A_250 : i32 to index
      %get3A_273 = arith.constant 16 : index
      %get3A_274 = tpu.vector_load %arg8[%get3A_271, %get3A_272, %get3A_273] {strides = array<i32>} : memref<4x125x64xf32, #tpu.memory_space<vmem>>, vector<1x1x16xf32>,
      %get3A_275 = vector.shape_cast %get3A_274 : vector<1x1x16xf32> to vector<16xf32>
      %mul3A_276 = arith.mulf %get3A_269, %get3A_275 : vector<16xf32>
      %add3A_277 = arith.addf %scan3A_244, %mul3A_276 : vector<16xf32>
      %get3A_278 = arith.constant 0 : i32
      %get3A_279 = arith.index_cast %get3A_278 : i32 to index
      %get3A_280 = arith.index_cast %add3A_250 : i32 to index
      %get3A_281 = arith.constant 32 : index
      %get3A_282 = tpu.vector_load %arg8[%get3A_279, %get3A_280, %get3A_281] {strides = array<i32>} : memref<4x125x64xf32, #tpu.memory_space<vmem>>, vector<1x1x16xf32>,
      %get3A_283 = vector.shape_cast %get3A_282 : vector<1x1x16xf32> to vector<16xf32>
      %get3A_284 = arith.constant 1 : i32
      %get3A_285 = arith.index_cast %get3A_284 : i32 to index
      %get3A_286 = arith.index_cast %add3A_250 : i32 to index
      %get3A_287 = arith.constant 32 : index
      %get3A_288 = tpu.vector_load %arg8[%get3A_285, %get3A_286, %get3A_287] {strides = array<i32>} : memref<4x125x64xf32, #tpu.memory_space<vmem>>, vector<1x1x16xf32>,
      %get3A_289 = vector.shape_cast %get3A_288 : vector<1x1x16xf32> to vector<16xf32>
      %mul3A_290 = arith.mulf %get3A_283, %get3A_289 : vector<16xf32>
      %add3A_291 = arith.addf %scan3A_245, %mul3A_290 : vector<16xf32>
      %get3A_292 = arith.constant 0 : i32
      %get3A_293 = arith.index_cast %get3A_292 : i32 to index
      %get3A_294 = arith.index_cast %add3A_250 : i32 to index
      %get3A_295 = arith.constant 48 : index
      %get3A_296 = tpu.vector_load %arg8[%get3A_293, %get3A_294, %get3A_295] {strides = array<i32>} : memref<4x125x64xf32, #tpu.memory_space<vmem>>, vector<1x1x16xf32>,
      %get3A_297 = vector.shape_cast %get3A_296 : vector<1x1x16xf32> to vector<16xf32>
      %get3A_298 = arith.constant 1 : i32
      %get3A_299 = arith.index_cast %get3A_298 : i32 to index
      %get3A_300 = arith.index_cast %add3A_250 : i32 to index
      %get3A_301 = arith.constant 48 : index
      %get3A_302 = tpu.vector_load %arg8[%get3A_299, %get3A_300, %get3A_301] {strides = array<i32>} : memref<4x125x64xf32, #tpu.memory_space<vmem>>, vector<1x1x16xf32>,
      %get3A_303 = vector.shape_cast %get3A_302 : vector<1x1x16xf32> to vector<16xf32>
      %mul3A_304 = arith.mulf %get3A_297, %get3A_303 : vector<16xf32>
      %add3A_305 = arith.addf %scan3A_246, %mul3A_304 : vector<16xf32>
      %mul3A_306 = arith.constant 4 : i32
      %mul3A_307 = arith.muli %mul3A_306, %scan3A_242 : i32
      %add3A_308 = arith.constant 1 : i32
      %add3A_309 = arith.addi %mul3A_307, %add3A_308 : i32
      %get3A_310 = arith.constant 0 : i32
      %get3A_311 = arith.index_cast %get3A_310 : i32 to index
      %get3A_312 = arith.index_cast %add3A_309 : i32 to index
      %get3A_313 = arith.constant 0 : index
      %get3A_314 = tpu.vector_load %arg8[%get3A_311, %get3A_312, %get3A_313] {strides = array<i32>} : memref<4x125x64xf32, #tpu.memory_space<vmem>>, vector<1x1x16xf32>,
      %get3A_315 = vector.shape_cast %get3A_314 : vector<1x1x16xf32> to vector<16xf32>
      %get3A_316 = arith.constant 1 : i32
      %get3A_317 = arith.index_cast %get3A_316 : i32 to index
      %get3A_318 = arith.index_cast %add3A_309 : i32 to index
      %get3A_319 = arith.constant 0 : index
      %get3A_320 = tpu.vector_load %arg8[%get3A_317, %get3A_318, %get3A_319] {strides = array<i32>} : memref<4x125x64xf32, #tpu.memory_space<vmem>>, vector<1x1x16xf32>,
      %get3A_321 = vector.shape_cast %get3A_320 : vector<1x1x16xf32> to vector<16xf32>
      %mul3A_322 = arith.mulf %get3A_315, %get3A_321 : vector<16xf32>
      %add3A_323 = arith.addf %add3A_263, %mul3A_322 : vector<16xf32>
      %get3A_324 = arith.constant 0 : i32
      %get3A_325 = arith.index_cast %get3A_324 : i32 to index
      %get3A_326 = arith.index_cast %add3A_309 : i32 to index
      %get3A_327 = arith.constant 16 : index
      %get3A_328 = tpu.vector_load %arg8[%get3A_325, %get3A_326, %get3A_327] {strides = array<i32>} : memref<4x125x64xf32, #tpu.memory_space<vmem>>, vector<1x1x16xf32>,
      %get3A_329 = vector.shape_cast %get3A_328 : vector<1x1x16xf32> to vector<16xf32>
      %get3A_330 = arith.constant 1 : i32
      %get3A_331 = arith.index_cast %get3A_330 : i32 to index
      %get3A_332 = arith.index_cast %add3A_309 : i32 to index
      %get3A_333 = arith.constant 16 : index
      %get3A_334 = tpu.vector_load %arg8[%get3A_331, %get3A_332, %get3A_333] {strides = array<i32>} : memref<4x125x64xf32, #tpu.memory_space<vmem>>, vector<1x1x16xf32>,
      %get3A_335 = vector.shape_cast %get3A_334 : vector<1x1x16xf32> to vector<16xf32>
      %mul3A_336 = arith.mulf %get3A_329, %get3A_335 : vector<16xf32>
      %add3A_337 = arith.addf %add3A_277, %mul3A_336 : vector<16xf32>
      %get3A_338 = arith.constant 0 : i32
      %get3A_339 = arith.index_cast %get3A_338 : i32 to index
      %get3A_340 = arith.index_cast %add3A_309 : i32 to index
      %get3A_341 = arith.constant 32 : index
      %get3A_342 = tpu.vector_load %arg8[%get3A_339, %get3A_340, %get3A_341] {strides = array<i32>} : memref<4x125x64xf32, #tpu.memory_space<vmem>>, vector<1x1x16xf32>,
      %get3A_343 = vector.shape_cast %get3A_342 : vector<1x1x16xf32> to vector<16xf32>
      %get3A_344 = arith.constant 1 : i32
      %get3A_345 = arith.index_cast %get3A_344 : i32 to index
      %get3A_346 = arith.index_cast %add3A_309 : i32 to index
      %get3A_347 = arith.constant 32 : index
      %get3A_348 = tpu.vector_load %arg8[%get3A_345, %get3A_346, %get3A_347] {strides = array<i32>} : memref<4x125x64xf32, #tpu.memory_space<vmem>>, vector<1x1x16xf32>,
      %get3A_349 = vector.shape_cast %get3A_348 : vector<1x1x16xf32> to vector<16xf32>
      %mul3A_350 = arith.mulf %get3A_343, %get3A_349 : vector<16xf32>
      %add3A_351 = arith.addf %add3A_291, %mul3A_350 : vector<16xf32>
      %get3A_352 = arith.constant 0 : i32
      %get3A_353 = arith.index_cast %get3A_352 : i32 to index
      %get3A_354 = arith.index_cast %add3A_309 : i32 to index
      %get3A_355 = arith.constant 48 : index
      %get3A_356 = tpu.vector_load %arg8[%get3A_353, %get3A_354, %get3A_355] {strides = array<i32>} : memref<4x125x64xf32, #tpu.memory_space<vmem>>, vector<1x1x16xf32>,
      %get3A_357 = vector.shape_cast %get3A_356 : vector<1x1x16xf32> to vector<16xf32>
      %get3A_358 = arith.constant 1 : i32
      %get3A_359 = arith.index_cast %get3A_358 : i32 to index
      %get3A_360 = arith.index_cast %add3A_309 : i32 to index
      %get3A_361 = arith.constant 48 : index
      %get3A_362 = tpu.vector_load %arg8[%get3A_359, %get3A_360, %get3A_361] {strides = array<i32>} : memref<4x125x64xf32, #tpu.memory_space<vmem>>, vector<1x1x16xf32>,
      %get3A_363 = vector.shape_cast %get3A_362 : vector<1x1x16xf32> to vector<16xf32>
      %mul3A_364 = arith.mulf %get3A_357, %get3A_363 : vector<16xf32>
      %add3A_365 = arith.addf %add3A_305, %mul3A_364 : vector<16xf32>
      %mul3A_366 = arith.constant 4 : i32
      %mul3A_367 = arith.muli %mul3A_366, %scan3A_242 : i32
      %add3A_368 = arith.constant 2 : i32
      %add3A_369 = arith.addi %mul3A_367, %add3A_368 : i32
      %get3A_370 = arith.constant 0 : i32
      %get3A_371 = arith.index_cast %get3A_370 : i32 to index
      %get3A_372 = arith.index_cast %add3A_369 : i32 to index
      %get3A_373 = arith.constant 0 : index
      %get3A_374 = tpu.vector_load %arg8[%get3A_371, %get3A_372, %get3A_373] {strides = array<i32>} : memref<4x125x64xf32, #tpu.memory_space<vmem>>, vector<1x1x16xf32>,
      %get3A_375 = vector.shape_cast %get3A_374 : vector<1x1x16xf32> to vector<16xf32>
      %get3A_376 = arith.constant 1 : i32
      %get3A_377 = arith.index_cast %get3A_376 : i32 to index
      %get3A_378 = arith.index_cast %add3A_369 : i32 to index
      %get3A_379 = arith.constant 0 : index
      %get3A_380 = tpu.vector_load %arg8[%get3A_377, %get3A_378, %get3A_379] {strides = array<i32>} : memref<4x125x64xf32, #tpu.memory_space<vmem>>, vector<1x1x16xf32>,
      %get3A_381 = vector.shape_cast %get3A_380 : vector<1x1x16xf32> to vector<16xf32>
      %mul3A_382 = arith.mulf %get3A_375, %get3A_381 : vector<16xf32>
      %add3A_383 = arith.addf %add3A_323, %mul3A_382 : vector<16xf32>
      %get3A_384 = arith.constant 0 : i32
      %get3A_385 = arith.index_cast %get3A_384 : i32 to index
      %get3A_386 = arith.index_cast %add3A_369 : i32 to index
      %get3A_387 = arith.constant 16 : index
      %get3A_388 = tpu.vector_load %arg8[%get3A_385, %get3A_386, %get3A_387] {strides = array<i32>} : memref<4x125x64xf32, #tpu.memory_space<vmem>>, vector<1x1x16xf32>,
      %get3A_389 = vector.shape_cast %get3A_388 : vector<1x1x16xf32> to vector<16xf32>
      %get3A_390 = arith.constant 1 : i32
      %get3A_391 = arith.index_cast %get3A_390 : i32 to index
      %get3A_392 = arith.index_cast %add3A_369 : i32 to index
      %get3A_393 = arith.constant 16 : index
      %get3A_394 = tpu.vector_load %arg8[%get3A_391, %get3A_392, %get3A_393] {strides = array<i32>} : memref<4x125x64xf32, #tpu.memory_space<vmem>>, vector<1x1x16xf32>,
      %get3A_395 = vector.shape_cast %get3A_394 : vector<1x1x16xf32> to vector<16xf32>
      %mul3A_396 = arith.mulf %get3A_389, %get3A_395 : vector<16xf32>
      %add3A_397 = arith.addf %add3A_337, %mul3A_396 : vector<16xf32>
      %get3A_398 = arith.constant 0 : i32
      %get3A_399 = arith.index_cast %get3A_398 : i32 to index
      %get3A_400 = arith.index_cast %add3A_369 : i32 to index
      %get3A_401 = arith.constant 32 : index
      %get3A_402 = tpu.vector_load %arg8[%get3A_399, %get3A_400, %get3A_401] {strides = array<i32>} : memref<4x125x64xf32, #tpu.memory_space<vmem>>, vector<1x1x16xf32>,
      %get3A_403 = vector.shape_cast %get3A_402 : vector<1x1x16xf32> to vector<16xf32>
      %get3A_404 = arith.constant 1 : i32
      %get3A_405 = arith.index_cast %get3A_404 : i32 to index
      %get3A_406 = arith.index_cast %add3A_369 : i32 to index
      %get3A_407 = arith.constant 32 : index
      %get3A_408 = tpu.vector_load %arg8[%get3A_405, %get3A_406, %get3A_407] {strides = array<i32>} : memref<4x125x64xf32, #tpu.memory_space<vmem>>, vector<1x1x16xf32>,
      %get3A_409 = vector.shape_cast %get3A_408 : vector<1x1x16xf32> to vector<16xf32>
      %mul3A_410 = arith.mulf %get3A_403, %get3A_409 : vector<16xf32>
      %add3A_411 = arith.addf %add3A_351, %mul3A_410 : vector<16xf32>
      %get3A_412 = arith.constant 0 : i32
      %get3A_413 = arith.index_cast %get3A_412 : i32 to index
      %get3A_414 = arith.index_cast %add3A_369 : i32 to index
      %get3A_415 = arith.constant 48 : index
      %get3A_416 = tpu.vector_load %arg8[%get3A_413, %get3A_414, %get3A_415] {strides = array<i32>} : memref<4x125x64xf32, #tpu.memory_space<vmem>>, vector<1x1x16xf32>,
      %get3A_417 = vector.shape_cast %get3A_416 : vector<1x1x16xf32> to vector<16xf32>
      %get3A_418 = arith.constant 1 : i32
      %get3A_419 = arith.index_cast %get3A_418 : i32 to index
      %get3A_420 = arith.index_cast %add3A_369 : i32 to index
      %get3A_421 = arith.constant 48 : index
      %get3A_422 = tpu.vector_load %arg8[%get3A_419, %get3A_420, %get3A_421] {strides = array<i32>} : memref<4x125x64xf32, #tpu.memory_space<vmem>>, vector<1x1x16xf32>,
      %get3A_423 = vector.shape_cast %get3A_422 : vector<1x1x16xf32> to vector<16xf32>
      %mul3A_424 = arith.mulf %get3A_417, %get3A_423 : vector<16xf32>
      %add3A_425 = arith.addf %add3A_365, %mul3A_424 : vector<16xf32>
      %mul3A_426 = arith.constant 4 : i32
      %mul3A_427 = arith.muli %mul3A_426, %scan3A_242 : i32
      %add3A_428 = arith.constant 3 : i32
      %add3A_429 = arith.addi %mul3A_427, %add3A_428 : i32
      %get3A_430 = arith.constant 0 : i32
      %get3A_431 = arith.index_cast %get3A_430 : i32 to index
      %get3A_432 = arith.index_cast %add3A_429 : i32 to index
      %get3A_433 = arith.constant 0 : index
      %get3A_434 = tpu.vector_load %arg8[%get3A_431, %get3A_432, %get3A_433] {strides = array<i32>} : memref<4x125x64xf32, #tpu.memory_space<vmem>>, vector<1x1x16xf32>,
      %get3A_435 = vector.shape_cast %get3A_434 : vector<1x1x16xf32> to vector<16xf32>
      %get3A_436 = arith.constant 1 : i32
      %get3A_437 = arith.index_cast %get3A_436 : i32 to index
      %get3A_438 = arith.index_cast %add3A_429 : i32 to index
      %get3A_439 = arith.constant 0 : index
      %get3A_440 = tpu.vector_load %arg8[%get3A_437, %get3A_438, %get3A_439] {strides = array<i32>} : memref<4x125x64xf32, #tpu.memory_space<vmem>>, vector<1x1x16xf32>,
      %get3A_441 = vector.shape_cast %get3A_440 : vector<1x1x16xf32> to vector<16xf32>
      %mul3A_442 = arith.mulf %get3A_435, %get3A_441 : vector<16xf32>
      %add3A_443 = arith.addf %add3A_383, %mul3A_442 : vector<16xf32>
      %get3A_444 = arith.constant 0 : i32
      %get3A_445 = arith.index_cast %get3A_444 : i32 to index
      %get3A_446 = arith.index_cast %add3A_429 : i32 to index
      %get3A_447 = arith.constant 16 : index
      %get3A_448 = tpu.vector_load %arg8[%get3A_445, %get3A_446, %get3A_447] {strides = array<i32>} : memref<4x125x64xf32, #tpu.memory_space<vmem>>, vector<1x1x16xf32>,
      %get3A_449 = vector.shape_cast %get3A_448 : vector<1x1x16xf32> to vector<16xf32>
      %get3A_450 = arith.constant 1 : i32
      %get3A_451 = arith.index_cast %get3A_450 : i32 to index
      %get3A_452 = arith.index_cast %add3A_429 : i32 to index
      %get3A_453 = arith.constant 16 : index
      %get3A_454 = tpu.vector_load %arg8[%get3A_451, %get3A_452, %get3A_453] {strides = array<i32>} : memref<4x125x64xf32, #tpu.memory_space<vmem>>, vector<1x1x16xf32>,
      %get3A_455 = vector.shape_cast %get3A_454 : vector<1x1x16xf32> to vector<16xf32>
      %mul3A_456 = arith.mulf %get3A_449, %get3A_455 : vector<16xf32>
      %add3A_457 = arith.addf %add3A_397, %mul3A_456 : vector<16xf32>
      %get3A_458 = arith.constant 0 : i32
      %get3A_459 = arith.index_cast %get3A_458 : i32 to index
      %get3A_460 = arith.index_cast %add3A_429 : i32 to index
      %get3A_461 = arith.constant 32 : index
      %get3A_462 = tpu.vector_load %arg8[%get3A_459, %get3A_460, %get3A_461] {strides = array<i32>} : memref<4x125x64xf32, #tpu.memory_space<vmem>>, vector<1x1x16xf32>,
      %get3A_463 = vector.shape_cast %get3A_462 : vector<1x1x16xf32> to vector<16xf32>
      %get3A_464 = arith.constant 1 : i32
      %get3A_465 = arith.index_cast %get3A_464 : i32 to index
      %get3A_466 = arith.index_cast %add3A_429 : i32 to index
      %get3A_467 = arith.constant 32 : index
      %get3A_468 = tpu.vector_load %arg8[%get3A_465, %get3A_466, %get3A_467] {strides = array<i32>} : memref<4x125x64xf32, #tpu.memory_space<vmem>>, vector<1x1x16xf32>,
      %get3A_469 = vector.shape_cast %get3A_468 : vector<1x1x16xf32> to vector<16xf32>
      %mul3A_470 = arith.mulf %get3A_463, %get3A_469 : vector<16xf32>
      %add3A_471 = arith.addf %add3A_411, %mul3A_470 : vector<16xf32>
      %get3A_472 = arith.constant 0 : i32
      %get3A_473 = arith.index_cast %get3A_472 : i32 to index
      %get3A_474 = arith.index_cast %add3A_429 : i32 to index
      %get3A_475 = arith.constant 48 : index
      %get3A_476 = tpu.vector_load %arg8[%get3A_473, %get3A_474, %get3A_475] {strides = array<i32>} : memref<4x125x64xf32, #tpu.memory_space<vmem>>, vector<1x1x16xf32>,
      %get3A_477 = vector.shape_cast %get3A_476 : vector<1x1x16xf32> to vector<16xf32>
      %get3A_478 = arith.constant 1 : i32
      %get3A_479 = arith.index_cast %get3A_478 : i32 to index
      %get3A_480 = arith.index_cast %add3A_429 : i32 to index
      %get3A_481 = arith.constant 48 : index
      %get3A_482 = tpu.vector_load %arg8[%get3A_479, %get3A_480, %get3A_481] {strides = array<i32>} : memref<4x125x64xf32, #tpu.memory_space<vmem>>, vector<1x1x16xf32>,
      %get3A_483 = vector.shape_cast %get3A_482 : vector<1x1x16xf32> to vector<16xf32>
      %mul3A_484 = arith.mulf %get3A_477, %get3A_483 : vector<16xf32>
      %add3A_485 = arith.addf %add3A_425, %mul3A_484 : vector<16xf32>
      scf.yield %add3A_443, %add3A_457, %add3A_471, %add3A_485 : vector<16xf32>, vector<16xf32>, vector<16xf32>, vector<16xf32>
    }
    %scan3A_162 = arith.constant 30 : i32
    %add3A_163 = arith.addf %add3A_148, %scan3A_161#0 : vector<16xf32>
    %add3A_164 = arith.addf %add3A_163, %scan3A_161#1 : vector<16xf32>
    %add3A_165 = arith.addf %add3A_164, %scan3A_161#2 : vector<16xf32>
    %add3A_166 = arith.addf %add3A_165, %scan3A_161#3 : vector<16xf32>
    %add3A_167 = arith.constant 240 : i32
    %add3A_168 = arith.addi %mul3A_129, %add3A_167 : i32
    %run_scoped3A_169 = arith.constant 0 : i32
    "tpu.region"() ({
      %run_scoped3A_242 = tpu.sem_alloc : memref<!tpu.dma_semaphore, #tpu.memory_space<semaphore_mem>>
      %dma_start3A_243 = arith.constant 0 : i32
      %dma_start3A_244 = arith.constant 0 : i32
      %dma_start3A_245 = tpu.memref_slice %arg8[%run_scoped3A_169, %dma_start3A_243, %dma_start3A_244] : memref<4x125x64xf32, #tpu.memory_space<vmem>> -> memref<1x120x64xf32, #tpu.memory_space<vmem>>
      %dma_start3A_246 = tpu.memref_squeeze %dma_start3A_245 : memref<1x120x64xf32, #tpu.memory_space<vmem>> -> memref<120x64xf32, #tpu.memory_space<vmem>>
      %dma_start3A_247 = arith.constant 0 : i32
      %dma_start3A_248 = tpu.memref_slice %arg10[%add3A_168, %dma_start3A_247] : memref<10240x64xf32, #tpu.memory_space<vmem_shared>> -> memref<120x64xf32, #tpu.memory_space<vmem_shared>>
      %dma_start3A_249 = arith.constant 0 : i32
      %dma_start3A_250 = arith.constant 0 : i32
      %dma_start3A_251 = tpu.memref_slice %arg8[%run_scoped3A_169, %dma_start3A_249, %dma_start3A_250] : memref<4x125x64xf32, #tpu.memory_space<vmem>> -> memref<1x120x64xf32, #tpu.memory_space<vmem>>
      %dma_start3A_252 = tpu.memref_squeeze %dma_start3A_251 : memref<1x120x64xf32, #tpu.memory_space<vmem>> -> memref<120x64xf32, #tpu.memory_space<vmem>>
      %dma_start3A_253 = arith.constant 0 : i32
      %dma_start3A_254 = tpu.memref_slice %arg10[%add3A_168, %dma_start3A_253] : memref<10240x64xf32, #tpu.memory_space<vmem_shared>> -> memref<120x64xf32, #tpu.memory_space<vmem_shared>>
      tpu.enqueue_dma source(%dma_start3A_254 : memref<120x64xf32, #tpu.memory_space<vmem_shared>>) target(%dma_start3A_252 : memref<120x64xf32, #tpu.memory_space<vmem>>) target_semaphore(%run_scoped3A_242 : memref<!tpu.dma_semaphore, #tpu.memory_space<semaphore_mem>>)
      %dma_wait3A_255 = arith.constant 0 : i32
      %dma_wait3A_256 = arith.constant 0 : i32
      %dma_wait3A_257 = tpu.memref_slice %arg8[%run_scoped3A_169, %dma_wait3A_255, %dma_wait3A_256] : memref<4x125x64xf32, #tpu.memory_space<vmem>> -> memref<1x120x64xf32, #tpu.memory_space<vmem>>
      %dma_wait3A_258 = tpu.memref_squeeze %dma_wait3A_257 : memref<1x120x64xf32, #tpu.memory_space<vmem>> -> memref<120x64xf32, #tpu.memory_space<vmem>>
      %dma_wait3A_259 = arith.constant 0 : i32
      %dma_wait3A_260 = tpu.memref_slice %arg10[%add3A_168, %dma_wait3A_259] : memref<10240x64xf32, #tpu.memory_space<vmem_shared>> -> memref<120x64xf32, #tpu.memory_space<vmem_shared>>
      %dma_wait3A_261 = arith.constant 0 : i32
      %dma_wait3A_262 = arith.constant 0 : i32
      %dma_wait3A_263 = tpu.memref_slice %arg8[%run_scoped3A_169, %dma_wait3A_261, %dma_wait3A_262] : memref<4x125x64xf32, #tpu.memory_space<vmem>> -> memref<1x120x64xf32, #tpu.memory_space<vmem>>
      %dma_wait3A_264 = tpu.memref_squeeze %dma_wait3A_263 : memref<1x120x64xf32, #tpu.memory_space<vmem>> -> memref<120x64xf32, #tpu.memory_space<vmem>>
      %dma_wait3A_265 = arith.constant 0 : i32
      %dma_wait3A_266 = tpu.memref_slice %arg10[%add3A_168, %dma_wait3A_265] : memref<10240x64xf32, #tpu.memory_space<vmem_shared>> -> memref<120x64xf32, #tpu.memory_space<vmem_shared>>
      tpu.wait_dma2 semaphore(%run_scoped3A_242 : memref<!tpu.dma_semaphore, #tpu.memory_space<semaphore_mem>>) src(%dma_wait3A_266 : memref<120x64xf32, #tpu.memory_space<vmem_shared>>) dst(%dma_wait3A_264 : memref<120x64xf32, #tpu.memory_space<vmem>>)
      tpu.yield
    }) : () -> ()
    %add3A_170 = arith.constant 240 : i32
    %add3A_171 = arith.addi %mul3A_129, %add3A_170 : i32
    %run_scoped3A_172 = arith.constant 1 : i32
    "tpu.region"() ({
      %run_scoped3A_242 = tpu.sem_alloc : memref<!tpu.dma_semaphore, #tpu.memory_space<semaphore_mem>>
      %dma_start3A_243 = arith.constant 0 : i32
      %dma_start3A_244 = arith.constant 0 : i32
      %dma_start3A_245 = tpu.memref_slice %arg8[%run_scoped3A_172, %dma_start3A_243, %dma_start3A_244] : memref<4x125x64xf32, #tpu.memory_space<vmem>> -> memref<1x120x64xf32, #tpu.memory_space<vmem>>
      %dma_start3A_246 = tpu.memref_squeeze %dma_start3A_245 : memref<1x120x64xf32, #tpu.memory_space<vmem>> -> memref<120x64xf32, #tpu.memory_space<vmem>>
      %dma_start3A_247 = arith.constant 0 : i32
      %dma_start3A_248 = tpu.memref_slice %arg2[%add3A_171, %dma_start3A_247] : memref<10240x64xf32, #tpu.memory_space<hbm>> -> memref<120x64xf32, #tpu.memory_space<hbm>>
      %dma_start3A_249 = arith.constant 0 : i32
      %dma_start3A_250 = arith.constant 0 : i32
      %dma_start3A_251 = tpu.memref_slice %arg8[%run_scoped3A_172, %dma_start3A_249, %dma_start3A_250] : memref<4x125x64xf32, #tpu.memory_space<vmem>> -> memref<1x120x64xf32, #tpu.memory_space<vmem>>
      %dma_start3A_252 = tpu.memref_squeeze %dma_start3A_251 : memref<1x120x64xf32, #tpu.memory_space<vmem>> -> memref<120x64xf32, #tpu.memory_space<vmem>>
      %dma_start3A_253 = arith.constant 0 : i32
      %dma_start3A_254 = tpu.memref_slice %arg2[%add3A_171, %dma_start3A_253] : memref<10240x64xf32, #tpu.memory_space<hbm>> -> memref<120x64xf32, #tpu.memory_space<hbm>>
      tpu.enqueue_dma source(%dma_start3A_254 : memref<120x64xf32, #tpu.memory_space<hbm>>) target(%dma_start3A_252 : memref<120x64xf32, #tpu.memory_space<vmem>>) target_semaphore(%run_scoped3A_242 : memref<!tpu.dma_semaphore, #tpu.memory_space<semaphore_mem>>)
      %dma_wait3A_255 = arith.constant 0 : i32
      %dma_wait3A_256 = arith.constant 0 : i32
      %dma_wait3A_257 = tpu.memref_slice %arg8[%run_scoped3A_172, %dma_wait3A_255, %dma_wait3A_256] : memref<4x125x64xf32, #tpu.memory_space<vmem>> -> memref<1x120x64xf32, #tpu.memory_space<vmem>>
      %dma_wait3A_258 = tpu.memref_squeeze %dma_wait3A_257 : memref<1x120x64xf32, #tpu.memory_space<vmem>> -> memref<120x64xf32, #tpu.memory_space<vmem>>
      %dma_wait3A_259 = arith.constant 0 : i32
      %dma_wait3A_260 = tpu.memref_slice %arg2[%add3A_171, %dma_wait3A_259] : memref<10240x64xf32, #tpu.memory_space<hbm>> -> memref<120x64xf32, #tpu.memory_space<hbm>>
      %dma_wait3A_261 = arith.constant 0 : i32
      %dma_wait3A_262 = arith.constant 0 : i32
      %dma_wait3A_263 = tpu.memref_slice %arg8[%run_scoped3A_172, %dma_wait3A_261, %dma_wait3A_262] : memref<4x125x64xf32, #tpu.memory_space<vmem>> -> memref<1x120x64xf32, #tpu.memory_space<vmem>>
      %dma_wait3A_264 = tpu.memref_squeeze %dma_wait3A_263 : memref<1x120x64xf32, #tpu.memory_space<vmem>> -> memref<120x64xf32, #tpu.memory_space<vmem>>
      %dma_wait3A_265 = arith.constant 0 : i32
      %dma_wait3A_266 = tpu.memref_slice %arg2[%add3A_171, %dma_wait3A_265] : memref<10240x64xf32, #tpu.memory_space<hbm>> -> memref<120x64xf32, #tpu.memory_space<hbm>>
      tpu.wait_dma2 semaphore(%run_scoped3A_242 : memref<!tpu.dma_semaphore, #tpu.memory_space<semaphore_mem>>) src(%dma_wait3A_266 : memref<120x64xf32, #tpu.memory_space<hbm>>) dst(%dma_wait3A_264 : memref<120x64xf32, #tpu.memory_space<vmem>>)
      tpu.yield
    }) : () -> ()
    %broadcast_in_dim3A_173 = arith.constant 0.000000e+00 : f32
    %broadcast_in_dim3A_174 = vector.broadcast %broadcast_in_dim3A_173 : f32 to vector<16xf32>
    %scan3A_175 = arith.constant 0 : i32
    %scan3A_176 = arith.constant 30 : i32
    %scan3A_177 = arith.addi %scan3A_175, %scan3A_176 : i32
    %scan3A_178 = arith.constant 1 : i32
    %scan3A_179:4 = scf.for %scan3A_242 = %scan3A_175 to %scan3A_177 step %scan3A_178 iter_args(%scan3A_243 = %broadcast_in_dim3A_174, %scan3A_244 = %broadcast_in_dim3A_174, %scan3A_245 = %broadcast_in_dim3A_174, %scan3A_246 = %broadcast_in_dim3A_174) -> (vector<16xf32>, vector<16xf32>, vector<16xf32>, vector<16xf32>)  : i32 {
      %mul3A_247 = arith.constant 4 : i32
      %mul3A_248 = arith.muli %mul3A_247, %scan3A_242 : i32
      %add3A_249 = arith.constant 0 : i32
      %add3A_250 = arith.addi %mul3A_248, %add3A_249 : i32
      %get3A = arith.constant 0 : i32
      %get3A_251 = arith.index_cast %get3A : i32 to index
      %get3A_252 = arith.index_cast %add3A_250 : i32 to index
      %get3A_253 = arith.constant 0 : index
      %get3A_254 = tpu.vector_load %arg8[%get3A_251, %get3A_252, %get3A_253] {strides = array<i32>} : memref<4x125x64xf32, #tpu.memory_space<vmem>>, vector<1x1x16xf32>,
      %get3A_255 = vector.shape_cast %get3A_254 : vector<1x1x16xf32> to vector<16xf32>
      %get3A_256 = arith.constant 1 : i32
      %get3A_257 = arith.index_cast %get3A_256 : i32 to index
      %get3A_258 = arith.index_cast %add3A_250 : i32 to index
      %get3A_259 = arith.constant 0 : index
      %get3A_260 = tpu.vector_load %arg8[%get3A_257, %get3A_258, %get3A_259] {strides = array<i32>} : memref<4x125x64xf32, #tpu.memory_space<vmem>>, vector<1x1x16xf32>,
      %get3A_261 = vector.shape_cast %get3A_260 : vector<1x1x16xf32> to vector<16xf32>
      %mul3A_262 = arith.mulf %get3A_255, %get3A_261 : vector<16xf32>
      %add3A_263 = arith.addf %scan3A_243, %mul3A_262 : vector<16xf32>
      %get3A_264 = arith.constant 0 : i32
      %get3A_265 = arith.index_cast %get3A_264 : i32 to index
      %get3A_266 = arith.index_cast %add3A_250 : i32 to index
      %get3A_267 = arith.constant 16 : index
      %get3A_268 = tpu.vector_load %arg8[%get3A_265, %get3A_266, %get3A_267] {strides = array<i32>} : memref<4x125x64xf32, #tpu.memory_space<vmem>>, vector<1x1x16xf32>,
      %get3A_269 = vector.shape_cast %get3A_268 : vector<1x1x16xf32> to vector<16xf32>
      %get3A_270 = arith.constant 1 : i32
      %get3A_271 = arith.index_cast %get3A_270 : i32 to index
      %get3A_272 = arith.index_cast %add3A_250 : i32 to index
      %get3A_273 = arith.constant 16 : index
      %get3A_274 = tpu.vector_load %arg8[%get3A_271, %get3A_272, %get3A_273] {strides = array<i32>} : memref<4x125x64xf32, #tpu.memory_space<vmem>>, vector<1x1x16xf32>,
      %get3A_275 = vector.shape_cast %get3A_274 : vector<1x1x16xf32> to vector<16xf32>
      %mul3A_276 = arith.mulf %get3A_269, %get3A_275 : vector<16xf32>
      %add3A_277 = arith.addf %scan3A_244, %mul3A_276 : vector<16xf32>
      %get3A_278 = arith.constant 0 : i32
      %get3A_279 = arith.index_cast %get3A_278 : i32 to index
      %get3A_280 = arith.index_cast %add3A_250 : i32 to index
      %get3A_281 = arith.constant 32 : index
      %get3A_282 = tpu.vector_load %arg8[%get3A_279, %get3A_280, %get3A_281] {strides = array<i32>} : memref<4x125x64xf32, #tpu.memory_space<vmem>>, vector<1x1x16xf32>,
      %get3A_283 = vector.shape_cast %get3A_282 : vector<1x1x16xf32> to vector<16xf32>
      %get3A_284 = arith.constant 1 : i32
      %get3A_285 = arith.index_cast %get3A_284 : i32 to index
      %get3A_286 = arith.index_cast %add3A_250 : i32 to index
      %get3A_287 = arith.constant 32 : index
      %get3A_288 = tpu.vector_load %arg8[%get3A_285, %get3A_286, %get3A_287] {strides = array<i32>} : memref<4x125x64xf32, #tpu.memory_space<vmem>>, vector<1x1x16xf32>,
      %get3A_289 = vector.shape_cast %get3A_288 : vector<1x1x16xf32> to vector<16xf32>
      %mul3A_290 = arith.mulf %get3A_283, %get3A_289 : vector<16xf32>
      %add3A_291 = arith.addf %scan3A_245, %mul3A_290 : vector<16xf32>
      %get3A_292 = arith.constant 0 : i32
      %get3A_293 = arith.index_cast %get3A_292 : i32 to index
      %get3A_294 = arith.index_cast %add3A_250 : i32 to index
      %get3A_295 = arith.constant 48 : index
      %get3A_296 = tpu.vector_load %arg8[%get3A_293, %get3A_294, %get3A_295] {strides = array<i32>} : memref<4x125x64xf32, #tpu.memory_space<vmem>>, vector<1x1x16xf32>,
      %get3A_297 = vector.shape_cast %get3A_296 : vector<1x1x16xf32> to vector<16xf32>
      %get3A_298 = arith.constant 1 : i32
      %get3A_299 = arith.index_cast %get3A_298 : i32 to index
      %get3A_300 = arith.index_cast %add3A_250 : i32 to index
      %get3A_301 = arith.constant 48 : index
      %get3A_302 = tpu.vector_load %arg8[%get3A_299, %get3A_300, %get3A_301] {strides = array<i32>} : memref<4x125x64xf32, #tpu.memory_space<vmem>>, vector<1x1x16xf32>,
      %get3A_303 = vector.shape_cast %get3A_302 : vector<1x1x16xf32> to vector<16xf32>
      %mul3A_304 = arith.mulf %get3A_297, %get3A_303 : vector<16xf32>
      %add3A_305 = arith.addf %scan3A_246, %mul3A_304 : vector<16xf32>
      %mul3A_306 = arith.constant 4 : i32
      %mul3A_307 = arith.muli %mul3A_306, %scan3A_242 : i32
      %add3A_308 = arith.constant 1 : i32
      %add3A_309 = arith.addi %mul3A_307, %add3A_308 : i32
      %get3A_310 = arith.constant 0 : i32
      %get3A_311 = arith.index_cast %get3A_310 : i32 to index
      %get3A_312 = arith.index_cast %add3A_309 : i32 to index
      %get3A_313 = arith.constant 0 : index
      %get3A_314 = tpu.vector_load %arg8[%get3A_311, %get3A_312, %get3A_313] {strides = array<i32>} : memref<4x125x64xf32, #tpu.memory_space<vmem>>, vector<1x1x16xf32>,
      %get3A_315 = vector.shape_cast %get3A_314 : vector<1x1x16xf32> to vector<16xf32>
      %get3A_316 = arith.constant 1 : i32
      %get3A_317 = arith.index_cast %get3A_316 : i32 to index
      %get3A_318 = arith.index_cast %add3A_309 : i32 to index
      %get3A_319 = arith.constant 0 : index
      %get3A_320 = tpu.vector_load %arg8[%get3A_317, %get3A_318, %get3A_319] {strides = array<i32>} : memref<4x125x64xf32, #tpu.memory_space<vmem>>, vector<1x1x16xf32>,
      %get3A_321 = vector.shape_cast %get3A_320 : vector<1x1x16xf32> to vector<16xf32>
      %mul3A_322 = arith.mulf %get3A_315, %get3A_321 : vector<16xf32>
      %add3A_323 = arith.addf %add3A_263, %mul3A_322 : vector<16xf32>
      %get3A_324 = arith.constant 0 : i32
      %get3A_325 = arith.index_cast %get3A_324 : i32 to index
      %get3A_326 = arith.index_cast %add3A_309 : i32 to index
      %get3A_327 = arith.constant 16 : index
      %get3A_328 = tpu.vector_load %arg8[%get3A_325, %get3A_326, %get3A_327] {strides = array<i32>} : memref<4x125x64xf32, #tpu.memory_space<vmem>>, vector<1x1x16xf32>,
      %get3A_329 = vector.shape_cast %get3A_328 : vector<1x1x16xf32> to vector<16xf32>
      %get3A_330 = arith.constant 1 : i32
      %get3A_331 = arith.index_cast %get3A_330 : i32 to index
      %get3A_332 = arith.index_cast %add3A_309 : i32 to index
      %get3A_333 = arith.constant 16 : index
      %get3A_334 = tpu.vector_load %arg8[%get3A_331, %get3A_332, %get3A_333] {strides = array<i32>} : memref<4x125x64xf32, #tpu.memory_space<vmem>>, vector<1x1x16xf32>,
      %get3A_335 = vector.shape_cast %get3A_334 : vector<1x1x16xf32> to vector<16xf32>
      %mul3A_336 = arith.mulf %get3A_329, %get3A_335 : vector<16xf32>
      %add3A_337 = arith.addf %add3A_277, %mul3A_336 : vector<16xf32>
      %get3A_338 = arith.constant 0 : i32
      %get3A_339 = arith.index_cast %get3A_338 : i32 to index
      %get3A_340 = arith.index_cast %add3A_309 : i32 to index
      %get3A_341 = arith.constant 32 : index
      %get3A_342 = tpu.vector_load %arg8[%get3A_339, %get3A_340, %get3A_341] {strides = array<i32>} : memref<4x125x64xf32, #tpu.memory_space<vmem>>, vector<1x1x16xf32>,
      %get3A_343 = vector.shape_cast %get3A_342 : vector<1x1x16xf32> to vector<16xf32>
      %get3A_344 = arith.constant 1 : i32
      %get3A_345 = arith.index_cast %get3A_344 : i32 to index
      %get3A_346 = arith.index_cast %add3A_309 : i32 to index
      %get3A_347 = arith.constant 32 : index
      %get3A_348 = tpu.vector_load %arg8[%get3A_345, %get3A_346, %get3A_347] {strides = array<i32>} : memref<4x125x64xf32, #tpu.memory_space<vmem>>, vector<1x1x16xf32>,
      %get3A_349 = vector.shape_cast %get3A_348 : vector<1x1x16xf32> to vector<16xf32>
      %mul3A_350 = arith.mulf %get3A_343, %get3A_349 : vector<16xf32>
      %add3A_351 = arith.addf %add3A_291, %mul3A_350 : vector<16xf32>
      %get3A_352 = arith.constant 0 : i32
      %get3A_353 = arith.index_cast %get3A_352 : i32 to index
      %get3A_354 = arith.index_cast %add3A_309 : i32 to index
      %get3A_355 = arith.constant 48 : index
      %get3A_356 = tpu.vector_load %arg8[%get3A_353, %get3A_354, %get3A_355] {strides = array<i32>} : memref<4x125x64xf32, #tpu.memory_space<vmem>>, vector<1x1x16xf32>,
      %get3A_357 = vector.shape_cast %get3A_356 : vector<1x1x16xf32> to vector<16xf32>
      %get3A_358 = arith.constant 1 : i32
      %get3A_359 = arith.index_cast %get3A_358 : i32 to index
      %get3A_360 = arith.index_cast %add3A_309 : i32 to index
      %get3A_361 = arith.constant 48 : index
      %get3A_362 = tpu.vector_load %arg8[%get3A_359, %get3A_360, %get3A_361] {strides = array<i32>} : memref<4x125x64xf32, #tpu.memory_space<vmem>>, vector<1x1x16xf32>,
      %get3A_363 = vector.shape_cast %get3A_362 : vector<1x1x16xf32> to vector<16xf32>
      %mul3A_364 = arith.mulf %get3A_357, %get3A_363 : vector<16xf32>
      %add3A_365 = arith.addf %add3A_305, %mul3A_364 : vector<16xf32>
      %mul3A_366 = arith.constant 4 : i32
      %mul3A_367 = arith.muli %mul3A_366, %scan3A_242 : i32
      %add3A_368 = arith.constant 2 : i32
      %add3A_369 = arith.addi %mul3A_367, %add3A_368 : i32
      %get3A_370 = arith.constant 0 : i32
      %get3A_371 = arith.index_cast %get3A_370 : i32 to index
      %get3A_372 = arith.index_cast %add3A_369 : i32 to index
      %get3A_373 = arith.constant 0 : index
      %get3A_374 = tpu.vector_load %arg8[%get3A_371, %get3A_372, %get3A_373] {strides = array<i32>} : memref<4x125x64xf32, #tpu.memory_space<vmem>>, vector<1x1x16xf32>,
      %get3A_375 = vector.shape_cast %get3A_374 : vector<1x1x16xf32> to vector<16xf32>
      %get3A_376 = arith.constant 1 : i32
      %get3A_377 = arith.index_cast %get3A_376 : i32 to index
      %get3A_378 = arith.index_cast %add3A_369 : i32 to index
      %get3A_379 = arith.constant 0 : index
      %get3A_380 = tpu.vector_load %arg8[%get3A_377, %get3A_378, %get3A_379] {strides = array<i32>} : memref<4x125x64xf32, #tpu.memory_space<vmem>>, vector<1x1x16xf32>,
      %get3A_381 = vector.shape_cast %get3A_380 : vector<1x1x16xf32> to vector<16xf32>
      %mul3A_382 = arith.mulf %get3A_375, %get3A_381 : vector<16xf32>
      %add3A_383 = arith.addf %add3A_323, %mul3A_382 : vector<16xf32>
      %get3A_384 = arith.constant 0 : i32
      %get3A_385 = arith.index_cast %get3A_384 : i32 to index
      %get3A_386 = arith.index_cast %add3A_369 : i32 to index
      %get3A_387 = arith.constant 16 : index
      %get3A_388 = tpu.vector_load %arg8[%get3A_385, %get3A_386, %get3A_387] {strides = array<i32>} : memref<4x125x64xf32, #tpu.memory_space<vmem>>, vector<1x1x16xf32>,
      %get3A_389 = vector.shape_cast %get3A_388 : vector<1x1x16xf32> to vector<16xf32>
      %get3A_390 = arith.constant 1 : i32
      %get3A_391 = arith.index_cast %get3A_390 : i32 to index
      %get3A_392 = arith.index_cast %add3A_369 : i32 to index
      %get3A_393 = arith.constant 16 : index
      %get3A_394 = tpu.vector_load %arg8[%get3A_391, %get3A_392, %get3A_393] {strides = array<i32>} : memref<4x125x64xf32, #tpu.memory_space<vmem>>, vector<1x1x16xf32>,
      %get3A_395 = vector.shape_cast %get3A_394 : vector<1x1x16xf32> to vector<16xf32>
      %mul3A_396 = arith.mulf %get3A_389, %get3A_395 : vector<16xf32>
      %add3A_397 = arith.addf %add3A_337, %mul3A_396 : vector<16xf32>
      %get3A_398 = arith.constant 0 : i32
      %get3A_399 = arith.index_cast %get3A_398 : i32 to index
      %get3A_400 = arith.index_cast %add3A_369 : i32 to index
      %get3A_401 = arith.constant 32 : index
      %get3A_402 = tpu.vector_load %arg8[%get3A_399, %get3A_400, %get3A_401] {strides = array<i32>} : memref<4x125x64xf32, #tpu.memory_space<vmem>>, vector<1x1x16xf32>,
      %get3A_403 = vector.shape_cast %get3A_402 : vector<1x1x16xf32> to vector<16xf32>
      %get3A_404 = arith.constant 1 : i32
      %get3A_405 = arith.index_cast %get3A_404 : i32 to index
      %get3A_406 = arith.index_cast %add3A_369 : i32 to index
      %get3A_407 = arith.constant 32 : index
      %get3A_408 = tpu.vector_load %arg8[%get3A_405, %get3A_406, %get3A_407] {strides = array<i32>} : memref<4x125x64xf32, #tpu.memory_space<vmem>>, vector<1x1x16xf32>,
      %get3A_409 = vector.shape_cast %get3A_408 : vector<1x1x16xf32> to vector<16xf32>
      %mul3A_410 = arith.mulf %get3A_403, %get3A_409 : vector<16xf32>
      %add3A_411 = arith.addf %add3A_351, %mul3A_410 : vector<16xf32>
      %get3A_412 = arith.constant 0 : i32
      %get3A_413 = arith.index_cast %get3A_412 : i32 to index
      %get3A_414 = arith.index_cast %add3A_369 : i32 to index
      %get3A_415 = arith.constant 48 : index
      %get3A_416 = tpu.vector_load %arg8[%get3A_413, %get3A_414, %get3A_415] {strides = array<i32>} : memref<4x125x64xf32, #tpu.memory_space<vmem>>, vector<1x1x16xf32>,
      %get3A_417 = vector.shape_cast %get3A_416 : vector<1x1x16xf32> to vector<16xf32>
      %get3A_418 = arith.constant 1 : i32
      %get3A_419 = arith.index_cast %get3A_418 : i32 to index
      %get3A_420 = arith.index_cast %add3A_369 : i32 to index
      %get3A_421 = arith.constant 48 : index
      %get3A_422 = tpu.vector_load %arg8[%get3A_419, %get3A_420, %get3A_421] {strides = array<i32>} : memref<4x125x64xf32, #tpu.memory_space<vmem>>, vector<1x1x16xf32>,
      %get3A_423 = vector.shape_cast %get3A_422 : vector<1x1x16xf32> to vector<16xf32>
      %mul3A_424 = arith.mulf %get3A_417, %get3A_423 : vector<16xf32>
      %add3A_425 = arith.addf %add3A_365, %mul3A_424 : vector<16xf32>
      %mul3A_426 = arith.constant 4 : i32
      %mul3A_427 = arith.muli %mul3A_426, %scan3A_242 : i32
      %add3A_428 = arith.constant 3 : i32
      %add3A_429 = arith.addi %mul3A_427, %add3A_428 : i32
      %get3A_430 = arith.constant 0 : i32
      %get3A_431 = arith.index_cast %get3A_430 : i32 to index
      %get3A_432 = arith.index_cast %add3A_429 : i32 to index
      %get3A_433 = arith.constant 0 : index
      %get3A_434 = tpu.vector_load %arg8[%get3A_431, %get3A_432, %get3A_433] {strides = array<i32>} : memref<4x125x64xf32, #tpu.memory_space<vmem>>, vector<1x1x16xf32>,
      %get3A_435 = vector.shape_cast %get3A_434 : vector<1x1x16xf32> to vector<16xf32>
      %get3A_436 = arith.constant 1 : i32
      %get3A_437 = arith.index_cast %get3A_436 : i32 to index
      %get3A_438 = arith.index_cast %add3A_429 : i32 to index
      %get3A_439 = arith.constant 0 : index
      %get3A_440 = tpu.vector_load %arg8[%get3A_437, %get3A_438, %get3A_439] {strides = array<i32>} : memref<4x125x64xf32, #tpu.memory_space<vmem>>, vector<1x1x16xf32>,
      %get3A_441 = vector.shape_cast %get3A_440 : vector<1x1x16xf32> to vector<16xf32>
      %mul3A_442 = arith.mulf %get3A_435, %get3A_441 : vector<16xf32>
      %add3A_443 = arith.addf %add3A_383, %mul3A_442 : vector<16xf32>
      %get3A_444 = arith.constant 0 : i32
      %get3A_445 = arith.index_cast %get3A_444 : i32 to index
      %get3A_446 = arith.index_cast %add3A_429 : i32 to index
      %get3A_447 = arith.constant 16 : index
      %get3A_448 = tpu.vector_load %arg8[%get3A_445, %get3A_446, %get3A_447] {strides = array<i32>} : memref<4x125x64xf32, #tpu.memory_space<vmem>>, vector<1x1x16xf32>,
      %get3A_449 = vector.shape_cast %get3A_448 : vector<1x1x16xf32> to vector<16xf32>
      %get3A_450 = arith.constant 1 : i32
      %get3A_451 = arith.index_cast %get3A_450 : i32 to index
      %get3A_452 = arith.index_cast %add3A_429 : i32 to index
      %get3A_453 = arith.constant 16 : index
      %get3A_454 = tpu.vector_load %arg8[%get3A_451, %get3A_452, %get3A_453] {strides = array<i32>} : memref<4x125x64xf32, #tpu.memory_space<vmem>>, vector<1x1x16xf32>,
      %get3A_455 = vector.shape_cast %get3A_454 : vector<1x1x16xf32> to vector<16xf32>
      %mul3A_456 = arith.mulf %get3A_449, %get3A_455 : vector<16xf32>
      %add3A_457 = arith.addf %add3A_397, %mul3A_456 : vector<16xf32>
      %get3A_458 = arith.constant 0 : i32
      %get3A_459 = arith.index_cast %get3A_458 : i32 to index
      %get3A_460 = arith.index_cast %add3A_429 : i32 to index
      %get3A_461 = arith.constant 32 : index
      %get3A_462 = tpu.vector_load %arg8[%get3A_459, %get3A_460, %get3A_461] {strides = array<i32>} : memref<4x125x64xf32, #tpu.memory_space<vmem>>, vector<1x1x16xf32>,
      %get3A_463 = vector.shape_cast %get3A_462 : vector<1x1x16xf32> to vector<16xf32>
      %get3A_464 = arith.constant 1 : i32
      %get3A_465 = arith.index_cast %get3A_464 : i32 to index
      %get3A_466 = arith.index_cast %add3A_429 : i32 to index
      %get3A_467 = arith.constant 32 : index
      %get3A_468 = tpu.vector_load %arg8[%get3A_465, %get3A_466, %get3A_467] {strides = array<i32>} : memref<4x125x64xf32, #tpu.memory_space<vmem>>, vector<1x1x16xf32>,
      %get3A_469 = vector.shape_cast %get3A_468 : vector<1x1x16xf32> to vector<16xf32>
      %mul3A_470 = arith.mulf %get3A_463, %get3A_469 : vector<16xf32>
      %add3A_471 = arith.addf %add3A_411, %mul3A_470 : vector<16xf32>
      %get3A_472 = arith.constant 0 : i32
      %get3A_473 = arith.index_cast %get3A_472 : i32 to index
      %get3A_474 = arith.index_cast %add3A_429 : i32 to index
      %get3A_475 = arith.constant 48 : index
      %get3A_476 = tpu.vector_load %arg8[%get3A_473, %get3A_474, %get3A_475] {strides = array<i32>} : memref<4x125x64xf32, #tpu.memory_space<vmem>>, vector<1x1x16xf32>,
      %get3A_477 = vector.shape_cast %get3A_476 : vector<1x1x16xf32> to vector<16xf32>
      %get3A_478 = arith.constant 1 : i32
      %get3A_479 = arith.index_cast %get3A_478 : i32 to index
      %get3A_480 = arith.index_cast %add3A_429 : i32 to index
      %get3A_481 = arith.constant 48 : index
      %get3A_482 = tpu.vector_load %arg8[%get3A_479, %get3A_480, %get3A_481] {strides = array<i32>} : memref<4x125x64xf32, #tpu.memory_space<vmem>>, vector<1x1x16xf32>,
      %get3A_483 = vector.shape_cast %get3A_482 : vector<1x1x16xf32> to vector<16xf32>
      %mul3A_484 = arith.mulf %get3A_477, %get3A_483 : vector<16xf32>
      %add3A_485 = arith.addf %add3A_425, %mul3A_484 : vector<16xf32>
      scf.yield %add3A_443, %add3A_457, %add3A_471, %add3A_485 : vector<16xf32>, vector<16xf32>, vector<16xf32>, vector<16xf32>
    }
    %scan3A_180 = arith.constant 30 : i32
    %add3A_181 = arith.addf %add3A_166, %scan3A_179#0 : vector<16xf32>
    %add3A_182 = arith.addf %add3A_181, %scan3A_179#1 : vector<16xf32>
    %add3A_183 = arith.addf %add3A_182, %scan3A_179#2 : vector<16xf32>
    %add3A_184 = arith.addf %add3A_183, %scan3A_179#3 : vector<16xf32>
    %add3A_185 = arith.constant 360 : i32
    %add3A_186 = arith.addi %mul3A_129, %add3A_185 : i32
    %run_scoped3A_187 = arith.constant 0 : i32
    "tpu.region"() ({
      %run_scoped3A_242 = tpu.sem_alloc : memref<!tpu.dma_semaphore, #tpu.memory_space<semaphore_mem>>
      %dma_start3A_243 = arith.constant 0 : i32
      %dma_start3A_244 = arith.constant 0 : i32
      %dma_start3A_245 = tpu.memref_slice %arg8[%run_scoped3A_187, %dma_start3A_243, %dma_start3A_244] : memref<4x125x64xf32, #tpu.memory_space<vmem>> -> memref<1x120x64xf32, #tpu.memory_space<vmem>>
      %dma_start3A_246 = tpu.memref_squeeze %dma_start3A_245 : memref<1x120x64xf32, #tpu.memory_space<vmem>> -> memref<120x64xf32, #tpu.memory_space<vmem>>
      %dma_start3A_247 = arith.constant 0 : i32
      %dma_start3A_248 = tpu.memref_slice %arg10[%add3A_186, %dma_start3A_247] : memref<10240x64xf32, #tpu.memory_space<vmem_shared>> -> memref<120x64xf32, #tpu.memory_space<vmem_shared>>
      %dma_start3A_249 = arith.constant 0 : i32
      %dma_start3A_250 = arith.constant 0 : i32
      %dma_start3A_251 = tpu.memref_slice %arg8[%run_scoped3A_187, %dma_start3A_249, %dma_start3A_250] : memref<4x125x64xf32, #tpu.memory_space<vmem>> -> memref<1x120x64xf32, #tpu.memory_space<vmem>>
      %dma_start3A_252 = tpu.memref_squeeze %dma_start3A_251 : memref<1x120x64xf32, #tpu.memory_space<vmem>> -> memref<120x64xf32, #tpu.memory_space<vmem>>
      %dma_start3A_253 = arith.constant 0 : i32
      %dma_start3A_254 = tpu.memref_slice %arg10[%add3A_186, %dma_start3A_253] : memref<10240x64xf32, #tpu.memory_space<vmem_shared>> -> memref<120x64xf32, #tpu.memory_space<vmem_shared>>
      tpu.enqueue_dma source(%dma_start3A_254 : memref<120x64xf32, #tpu.memory_space<vmem_shared>>) target(%dma_start3A_252 : memref<120x64xf32, #tpu.memory_space<vmem>>) target_semaphore(%run_scoped3A_242 : memref<!tpu.dma_semaphore, #tpu.memory_space<semaphore_mem>>)
      %dma_wait3A_255 = arith.constant 0 : i32
      %dma_wait3A_256 = arith.constant 0 : i32
      %dma_wait3A_257 = tpu.memref_slice %arg8[%run_scoped3A_187, %dma_wait3A_255, %dma_wait3A_256] : memref<4x125x64xf32, #tpu.memory_space<vmem>> -> memref<1x120x64xf32, #tpu.memory_space<vmem>>
      %dma_wait3A_258 = tpu.memref_squeeze %dma_wait3A_257 : memref<1x120x64xf32, #tpu.memory_space<vmem>> -> memref<120x64xf32, #tpu.memory_space<vmem>>
      %dma_wait3A_259 = arith.constant 0 : i32
      %dma_wait3A_260 = tpu.memref_slice %arg10[%add3A_186, %dma_wait3A_259] : memref<10240x64xf32, #tpu.memory_space<vmem_shared>> -> memref<120x64xf32, #tpu.memory_space<vmem_shared>>
      %dma_wait3A_261 = arith.constant 0 : i32
      %dma_wait3A_262 = arith.constant 0 : i32
      %dma_wait3A_263 = tpu.memref_slice %arg8[%run_scoped3A_187, %dma_wait3A_261, %dma_wait3A_262] : memref<4x125x64xf32, #tpu.memory_space<vmem>> -> memref<1x120x64xf32, #tpu.memory_space<vmem>>
      %dma_wait3A_264 = tpu.memref_squeeze %dma_wait3A_263 : memref<1x120x64xf32, #tpu.memory_space<vmem>> -> memref<120x64xf32, #tpu.memory_space<vmem>>
      %dma_wait3A_265 = arith.constant 0 : i32
      %dma_wait3A_266 = tpu.memref_slice %arg10[%add3A_186, %dma_wait3A_265] : memref<10240x64xf32, #tpu.memory_space<vmem_shared>> -> memref<120x64xf32, #tpu.memory_space<vmem_shared>>
      tpu.wait_dma2 semaphore(%run_scoped3A_242 : memref<!tpu.dma_semaphore, #tpu.memory_space<semaphore_mem>>) src(%dma_wait3A_266 : memref<120x64xf32, #tpu.memory_space<vmem_shared>>) dst(%dma_wait3A_264 : memref<120x64xf32, #tpu.memory_space<vmem>>)
      tpu.yield
    }) : () -> ()
    %add3A_188 = arith.constant 360 : i32
    %add3A_189 = arith.addi %mul3A_129, %add3A_188 : i32
    %run_scoped3A_190 = arith.constant 1 : i32
    "tpu.region"() ({
      %run_scoped3A_242 = tpu.sem_alloc : memref<!tpu.dma_semaphore, #tpu.memory_space<semaphore_mem>>
      %dma_start3A_243 = arith.constant 0 : i32
      %dma_start3A_244 = arith.constant 0 : i32
      %dma_start3A_245 = tpu.memref_slice %arg8[%run_scoped3A_190, %dma_start3A_243, %dma_start3A_244] : memref<4x125x64xf32, #tpu.memory_space<vmem>> -> memref<1x120x64xf32, #tpu.memory_space<vmem>>
      %dma_start3A_246 = tpu.memref_squeeze %dma_start3A_245 : memref<1x120x64xf32, #tpu.memory_space<vmem>> -> memref<120x64xf32, #tpu.memory_space<vmem>>
      %dma_start3A_247 = arith.constant 0 : i32
      %dma_start3A_248 = tpu.memref_slice %arg2[%add3A_189, %dma_start3A_247] : memref<10240x64xf32, #tpu.memory_space<hbm>> -> memref<120x64xf32, #tpu.memory_space<hbm>>
      %dma_start3A_249 = arith.constant 0 : i32
      %dma_start3A_250 = arith.constant 0 : i32
      %dma_start3A_251 = tpu.memref_slice %arg8[%run_scoped3A_190, %dma_start3A_249, %dma_start3A_250] : memref<4x125x64xf32, #tpu.memory_space<vmem>> -> memref<1x120x64xf32, #tpu.memory_space<vmem>>
      %dma_start3A_252 = tpu.memref_squeeze %dma_start3A_251 : memref<1x120x64xf32, #tpu.memory_space<vmem>> -> memref<120x64xf32, #tpu.memory_space<vmem>>
      %dma_start3A_253 = arith.constant 0 : i32
      %dma_start3A_254 = tpu.memref_slice %arg2[%add3A_189, %dma_start3A_253] : memref<10240x64xf32, #tpu.memory_space<hbm>> -> memref<120x64xf32, #tpu.memory_space<hbm>>
      tpu.enqueue_dma source(%dma_start3A_254 : memref<120x64xf32, #tpu.memory_space<hbm>>) target(%dma_start3A_252 : memref<120x64xf32, #tpu.memory_space<vmem>>) target_semaphore(%run_scoped3A_242 : memref<!tpu.dma_semaphore, #tpu.memory_space<semaphore_mem>>)
      %dma_wait3A_255 = arith.constant 0 : i32
      %dma_wait3A_256 = arith.constant 0 : i32
      %dma_wait3A_257 = tpu.memref_slice %arg8[%run_scoped3A_190, %dma_wait3A_255, %dma_wait3A_256] : memref<4x125x64xf32, #tpu.memory_space<vmem>> -> memref<1x120x64xf32, #tpu.memory_space<vmem>>
      %dma_wait3A_258 = tpu.memref_squeeze %dma_wait3A_257 : memref<1x120x64xf32, #tpu.memory_space<vmem>> -> memref<120x64xf32, #tpu.memory_space<vmem>>
      %dma_wait3A_259 = arith.constant 0 : i32
      %dma_wait3A_260 = tpu.memref_slice %arg2[%add3A_189, %dma_wait3A_259] : memref<10240x64xf32, #tpu.memory_space<hbm>> -> memref<120x64xf32, #tpu.memory_space<hbm>>
      %dma_wait3A_261 = arith.constant 0 : i32
      %dma_wait3A_262 = arith.constant 0 : i32
      %dma_wait3A_263 = tpu.memref_slice %arg8[%run_scoped3A_190, %dma_wait3A_261, %dma_wait3A_262] : memref<4x125x64xf32, #tpu.memory_space<vmem>> -> memref<1x120x64xf32, #tpu.memory_space<vmem>>
      %dma_wait3A_264 = tpu.memref_squeeze %dma_wait3A_263 : memref<1x120x64xf32, #tpu.memory_space<vmem>> -> memref<120x64xf32, #tpu.memory_space<vmem>>
      %dma_wait3A_265 = arith.constant 0 : i32
      %dma_wait3A_266 = tpu.memref_slice %arg2[%add3A_189, %dma_wait3A_265] : memref<10240x64xf32, #tpu.memory_space<hbm>> -> memref<120x64xf32, #tpu.memory_space<hbm>>
      tpu.wait_dma2 semaphore(%run_scoped3A_242 : memref<!tpu.dma_semaphore, #tpu.memory_space<semaphore_mem>>) src(%dma_wait3A_266 : memref<120x64xf32, #tpu.memory_space<hbm>>) dst(%dma_wait3A_264 : memref<120x64xf32, #tpu.memory_space<vmem>>)
      tpu.yield
    }) : () -> ()
    %broadcast_in_dim3A_191 = arith.constant 0.000000e+00 : f32
    %broadcast_in_dim3A_192 = vector.broadcast %broadcast_in_dim3A_191 : f32 to vector<16xf32>
    %scan3A_193 = arith.constant 0 : i32
    %scan3A_194 = arith.constant 30 : i32
    %scan3A_195 = arith.addi %scan3A_193, %scan3A_194 : i32
    %scan3A_196 = arith.constant 1 : i32
    %scan3A_197:4 = scf.for %scan3A_242 = %scan3A_193 to %scan3A_195 step %scan3A_196 iter_args(%scan3A_243 = %broadcast_in_dim3A_192, %scan3A_244 = %broadcast_in_dim3A_192, %scan3A_245 = %broadcast_in_dim3A_192, %scan3A_246 = %broadcast_in_dim3A_192) -> (vector<16xf32>, vector<16xf32>, vector<16xf32>, vector<16xf32>)  : i32 {
      %mul3A_247 = arith.constant 4 : i32
      %mul3A_248 = arith.muli %mul3A_247, %scan3A_242 : i32
      %add3A_249 = arith.constant 0 : i32
      %add3A_250 = arith.addi %mul3A_248, %add3A_249 : i32
      %get3A = arith.constant 0 : i32
      %get3A_251 = arith.index_cast %get3A : i32 to index
      %get3A_252 = arith.index_cast %add3A_250 : i32 to index
      %get3A_253 = arith.constant 0 : index
      %get3A_254 = tpu.vector_load %arg8[%get3A_251, %get3A_252, %get3A_253] {strides = array<i32>} : memref<4x125x64xf32, #tpu.memory_space<vmem>>, vector<1x1x16xf32>,
      %get3A_255 = vector.shape_cast %get3A_254 : vector<1x1x16xf32> to vector<16xf32>
      %get3A_256 = arith.constant 1 : i32
      %get3A_257 = arith.index_cast %get3A_256 : i32 to index
      %get3A_258 = arith.index_cast %add3A_250 : i32 to index
      %get3A_259 = arith.constant 0 : index
      %get3A_260 = tpu.vector_load %arg8[%get3A_257, %get3A_258, %get3A_259] {strides = array<i32>} : memref<4x125x64xf32, #tpu.memory_space<vmem>>, vector<1x1x16xf32>,
      %get3A_261 = vector.shape_cast %get3A_260 : vector<1x1x16xf32> to vector<16xf32>
      %mul3A_262 = arith.mulf %get3A_255, %get3A_261 : vector<16xf32>
      %add3A_263 = arith.addf %scan3A_243, %mul3A_262 : vector<16xf32>
      %get3A_264 = arith.constant 0 : i32
      %get3A_265 = arith.index_cast %get3A_264 : i32 to index
      %get3A_266 = arith.index_cast %add3A_250 : i32 to index
      %get3A_267 = arith.constant 16 : index
      %get3A_268 = tpu.vector_load %arg8[%get3A_265, %get3A_266, %get3A_267] {strides = array<i32>} : memref<4x125x64xf32, #tpu.memory_space<vmem>>, vector<1x1x16xf32>,
      %get3A_269 = vector.shape_cast %get3A_268 : vector<1x1x16xf32> to vector<16xf32>
      %get3A_270 = arith.constant 1 : i32
      %get3A_271 = arith.index_cast %get3A_270 : i32 to index
      %get3A_272 = arith.index_cast %add3A_250 : i32 to index
      %get3A_273 = arith.constant 16 : index
      %get3A_274 = tpu.vector_load %arg8[%get3A_271, %get3A_272, %get3A_273] {strides = array<i32>} : memref<4x125x64xf32, #tpu.memory_space<vmem>>, vector<1x1x16xf32>,
      %get3A_275 = vector.shape_cast %get3A_274 : vector<1x1x16xf32> to vector<16xf32>
      %mul3A_276 = arith.mulf %get3A_269, %get3A_275 : vector<16xf32>
      %add3A_277 = arith.addf %scan3A_244, %mul3A_276 : vector<16xf32>
      %get3A_278 = arith.constant 0 : i32
      %get3A_279 = arith.index_cast %get3A_278 : i32 to index
      %get3A_280 = arith.index_cast %add3A_250 : i32 to index
      %get3A_281 = arith.constant 32 : index
      %get3A_282 = tpu.vector_load %arg8[%get3A_279, %get3A_280, %get3A_281] {strides = array<i32>} : memref<4x125x64xf32, #tpu.memory_space<vmem>>, vector<1x1x16xf32>,
      %get3A_283 = vector.shape_cast %get3A_282 : vector<1x1x16xf32> to vector<16xf32>
      %get3A_284 = arith.constant 1 : i32
      %get3A_285 = arith.index_cast %get3A_284 : i32 to index
      %get3A_286 = arith.index_cast %add3A_250 : i32 to index
      %get3A_287 = arith.constant 32 : index
      %get3A_288 = tpu.vector_load %arg8[%get3A_285, %get3A_286, %get3A_287] {strides = array<i32>} : memref<4x125x64xf32, #tpu.memory_space<vmem>>, vector<1x1x16xf32>,
      %get3A_289 = vector.shape_cast %get3A_288 : vector<1x1x16xf32> to vector<16xf32>
      %mul3A_290 = arith.mulf %get3A_283, %get3A_289 : vector<16xf32>
      %add3A_291 = arith.addf %scan3A_245, %mul3A_290 : vector<16xf32>
      %get3A_292 = arith.constant 0 : i32
      %get3A_293 = arith.index_cast %get3A_292 : i32 to index
      %get3A_294 = arith.index_cast %add3A_250 : i32 to index
      %get3A_295 = arith.constant 48 : index
      %get3A_296 = tpu.vector_load %arg8[%get3A_293, %get3A_294, %get3A_295] {strides = array<i32>} : memref<4x125x64xf32, #tpu.memory_space<vmem>>, vector<1x1x16xf32>,
      %get3A_297 = vector.shape_cast %get3A_296 : vector<1x1x16xf32> to vector<16xf32>
      %get3A_298 = arith.constant 1 : i32
      %get3A_299 = arith.index_cast %get3A_298 : i32 to index
      %get3A_300 = arith.index_cast %add3A_250 : i32 to index
      %get3A_301 = arith.constant 48 : index
      %get3A_302 = tpu.vector_load %arg8[%get3A_299, %get3A_300, %get3A_301] {strides = array<i32>} : memref<4x125x64xf32, #tpu.memory_space<vmem>>, vector<1x1x16xf32>,
      %get3A_303 = vector.shape_cast %get3A_302 : vector<1x1x16xf32> to vector<16xf32>
      %mul3A_304 = arith.mulf %get3A_297, %get3A_303 : vector<16xf32>
      %add3A_305 = arith.addf %scan3A_246, %mul3A_304 : vector<16xf32>
      %mul3A_306 = arith.constant 4 : i32
      %mul3A_307 = arith.muli %mul3A_306, %scan3A_242 : i32
      %add3A_308 = arith.constant 1 : i32
      %add3A_309 = arith.addi %mul3A_307, %add3A_308 : i32
      %get3A_310 = arith.constant 0 : i32
      %get3A_311 = arith.index_cast %get3A_310 : i32 to index
      %get3A_312 = arith.index_cast %add3A_309 : i32 to index
      %get3A_313 = arith.constant 0 : index
      %get3A_314 = tpu.vector_load %arg8[%get3A_311, %get3A_312, %get3A_313] {strides = array<i32>} : memref<4x125x64xf32, #tpu.memory_space<vmem>>, vector<1x1x16xf32>,
      %get3A_315 = vector.shape_cast %get3A_314 : vector<1x1x16xf32> to vector<16xf32>
      %get3A_316 = arith.constant 1 : i32
      %get3A_317 = arith.index_cast %get3A_316 : i32 to index
      %get3A_318 = arith.index_cast %add3A_309 : i32 to index
      %get3A_319 = arith.constant 0 : index
      %get3A_320 = tpu.vector_load %arg8[%get3A_317, %get3A_318, %get3A_319] {strides = array<i32>} : memref<4x125x64xf32, #tpu.memory_space<vmem>>, vector<1x1x16xf32>,
      %get3A_321 = vector.shape_cast %get3A_320 : vector<1x1x16xf32> to vector<16xf32>
      %mul3A_322 = arith.mulf %get3A_315, %get3A_321 : vector<16xf32>
      %add3A_323 = arith.addf %add3A_263, %mul3A_322 : vector<16xf32>
      %get3A_324 = arith.constant 0 : i32
      %get3A_325 = arith.index_cast %get3A_324 : i32 to index
      %get3A_326 = arith.index_cast %add3A_309 : i32 to index
      %get3A_327 = arith.constant 16 : index
      %get3A_328 = tpu.vector_load %arg8[%get3A_325, %get3A_326, %get3A_327] {strides = array<i32>} : memref<4x125x64xf32, #tpu.memory_space<vmem>>, vector<1x1x16xf32>,
      %get3A_329 = vector.shape_cast %get3A_328 : vector<1x1x16xf32> to vector<16xf32>
      %get3A_330 = arith.constant 1 : i32
      %get3A_331 = arith.index_cast %get3A_330 : i32 to index
      %get3A_332 = arith.index_cast %add3A_309 : i32 to index
      %get3A_333 = arith.constant 16 : index
      %get3A_334 = tpu.vector_load %arg8[%get3A_331, %get3A_332, %get3A_333] {strides = array<i32>} : memref<4x125x64xf32, #tpu.memory_space<vmem>>, vector<1x1x16xf32>,
      %get3A_335 = vector.shape_cast %get3A_334 : vector<1x1x16xf32> to vector<16xf32>
      %mul3A_336 = arith.mulf %get3A_329, %get3A_335 : vector<16xf32>
      %add3A_337 = arith.addf %add3A_277, %mul3A_336 : vector<16xf32>
      %get3A_338 = arith.constant 0 : i32
      %get3A_339 = arith.index_cast %get3A_338 : i32 to index
      %get3A_340 = arith.index_cast %add3A_309 : i32 to index
      %get3A_341 = arith.constant 32 : index
      %get3A_342 = tpu.vector_load %arg8[%get3A_339, %get3A_340, %get3A_341] {strides = array<i32>} : memref<4x125x64xf32, #tpu.memory_space<vmem>>, vector<1x1x16xf32>,
      %get3A_343 = vector.shape_cast %get3A_342 : vector<1x1x16xf32> to vector<16xf32>
      %get3A_344 = arith.constant 1 : i32
      %get3A_345 = arith.index_cast %get3A_344 : i32 to index
      %get3A_346 = arith.index_cast %add3A_309 : i32 to index
      %get3A_347 = arith.constant 32 : index
      %get3A_348 = tpu.vector_load %arg8[%get3A_345, %get3A_346, %get3A_347] {strides = array<i32>} : memref<4x125x64xf32, #tpu.memory_space<vmem>>, vector<1x1x16xf32>,
      %get3A_349 = vector.shape_cast %get3A_348 : vector<1x1x16xf32> to vector<16xf32>
      %mul3A_350 = arith.mulf %get3A_343, %get3A_349 : vector<16xf32>
      %add3A_351 = arith.addf %add3A_291, %mul3A_350 : vector<16xf32>
      %get3A_352 = arith.constant 0 : i32
      %get3A_353 = arith.index_cast %get3A_352 : i32 to index
      %get3A_354 = arith.index_cast %add3A_309 : i32 to index
      %get3A_355 = arith.constant 48 : index
      %get3A_356 = tpu.vector_load %arg8[%get3A_353, %get3A_354, %get3A_355] {strides = array<i32>} : memref<4x125x64xf32, #tpu.memory_space<vmem>>, vector<1x1x16xf32>,
      %get3A_357 = vector.shape_cast %get3A_356 : vector<1x1x16xf32> to vector<16xf32>
      %get3A_358 = arith.constant 1 : i32
      %get3A_359 = arith.index_cast %get3A_358 : i32 to index
      %get3A_360 = arith.index_cast %add3A_309 : i32 to index
      %get3A_361 = arith.constant 48 : index
      %get3A_362 = tpu.vector_load %arg8[%get3A_359, %get3A_360, %get3A_361] {strides = array<i32>} : memref<4x125x64xf32, #tpu.memory_space<vmem>>, vector<1x1x16xf32>,
      %get3A_363 = vector.shape_cast %get3A_362 : vector<1x1x16xf32> to vector<16xf32>
      %mul3A_364 = arith.mulf %get3A_357, %get3A_363 : vector<16xf32>
      %add3A_365 = arith.addf %add3A_305, %mul3A_364 : vector<16xf32>
      %mul3A_366 = arith.constant 4 : i32
      %mul3A_367 = arith.muli %mul3A_366, %scan3A_242 : i32
      %add3A_368 = arith.constant 2 : i32
      %add3A_369 = arith.addi %mul3A_367, %add3A_368 : i32
      %get3A_370 = arith.constant 0 : i32
      %get3A_371 = arith.index_cast %get3A_370 : i32 to index
      %get3A_372 = arith.index_cast %add3A_369 : i32 to index
      %get3A_373 = arith.constant 0 : index
      %get3A_374 = tpu.vector_load %arg8[%get3A_371, %get3A_372, %get3A_373] {strides = array<i32>} : memref<4x125x64xf32, #tpu.memory_space<vmem>>, vector<1x1x16xf32>,
      %get3A_375 = vector.shape_cast %get3A_374 : vector<1x1x16xf32> to vector<16xf32>
      %get3A_376 = arith.constant 1 : i32
      %get3A_377 = arith.index_cast %get3A_376 : i32 to index
      %get3A_378 = arith.index_cast %add3A_369 : i32 to index
      %get3A_379 = arith.constant 0 : index
      %get3A_380 = tpu.vector_load %arg8[%get3A_377, %get3A_378, %get3A_379] {strides = array<i32>} : memref<4x125x64xf32, #tpu.memory_space<vmem>>, vector<1x1x16xf32>,
      %get3A_381 = vector.shape_cast %get3A_380 : vector<1x1x16xf32> to vector<16xf32>
      %mul3A_382 = arith.mulf %get3A_375, %get3A_381 : vector<16xf32>
      %add3A_383 = arith.addf %add3A_323, %mul3A_382 : vector<16xf32>
      %get3A_384 = arith.constant 0 : i32
      %get3A_385 = arith.index_cast %get3A_384 : i32 to index
      %get3A_386 = arith.index_cast %add3A_369 : i32 to index
      %get3A_387 = arith.constant 16 : index
      %get3A_388 = tpu.vector_load %arg8[%get3A_385, %get3A_386, %get3A_387] {strides = array<i32>} : memref<4x125x64xf32, #tpu.memory_space<vmem>>, vector<1x1x16xf32>,
      %get3A_389 = vector.shape_cast %get3A_388 : vector<1x1x16xf32> to vector<16xf32>
      %get3A_390 = arith.constant 1 : i32
      %get3A_391 = arith.index_cast %get3A_390 : i32 to index
      %get3A_392 = arith.index_cast %add3A_369 : i32 to index
      %get3A_393 = arith.constant 16 : index
      %get3A_394 = tpu.vector_load %arg8[%get3A_391, %get3A_392, %get3A_393] {strides = array<i32>} : memref<4x125x64xf32, #tpu.memory_space<vmem>>, vector<1x1x16xf32>,
      %get3A_395 = vector.shape_cast %get3A_394 : vector<1x1x16xf32> to vector<16xf32>
      %mul3A_396 = arith.mulf %get3A_389, %get3A_395 : vector<16xf32>
      %add3A_397 = arith.addf %add3A_337, %mul3A_396 : vector<16xf32>
      %get3A_398 = arith.constant 0 : i32
      %get3A_399 = arith.index_cast %get3A_398 : i32 to index
      %get3A_400 = arith.index_cast %add3A_369 : i32 to index
      %get3A_401 = arith.constant 32 : index
      %get3A_402 = tpu.vector_load %arg8[%get3A_399, %get3A_400, %get3A_401] {strides = array<i32>} : memref<4x125x64xf32, #tpu.memory_space<vmem>>, vector<1x1x16xf32>,
      %get3A_403 = vector.shape_cast %get3A_402 : vector<1x1x16xf32> to vector<16xf32>
      %get3A_404 = arith.constant 1 : i32
      %get3A_405 = arith.index_cast %get3A_404 : i32 to index
      %get3A_406 = arith.index_cast %add3A_369 : i32 to index
      %get3A_407 = arith.constant 32 : index
      %get3A_408 = tpu.vector_load %arg8[%get3A_405, %get3A_406, %get3A_407] {strides = array<i32>} : memref<4x125x64xf32, #tpu.memory_space<vmem>>, vector<1x1x16xf32>,
      %get3A_409 = vector.shape_cast %get3A_408 : vector<1x1x16xf32> to vector<16xf32>
      %mul3A_410 = arith.mulf %get3A_403, %get3A_409 : vector<16xf32>
      %add3A_411 = arith.addf %add3A_351, %mul3A_410 : vector<16xf32>
      %get3A_412 = arith.constant 0 : i32
      %get3A_413 = arith.index_cast %get3A_412 : i32 to index
      %get3A_414 = arith.index_cast %add3A_369 : i32 to index
      %get3A_415 = arith.constant 48 : index
      %get3A_416 = tpu.vector_load %arg8[%get3A_413, %get3A_414, %get3A_415] {strides = array<i32>} : memref<4x125x64xf32, #tpu.memory_space<vmem>>, vector<1x1x16xf32>,
      %get3A_417 = vector.shape_cast %get3A_416 : vector<1x1x16xf32> to vector<16xf32>
      %get3A_418 = arith.constant 1 : i32
      %get3A_419 = arith.index_cast %get3A_418 : i32 to index
      %get3A_420 = arith.index_cast %add3A_369 : i32 to index
      %get3A_421 = arith.constant 48 : index
      %get3A_422 = tpu.vector_load %arg8[%get3A_419, %get3A_420, %get3A_421] {strides = array<i32>} : memref<4x125x64xf32, #tpu.memory_space<vmem>>, vector<1x1x16xf32>,
      %get3A_423 = vector.shape_cast %get3A_422 : vector<1x1x16xf32> to vector<16xf32>
      %mul3A_424 = arith.mulf %get3A_417, %get3A_423 : vector<16xf32>
      %add3A_425 = arith.addf %add3A_365, %mul3A_424 : vector<16xf32>
      %mul3A_426 = arith.constant 4 : i32
      %mul3A_427 = arith.muli %mul3A_426, %scan3A_242 : i32
      %add3A_428 = arith.constant 3 : i32
      %add3A_429 = arith.addi %mul3A_427, %add3A_428 : i32
      %get3A_430 = arith.constant 0 : i32
      %get3A_431 = arith.index_cast %get3A_430 : i32 to index
      %get3A_432 = arith.index_cast %add3A_429 : i32 to index
      %get3A_433 = arith.constant 0 : index
      %get3A_434 = tpu.vector_load %arg8[%get3A_431, %get3A_432, %get3A_433] {strides = array<i32>} : memref<4x125x64xf32, #tpu.memory_space<vmem>>, vector<1x1x16xf32>,
      %get3A_435 = vector.shape_cast %get3A_434 : vector<1x1x16xf32> to vector<16xf32>
      %get3A_436 = arith.constant 1 : i32
      %get3A_437 = arith.index_cast %get3A_436 : i32 to index
      %get3A_438 = arith.index_cast %add3A_429 : i32 to index
      %get3A_439 = arith.constant 0 : index
      %get3A_440 = tpu.vector_load %arg8[%get3A_437, %get3A_438, %get3A_439] {strides = array<i32>} : memref<4x125x64xf32, #tpu.memory_space<vmem>>, vector<1x1x16xf32>,
      %get3A_441 = vector.shape_cast %get3A_440 : vector<1x1x16xf32> to vector<16xf32>
      %mul3A_442 = arith.mulf %get3A_435, %get3A_441 : vector<16xf32>
      %add3A_443 = arith.addf %add3A_383, %mul3A_442 : vector<16xf32>
      %get3A_444 = arith.constant 0 : i32
      %get3A_445 = arith.index_cast %get3A_444 : i32 to index
      %get3A_446 = arith.index_cast %add3A_429 : i32 to index
      %get3A_447 = arith.constant 16 : index
      %get3A_448 = tpu.vector_load %arg8[%get3A_445, %get3A_446, %get3A_447] {strides = array<i32>} : memref<4x125x64xf32, #tpu.memory_space<vmem>>, vector<1x1x16xf32>,
      %get3A_449 = vector.shape_cast %get3A_448 : vector<1x1x16xf32> to vector<16xf32>
      %get3A_450 = arith.constant 1 : i32
      %get3A_451 = arith.index_cast %get3A_450 : i32 to index
      %get3A_452 = arith.index_cast %add3A_429 : i32 to index
      %get3A_453 = arith.constant 16 : index
      %get3A_454 = tpu.vector_load %arg8[%get3A_451, %get3A_452, %get3A_453] {strides = array<i32>} : memref<4x125x64xf32, #tpu.memory_space<vmem>>, vector<1x1x16xf32>,
      %get3A_455 = vector.shape_cast %get3A_454 : vector<1x1x16xf32> to vector<16xf32>
      %mul3A_456 = arith.mulf %get3A_449, %get3A_455 : vector<16xf32>
      %add3A_457 = arith.addf %add3A_397, %mul3A_456 : vector<16xf32>
      %get3A_458 = arith.constant 0 : i32
      %get3A_459 = arith.index_cast %get3A_458 : i32 to index
      %get3A_460 = arith.index_cast %add3A_429 : i32 to index
      %get3A_461 = arith.constant 32 : index
      %get3A_462 = tpu.vector_load %arg8[%get3A_459, %get3A_460, %get3A_461] {strides = array<i32>} : memref<4x125x64xf32, #tpu.memory_space<vmem>>, vector<1x1x16xf32>,
      %get3A_463 = vector.shape_cast %get3A_462 : vector<1x1x16xf32> to vector<16xf32>
      %get3A_464 = arith.constant 1 : i32
      %get3A_465 = arith.index_cast %get3A_464 : i32 to index
      %get3A_466 = arith.index_cast %add3A_429 : i32 to index
      %get3A_467 = arith.constant 32 : index
      %get3A_468 = tpu.vector_load %arg8[%get3A_465, %get3A_466, %get3A_467] {strides = array<i32>} : memref<4x125x64xf32, #tpu.memory_space<vmem>>, vector<1x1x16xf32>,
      %get3A_469 = vector.shape_cast %get3A_468 : vector<1x1x16xf32> to vector<16xf32>
      %mul3A_470 = arith.mulf %get3A_463, %get3A_469 : vector<16xf32>
      %add3A_471 = arith.addf %add3A_411, %mul3A_470 : vector<16xf32>
      %get3A_472 = arith.constant 0 : i32
      %get3A_473 = arith.index_cast %get3A_472 : i32 to index
      %get3A_474 = arith.index_cast %add3A_429 : i32 to index
      %get3A_475 = arith.constant 48 : index
      %get3A_476 = tpu.vector_load %arg8[%get3A_473, %get3A_474, %get3A_475] {strides = array<i32>} : memref<4x125x64xf32, #tpu.memory_space<vmem>>, vector<1x1x16xf32>,
      %get3A_477 = vector.shape_cast %get3A_476 : vector<1x1x16xf32> to vector<16xf32>
      %get3A_478 = arith.constant 1 : i32
      %get3A_479 = arith.index_cast %get3A_478 : i32 to index
      %get3A_480 = arith.index_cast %add3A_429 : i32 to index
      %get3A_481 = arith.constant 48 : index
      %get3A_482 = tpu.vector_load %arg8[%get3A_479, %get3A_480, %get3A_481] {strides = array<i32>} : memref<4x125x64xf32, #tpu.memory_space<vmem>>, vector<1x1x16xf32>,
      %get3A_483 = vector.shape_cast %get3A_482 : vector<1x1x16xf32> to vector<16xf32>
      %mul3A_484 = arith.mulf %get3A_477, %get3A_483 : vector<16xf32>
      %add3A_485 = arith.addf %add3A_425, %mul3A_484 : vector<16xf32>
      scf.yield %add3A_443, %add3A_457, %add3A_471, %add3A_485 : vector<16xf32>, vector<16xf32>, vector<16xf32>, vector<16xf32>
    }
    %scan3A_198 = arith.constant 30 : i32
    %add3A_199 = arith.addf %add3A_184, %scan3A_197#0 : vector<16xf32>
    %add3A_200 = arith.addf %add3A_199, %scan3A_197#1 : vector<16xf32>
    %add3A_201 = arith.addf %add3A_200, %scan3A_197#2 : vector<16xf32>
    %add3A_202 = arith.addf %add3A_201, %scan3A_197#3 : vector<16xf32>
    %add3A_203 = arith.constant 480 : i32
    %add3A_204 = arith.addi %mul3A_129, %add3A_203 : i32
    %run_scoped3A_205 = arith.constant 0 : i32
    "tpu.region"() ({
      %run_scoped3A_242 = tpu.sem_alloc : memref<!tpu.dma_semaphore, #tpu.memory_space<semaphore_mem>>
      %dma_start3A_243 = arith.constant 0 : i32
      %dma_start3A_244 = arith.constant 0 : i32
      %dma_start3A_245 = tpu.memref_slice %arg8[%run_scoped3A_205, %dma_start3A_243, %dma_start3A_244] : memref<4x125x64xf32, #tpu.memory_space<vmem>> -> memref<1x120x64xf32, #tpu.memory_space<vmem>>
      %dma_start3A_246 = tpu.memref_squeeze %dma_start3A_245 : memref<1x120x64xf32, #tpu.memory_space<vmem>> -> memref<120x64xf32, #tpu.memory_space<vmem>>
      %dma_start3A_247 = arith.constant 0 : i32
      %dma_start3A_248 = tpu.memref_slice %arg10[%add3A_204, %dma_start3A_247] : memref<10240x64xf32, #tpu.memory_space<vmem_shared>> -> memref<120x64xf32, #tpu.memory_space<vmem_shared>>
      %dma_start3A_249 = arith.constant 0 : i32
      %dma_start3A_250 = arith.constant 0 : i32
      %dma_start3A_251 = tpu.memref_slice %arg8[%run_scoped3A_205, %dma_start3A_249, %dma_start3A_250] : memref<4x125x64xf32, #tpu.memory_space<vmem>> -> memref<1x120x64xf32, #tpu.memory_space<vmem>>
      %dma_start3A_252 = tpu.memref_squeeze %dma_start3A_251 : memref<1x120x64xf32, #tpu.memory_space<vmem>> -> memref<120x64xf32, #tpu.memory_space<vmem>>
      %dma_start3A_253 = arith.constant 0 : i32
      %dma_start3A_254 = tpu.memref_slice %arg10[%add3A_204, %dma_start3A_253] : memref<10240x64xf32, #tpu.memory_space<vmem_shared>> -> memref<120x64xf32, #tpu.memory_space<vmem_shared>>
      tpu.enqueue_dma source(%dma_start3A_254 : memref<120x64xf32, #tpu.memory_space<vmem_shared>>) target(%dma_start3A_252 : memref<120x64xf32, #tpu.memory_space<vmem>>) target_semaphore(%run_scoped3A_242 : memref<!tpu.dma_semaphore, #tpu.memory_space<semaphore_mem>>)
      %dma_wait3A_255 = arith.constant 0 : i32
      %dma_wait3A_256 = arith.constant 0 : i32
      %dma_wait3A_257 = tpu.memref_slice %arg8[%run_scoped3A_205, %dma_wait3A_255, %dma_wait3A_256] : memref<4x125x64xf32, #tpu.memory_space<vmem>> -> memref<1x120x64xf32, #tpu.memory_space<vmem>>
      %dma_wait3A_258 = tpu.memref_squeeze %dma_wait3A_257 : memref<1x120x64xf32, #tpu.memory_space<vmem>> -> memref<120x64xf32, #tpu.memory_space<vmem>>
      %dma_wait3A_259 = arith.constant 0 : i32
      %dma_wait3A_260 = tpu.memref_slice %arg10[%add3A_204, %dma_wait3A_259] : memref<10240x64xf32, #tpu.memory_space<vmem_shared>> -> memref<120x64xf32, #tpu.memory_space<vmem_shared>>
      %dma_wait3A_261 = arith.constant 0 : i32
      %dma_wait3A_262 = arith.constant 0 : i32
      %dma_wait3A_263 = tpu.memref_slice %arg8[%run_scoped3A_205, %dma_wait3A_261, %dma_wait3A_262] : memref<4x125x64xf32, #tpu.memory_space<vmem>> -> memref<1x120x64xf32, #tpu.memory_space<vmem>>
      %dma_wait3A_264 = tpu.memref_squeeze %dma_wait3A_263 : memref<1x120x64xf32, #tpu.memory_space<vmem>> -> memref<120x64xf32, #tpu.memory_space<vmem>>
      %dma_wait3A_265 = arith.constant 0 : i32
      %dma_wait3A_266 = tpu.memref_slice %arg10[%add3A_204, %dma_wait3A_265] : memref<10240x64xf32, #tpu.memory_space<vmem_shared>> -> memref<120x64xf32, #tpu.memory_space<vmem_shared>>
      tpu.wait_dma2 semaphore(%run_scoped3A_242 : memref<!tpu.dma_semaphore, #tpu.memory_space<semaphore_mem>>) src(%dma_wait3A_266 : memref<120x64xf32, #tpu.memory_space<vmem_shared>>) dst(%dma_wait3A_264 : memref<120x64xf32, #tpu.memory_space<vmem>>)
      tpu.yield
    }) : () -> ()
    %add3A_206 = arith.constant 480 : i32
    %add3A_207 = arith.addi %mul3A_129, %add3A_206 : i32
    %run_scoped3A_208 = arith.constant 1 : i32
    "tpu.region"() ({
      %run_scoped3A_242 = tpu.sem_alloc : memref<!tpu.dma_semaphore, #tpu.memory_space<semaphore_mem>>
      %dma_start3A_243 = arith.constant 0 : i32
      %dma_start3A_244 = arith.constant 0 : i32
      %dma_start3A_245 = tpu.memref_slice %arg8[%run_scoped3A_208, %dma_start3A_243, %dma_start3A_244] : memref<4x125x64xf32, #tpu.memory_space<vmem>> -> memref<1x120x64xf32, #tpu.memory_space<vmem>>
      %dma_start3A_246 = tpu.memref_squeeze %dma_start3A_245 : memref<1x120x64xf32, #tpu.memory_space<vmem>> -> memref<120x64xf32, #tpu.memory_space<vmem>>
      %dma_start3A_247 = arith.constant 0 : i32
      %dma_start3A_248 = tpu.memref_slice %arg2[%add3A_207, %dma_start3A_247] : memref<10240x64xf32, #tpu.memory_space<hbm>> -> memref<120x64xf32, #tpu.memory_space<hbm>>
      %dma_start3A_249 = arith.constant 0 : i32
      %dma_start3A_250 = arith.constant 0 : i32
      %dma_start3A_251 = tpu.memref_slice %arg8[%run_scoped3A_208, %dma_start3A_249, %dma_start3A_250] : memref<4x125x64xf32, #tpu.memory_space<vmem>> -> memref<1x120x64xf32, #tpu.memory_space<vmem>>
      %dma_start3A_252 = tpu.memref_squeeze %dma_start3A_251 : memref<1x120x64xf32, #tpu.memory_space<vmem>> -> memref<120x64xf32, #tpu.memory_space<vmem>>
      %dma_start3A_253 = arith.constant 0 : i32
      %dma_start3A_254 = tpu.memref_slice %arg2[%add3A_207, %dma_start3A_253] : memref<10240x64xf32, #tpu.memory_space<hbm>> -> memref<120x64xf32, #tpu.memory_space<hbm>>
      tpu.enqueue_dma source(%dma_start3A_254 : memref<120x64xf32, #tpu.memory_space<hbm>>) target(%dma_start3A_252 : memref<120x64xf32, #tpu.memory_space<vmem>>) target_semaphore(%run_scoped3A_242 : memref<!tpu.dma_semaphore, #tpu.memory_space<semaphore_mem>>)
      %dma_wait3A_255 = arith.constant 0 : i32
      %dma_wait3A_256 = arith.constant 0 : i32
      %dma_wait3A_257 = tpu.memref_slice %arg8[%run_scoped3A_208, %dma_wait3A_255, %dma_wait3A_256] : memref<4x125x64xf32, #tpu.memory_space<vmem>> -> memref<1x120x64xf32, #tpu.memory_space<vmem>>
      %dma_wait3A_258 = tpu.memref_squeeze %dma_wait3A_257 : memref<1x120x64xf32, #tpu.memory_space<vmem>> -> memref<120x64xf32, #tpu.memory_space<vmem>>
      %dma_wait3A_259 = arith.constant 0 : i32
      %dma_wait3A_260 = tpu.memref_slice %arg2[%add3A_207, %dma_wait3A_259] : memref<10240x64xf32, #tpu.memory_space<hbm>> -> memref<120x64xf32, #tpu.memory_space<hbm>>
      %dma_wait3A_261 = arith.constant 0 : i32
      %dma_wait3A_262 = arith.constant 0 : i32
      %dma_wait3A_263 = tpu.memref_slice %arg8[%run_scoped3A_208, %dma_wait3A_261, %dma_wait3A_262] : memref<4x125x64xf32, #tpu.memory_space<vmem>> -> memref<1x120x64xf32, #tpu.memory_space<vmem>>
      %dma_wait3A_264 = tpu.memref_squeeze %dma_wait3A_263 : memref<1x120x64xf32, #tpu.memory_space<vmem>> -> memref<120x64xf32, #tpu.memory_space<vmem>>
      %dma_wait3A_265 = arith.constant 0 : i32
      %dma_wait3A_266 = tpu.memref_slice %arg2[%add3A_207, %dma_wait3A_265] : memref<10240x64xf32, #tpu.memory_space<hbm>> -> memref<120x64xf32, #tpu.memory_space<hbm>>
      tpu.wait_dma2 semaphore(%run_scoped3A_242 : memref<!tpu.dma_semaphore, #tpu.memory_space<semaphore_mem>>) src(%dma_wait3A_266 : memref<120x64xf32, #tpu.memory_space<hbm>>) dst(%dma_wait3A_264 : memref<120x64xf32, #tpu.memory_space<vmem>>)
      tpu.yield
    }) : () -> ()
    %broadcast_in_dim3A_209 = arith.constant 0.000000e+00 : f32
    %broadcast_in_dim3A_210 = vector.broadcast %broadcast_in_dim3A_209 : f32 to vector<16xf32>
    %scan3A_211 = arith.constant 0 : i32
    %scan3A_212 = arith.constant 30 : i32
    %scan3A_213 = arith.addi %scan3A_211, %scan3A_212 : i32
    %scan3A_214 = arith.constant 1 : i32
    %scan3A_215:4 = scf.for %scan3A_242 = %scan3A_211 to %scan3A_213 step %scan3A_214 iter_args(%scan3A_243 = %broadcast_in_dim3A_210, %scan3A_244 = %broadcast_in_dim3A_210, %scan3A_245 = %broadcast_in_dim3A_210, %scan3A_246 = %broadcast_in_dim3A_210) -> (vector<16xf32>, vector<16xf32>, vector<16xf32>, vector<16xf32>)  : i32 {
      %mul3A_247 = arith.constant 4 : i32
      %mul3A_248 = arith.muli %mul3A_247, %scan3A_242 : i32
      %add3A_249 = arith.constant 0 : i32
      %add3A_250 = arith.addi %mul3A_248, %add3A_249 : i32
      %get3A = arith.constant 0 : i32
      %get3A_251 = arith.index_cast %get3A : i32 to index
      %get3A_252 = arith.index_cast %add3A_250 : i32 to index
      %get3A_253 = arith.constant 0 : index
      %get3A_254 = tpu.vector_load %arg8[%get3A_251, %get3A_252, %get3A_253] {strides = array<i32>} : memref<4x125x64xf32, #tpu.memory_space<vmem>>, vector<1x1x16xf32>,
      %get3A_255 = vector.shape_cast %get3A_254 : vector<1x1x16xf32> to vector<16xf32>
      %get3A_256 = arith.constant 1 : i32
      %get3A_257 = arith.index_cast %get3A_256 : i32 to index
      %get3A_258 = arith.index_cast %add3A_250 : i32 to index
      %get3A_259 = arith.constant 0 : index
      %get3A_260 = tpu.vector_load %arg8[%get3A_257, %get3A_258, %get3A_259] {strides = array<i32>} : memref<4x125x64xf32, #tpu.memory_space<vmem>>, vector<1x1x16xf32>,
      %get3A_261 = vector.shape_cast %get3A_260 : vector<1x1x16xf32> to vector<16xf32>
      %mul3A_262 = arith.mulf %get3A_255, %get3A_261 : vector<16xf32>
      %add3A_263 = arith.addf %scan3A_243, %mul3A_262 : vector<16xf32>
      %get3A_264 = arith.constant 0 : i32
      %get3A_265 = arith.index_cast %get3A_264 : i32 to index
      %get3A_266 = arith.index_cast %add3A_250 : i32 to index
      %get3A_267 = arith.constant 16 : index
      %get3A_268 = tpu.vector_load %arg8[%get3A_265, %get3A_266, %get3A_267] {strides = array<i32>} : memref<4x125x64xf32, #tpu.memory_space<vmem>>, vector<1x1x16xf32>,
      %get3A_269 = vector.shape_cast %get3A_268 : vector<1x1x16xf32> to vector<16xf32>
      %get3A_270 = arith.constant 1 : i32
      %get3A_271 = arith.index_cast %get3A_270 : i32 to index
      %get3A_272 = arith.index_cast %add3A_250 : i32 to index
      %get3A_273 = arith.constant 16 : index
      %get3A_274 = tpu.vector_load %arg8[%get3A_271, %get3A_272, %get3A_273] {strides = array<i32>} : memref<4x125x64xf32, #tpu.memory_space<vmem>>, vector<1x1x16xf32>,
      %get3A_275 = vector.shape_cast %get3A_274 : vector<1x1x16xf32> to vector<16xf32>
      %mul3A_276 = arith.mulf %get3A_269, %get3A_275 : vector<16xf32>
      %add3A_277 = arith.addf %scan3A_244, %mul3A_276 : vector<16xf32>
      %get3A_278 = arith.constant 0 : i32
      %get3A_279 = arith.index_cast %get3A_278 : i32 to index
      %get3A_280 = arith.index_cast %add3A_250 : i32 to index
      %get3A_281 = arith.constant 32 : index
      %get3A_282 = tpu.vector_load %arg8[%get3A_279, %get3A_280, %get3A_281] {strides = array<i32>} : memref<4x125x64xf32, #tpu.memory_space<vmem>>, vector<1x1x16xf32>,
      %get3A_283 = vector.shape_cast %get3A_282 : vector<1x1x16xf32> to vector<16xf32>
      %get3A_284 = arith.constant 1 : i32
      %get3A_285 = arith.index_cast %get3A_284 : i32 to index
      %get3A_286 = arith.index_cast %add3A_250 : i32 to index
      %get3A_287 = arith.constant 32 : index
      %get3A_288 = tpu.vector_load %arg8[%get3A_285, %get3A_286, %get3A_287] {strides = array<i32>} : memref<4x125x64xf32, #tpu.memory_space<vmem>>, vector<1x1x16xf32>,
      %get3A_289 = vector.shape_cast %get3A_288 : vector<1x1x16xf32> to vector<16xf32>
      %mul3A_290 = arith.mulf %get3A_283, %get3A_289 : vector<16xf32>
      %add3A_291 = arith.addf %scan3A_245, %mul3A_290 : vector<16xf32>
      %get3A_292 = arith.constant 0 : i32
      %get3A_293 = arith.index_cast %get3A_292 : i32 to index
      %get3A_294 = arith.index_cast %add3A_250 : i32 to index
      %get3A_295 = arith.constant 48 : index
      %get3A_296 = tpu.vector_load %arg8[%get3A_293, %get3A_294, %get3A_295] {strides = array<i32>} : memref<4x125x64xf32, #tpu.memory_space<vmem>>, vector<1x1x16xf32>,
      %get3A_297 = vector.shape_cast %get3A_296 : vector<1x1x16xf32> to vector<16xf32>
      %get3A_298 = arith.constant 1 : i32
      %get3A_299 = arith.index_cast %get3A_298 : i32 to index
      %get3A_300 = arith.index_cast %add3A_250 : i32 to index
      %get3A_301 = arith.constant 48 : index
      %get3A_302 = tpu.vector_load %arg8[%get3A_299, %get3A_300, %get3A_301] {strides = array<i32>} : memref<4x125x64xf32, #tpu.memory_space<vmem>>, vector<1x1x16xf32>,
      %get3A_303 = vector.shape_cast %get3A_302 : vector<1x1x16xf32> to vector<16xf32>
      %mul3A_304 = arith.mulf %get3A_297, %get3A_303 : vector<16xf32>
      %add3A_305 = arith.addf %scan3A_246, %mul3A_304 : vector<16xf32>
      %mul3A_306 = arith.constant 4 : i32
      %mul3A_307 = arith.muli %mul3A_306, %scan3A_242 : i32
      %add3A_308 = arith.constant 1 : i32
      %add3A_309 = arith.addi %mul3A_307, %add3A_308 : i32
      %get3A_310 = arith.constant 0 : i32
      %get3A_311 = arith.index_cast %get3A_310 : i32 to index
      %get3A_312 = arith.index_cast %add3A_309 : i32 to index
      %get3A_313 = arith.constant 0 : index
      %get3A_314 = tpu.vector_load %arg8[%get3A_311, %get3A_312, %get3A_313] {strides = array<i32>} : memref<4x125x64xf32, #tpu.memory_space<vmem>>, vector<1x1x16xf32>,
      %get3A_315 = vector.shape_cast %get3A_314 : vector<1x1x16xf32> to vector<16xf32>
      %get3A_316 = arith.constant 1 : i32
      %get3A_317 = arith.index_cast %get3A_316 : i32 to index
      %get3A_318 = arith.index_cast %add3A_309 : i32 to index
      %get3A_319 = arith.constant 0 : index
      %get3A_320 = tpu.vector_load %arg8[%get3A_317, %get3A_318, %get3A_319] {strides = array<i32>} : memref<4x125x64xf32, #tpu.memory_space<vmem>>, vector<1x1x16xf32>,
      %get3A_321 = vector.shape_cast %get3A_320 : vector<1x1x16xf32> to vector<16xf32>
      %mul3A_322 = arith.mulf %get3A_315, %get3A_321 : vector<16xf32>
      %add3A_323 = arith.addf %add3A_263, %mul3A_322 : vector<16xf32>
      %get3A_324 = arith.constant 0 : i32
      %get3A_325 = arith.index_cast %get3A_324 : i32 to index
      %get3A_326 = arith.index_cast %add3A_309 : i32 to index
      %get3A_327 = arith.constant 16 : index
      %get3A_328 = tpu.vector_load %arg8[%get3A_325, %get3A_326, %get3A_327] {strides = array<i32>} : memref<4x125x64xf32, #tpu.memory_space<vmem>>, vector<1x1x16xf32>,
      %get3A_329 = vector.shape_cast %get3A_328 : vector<1x1x16xf32> to vector<16xf32>
      %get3A_330 = arith.constant 1 : i32
      %get3A_331 = arith.index_cast %get3A_330 : i32 to index
      %get3A_332 = arith.index_cast %add3A_309 : i32 to index
      %get3A_333 = arith.constant 16 : index
      %get3A_334 = tpu.vector_load %arg8[%get3A_331, %get3A_332, %get3A_333] {strides = array<i32>} : memref<4x125x64xf32, #tpu.memory_space<vmem>>, vector<1x1x16xf32>,
      %get3A_335 = vector.shape_cast %get3A_334 : vector<1x1x16xf32> to vector<16xf32>
      %mul3A_336 = arith.mulf %get3A_329, %get3A_335 : vector<16xf32>
      %add3A_337 = arith.addf %add3A_277, %mul3A_336 : vector<16xf32>
      %get3A_338 = arith.constant 0 : i32
      %get3A_339 = arith.index_cast %get3A_338 : i32 to index
      %get3A_340 = arith.index_cast %add3A_309 : i32 to index
      %get3A_341 = arith.constant 32 : index
      %get3A_342 = tpu.vector_load %arg8[%get3A_339, %get3A_340, %get3A_341] {strides = array<i32>} : memref<4x125x64xf32, #tpu.memory_space<vmem>>, vector<1x1x16xf32>,
      %get3A_343 = vector.shape_cast %get3A_342 : vector<1x1x16xf32> to vector<16xf32>
      %get3A_344 = arith.constant 1 : i32
      %get3A_345 = arith.index_cast %get3A_344 : i32 to index
      %get3A_346 = arith.index_cast %add3A_309 : i32 to index
      %get3A_347 = arith.constant 32 : index
      %get3A_348 = tpu.vector_load %arg8[%get3A_345, %get3A_346, %get3A_347] {strides = array<i32>} : memref<4x125x64xf32, #tpu.memory_space<vmem>>, vector<1x1x16xf32>,
      %get3A_349 = vector.shape_cast %get3A_348 : vector<1x1x16xf32> to vector<16xf32>
      %mul3A_350 = arith.mulf %get3A_343, %get3A_349 : vector<16xf32>
      %add3A_351 = arith.addf %add3A_291, %mul3A_350 : vector<16xf32>
      %get3A_352 = arith.constant 0 : i32
      %get3A_353 = arith.index_cast %get3A_352 : i32 to index
      %get3A_354 = arith.index_cast %add3A_309 : i32 to index
      %get3A_355 = arith.constant 48 : index
      %get3A_356 = tpu.vector_load %arg8[%get3A_353, %get3A_354, %get3A_355] {strides = array<i32>} : memref<4x125x64xf32, #tpu.memory_space<vmem>>, vector<1x1x16xf32>,
      %get3A_357 = vector.shape_cast %get3A_356 : vector<1x1x16xf32> to vector<16xf32>
      %get3A_358 = arith.constant 1 : i32
      %get3A_359 = arith.index_cast %get3A_358 : i32 to index
      %get3A_360 = arith.index_cast %add3A_309 : i32 to index
      %get3A_361 = arith.constant 48 : index
      %get3A_362 = tpu.vector_load %arg8[%get3A_359, %get3A_360, %get3A_361] {strides = array<i32>} : memref<4x125x64xf32, #tpu.memory_space<vmem>>, vector<1x1x16xf32>,
      %get3A_363 = vector.shape_cast %get3A_362 : vector<1x1x16xf32> to vector<16xf32>
      %mul3A_364 = arith.mulf %get3A_357, %get3A_363 : vector<16xf32>
      %add3A_365 = arith.addf %add3A_305, %mul3A_364 : vector<16xf32>
      %mul3A_366 = arith.constant 4 : i32
      %mul3A_367 = arith.muli %mul3A_366, %scan3A_242 : i32
      %add3A_368 = arith.constant 2 : i32
      %add3A_369 = arith.addi %mul3A_367, %add3A_368 : i32
      %get3A_370 = arith.constant 0 : i32
      %get3A_371 = arith.index_cast %get3A_370 : i32 to index
      %get3A_372 = arith.index_cast %add3A_369 : i32 to index
      %get3A_373 = arith.constant 0 : index
      %get3A_374 = tpu.vector_load %arg8[%get3A_371, %get3A_372, %get3A_373] {strides = array<i32>} : memref<4x125x64xf32, #tpu.memory_space<vmem>>, vector<1x1x16xf32>,
      %get3A_375 = vector.shape_cast %get3A_374 : vector<1x1x16xf32> to vector<16xf32>
      %get3A_376 = arith.constant 1 : i32
      %get3A_377 = arith.index_cast %get3A_376 : i32 to index
      %get3A_378 = arith.index_cast %add3A_369 : i32 to index
      %get3A_379 = arith.constant 0 : index
      %get3A_380 = tpu.vector_load %arg8[%get3A_377, %get3A_378, %get3A_379] {strides = array<i32>} : memref<4x125x64xf32, #tpu.memory_space<vmem>>, vector<1x1x16xf32>,
      %get3A_381 = vector.shape_cast %get3A_380 : vector<1x1x16xf32> to vector<16xf32>
      %mul3A_382 = arith.mulf %get3A_375, %get3A_381 : vector<16xf32>
      %add3A_383 = arith.addf %add3A_323, %mul3A_382 : vector<16xf32>
      %get3A_384 = arith.constant 0 : i32
      %get3A_385 = arith.index_cast %get3A_384 : i32 to index
      %get3A_386 = arith.index_cast %add3A_369 : i32 to index
      %get3A_387 = arith.constant 16 : index
      %get3A_388 = tpu.vector_load %arg8[%get3A_385, %get3A_386, %get3A_387] {strides = array<i32>} : memref<4x125x64xf32, #tpu.memory_space<vmem>>, vector<1x1x16xf32>,
      %get3A_389 = vector.shape_cast %get3A_388 : vector<1x1x16xf32> to vector<16xf32>
      %get3A_390 = arith.constant 1 : i32
      %get3A_391 = arith.index_cast %get3A_390 : i32 to index
      %get3A_392 = arith.index_cast %add3A_369 : i32 to index
      %get3A_393 = arith.constant 16 : index
      %get3A_394 = tpu.vector_load %arg8[%get3A_391, %get3A_392, %get3A_393] {strides = array<i32>} : memref<4x125x64xf32, #tpu.memory_space<vmem>>, vector<1x1x16xf32>,
      %get3A_395 = vector.shape_cast %get3A_394 : vector<1x1x16xf32> to vector<16xf32>
      %mul3A_396 = arith.mulf %get3A_389, %get3A_395 : vector<16xf32>
      %add3A_397 = arith.addf %add3A_337, %mul3A_396 : vector<16xf32>
      %get3A_398 = arith.constant 0 : i32
      %get3A_399 = arith.index_cast %get3A_398 : i32 to index
      %get3A_400 = arith.index_cast %add3A_369 : i32 to index
      %get3A_401 = arith.constant 32 : index
      %get3A_402 = tpu.vector_load %arg8[%get3A_399, %get3A_400, %get3A_401] {strides = array<i32>} : memref<4x125x64xf32, #tpu.memory_space<vmem>>, vector<1x1x16xf32>,
      %get3A_403 = vector.shape_cast %get3A_402 : vector<1x1x16xf32> to vector<16xf32>
      %get3A_404 = arith.constant 1 : i32
      %get3A_405 = arith.index_cast %get3A_404 : i32 to index
      %get3A_406 = arith.index_cast %add3A_369 : i32 to index
      %get3A_407 = arith.constant 32 : index
      %get3A_408 = tpu.vector_load %arg8[%get3A_405, %get3A_406, %get3A_407] {strides = array<i32>} : memref<4x125x64xf32, #tpu.memory_space<vmem>>, vector<1x1x16xf32>,
      %get3A_409 = vector.shape_cast %get3A_408 : vector<1x1x16xf32> to vector<16xf32>
      %mul3A_410 = arith.mulf %get3A_403, %get3A_409 : vector<16xf32>
      %add3A_411 = arith.addf %add3A_351, %mul3A_410 : vector<16xf32>
      %get3A_412 = arith.constant 0 : i32
      %get3A_413 = arith.index_cast %get3A_412 : i32 to index
      %get3A_414 = arith.index_cast %add3A_369 : i32 to index
      %get3A_415 = arith.constant 48 : index
      %get3A_416 = tpu.vector_load %arg8[%get3A_413, %get3A_414, %get3A_415] {strides = array<i32>} : memref<4x125x64xf32, #tpu.memory_space<vmem>>, vector<1x1x16xf32>,
      %get3A_417 = vector.shape_cast %get3A_416 : vector<1x1x16xf32> to vector<16xf32>
      %get3A_418 = arith.constant 1 : i32
      %get3A_419 = arith.index_cast %get3A_418 : i32 to index
      %get3A_420 = arith.index_cast %add3A_369 : i32 to index
      %get3A_421 = arith.constant 48 : index
      %get3A_422 = tpu.vector_load %arg8[%get3A_419, %get3A_420, %get3A_421] {strides = array<i32>} : memref<4x125x64xf32, #tpu.memory_space<vmem>>, vector<1x1x16xf32>,
      %get3A_423 = vector.shape_cast %get3A_422 : vector<1x1x16xf32> to vector<16xf32>
      %mul3A_424 = arith.mulf %get3A_417, %get3A_423 : vector<16xf32>
      %add3A_425 = arith.addf %add3A_365, %mul3A_424 : vector<16xf32>
      %mul3A_426 = arith.constant 4 : i32
      %mul3A_427 = arith.muli %mul3A_426, %scan3A_242 : i32
      %add3A_428 = arith.constant 3 : i32
      %add3A_429 = arith.addi %mul3A_427, %add3A_428 : i32
      %get3A_430 = arith.constant 0 : i32
      %get3A_431 = arith.index_cast %get3A_430 : i32 to index
      %get3A_432 = arith.index_cast %add3A_429 : i32 to index
      %get3A_433 = arith.constant 0 : index
      %get3A_434 = tpu.vector_load %arg8[%get3A_431, %get3A_432, %get3A_433] {strides = array<i32>} : memref<4x125x64xf32, #tpu.memory_space<vmem>>, vector<1x1x16xf32>,
      %get3A_435 = vector.shape_cast %get3A_434 : vector<1x1x16xf32> to vector<16xf32>
      %get3A_436 = arith.constant 1 : i32
      %get3A_437 = arith.index_cast %get3A_436 : i32 to index
      %get3A_438 = arith.index_cast %add3A_429 : i32 to index
      %get3A_439 = arith.constant 0 : index
      %get3A_440 = tpu.vector_load %arg8[%get3A_437, %get3A_438, %get3A_439] {strides = array<i32>} : memref<4x125x64xf32, #tpu.memory_space<vmem>>, vector<1x1x16xf32>,
      %get3A_441 = vector.shape_cast %get3A_440 : vector<1x1x16xf32> to vector<16xf32>
      %mul3A_442 = arith.mulf %get3A_435, %get3A_441 : vector<16xf32>
      %add3A_443 = arith.addf %add3A_383, %mul3A_442 : vector<16xf32>
      %get3A_444 = arith.constant 0 : i32
      %get3A_445 = arith.index_cast %get3A_444 : i32 to index
      %get3A_446 = arith.index_cast %add3A_429 : i32 to index
      %get3A_447 = arith.constant 16 : index
      %get3A_448 = tpu.vector_load %arg8[%get3A_445, %get3A_446, %get3A_447] {strides = array<i32>} : memref<4x125x64xf32, #tpu.memory_space<vmem>>, vector<1x1x16xf32>,
      %get3A_449 = vector.shape_cast %get3A_448 : vector<1x1x16xf32> to vector<16xf32>
      %get3A_450 = arith.constant 1 : i32
      %get3A_451 = arith.index_cast %get3A_450 : i32 to index
      %get3A_452 = arith.index_cast %add3A_429 : i32 to index
      %get3A_453 = arith.constant 16 : index
      %get3A_454 = tpu.vector_load %arg8[%get3A_451, %get3A_452, %get3A_453] {strides = array<i32>} : memref<4x125x64xf32, #tpu.memory_space<vmem>>, vector<1x1x16xf32>,
      %get3A_455 = vector.shape_cast %get3A_454 : vector<1x1x16xf32> to vector<16xf32>
      %mul3A_456 = arith.mulf %get3A_449, %get3A_455 : vector<16xf32>
      %add3A_457 = arith.addf %add3A_397, %mul3A_456 : vector<16xf32>
      %get3A_458 = arith.constant 0 : i32
      %get3A_459 = arith.index_cast %get3A_458 : i32 to index
      %get3A_460 = arith.index_cast %add3A_429 : i32 to index
      %get3A_461 = arith.constant 32 : index
      %get3A_462 = tpu.vector_load %arg8[%get3A_459, %get3A_460, %get3A_461] {strides = array<i32>} : memref<4x125x64xf32, #tpu.memory_space<vmem>>, vector<1x1x16xf32>,
      %get3A_463 = vector.shape_cast %get3A_462 : vector<1x1x16xf32> to vector<16xf32>
      %get3A_464 = arith.constant 1 : i32
      %get3A_465 = arith.index_cast %get3A_464 : i32 to index
      %get3A_466 = arith.index_cast %add3A_429 : i32 to index
      %get3A_467 = arith.constant 32 : index
      %get3A_468 = tpu.vector_load %arg8[%get3A_465, %get3A_466, %get3A_467] {strides = array<i32>} : memref<4x125x64xf32, #tpu.memory_space<vmem>>, vector<1x1x16xf32>,
      %get3A_469 = vector.shape_cast %get3A_468 : vector<1x1x16xf32> to vector<16xf32>
      %mul3A_470 = arith.mulf %get3A_463, %get3A_469 : vector<16xf32>
      %add3A_471 = arith.addf %add3A_411, %mul3A_470 : vector<16xf32>
      %get3A_472 = arith.constant 0 : i32
      %get3A_473 = arith.index_cast %get3A_472 : i32 to index
      %get3A_474 = arith.index_cast %add3A_429 : i32 to index
      %get3A_475 = arith.constant 48 : index
      %get3A_476 = tpu.vector_load %arg8[%get3A_473, %get3A_474, %get3A_475] {strides = array<i32>} : memref<4x125x64xf32, #tpu.memory_space<vmem>>, vector<1x1x16xf32>,
      %get3A_477 = vector.shape_cast %get3A_476 : vector<1x1x16xf32> to vector<16xf32>
      %get3A_478 = arith.constant 1 : i32
      %get3A_479 = arith.index_cast %get3A_478 : i32 to index
      %get3A_480 = arith.index_cast %add3A_429 : i32 to index
      %get3A_481 = arith.constant 48 : index
      %get3A_482 = tpu.vector_load %arg8[%get3A_479, %get3A_480, %get3A_481] {strides = array<i32>} : memref<4x125x64xf32, #tpu.memory_space<vmem>>, vector<1x1x16xf32>,
      %get3A_483 = vector.shape_cast %get3A_482 : vector<1x1x16xf32> to vector<16xf32>
      %mul3A_484 = arith.mulf %get3A_477, %get3A_483 : vector<16xf32>
      %add3A_485 = arith.addf %add3A_425, %mul3A_484 : vector<16xf32>
      scf.yield %add3A_443, %add3A_457, %add3A_471, %add3A_485 : vector<16xf32>, vector<16xf32>, vector<16xf32>, vector<16xf32>
    }
    %scan3A_216 = arith.constant 30 : i32
    %add3A_217 = arith.addf %add3A_202, %scan3A_215#0 : vector<16xf32>
    %add3A_218 = arith.addf %add3A_217, %scan3A_215#1 : vector<16xf32>
    %add3A_219 = arith.addf %add3A_218, %scan3A_215#2 : vector<16xf32>
    %add3A_220 = arith.addf %add3A_219, %scan3A_215#3 : vector<16xf32>
    %add3A_221 = arith.constant 600 : i32
    %add3A_222 = arith.addi %mul3A_129, %add3A_221 : i32
    %run_scoped3A_223 = arith.constant 0 : i32
    "tpu.region"() ({
      %run_scoped3A_242 = tpu.sem_alloc : memref<!tpu.dma_semaphore, #tpu.memory_space<semaphore_mem>>
      %dma_start3A_243 = arith.constant 0 : i32
      %dma_start3A_244 = arith.constant 0 : i32
      %dma_start3A_245 = tpu.memref_slice %arg8[%run_scoped3A_223, %dma_start3A_243, %dma_start3A_244] : memref<4x125x64xf32, #tpu.memory_space<vmem>> -> memref<1x40x64xf32, #tpu.memory_space<vmem>>
      %dma_start3A_246 = tpu.memref_squeeze %dma_start3A_245 : memref<1x40x64xf32, #tpu.memory_space<vmem>> -> memref<40x64xf32, #tpu.memory_space<vmem>>
      %dma_start3A_247 = arith.constant 0 : i32
      %dma_start3A_248 = tpu.memref_slice %arg10[%add3A_222, %dma_start3A_247] : memref<10240x64xf32, #tpu.memory_space<vmem_shared>> -> memref<40x64xf32, #tpu.memory_space<vmem_shared>>
      %dma_start3A_249 = arith.constant 0 : i32
      %dma_start3A_250 = arith.constant 0 : i32
      %dma_start3A_251 = tpu.memref_slice %arg8[%run_scoped3A_223, %dma_start3A_249, %dma_start3A_250] : memref<4x125x64xf32, #tpu.memory_space<vmem>> -> memref<1x40x64xf32, #tpu.memory_space<vmem>>
      %dma_start3A_252 = tpu.memref_squeeze %dma_start3A_251 : memref<1x40x64xf32, #tpu.memory_space<vmem>> -> memref<40x64xf32, #tpu.memory_space<vmem>>
      %dma_start3A_253 = arith.constant 0 : i32
      %dma_start3A_254 = tpu.memref_slice %arg10[%add3A_222, %dma_start3A_253] : memref<10240x64xf32, #tpu.memory_space<vmem_shared>> -> memref<40x64xf32, #tpu.memory_space<vmem_shared>>
      tpu.enqueue_dma source(%dma_start3A_254 : memref<40x64xf32, #tpu.memory_space<vmem_shared>>) target(%dma_start3A_252 : memref<40x64xf32, #tpu.memory_space<vmem>>) target_semaphore(%run_scoped3A_242 : memref<!tpu.dma_semaphore, #tpu.memory_space<semaphore_mem>>)
      %dma_wait3A_255 = arith.constant 0 : i32
      %dma_wait3A_256 = arith.constant 0 : i32
      %dma_wait3A_257 = tpu.memref_slice %arg8[%run_scoped3A_223, %dma_wait3A_255, %dma_wait3A_256] : memref<4x125x64xf32, #tpu.memory_space<vmem>> -> memref<1x40x64xf32, #tpu.memory_space<vmem>>
      %dma_wait3A_258 = tpu.memref_squeeze %dma_wait3A_257 : memref<1x40x64xf32, #tpu.memory_space<vmem>> -> memref<40x64xf32, #tpu.memory_space<vmem>>
      %dma_wait3A_259 = arith.constant 0 : i32
      %dma_wait3A_260 = tpu.memref_slice %arg10[%add3A_222, %dma_wait3A_259] : memref<10240x64xf32, #tpu.memory_space<vmem_shared>> -> memref<40x64xf32, #tpu.memory_space<vmem_shared>>
      %dma_wait3A_261 = arith.constant 0 : i32
      %dma_wait3A_262 = arith.constant 0 : i32
      %dma_wait3A_263 = tpu.memref_slice %arg8[%run_scoped3A_223, %dma_wait3A_261, %dma_wait3A_262] : memref<4x125x64xf32, #tpu.memory_space<vmem>> -> memref<1x40x64xf32, #tpu.memory_space<vmem>>
      %dma_wait3A_264 = tpu.memref_squeeze %dma_wait3A_263 : memref<1x40x64xf32, #tpu.memory_space<vmem>> -> memref<40x64xf32, #tpu.memory_space<vmem>>
      %dma_wait3A_265 = arith.constant 0 : i32
      %dma_wait3A_266 = tpu.memref_slice %arg10[%add3A_222, %dma_wait3A_265] : memref<10240x64xf32, #tpu.memory_space<vmem_shared>> -> memref<40x64xf32, #tpu.memory_space<vmem_shared>>
      tpu.wait_dma2 semaphore(%run_scoped3A_242 : memref<!tpu.dma_semaphore, #tpu.memory_space<semaphore_mem>>) src(%dma_wait3A_266 : memref<40x64xf32, #tpu.memory_space<vmem_shared>>) dst(%dma_wait3A_264 : memref<40x64xf32, #tpu.memory_space<vmem>>)
      tpu.yield
    }) : () -> ()
    %add3A_224 = arith.constant 600 : i32
    %add3A_225 = arith.addi %mul3A_129, %add3A_224 : i32
    %run_scoped3A_226 = arith.constant 1 : i32
    "tpu.region"() ({
      %run_scoped3A_242 = tpu.sem_alloc : memref<!tpu.dma_semaphore, #tpu.memory_space<semaphore_mem>>
      %dma_start3A_243 = arith.constant 0 : i32
      %dma_start3A_244 = arith.constant 0 : i32
      %dma_start3A_245 = tpu.memref_slice %arg8[%run_scoped3A_226, %dma_start3A_243, %dma_start3A_244] : memref<4x125x64xf32, #tpu.memory_space<vmem>> -> memref<1x40x64xf32, #tpu.memory_space<vmem>>
      %dma_start3A_246 = tpu.memref_squeeze %dma_start3A_245 : memref<1x40x64xf32, #tpu.memory_space<vmem>> -> memref<40x64xf32, #tpu.memory_space<vmem>>
      %dma_start3A_247 = arith.constant 0 : i32
      %dma_start3A_248 = tpu.memref_slice %arg2[%add3A_225, %dma_start3A_247] : memref<10240x64xf32, #tpu.memory_space<hbm>> -> memref<40x64xf32, #tpu.memory_space<hbm>>
      %dma_start3A_249 = arith.constant 0 : i32
      %dma_start3A_250 = arith.constant 0 : i32
      %dma_start3A_251 = tpu.memref_slice %arg8[%run_scoped3A_226, %dma_start3A_249, %dma_start3A_250] : memref<4x125x64xf32, #tpu.memory_space<vmem>> -> memref<1x40x64xf32, #tpu.memory_space<vmem>>
      %dma_start3A_252 = tpu.memref_squeeze %dma_start3A_251 : memref<1x40x64xf32, #tpu.memory_space<vmem>> -> memref<40x64xf32, #tpu.memory_space<vmem>>
      %dma_start3A_253 = arith.constant 0 : i32
      %dma_start3A_254 = tpu.memref_slice %arg2[%add3A_225, %dma_start3A_253] : memref<10240x64xf32, #tpu.memory_space<hbm>> -> memref<40x64xf32, #tpu.memory_space<hbm>>
      tpu.enqueue_dma source(%dma_start3A_254 : memref<40x64xf32, #tpu.memory_space<hbm>>) target(%dma_start3A_252 : memref<40x64xf32, #tpu.memory_space<vmem>>) target_semaphore(%run_scoped3A_242 : memref<!tpu.dma_semaphore, #tpu.memory_space<semaphore_mem>>)
      %dma_wait3A_255 = arith.constant 0 : i32
      %dma_wait3A_256 = arith.constant 0 : i32
      %dma_wait3A_257 = tpu.memref_slice %arg8[%run_scoped3A_226, %dma_wait3A_255, %dma_wait3A_256] : memref<4x125x64xf32, #tpu.memory_space<vmem>> -> memref<1x40x64xf32, #tpu.memory_space<vmem>>
      %dma_wait3A_258 = tpu.memref_squeeze %dma_wait3A_257 : memref<1x40x64xf32, #tpu.memory_space<vmem>> -> memref<40x64xf32, #tpu.memory_space<vmem>>
      %dma_wait3A_259 = arith.constant 0 : i32
      %dma_wait3A_260 = tpu.memref_slice %arg2[%add3A_225, %dma_wait3A_259] : memref<10240x64xf32, #tpu.memory_space<hbm>> -> memref<40x64xf32, #tpu.memory_space<hbm>>
      %dma_wait3A_261 = arith.constant 0 : i32
      %dma_wait3A_262 = arith.constant 0 : i32
      %dma_wait3A_263 = tpu.memref_slice %arg8[%run_scoped3A_226, %dma_wait3A_261, %dma_wait3A_262] : memref<4x125x64xf32, #tpu.memory_space<vmem>> -> memref<1x40x64xf32, #tpu.memory_space<vmem>>
      %dma_wait3A_264 = tpu.memref_squeeze %dma_wait3A_263 : memref<1x40x64xf32, #tpu.memory_space<vmem>> -> memref<40x64xf32, #tpu.memory_space<vmem>>
      %dma_wait3A_265 = arith.constant 0 : i32
      %dma_wait3A_266 = tpu.memref_slice %arg2[%add3A_225, %dma_wait3A_265] : memref<10240x64xf32, #tpu.memory_space<hbm>> -> memref<40x64xf32, #tpu.memory_space<hbm>>
      tpu.wait_dma2 semaphore(%run_scoped3A_242 : memref<!tpu.dma_semaphore, #tpu.memory_space<semaphore_mem>>) src(%dma_wait3A_266 : memref<40x64xf32, #tpu.memory_space<hbm>>) dst(%dma_wait3A_264 : memref<40x64xf32, #tpu.memory_space<vmem>>)
      tpu.yield
    }) : () -> ()
    %broadcast_in_dim3A_227 = arith.constant 0.000000e+00 : f32
    %broadcast_in_dim3A_228 = vector.broadcast %broadcast_in_dim3A_227 : f32 to vector<16xf32>
    %scan3A_229 = arith.constant 0 : i32
    %scan3A_230 = arith.constant 10 : i32
    %scan3A_231 = arith.addi %scan3A_229, %scan3A_230 : i32
    %scan3A_232 = arith.constant 1 : i32
    %scan3A_233:4 = scf.for %scan3A_242 = %scan3A_229 to %scan3A_231 step %scan3A_232 iter_args(%scan3A_243 = %broadcast_in_dim3A_228, %scan3A_244 = %broadcast_in_dim3A_228, %scan3A_245 = %broadcast_in_dim3A_228, %scan3A_246 = %broadcast_in_dim3A_228) -> (vector<16xf32>, vector<16xf32>, vector<16xf32>, vector<16xf32>)  : i32 {
      %mul3A_247 = arith.constant 4 : i32
      %mul3A_248 = arith.muli %mul3A_247, %scan3A_242 : i32
      %add3A_249 = arith.constant 0 : i32
      %add3A_250 = arith.addi %mul3A_248, %add3A_249 : i32
      %get3A = arith.constant 0 : i32
      %get3A_251 = arith.index_cast %get3A : i32 to index
      %get3A_252 = arith.index_cast %add3A_250 : i32 to index
      %get3A_253 = arith.constant 0 : index
      %get3A_254 = tpu.vector_load %arg8[%get3A_251, %get3A_252, %get3A_253] {strides = array<i32>} : memref<4x125x64xf32, #tpu.memory_space<vmem>>, vector<1x1x16xf32>,
      %get3A_255 = vector.shape_cast %get3A_254 : vector<1x1x16xf32> to vector<16xf32>
      %get3A_256 = arith.constant 1 : i32
      %get3A_257 = arith.index_cast %get3A_256 : i32 to index
      %get3A_258 = arith.index_cast %add3A_250 : i32 to index
      %get3A_259 = arith.constant 0 : index
      %get3A_260 = tpu.vector_load %arg8[%get3A_257, %get3A_258, %get3A_259] {strides = array<i32>} : memref<4x125x64xf32, #tpu.memory_space<vmem>>, vector<1x1x16xf32>,
      %get3A_261 = vector.shape_cast %get3A_260 : vector<1x1x16xf32> to vector<16xf32>
      %mul3A_262 = arith.mulf %get3A_255, %get3A_261 : vector<16xf32>
      %add3A_263 = arith.addf %scan3A_243, %mul3A_262 : vector<16xf32>
      %get3A_264 = arith.constant 0 : i32
      %get3A_265 = arith.index_cast %get3A_264 : i32 to index
      %get3A_266 = arith.index_cast %add3A_250 : i32 to index
      %get3A_267 = arith.constant 16 : index
      %get3A_268 = tpu.vector_load %arg8[%get3A_265, %get3A_266, %get3A_267] {strides = array<i32>} : memref<4x125x64xf32, #tpu.memory_space<vmem>>, vector<1x1x16xf32>,
      %get3A_269 = vector.shape_cast %get3A_268 : vector<1x1x16xf32> to vector<16xf32>
      %get3A_270 = arith.constant 1 : i32
      %get3A_271 = arith.index_cast %get3A_270 : i32 to index
      %get3A_272 = arith.index_cast %add3A_250 : i32 to index
      %get3A_273 = arith.constant 16 : index
      %get3A_274 = tpu.vector_load %arg8[%get3A_271, %get3A_272, %get3A_273] {strides = array<i32>} : memref<4x125x64xf32, #tpu.memory_space<vmem>>, vector<1x1x16xf32>,
      %get3A_275 = vector.shape_cast %get3A_274 : vector<1x1x16xf32> to vector<16xf32>
      %mul3A_276 = arith.mulf %get3A_269, %get3A_275 : vector<16xf32>
      %add3A_277 = arith.addf %scan3A_244, %mul3A_276 : vector<16xf32>
      %get3A_278 = arith.constant 0 : i32
      %get3A_279 = arith.index_cast %get3A_278 : i32 to index
      %get3A_280 = arith.index_cast %add3A_250 : i32 to index
      %get3A_281 = arith.constant 32 : index
      %get3A_282 = tpu.vector_load %arg8[%get3A_279, %get3A_280, %get3A_281] {strides = array<i32>} : memref<4x125x64xf32, #tpu.memory_space<vmem>>, vector<1x1x16xf32>,
      %get3A_283 = vector.shape_cast %get3A_282 : vector<1x1x16xf32> to vector<16xf32>
      %get3A_284 = arith.constant 1 : i32
      %get3A_285 = arith.index_cast %get3A_284 : i32 to index
      %get3A_286 = arith.index_cast %add3A_250 : i32 to index
      %get3A_287 = arith.constant 32 : index
      %get3A_288 = tpu.vector_load %arg8[%get3A_285, %get3A_286, %get3A_287] {strides = array<i32>} : memref<4x125x64xf32, #tpu.memory_space<vmem>>, vector<1x1x16xf32>,
      %get3A_289 = vector.shape_cast %get3A_288 : vector<1x1x16xf32> to vector<16xf32>
      %mul3A_290 = arith.mulf %get3A_283, %get3A_289 : vector<16xf32>
      %add3A_291 = arith.addf %scan3A_245, %mul3A_290 : vector<16xf32>
      %get3A_292 = arith.constant 0 : i32
      %get3A_293 = arith.index_cast %get3A_292 : i32 to index
      %get3A_294 = arith.index_cast %add3A_250 : i32 to index
      %get3A_295 = arith.constant 48 : index
      %get3A_296 = tpu.vector_load %arg8[%get3A_293, %get3A_294, %get3A_295] {strides = array<i32>} : memref<4x125x64xf32, #tpu.memory_space<vmem>>, vector<1x1x16xf32>,
      %get3A_297 = vector.shape_cast %get3A_296 : vector<1x1x16xf32> to vector<16xf32>
      %get3A_298 = arith.constant 1 : i32
      %get3A_299 = arith.index_cast %get3A_298 : i32 to index
      %get3A_300 = arith.index_cast %add3A_250 : i32 to index
      %get3A_301 = arith.constant 48 : index
      %get3A_302 = tpu.vector_load %arg8[%get3A_299, %get3A_300, %get3A_301] {strides = array<i32>} : memref<4x125x64xf32, #tpu.memory_space<vmem>>, vector<1x1x16xf32>,
      %get3A_303 = vector.shape_cast %get3A_302 : vector<1x1x16xf32> to vector<16xf32>
      %mul3A_304 = arith.mulf %get3A_297, %get3A_303 : vector<16xf32>
      %add3A_305 = arith.addf %scan3A_246, %mul3A_304 : vector<16xf32>
      %mul3A_306 = arith.constant 4 : i32
      %mul3A_307 = arith.muli %mul3A_306, %scan3A_242 : i32
      %add3A_308 = arith.constant 1 : i32
      %add3A_309 = arith.addi %mul3A_307, %add3A_308 : i32
      %get3A_310 = arith.constant 0 : i32
      %get3A_311 = arith.index_cast %get3A_310 : i32 to index
      %get3A_312 = arith.index_cast %add3A_309 : i32 to index
      %get3A_313 = arith.constant 0 : index
      %get3A_314 = tpu.vector_load %arg8[%get3A_311, %get3A_312, %get3A_313] {strides = array<i32>} : memref<4x125x64xf32, #tpu.memory_space<vmem>>, vector<1x1x16xf32>,
      %get3A_315 = vector.shape_cast %get3A_314 : vector<1x1x16xf32> to vector<16xf32>
      %get3A_316 = arith.constant 1 : i32
      %get3A_317 = arith.index_cast %get3A_316 : i32 to index
      %get3A_318 = arith.index_cast %add3A_309 : i32 to index
      %get3A_319 = arith.constant 0 : index
      %get3A_320 = tpu.vector_load %arg8[%get3A_317, %get3A_318, %get3A_319] {strides = array<i32>} : memref<4x125x64xf32, #tpu.memory_space<vmem>>, vector<1x1x16xf32>,
      %get3A_321 = vector.shape_cast %get3A_320 : vector<1x1x16xf32> to vector<16xf32>
      %mul3A_322 = arith.mulf %get3A_315, %get3A_321 : vector<16xf32>
      %add3A_323 = arith.addf %add3A_263, %mul3A_322 : vector<16xf32>
      %get3A_324 = arith.constant 0 : i32
      %get3A_325 = arith.index_cast %get3A_324 : i32 to index
      %get3A_326 = arith.index_cast %add3A_309 : i32 to index
      %get3A_327 = arith.constant 16 : index
      %get3A_328 = tpu.vector_load %arg8[%get3A_325, %get3A_326, %get3A_327] {strides = array<i32>} : memref<4x125x64xf32, #tpu.memory_space<vmem>>, vector<1x1x16xf32>,
      %get3A_329 = vector.shape_cast %get3A_328 : vector<1x1x16xf32> to vector<16xf32>
      %get3A_330 = arith.constant 1 : i32
      %get3A_331 = arith.index_cast %get3A_330 : i32 to index
      %get3A_332 = arith.index_cast %add3A_309 : i32 to index
      %get3A_333 = arith.constant 16 : index
      %get3A_334 = tpu.vector_load %arg8[%get3A_331, %get3A_332, %get3A_333] {strides = array<i32>} : memref<4x125x64xf32, #tpu.memory_space<vmem>>, vector<1x1x16xf32>,
      %get3A_335 = vector.shape_cast %get3A_334 : vector<1x1x16xf32> to vector<16xf32>
      %mul3A_336 = arith.mulf %get3A_329, %get3A_335 : vector<16xf32>
      %add3A_337 = arith.addf %add3A_277, %mul3A_336 : vector<16xf32>
      %get3A_338 = arith.constant 0 : i32
      %get3A_339 = arith.index_cast %get3A_338 : i32 to index
      %get3A_340 = arith.index_cast %add3A_309 : i32 to index
      %get3A_341 = arith.constant 32 : index
      %get3A_342 = tpu.vector_load %arg8[%get3A_339, %get3A_340, %get3A_341] {strides = array<i32>} : memref<4x125x64xf32, #tpu.memory_space<vmem>>, vector<1x1x16xf32>,
      %get3A_343 = vector.shape_cast %get3A_342 : vector<1x1x16xf32> to vector<16xf32>
      %get3A_344 = arith.constant 1 : i32
      %get3A_345 = arith.index_cast %get3A_344 : i32 to index
      %get3A_346 = arith.index_cast %add3A_309 : i32 to index
      %get3A_347 = arith.constant 32 : index
      %get3A_348 = tpu.vector_load %arg8[%get3A_345, %get3A_346, %get3A_347] {strides = array<i32>} : memref<4x125x64xf32, #tpu.memory_space<vmem>>, vector<1x1x16xf32>,
      %get3A_349 = vector.shape_cast %get3A_348 : vector<1x1x16xf32> to vector<16xf32>
      %mul3A_350 = arith.mulf %get3A_343, %get3A_349 : vector<16xf32>
      %add3A_351 = arith.addf %add3A_291, %mul3A_350 : vector<16xf32>
      %get3A_352 = arith.constant 0 : i32
      %get3A_353 = arith.index_cast %get3A_352 : i32 to index
      %get3A_354 = arith.index_cast %add3A_309 : i32 to index
      %get3A_355 = arith.constant 48 : index
      %get3A_356 = tpu.vector_load %arg8[%get3A_353, %get3A_354, %get3A_355] {strides = array<i32>} : memref<4x125x64xf32, #tpu.memory_space<vmem>>, vector<1x1x16xf32>,
      %get3A_357 = vector.shape_cast %get3A_356 : vector<1x1x16xf32> to vector<16xf32>
      %get3A_358 = arith.constant 1 : i32
      %get3A_359 = arith.index_cast %get3A_358 : i32 to index
      %get3A_360 = arith.index_cast %add3A_309 : i32 to index
      %get3A_361 = arith.constant 48 : index
      %get3A_362 = tpu.vector_load %arg8[%get3A_359, %get3A_360, %get3A_361] {strides = array<i32>} : memref<4x125x64xf32, #tpu.memory_space<vmem>>, vector<1x1x16xf32>,
      %get3A_363 = vector.shape_cast %get3A_362 : vector<1x1x16xf32> to vector<16xf32>
      %mul3A_364 = arith.mulf %get3A_357, %get3A_363 : vector<16xf32>
      %add3A_365 = arith.addf %add3A_305, %mul3A_364 : vector<16xf32>
      %mul3A_366 = arith.constant 4 : i32
      %mul3A_367 = arith.muli %mul3A_366, %scan3A_242 : i32
      %add3A_368 = arith.constant 2 : i32
      %add3A_369 = arith.addi %mul3A_367, %add3A_368 : i32
      %get3A_370 = arith.constant 0 : i32
      %get3A_371 = arith.index_cast %get3A_370 : i32 to index
      %get3A_372 = arith.index_cast %add3A_369 : i32 to index
      %get3A_373 = arith.constant 0 : index
      %get3A_374 = tpu.vector_load %arg8[%get3A_371, %get3A_372, %get3A_373] {strides = array<i32>} : memref<4x125x64xf32, #tpu.memory_space<vmem>>, vector<1x1x16xf32>,
      %get3A_375 = vector.shape_cast %get3A_374 : vector<1x1x16xf32> to vector<16xf32>
      %get3A_376 = arith.constant 1 : i32
      %get3A_377 = arith.index_cast %get3A_376 : i32 to index
      %get3A_378 = arith.index_cast %add3A_369 : i32 to index
      %get3A_379 = arith.constant 0 : index
      %get3A_380 = tpu.vector_load %arg8[%get3A_377, %get3A_378, %get3A_379] {strides = array<i32>} : memref<4x125x64xf32, #tpu.memory_space<vmem>>, vector<1x1x16xf32>,
      %get3A_381 = vector.shape_cast %get3A_380 : vector<1x1x16xf32> to vector<16xf32>
      %mul3A_382 = arith.mulf %get3A_375, %get3A_381 : vector<16xf32>
      %add3A_383 = arith.addf %add3A_323, %mul3A_382 : vector<16xf32>
      %get3A_384 = arith.constant 0 : i32
      %get3A_385 = arith.index_cast %get3A_384 : i32 to index
      %get3A_386 = arith.index_cast %add3A_369 : i32 to index
      %get3A_387 = arith.constant 16 : index
      %get3A_388 = tpu.vector_load %arg8[%get3A_385, %get3A_386, %get3A_387] {strides = array<i32>} : memref<4x125x64xf32, #tpu.memory_space<vmem>>, vector<1x1x16xf32>,
      %get3A_389 = vector.shape_cast %get3A_388 : vector<1x1x16xf32> to vector<16xf32>
      %get3A_390 = arith.constant 1 : i32
      %get3A_391 = arith.index_cast %get3A_390 : i32 to index
      %get3A_392 = arith.index_cast %add3A_369 : i32 to index
      %get3A_393 = arith.constant 16 : index
      %get3A_394 = tpu.vector_load %arg8[%get3A_391, %get3A_392, %get3A_393] {strides = array<i32>} : memref<4x125x64xf32, #tpu.memory_space<vmem>>, vector<1x1x16xf32>,
      %get3A_395 = vector.shape_cast %get3A_394 : vector<1x1x16xf32> to vector<16xf32>
      %mul3A_396 = arith.mulf %get3A_389, %get3A_395 : vector<16xf32>
      %add3A_397 = arith.addf %add3A_337, %mul3A_396 : vector<16xf32>
      %get3A_398 = arith.constant 0 : i32
      %get3A_399 = arith.index_cast %get3A_398 : i32 to index
      %get3A_400 = arith.index_cast %add3A_369 : i32 to index
      %get3A_401 = arith.constant 32 : index
      %get3A_402 = tpu.vector_load %arg8[%get3A_399, %get3A_400, %get3A_401] {strides = array<i32>} : memref<4x125x64xf32, #tpu.memory_space<vmem>>, vector<1x1x16xf32>,
      %get3A_403 = vector.shape_cast %get3A_402 : vector<1x1x16xf32> to vector<16xf32>
      %get3A_404 = arith.constant 1 : i32
      %get3A_405 = arith.index_cast %get3A_404 : i32 to index
      %get3A_406 = arith.index_cast %add3A_369 : i32 to index
      %get3A_407 = arith.constant 32 : index
      %get3A_408 = tpu.vector_load %arg8[%get3A_405, %get3A_406, %get3A_407] {strides = array<i32>} : memref<4x125x64xf32, #tpu.memory_space<vmem>>, vector<1x1x16xf32>,
      %get3A_409 = vector.shape_cast %get3A_408 : vector<1x1x16xf32> to vector<16xf32>
      %mul3A_410 = arith.mulf %get3A_403, %get3A_409 : vector<16xf32>
      %add3A_411 = arith.addf %add3A_351, %mul3A_410 : vector<16xf32>
      %get3A_412 = arith.constant 0 : i32
      %get3A_413 = arith.index_cast %get3A_412 : i32 to index
      %get3A_414 = arith.index_cast %add3A_369 : i32 to index
      %get3A_415 = arith.constant 48 : index
      %get3A_416 = tpu.vector_load %arg8[%get3A_413, %get3A_414, %get3A_415] {strides = array<i32>} : memref<4x125x64xf32, #tpu.memory_space<vmem>>, vector<1x1x16xf32>,
      %get3A_417 = vector.shape_cast %get3A_416 : vector<1x1x16xf32> to vector<16xf32>
      %get3A_418 = arith.constant 1 : i32
      %get3A_419 = arith.index_cast %get3A_418 : i32 to index
      %get3A_420 = arith.index_cast %add3A_369 : i32 to index
      %get3A_421 = arith.constant 48 : index
      %get3A_422 = tpu.vector_load %arg8[%get3A_419, %get3A_420, %get3A_421] {strides = array<i32>} : memref<4x125x64xf32, #tpu.memory_space<vmem>>, vector<1x1x16xf32>,
      %get3A_423 = vector.shape_cast %get3A_422 : vector<1x1x16xf32> to vector<16xf32>
      %mul3A_424 = arith.mulf %get3A_417, %get3A_423 : vector<16xf32>
      %add3A_425 = arith.addf %add3A_365, %mul3A_424 : vector<16xf32>
      %mul3A_426 = arith.constant 4 : i32
      %mul3A_427 = arith.muli %mul3A_426, %scan3A_242 : i32
      %add3A_428 = arith.constant 3 : i32
      %add3A_429 = arith.addi %mul3A_427, %add3A_428 : i32
      %get3A_430 = arith.constant 0 : i32
      %get3A_431 = arith.index_cast %get3A_430 : i32 to index
      %get3A_432 = arith.index_cast %add3A_429 : i32 to index
      %get3A_433 = arith.constant 0 : index
      %get3A_434 = tpu.vector_load %arg8[%get3A_431, %get3A_432, %get3A_433] {strides = array<i32>} : memref<4x125x64xf32, #tpu.memory_space<vmem>>, vector<1x1x16xf32>,
      %get3A_435 = vector.shape_cast %get3A_434 : vector<1x1x16xf32> to vector<16xf32>
      %get3A_436 = arith.constant 1 : i32
      %get3A_437 = arith.index_cast %get3A_436 : i32 to index
      %get3A_438 = arith.index_cast %add3A_429 : i32 to index
      %get3A_439 = arith.constant 0 : index
      %get3A_440 = tpu.vector_load %arg8[%get3A_437, %get3A_438, %get3A_439] {strides = array<i32>} : memref<4x125x64xf32, #tpu.memory_space<vmem>>, vector<1x1x16xf32>,
      %get3A_441 = vector.shape_cast %get3A_440 : vector<1x1x16xf32> to vector<16xf32>
      %mul3A_442 = arith.mulf %get3A_435, %get3A_441 : vector<16xf32>
      %add3A_443 = arith.addf %add3A_383, %mul3A_442 : vector<16xf32>
      %get3A_444 = arith.constant 0 : i32
      %get3A_445 = arith.index_cast %get3A_444 : i32 to index
      %get3A_446 = arith.index_cast %add3A_429 : i32 to index
      %get3A_447 = arith.constant 16 : index
      %get3A_448 = tpu.vector_load %arg8[%get3A_445, %get3A_446, %get3A_447] {strides = array<i32>} : memref<4x125x64xf32, #tpu.memory_space<vmem>>, vector<1x1x16xf32>,
      %get3A_449 = vector.shape_cast %get3A_448 : vector<1x1x16xf32> to vector<16xf32>
      %get3A_450 = arith.constant 1 : i32
      %get3A_451 = arith.index_cast %get3A_450 : i32 to index
      %get3A_452 = arith.index_cast %add3A_429 : i32 to index
      %get3A_453 = arith.constant 16 : index
      %get3A_454 = tpu.vector_load %arg8[%get3A_451, %get3A_452, %get3A_453] {strides = array<i32>} : memref<4x125x64xf32, #tpu.memory_space<vmem>>, vector<1x1x16xf32>,
      %get3A_455 = vector.shape_cast %get3A_454 : vector<1x1x16xf32> to vector<16xf32>
      %mul3A_456 = arith.mulf %get3A_449, %get3A_455 : vector<16xf32>
      %add3A_457 = arith.addf %add3A_397, %mul3A_456 : vector<16xf32>
      %get3A_458 = arith.constant 0 : i32
      %get3A_459 = arith.index_cast %get3A_458 : i32 to index
      %get3A_460 = arith.index_cast %add3A_429 : i32 to index
      %get3A_461 = arith.constant 32 : index
      %get3A_462 = tpu.vector_load %arg8[%get3A_459, %get3A_460, %get3A_461] {strides = array<i32>} : memref<4x125x64xf32, #tpu.memory_space<vmem>>, vector<1x1x16xf32>,
      %get3A_463 = vector.shape_cast %get3A_462 : vector<1x1x16xf32> to vector<16xf32>
      %get3A_464 = arith.constant 1 : i32
      %get3A_465 = arith.index_cast %get3A_464 : i32 to index
      %get3A_466 = arith.index_cast %add3A_429 : i32 to index
      %get3A_467 = arith.constant 32 : index
      %get3A_468 = tpu.vector_load %arg8[%get3A_465, %get3A_466, %get3A_467] {strides = array<i32>} : memref<4x125x64xf32, #tpu.memory_space<vmem>>, vector<1x1x16xf32>,
      %get3A_469 = vector.shape_cast %get3A_468 : vector<1x1x16xf32> to vector<16xf32>
      %mul3A_470 = arith.mulf %get3A_463, %get3A_469 : vector<16xf32>
      %add3A_471 = arith.addf %add3A_411, %mul3A_470 : vector<16xf32>
      %get3A_472 = arith.constant 0 : i32
      %get3A_473 = arith.index_cast %get3A_472 : i32 to index
      %get3A_474 = arith.index_cast %add3A_429 : i32 to index
      %get3A_475 = arith.constant 48 : index
      %get3A_476 = tpu.vector_load %arg8[%get3A_473, %get3A_474, %get3A_475] {strides = array<i32>} : memref<4x125x64xf32, #tpu.memory_space<vmem>>, vector<1x1x16xf32>,
      %get3A_477 = vector.shape_cast %get3A_476 : vector<1x1x16xf32> to vector<16xf32>
      %get3A_478 = arith.constant 1 : i32
      %get3A_479 = arith.index_cast %get3A_478 : i32 to index
      %get3A_480 = arith.index_cast %add3A_429 : i32 to index
      %get3A_481 = arith.constant 48 : index
      %get3A_482 = tpu.vector_load %arg8[%get3A_479, %get3A_480, %get3A_481] {strides = array<i32>} : memref<4x125x64xf32, #tpu.memory_space<vmem>>, vector<1x1x16xf32>,
      %get3A_483 = vector.shape_cast %get3A_482 : vector<1x1x16xf32> to vector<16xf32>
      %mul3A_484 = arith.mulf %get3A_477, %get3A_483 : vector<16xf32>
      %add3A_485 = arith.addf %add3A_425, %mul3A_484 : vector<16xf32>
      scf.yield %add3A_443, %add3A_457, %add3A_471, %add3A_485 : vector<16xf32>, vector<16xf32>, vector<16xf32>, vector<16xf32>
    }
    %scan3A_234 = arith.constant 10 : i32
    %add3A_235 = arith.addf %add3A_220, %scan3A_233#0 : vector<16xf32>
    %add3A_236 = arith.addf %add3A_235, %scan3A_233#1 : vector<16xf32>
    %add3A_237 = arith.addf %add3A_236, %scan3A_233#2 : vector<16xf32>
    %add3A_238 = arith.addf %add3A_237, %scan3A_233#3 : vector<16xf32>
    %swap3A = arith.constant 0 : index
    %swap3A_239 = tpu.vector_load %arg9[%swap3A] {strides = array<i32>} : memref<16xf32, #tpu.memory_space<vmem>>, vector<16xf32>,
    %swap3A_240 = vector.shape_cast %swap3A_239 : vector<16xf32> to vector<16xf32>
    %swap3A_241 = vector.shape_cast %add3A_238 : vector<16xf32> to vector<16xf32>
    tpu.vector_store %arg9[%swap3A], %swap3A_241 {strides = array<i32>} : memref<16xf32, #tpu.memory_space<vmem>>, vector<16xf32>,
    "tpu.region"() ({
      %run_scoped3A_242 = tpu.sem_alloc : memref<!tpu.dma_semaphore, #tpu.memory_space<semaphore_mem>>
      %dma_start3A_243 = arith.constant 0 : i32
      %dma_start3A_244 = tpu.memref_slice %arg5[%arg0, %arg1, %dma_start3A_243] : memref<2x16x16xf32, #tpu.memory_space<hbm>> -> memref<1x1x16xf32, #tpu.memory_space<hbm>>
      %dma_start3A_245 = tpu.memref_squeeze %dma_start3A_244 : memref<1x1x16xf32, #tpu.memory_space<hbm>> -> memref<16xf32, #tpu.memory_space<hbm>>
      %dma_start3A_246 = arith.constant 0 : i32
      %dma_start3A_247 = tpu.memref_slice %arg5[%arg0, %arg1, %dma_start3A_246] : memref<2x16x16xf32, #tpu.memory_space<hbm>> -> memref<1x1x16xf32, #tpu.memory_space<hbm>>
      %dma_start3A_248 = tpu.memref_squeeze %dma_start3A_247 : memref<1x1x16xf32, #tpu.memory_space<hbm>> -> memref<16xf32, #tpu.memory_space<hbm>>
      tpu.enqueue_dma source(%arg9 : memref<16xf32, #tpu.memory_space<vmem>>) target(%dma_start3A_248 : memref<16xf32, #tpu.memory_space<hbm>>) target_semaphore(%run_scoped3A_242 : memref<!tpu.dma_semaphore, #tpu.memory_space<semaphore_mem>>)
      %dma_wait3A_249 = arith.constant 0 : i32
      %dma_wait3A_250 = tpu.memref_slice %arg5[%arg0, %arg1, %dma_wait3A_249] : memref<2x16x16xf32, #tpu.memory_space<hbm>> -> memref<1x1x16xf32, #tpu.memory_space<hbm>>
      %dma_wait3A_251 = tpu.memref_squeeze %dma_wait3A_250 : memref<1x1x16xf32, #tpu.memory_space<hbm>> -> memref<16xf32, #tpu.memory_space<hbm>>
      %dma_wait3A_252 = arith.constant 0 : i32
      %dma_wait3A_253 = tpu.memref_slice %arg5[%arg0, %arg1, %dma_wait3A_252] : memref<2x16x16xf32, #tpu.memory_space<hbm>> -> memref<1x1x16xf32, #tpu.memory_space<hbm>>
      %dma_wait3A_254 = tpu.memref_squeeze %dma_wait3A_253 : memref<1x1x16xf32, #tpu.memory_space<hbm>> -> memref<16xf32, #tpu.memory_space<hbm>>
      tpu.wait_dma2 semaphore(%run_scoped3A_242 : memref<!tpu.dma_semaphore, #tpu.memory_space<semaphore_mem>>) src(%arg9 : memref<16xf32, #tpu.memory_space<vmem>>) dst(%dma_wait3A_254 : memref<16xf32, #tpu.memory_space<hbm>>)
      tpu.yield
    }) : () -> ()
    return
  }
}

module attributes {stable_mosaic.version = 14 : i64} {
  func.func @_softmax_body(%arg0: i32, %arg1: memref<2x2048x64xf32, #tpu.memory_space<vmem>>, %arg2: memref<1x64xf32, #tpu.memory_space<vmem>>, %arg3: memref<2048x64xf32, #tpu.memory_space<vmem>>) attributes {dimension_semantics = [#tpu.dimension_semantics<arbitrary>], iteration_bounds = array<i64: 5>, scalar_prefetch = 0 : i64, scratch_operands = 0 : i64, tpu.core_type = #tpu.core_type<tc>, window_params = [{transform_indices = @transform_0, window_bounds = array<i64: 2, 2048, 64>}, {pipeline_mode = #tpu.pipeline_mode<synchronous>, transform_indices = @transform_1, window_bounds = array<i64: 1, 64>}, {transform_indices = @transform_2, window_bounds = array<i64: 2048, 64>}]} {
    %get3A = arith.constant 0 : index
    %get3A_0 = arith.constant 0 : index
    %get3A_1 = arith.constant 0 : index
    %get3A_2 = vector.load %arg1[%get3A, %get3A_0, %get3A_1] : memref<2x2048x64xf32, #tpu.memory_space<vmem>>, vector<1x2048x64xf32>
    %get3A_3 = vector.shape_cast %get3A_2 : vector<1x2048x64xf32> to vector<2048x64xf32>
    %get3A_4 = arith.constant 1 : index
    %get3A_5 = arith.constant 0 : index
    %get3A_6 = arith.constant 0 : index
    %get3A_7 = vector.load %arg1[%get3A_4, %get3A_5, %get3A_6] : memref<2x2048x64xf32, #tpu.memory_space<vmem>>, vector<1x2048x64xf32>
    %get3A_8 = vector.shape_cast %get3A_7 : vector<1x2048x64xf32> to vector<2048x64xf32>
    %add3A = arith.addf %get3A_3, %get3A_8 : vector<2048x64xf32>
    %get3A_9 = arith.constant 0 : index
    %get3A_10 = arith.constant 0 : index
    %get3A_11 = vector.load %arg2[%get3A_9, %get3A_10] : memref<1x64xf32, #tpu.memory_space<vmem>>, vector<1x64xf32>
    %add3A_12 = vector.broadcast %get3A_11 : vector<1x64xf32> to vector<2048x64xf32>
    %add3A_13 = arith.addf %add3A, %add3A_12 : vector<2048x64xf32>
    %reduce_max3A = arith.constant dense<0xFF800000> : vector<2048xf32>
    %reduce_max3A_14 = vector.multi_reduction <maximumf>, %add3A_13, %reduce_max3A [1] : vector<2048x64xf32> to vector<2048xf32>
    %broadcast_in_dim3A = vector.shape_cast %reduce_max3A_14 : vector<2048xf32> to vector<2048x1xf32>
    %sub3A = vector.broadcast %broadcast_in_dim3A : vector<2048x1xf32> to vector<2048x64xf32>
    %sub3A_15 = arith.subf %add3A_13, %sub3A : vector<2048x64xf32>
    %exp3A = math.exp %sub3A_15 : vector<2048x64xf32>
    %reduce_sum3A = arith.constant dense<0.000000e+00> : vector<2048xf32>
    %reduce_sum3A_16 = vector.multi_reduction <add>, %exp3A, %reduce_sum3A [1] : vector<2048x64xf32> to vector<2048xf32>
    %broadcast_in_dim3A_17 = vector.shape_cast %reduce_sum3A_16 : vector<2048xf32> to vector<2048x1xf32>
    %div3A = vector.broadcast %broadcast_in_dim3A_17 : vector<2048x1xf32> to vector<2048x64xf32>
    %div3A_18 = arith.divf %exp3A, %div3A : vector<2048x64xf32>
    %swap3A = arith.constant 0 : index
    %swap3A_19 = arith.constant 0 : index
    %swap3A_20 = vector.load %arg3[%swap3A, %swap3A_19] : memref<2048x64xf32, #tpu.memory_space<vmem>>, vector<2048x64xf32>
    tpu.vector_store %arg3[%swap3A, %swap3A_19], %div3A_18 {strides = array<i32>} : memref<2048x64xf32, #tpu.memory_space<vmem>>, vector<2048x64xf32>,
    return
  }
  func.func @transform_0(%arg0: i32) -> (i32, i32, i32) {
    %c0_i32 = arith.constant 0 : i32
    %c0_i32_0 = arith.constant 0 : i32
    %c0_i32_1 = arith.constant 0 : i32
    return %c0_i32, %arg0, %c0_i32_0 : i32, i32, i32
  }
  func.func @transform_1(%arg0: i32) -> (i32, i32) {
    %c0_i32 = arith.constant 0 : i32
    %c0_i32_0 = arith.constant 0 : i32
    %c0_i32_1 = arith.constant 0 : i32
    return %c0_i32, %c0_i32_0 : i32, i32
  }
  func.func @transform_2(%arg0: i32) -> (i32, i32) {
    %c0_i32 = arith.constant 0 : i32
    %c0_i32_0 = arith.constant 0 : i32
    return %arg0, %c0_i32 : i32, i32
  }
}

module attributes {stable_mosaic.version = 14 : i64} {
  func.func @_mm_body(%arg0: i32, %arg1: memref<2000x128xf32, #tpu.memory_space<vmem>>, %arg2: memref<128x128xf32, #tpu.memory_space<vmem>>, %arg3: memref<1x128xf32, #tpu.memory_space<vmem>>, %arg4: memref<2000x128xf32, #tpu.memory_space<vmem>>) attributes {dimension_semantics = [#tpu.dimension_semantics<arbitrary>], iteration_bounds = array<i64: 5>, scalar_prefetch = 0 : i64, scratch_operands = 0 : i64, tpu.core_type = #tpu.core_type<tc>, window_params = [{transform_indices = @transform_0, window_bounds = array<i64: 2000, 128>}, {pipeline_mode = #tpu.pipeline_mode<synchronous>, transform_indices = @transform_1, window_bounds = array<i64: 128, 128>}, {pipeline_mode = #tpu.pipeline_mode<synchronous>, transform_indices = @transform_2, window_bounds = array<i64: 1, 128>}, {transform_indices = @transform_3, window_bounds = array<i64: 2000, 128>}]} {
    %get3A = arith.constant 0 : index
    %get3A_0 = arith.constant 0 : index
    %get3A_1 = vector.load %arg1[%get3A, %get3A_0] : memref<2000x128xf32, #tpu.memory_space<vmem>>, vector<2000x128xf32>
    %get3A_2 = arith.constant 0 : index
    %get3A_3 = arith.constant 0 : index
    %get3A_4 = vector.load %arg2[%get3A_2, %get3A_3] : memref<128x128xf32, #tpu.memory_space<vmem>>, vector<128x128xf32>
    %dot_general3A = arith.constant dense<0.000000e+00> : vector<2000x128xf32>
    %dot_general3A_5 = tpu.matmul %get3A_1, %get3A_4, %dot_general3A {dimension_numbers = #tpu.dot_dimension_numbers<[1], [0], [0], [1], [0, 0, 1, 1], [], []>, transpose_lhs_hint = false} : vector<2000x128xf32>, vector<128x128xf32>, vector<2000x128xf32> -> vector<2000x128xf32>
    %get3A_6 = arith.constant 0 : index
    %get3A_7 = arith.constant 0 : index
    %get3A_8 = vector.load %arg3[%get3A_6, %get3A_7] : memref<1x128xf32, #tpu.memory_space<vmem>>, vector<1x128xf32>
    %add3A = vector.broadcast %get3A_8 : vector<1x128xf32> to vector<2000x128xf32>
    %add3A_9 = arith.addf %dot_general3A_5, %add3A : vector<2000x128xf32>
    %swap3A = arith.constant 0 : index
    %swap3A_10 = arith.constant 0 : index
    %swap3A_11 = vector.load %arg4[%swap3A, %swap3A_10] : memref<2000x128xf32, #tpu.memory_space<vmem>>, vector<2000x128xf32>
    tpu.vector_store %arg4[%swap3A, %swap3A_10], %add3A_9 {strides = array<i32>} : memref<2000x128xf32, #tpu.memory_space<vmem>>, vector<2000x128xf32>,
    return
  }
  func.func @transform_0(%arg0: i32) -> (i32, i32) {
    %c0_i32 = arith.constant 0 : i32
    %c0_i32_0 = arith.constant 0 : i32
    return %arg0, %c0_i32 : i32, i32
  }
  func.func @transform_1(%arg0: i32) -> (i32, i32) {
    %c0_i32 = arith.constant 0 : i32
    %c0_i32_0 = arith.constant 0 : i32
    %c0_i32_1 = arith.constant 0 : i32
    return %c0_i32, %c0_i32_0 : i32, i32
  }
  func.func @transform_2(%arg0: i32) -> (i32, i32) {
    %c0_i32 = arith.constant 0 : i32
    %c0_i32_0 = arith.constant 0 : i32
    %c0_i32_1 = arith.constant 0 : i32
    return %c0_i32, %c0_i32_0 : i32, i32
  }
  func.func @transform_3(%arg0: i32) -> (i32, i32) {
    %c0_i32 = arith.constant 0 : i32
    %c0_i32_0 = arith.constant 0 : i32
    return %arg0, %c0_i32 : i32, i32
  }
}

module attributes {stable_mosaic.version = 14 : i64} {
  func.func @_dense_body(%arg0: i32, %arg1: memref<2000x64xf32, #tpu.memory_space<vmem>>, %arg2: memref<2000x128xf32, #tpu.memory_space<vmem>>, %arg3: memref<2x2000x16xf32, #tpu.memory_space<vmem>>, %arg4: memref<192x64xf32, #tpu.memory_space<vmem>>, %arg5: memref<1x64xf32, #tpu.memory_space<vmem>>, %arg6: memref<2000x64xf32, #tpu.memory_space<vmem>>, %arg7: memref<64x64xf32, #tpu.memory_space<vmem>>, %arg8: memref<1x1xf32, #tpu.memory_space<vmem>>, %arg9: memref<64x64xf32, #tpu.memory_space<vmem>>, %arg10: memref<1x1xf32, #tpu.memory_space<smem>>) attributes {dimension_semantics = [#tpu.dimension_semantics<arbitrary>], iteration_bounds = array<i64: 5>, scalar_prefetch = 0 : i64, scratch_operands = 2 : i64, tpu.core_type = #tpu.core_type<tc>, window_params = [{transform_indices = @transform_0, window_bounds = array<i64: 2000, 64>}, {transform_indices = @transform_1, window_bounds = array<i64: 2000, 128>}, {transform_indices = @transform_2, window_bounds = array<i64: 2, 2000, 16>}, {pipeline_mode = #tpu.pipeline_mode<synchronous>, transform_indices = @transform_3, window_bounds = array<i64: 192, 64>}, {pipeline_mode = #tpu.pipeline_mode<synchronous>, transform_indices = @transform_4, window_bounds = array<i64: 1, 64>}, {transform_indices = @transform_5, window_bounds = array<i64: 2000, 64>}, {pipeline_mode = #tpu.pipeline_mode<synchronous>, transform_indices = @transform_6, window_bounds = array<i64: 64, 64>}, {pipeline_mode = #tpu.pipeline_mode<synchronous>, transform_indices = @transform_7, window_bounds = array<i64: 1, 1>}]} {
    %eq3A = arith.constant 0 : i32
    %eq3A_0 = arith.cmpi eq, %arg0, %eq3A : i32
    %convert_element_type3A = arith.extui %eq3A_0 : i1 to i32
    %cond3A = arith.constant 0 : i32
    %cond3A_1 = arith.cmpi ne, %convert_element_type3A, %cond3A : i32
    scf.if %cond3A_1 {
      %broadcast_in_dim3A_73 = arith.constant 0.000000e+00 : f32
      %broadcast_in_dim3A_74 = vector.broadcast %broadcast_in_dim3A_73 : f32 to vector<64x64xf32>
      %swap3A_75 = arith.constant 0 : index
      %swap3A_76 = arith.constant 0 : index
      %swap3A_77 = vector.load %arg9[%swap3A_75, %swap3A_76] : memref<64x64xf32, #tpu.memory_space<vmem>>, vector<64x64xf32>
      tpu.vector_store %arg9[%swap3A_75, %swap3A_76], %broadcast_in_dim3A_74 {strides = array<i32>} : memref<64x64xf32, #tpu.memory_space<vmem>>, vector<64x64xf32>,
      %swap3A_78 = arith.constant 0.000000e+00 : f32
      %swap3A_79 = arith.constant 0 : index
      %swap3A_80 = arith.constant 0 : index
      %swap3A_81 = memref.load %arg10[%swap3A_79, %swap3A_80] : memref<1x1xf32, #tpu.memory_space<smem>>
      memref.store %swap3A_78, %arg10[%swap3A_79, %swap3A_80] : memref<1x1xf32, #tpu.memory_space<smem>>
    } else {
    }
    %get3A = arith.constant 0 : index
    %get3A_2 = arith.constant 0 : index
    %get3A_3 = vector.load %arg1[%get3A, %get3A_2] : memref<2000x64xf32, #tpu.memory_space<vmem>>, vector<2000x64xf32>
    %get3A_4 = arith.constant 0 : index
    %get3A_5 = arith.constant 0 : index
    %get3A_6 = arith.constant 0 : index
    %get3A_7 = vector.load %arg3[%get3A_4, %get3A_5, %get3A_6] : memref<2x2000x16xf32, #tpu.memory_space<vmem>>, vector<1x2000x16xf32>
    %get3A_8 = vector.shape_cast %get3A_7 : vector<1x2000x16xf32> to vector<2000x16xf32>
    %slice3A = vector.extract_strided_slice %get3A_8 {offsets = [0, 0], sizes = [2000, 1], strides = [1, 1]} : vector<2000x16xf32> to vector<2000x1xf32>
    %get3A_9 = arith.constant 1 : index
    %get3A_10 = arith.constant 0 : index
    %get3A_11 = arith.constant 0 : index
    %get3A_12 = vector.load %arg3[%get3A_9, %get3A_10, %get3A_11] : memref<2x2000x16xf32, #tpu.memory_space<vmem>>, vector<1x2000x16xf32>
    %get3A_13 = vector.shape_cast %get3A_12 : vector<1x2000x16xf32> to vector<2000x16xf32>
    %slice3A_14 = vector.extract_strided_slice %get3A_13 {offsets = [0, 0], sizes = [2000, 1], strides = [1, 1]} : vector<2000x16xf32> to vector<2000x1xf32>
    %add3A = arith.addf %slice3A, %slice3A_14 : vector<2000x1xf32>
    %mul3A = arith.mulf %get3A_3, %get3A_3 : vector<2000x64xf32>
    %reduce_sum3A = arith.constant dense<0.000000e+00> : vector<2000xf32>
    %reduce_sum3A_15 = vector.multi_reduction <add>, %mul3A, %reduce_sum3A [1] : vector<2000x64xf32> to vector<2000xf32>
    %broadcast_in_dim3A = vector.shape_cast %reduce_sum3A_15 : vector<2000xf32> to vector<2000x1xf32>
    %get3A_16 = arith.constant 0 : index
    %get3A_17 = arith.constant 0 : index
    %get3A_18 = memref.load %arg10[%get3A_16, %get3A_17] : memref<1x1xf32, #tpu.memory_space<smem>>
    %mul3A_19 = arith.mulf %add3A, %broadcast_in_dim3A : vector<2000x1xf32>
    %reduce_sum3A_20 = vector.shape_cast %mul3A_19 : vector<2000x1xf32> to vector<1x2000x1xf32>
    %reduce_sum3A_21 = arith.constant dense<0.000000e+00> : vector<1xf32>
    %reduce_sum3A_22 = vector.multi_reduction <add>, %reduce_sum3A_20, %reduce_sum3A_21 [1, 2] : vector<1x2000x1xf32> to vector<1xf32>
    %reduce_sum3A_23 = vector.shape_cast %reduce_sum3A_22 : vector<1xf32> to vector<1x1x1xf32>
    %reduce_sum3A_24 = vector.extract %reduce_sum3A_23[0, 0, 0] : f32 from vector<1x1x1xf32>
    %add3A_25 = arith.addf %get3A_18, %reduce_sum3A_24 : f32
    %swap3A = arith.constant 0 : index
    %swap3A_26 = arith.constant 0 : index
    %swap3A_27 = memref.load %arg10[%swap3A, %swap3A_26] : memref<1x1xf32, #tpu.memory_space<smem>>
    memref.store %add3A_25, %arg10[%swap3A, %swap3A_26] : memref<1x1xf32, #tpu.memory_space<smem>>
    %get3A_28 = arith.constant 0 : index
    %get3A_29 = arith.constant 0 : index
    %get3A_30 = vector.load %arg9[%get3A_28, %get3A_29] : memref<64x64xf32, #tpu.memory_space<vmem>>, vector<64x64xf32>
    %dot_general3A = arith.constant dense<0.000000e+00> : vector<64x64xf32>
    %dot_general3A_31 = tpu.matmul %get3A_3, %get3A_3, %dot_general3A {dimension_numbers = #tpu.dot_dimension_numbers<[0], [0], [1], [1], [0, 1, 1, 1], [], []>, transpose_lhs_hint = false} : vector<2000x64xf32>, vector<2000x64xf32>, vector<64x64xf32> -> vector<64x64xf32>
    %add3A_32 = arith.addf %get3A_30, %dot_general3A_31 : vector<64x64xf32>
    %swap3A_33 = arith.constant 0 : index
    %swap3A_34 = arith.constant 0 : index
    %swap3A_35 = vector.load %arg9[%swap3A_33, %swap3A_34] : memref<64x64xf32, #tpu.memory_space<vmem>>, vector<64x64xf32>
    tpu.vector_store %arg9[%swap3A_33, %swap3A_34], %add3A_32 {strides = array<i32>} : memref<64x64xf32, #tpu.memory_space<vmem>>, vector<64x64xf32>,
    %get3A_36 = arith.constant 0 : index
    %get3A_37 = arith.constant 0 : index
    %get3A_38 = vector.load %arg2[%get3A_36, %get3A_37] : memref<2000x128xf32, #tpu.memory_space<vmem>>, vector<2000x128xf32>
    %get3A_39 = arith.constant 0 : index
    %get3A_40 = arith.constant 0 : index
    %get3A_41 = vector.load %arg4[%get3A_39, %get3A_40] : memref<192x64xf32, #tpu.memory_space<vmem>>, vector<128x64xf32>
    %dot_general3A_42 = arith.constant dense<0.000000e+00> : vector<2000x64xf32>
    %dot_general3A_43 = tpu.matmul %get3A_38, %get3A_41, %dot_general3A_42 {dimension_numbers = #tpu.dot_dimension_numbers<[1], [0], [0], [1], [0, 0, 1, 1], [], []>, transpose_lhs_hint = false} : vector<2000x128xf32>, vector<128x64xf32>, vector<2000x64xf32> -> vector<2000x64xf32>
    %get3A_44 = arith.constant 128 : index
    %get3A_45 = arith.constant 0 : index
    %get3A_46 = vector.load %arg4[%get3A_44, %get3A_45] : memref<192x64xf32, #tpu.memory_space<vmem>>, vector<64x64xf32>
    %dot_general3A_47 = arith.constant dense<0.000000e+00> : vector<2000x64xf32>
    %dot_general3A_48 = tpu.matmul %get3A_3, %get3A_46, %dot_general3A_47 {dimension_numbers = #tpu.dot_dimension_numbers<[1], [0], [0], [1], [0, 0, 1, 1], [], []>, transpose_lhs_hint = false} : vector<2000x64xf32>, vector<64x64xf32>, vector<2000x64xf32> -> vector<2000x64xf32>
    %add3A_49 = arith.addf %dot_general3A_43, %dot_general3A_48 : vector<2000x64xf32>
    %get3A_50 = arith.constant 0 : index
    %get3A_51 = arith.constant 0 : index
    %get3A_52 = vector.load %arg5[%get3A_50, %get3A_51] : memref<1x64xf32, #tpu.memory_space<vmem>>, vector<1x64xf32>
    %add3A_53 = vector.broadcast %get3A_52 : vector<1x64xf32> to vector<2000x64xf32>
    %add3A_54 = arith.addf %add3A_49, %add3A_53 : vector<2000x64xf32>
    %reduce_max3A = arith.constant dense<0xFF800000> : vector<2000xf32>
    %reduce_max3A_55 = vector.multi_reduction <maximumf>, %add3A_54, %reduce_max3A [1] : vector<2000x64xf32> to vector<2000xf32>
    %broadcast_in_dim3A_56 = vector.shape_cast %reduce_max3A_55 : vector<2000xf32> to vector<2000x1xf32>
    %sub3A = vector.broadcast %broadcast_in_dim3A_56 : vector<2000x1xf32> to vector<2000x64xf32>
    %sub3A_57 = arith.subf %add3A_54, %sub3A : vector<2000x64xf32>
    %sub3A_58 = vector.broadcast %broadcast_in_dim3A_56 : vector<2000x1xf32> to vector<2000x64xf32>
    %sub3A_59 = arith.subf %add3A_54, %sub3A_58 : vector<2000x64xf32>
    %exp3A = math.exp %sub3A_59 : vector<2000x64xf32>
    %reduce_sum3A_60 = arith.constant dense<0.000000e+00> : vector<2000xf32>
    %reduce_sum3A_61 = vector.multi_reduction <add>, %exp3A, %reduce_sum3A_60 [1] : vector<2000x64xf32> to vector<2000xf32>
    %broadcast_in_dim3A_62 = vector.shape_cast %reduce_sum3A_61 : vector<2000xf32> to vector<2000x1xf32>
    %log3A = math.log %broadcast_in_dim3A_62 : vector<2000x1xf32>
    %sub3A_63 = vector.broadcast %log3A : vector<2000x1xf32> to vector<2000x64xf32>
    %sub3A_64 = arith.subf %sub3A_57, %sub3A_63 : vector<2000x64xf32>
    %swap3A_65 = arith.constant 0 : index
    %swap3A_66 = arith.constant 0 : index
    %swap3A_67 = vector.load %arg6[%swap3A_65, %swap3A_66] : memref<2000x64xf32, #tpu.memory_space<vmem>>, vector<2000x64xf32>
    tpu.vector_store %arg6[%swap3A_65, %swap3A_66], %sub3A_64 {strides = array<i32>} : memref<2000x64xf32, #tpu.memory_space<vmem>>, vector<2000x64xf32>,
    %eq3A_68 = arith.constant 4 : i32
    %eq3A_69 = arith.cmpi eq, %arg0, %eq3A_68 : i32
    %convert_element_type3A_70 = arith.extui %eq3A_69 : i1 to i32
    %cond3A_71 = arith.constant 0 : i32
    %cond3A_72 = arith.cmpi ne, %convert_element_type3A_70, %cond3A_71 : i32
    scf.if %cond3A_72 {
      %get3A_73 = arith.constant 0 : index
      %get3A_74 = arith.constant 0 : index
      %get3A_75 = vector.load %arg9[%get3A_73, %get3A_74] : memref<64x64xf32, #tpu.memory_space<vmem>>, vector<64x64xf32>
      %swap3A_76 = arith.constant 0 : index
      %swap3A_77 = arith.constant 0 : index
      %swap3A_78 = vector.load %arg7[%swap3A_76, %swap3A_77] : memref<64x64xf32, #tpu.memory_space<vmem>>, vector<64x64xf32>
      tpu.vector_store %arg7[%swap3A_76, %swap3A_77], %get3A_75 {strides = array<i32>} : memref<64x64xf32, #tpu.memory_space<vmem>>, vector<64x64xf32>,
      %get3A_79 = arith.constant 0 : index
      %get3A_80 = arith.constant 0 : index
      %get3A_81 = memref.load %arg10[%get3A_79, %get3A_80] : memref<1x1xf32, #tpu.memory_space<smem>>
      %broadcast_in_dim3A_82 = vector.broadcast %get3A_81 : f32 to vector<1x1xf32>
      %swap3A_83 = arith.constant 0 : index
      %swap3A_84 = arith.constant 0 : index
      %swap3A_85 = vector.load %arg8[%swap3A_83, %swap3A_84] : memref<1x1xf32, #tpu.memory_space<vmem>>, vector<1x1xf32>
      tpu.vector_store %arg8[%swap3A_83, %swap3A_84], %broadcast_in_dim3A_82 {strides = array<i32>} : memref<1x1xf32, #tpu.memory_space<vmem>>, vector<1x1xf32>,
    } else {
    }
    return
  }
  func.func @transform_0(%arg0: i32) -> (i32, i32) {
    %c0_i32 = arith.constant 0 : i32
    %c0_i32_0 = arith.constant 0 : i32
    return %arg0, %c0_i32 : i32, i32
  }
  func.func @transform_1(%arg0: i32) -> (i32, i32) {
    %c0_i32 = arith.constant 0 : i32
    %c0_i32_0 = arith.constant 0 : i32
    return %arg0, %c0_i32 : i32, i32
  }
  func.func @transform_2(%arg0: i32) -> (i32, i32, i32) {
    %c0_i32 = arith.constant 0 : i32
    %c0_i32_0 = arith.constant 0 : i32
    %c0_i32_1 = arith.constant 0 : i32
    return %c0_i32, %arg0, %c0_i32_0 : i32, i32, i32
  }
  func.func @transform_3(%arg0: i32) -> (i32, i32) {
    %c0_i32 = arith.constant 0 : i32
    %c0_i32_0 = arith.constant 0 : i32
    %c0_i32_1 = arith.constant 0 : i32
    return %c0_i32, %c0_i32_0 : i32, i32
  }
  func.func @transform_4(%arg0: i32) -> (i32, i32) {
    %c0_i32 = arith.constant 0 : i32
    %c0_i32_0 = arith.constant 0 : i32
    %c0_i32_1 = arith.constant 0 : i32
    return %c0_i32, %c0_i32_0 : i32, i32
  }
  func.func @transform_5(%arg0: i32) -> (i32, i32) {
    %c0_i32 = arith.constant 0 : i32
    %c0_i32_0 = arith.constant 0 : i32
    return %arg0, %c0_i32 : i32, i32
  }
  func.func @transform_6(%arg0: i32) -> (i32, i32) {
    %c0_i32 = arith.constant 0 : i32
    %c0_i32_0 = arith.constant 0 : i32
    %c0_i32_1 = arith.constant 0 : i32
    return %c0_i32, %c0_i32_0 : i32, i32
  }
  func.func @transform_7(%arg0: i32) -> (i32, i32) {
    %c0_i32 = arith.constant 0 : i32
    %c0_i32_0 = arith.constant 0 : i32
    %c0_i32_1 = arith.constant 0 : i32
    return %c0_i32, %c0_i32_0 : i32, i32
  }
}

module attributes {stable_mosaic.version = 14 : i64} {
  func.func @_loss_body(%arg0: i32, %arg1: memref<64x64xf32, #tpu.memory_space<vmem>>, %arg2: memref<1x1xf32, #tpu.memory_space<vmem>>, %arg3: memref<2x16x16xf32, #tpu.memory_space<vmem>>, %arg4: memref<1x1xf32, #tpu.memory_space<vmem>>) attributes {dimension_semantics = [#tpu.dimension_semantics<arbitrary>], iteration_bounds = array<i64: 1>, scalar_prefetch = 0 : i64, scratch_operands = 0 : i64, tpu.core_type = #tpu.core_type<tc>, window_params = [{pipeline_mode = #tpu.pipeline_mode<synchronous>, transform_indices = @transform_0, window_bounds = array<i64: 64, 64>}, {pipeline_mode = #tpu.pipeline_mode<synchronous>, transform_indices = @transform_1, window_bounds = array<i64: 1, 1>}, {pipeline_mode = #tpu.pipeline_mode<synchronous>, transform_indices = @transform_2, window_bounds = array<i64: 2, 16, 16>}, {pipeline_mode = #tpu.pipeline_mode<synchronous>, transform_indices = @transform_3, window_bounds = array<i64: 1, 1>}]} {
    %get3A = arith.constant 0 : index
    %get3A_0 = arith.constant 0 : index
    %get3A_1 = vector.load %arg1[%get3A, %get3A_0] : memref<64x64xf32, #tpu.memory_space<vmem>>, vector<64x64xf32>
    %mul3A = arith.mulf %get3A_1, %get3A_1 : vector<64x64xf32>
    %reduce_sum3A = vector.shape_cast %mul3A : vector<64x64xf32> to vector<1x64x64xf32>
    %reduce_sum3A_2 = arith.constant dense<0.000000e+00> : vector<1xf32>
    %reduce_sum3A_3 = vector.multi_reduction <add>, %reduce_sum3A, %reduce_sum3A_2 [1, 2] : vector<1x64x64xf32> to vector<1xf32>
    %reduce_sum3A_4 = vector.shape_cast %reduce_sum3A_3 : vector<1xf32> to vector<1x1x1xf32>
    %reduce_sum3A_5 = vector.extract %reduce_sum3A_4[0, 0, 0] : f32 from vector<1x1x1xf32>
    %sqrt3A = math.sqrt %reduce_sum3A_5 : f32
    %iota3A = tpu.iota {dimensions = array<i32: 0>} : vector<64x64xi32>
    %iota3A_6 = tpu.iota {dimensions = array<i32: 1>} : vector<64x64xi32>
    %eq3A = arith.cmpi eq, %iota3A, %iota3A_6 : vector<64x64xi32>
    %jit3A = arith.constant 1.000000e+00 : f32
    %jit3A_7 = arith.constant 0.000000e+00 : f32
    %broadcast_in_dim3A = vector.broadcast %jit3A : f32 to vector<64x64xf32>
    %broadcast_in_dim3A_8 = vector.broadcast %jit3A_7 : f32 to vector<64x64xf32>
    %select_n3A = arith.select %eq3A, %broadcast_in_dim3A, %broadcast_in_dim3A_8 : vector<64x64xi1>, vector<64x64xf32>
    %add3A = arith.constant 1.000000e-10 : f32
    %add3A_9 = arith.addf %sqrt3A, %add3A : f32
    %div3A = vector.broadcast %add3A_9 : f32 to vector<64x64xf32>
    %div3A_10 = arith.divf %get3A_1, %div3A : vector<64x64xf32>
    %sqrt3A_11 = arith.constant 6.400000e+01 : f32
    %sqrt3A_12 = math.sqrt %sqrt3A_11 : f32
    %div3A_13 = vector.broadcast %sqrt3A_12 : f32 to vector<64x64xf32>
    %div3A_14 = arith.divf %select_n3A, %div3A_13 : vector<64x64xf32>
    %sub3A = arith.subf %div3A_10, %div3A_14 : vector<64x64xf32>
    %mul3A_15 = arith.mulf %sub3A, %sub3A : vector<64x64xf32>
    %reduce_sum3A_16 = vector.shape_cast %mul3A_15 : vector<64x64xf32> to vector<1x64x64xf32>
    %reduce_sum3A_17 = arith.constant dense<0.000000e+00> : vector<1xf32>
    %reduce_sum3A_18 = vector.multi_reduction <add>, %reduce_sum3A_16, %reduce_sum3A_17 [1, 2] : vector<1x64x64xf32> to vector<1xf32>
    %reduce_sum3A_19 = vector.shape_cast %reduce_sum3A_18 : vector<1xf32> to vector<1x1x1xf32>
    %reduce_sum3A_20 = vector.extract %reduce_sum3A_19[0, 0, 0] : f32 from vector<1x1x1xf32>
    %sqrt3A_21 = math.sqrt %reduce_sum3A_20 : f32
    %get3A_22 = arith.constant 0 : index
    %get3A_23 = arith.constant 0 : index
    %get3A_24 = arith.constant 0 : index
    %get3A_25 = vector.load %arg3[%get3A_22, %get3A_23, %get3A_24] : memref<2x16x16xf32, #tpu.memory_space<vmem>>, vector<2x16x16xf32>
    %reduce_sum3A_26 = vector.shape_cast %get3A_25 : vector<2x16x16xf32> to vector<1x2x16x16xf32>
    %reduce_sum3A_27 = arith.constant dense<0.000000e+00> : vector<1xf32>
    %reduce_sum3A_28 = vector.multi_reduction <add>, %reduce_sum3A_26, %reduce_sum3A_27 [1, 2, 3] : vector<1x2x16x16xf32> to vector<1xf32>
    %reduce_sum3A_29 = vector.shape_cast %reduce_sum3A_28 : vector<1xf32> to vector<1x1x1x1xf32>
    %reduce_sum3A_30 = vector.extract %reduce_sum3A_29[0, 0, 0, 0] : f32 from vector<1x1x1x1xf32>
    %get3A_31 = arith.constant 0 : index
    %get3A_32 = arith.constant 0 : index
    %get3A_33 = vector.load %arg2[%get3A_31, %get3A_32] : memref<1x1xf32, #tpu.memory_space<vmem>>, vector<1x1xf32>
    %reduce_sum3A_34 = vector.shape_cast %get3A_33 : vector<1x1xf32> to vector<1x1x1xf32>
    %reduce_sum3A_35 = arith.constant dense<0.000000e+00> : vector<1xf32>
    %reduce_sum3A_36 = vector.multi_reduction <add>, %reduce_sum3A_34, %reduce_sum3A_35 [1, 2] : vector<1x1x1xf32> to vector<1xf32>
    %reduce_sum3A_37 = vector.shape_cast %reduce_sum3A_36 : vector<1xf32> to vector<1x1x1xf32>
    %reduce_sum3A_38 = vector.extract %reduce_sum3A_37[0, 0, 0] : f32 from vector<1x1x1xf32>
    %add3A_39 = arith.constant 1.000000e-10 : f32
    %add3A_40 = arith.addf %reduce_sum3A_38, %add3A_39 : f32
    %div3A_41 = arith.divf %reduce_sum3A_30, %add3A_40 : f32
    %neg3A = arith.constant 0.000000e+00 : f32
    %neg3A_42 = arith.subf %neg3A, %div3A_41 : f32
    %add3A_43 = arith.addf %neg3A_42, %sqrt3A_21 : f32
    %broadcast_in_dim3A_44 = vector.broadcast %add3A_43 : f32 to vector<1x1xf32>
    %swap3A = arith.constant 0 : index
    %swap3A_45 = arith.constant 0 : index
    %swap3A_46 = vector.load %arg4[%swap3A, %swap3A_45] : memref<1x1xf32, #tpu.memory_space<vmem>>, vector<1x1xf32>
    tpu.vector_store %arg4[%swap3A, %swap3A_45], %broadcast_in_dim3A_44 {strides = array<i32>} : memref<1x1xf32, #tpu.memory_space<vmem>>, vector<1x1xf32>,
    return
  }
  func.func @transform_0(%arg0: i32) -> (i32, i32) {
    %c0_i32 = arith.constant 0 : i32
    %c0_i32_0 = arith.constant 0 : i32
    %c0_i32_1 = arith.constant 0 : i32
    return %c0_i32, %c0_i32_0 : i32, i32
  }
  func.func @transform_1(%arg0: i32) -> (i32, i32) {
    %c0_i32 = arith.constant 0 : i32
    %c0_i32_0 = arith.constant 0 : i32
    %c0_i32_1 = arith.constant 0 : i32
    return %c0_i32, %c0_i32_0 : i32, i32
  }
  func.func @transform_2(%arg0: i32) -> (i32, i32, i32) {
    %c0_i32 = arith.constant 0 : i32
    %c0_i32_0 = arith.constant 0 : i32
    %c0_i32_1 = arith.constant 0 : i32
    %c0_i32_2 = arith.constant 0 : i32
    return %c0_i32, %c0_i32_0, %c0_i32_1 : i32, i32, i32
  }
  func.func @transform_3(%arg0: i32) -> (i32, i32) {
    %c0_i32 = arith.constant 0 : i32
    %c0_i32_0 = arith.constant 0 : i32
    %c0_i32_1 = arith.constant 0 : i32
    return %c0_i32, %c0_i32_0 : i32, i32
  }
}

</mosaic_0001>

<sc_bundles>
// kernel: kernel.11.cloned.1.call-start
scs
__scs_entry_jumppad:
0x0: {  	(pc) =	sbr.rel $0x88, $3  }
0x1: {  	(tag) =	ssettag $0x0;
	lr =	simm.s32 $0x1  }
0x2: {  	[smem:$0x3F99] =	sst lr;
	_ =	strace $0xD0000000  }
0x3: {  	_ = 	snop  }
0x4: {  	_ = 	snop  }
0x5: {  	_ = 	snop  }
0x6: {  	_ = 	snop  }
0x7: {  	_ = 	snop  }
__scs_overlays_trampoline_lowered:
0x8: {  	[smem:$0x3FA8] =	sst s0  }
0x9: {  	[smem:$0x3FA9] =	sst s1  }
0xa: {  	[smem:$0x3FAA] =	sst s2  }
0xb: {  	[smem:$0x3FAB] =	sst s3  }
0xc: {  	[smem:$0x3FAC] =	sst s4  }
0xd: {  	[smem:$0x3FAD] =	sst s5  }
0xe: {  	[smem:$0x3FAE] =	sst s6  }
0xf: {  	[smem:$0x3FAF] =	sst s7  }
0x10: {  	[smem:$0x3FB0] =	sst s8  }
0x11: {  	[smem:$0x3FB1] =	sst s9;
	s0 =	simm.s32 @!p0 $0x0  }
0x12: {  	s1 =	sld [smem:$0x3F97];
	s0 =	simm.s32 @p0 $0x1  }
0x13: {  	[smem:$0x3FB2] =	sst s0;
	s0 =	simm.s32 @!p1 $0x0  }
0x14: {  	s2 =	sld [smem:$0x3F96];
	s0 =	simm.s32 @p1 $0x1  }
0x15: {  	[smem:$0x3FB3] =	sst s0;
	s0 =	simm.s32 @!p2 $0x0  }
0x16: {  	s3 =	sld [smem:$0x3FDB];
	s0 =	simm.s32 @p2 $0x1  }
0x17: {  	s4 =	simm.s32 $0x1BF5;
	[smem:$0x3FB5] =	sst s0  }
0x18: {  	s0 =	sld [smem:$0x3F98];
	_ =	swait.ge [sflag:s4], $0x0  }
0x19: {  	s7 =	sld [smem:$0x3F99]  }
0x1a: {  	s8 =	sadd.s32 $0xFFFFE003, lr  }
0x1b: {  	s9 =	sadd.s32 $0xFFFFFEF7, lr;
	s5 =	simm.s32 $0xFFFFFFFF;
	p2 =	slt.u32 s8, $0xFFFFF086  }
0x1c: {  	p1 =	slt.u32 s9, $0xF7A;
	s5 =	simm.s32 @!p2 $0x0  }
0x1d: {  	s5 =	simm.s32 @p1 $0x1;
	p0 =	seq.s32 s7, s2  }
0x1e: {  	s7 =	smul.u32 @!p0 $0xF7A, s2;
	p2 =	seq.s32 @!p0 s5, $0x0  }
0x1f: {  	s9 =	smul.u32 $0xF7A, s1;
	s8 =	simm.s32 @!p0 $0x1BF5;
	p2 =	por !p2, p0  }
0x20: {  	[sflag:s8] =	ssyncset.s32 @!p0 $0xFFFFF086;
	s6 =	sadd.s32 @!p0 s3, s7;
	s7 =	simm.s32 @!p0 $0x108  }
0x21: {  	s3 =	sadd.s32 s3, s9;
	s6 =	sadd.s32 @!p0 $0x88, s6;
	s7 =	simm.s32 @p2 $0x1082  }
0x22: {  	[simem:s7], [sflag:s8] =	dma.local @!p0 [hbm:s6], $0xF7A  }
0x23: {  	s9 =	sor.u32 $0xD0000000, s2;
	s6 =	simm.s32 $0x108;
	_ =	swait.ge @!p0 [sflag:s8], $0x0  }
0x24: {  	s3 =	sadd.s32 $0x88, s3;
	s6 =	simm.s32 @!p1 $0x1082;
	[sflag:s4] =	ssyncset.s32 $0xFFFFF086  }
0x25: {  	[simem:s6], [sflag:s4] =	dma.local [hbm:s3], $0xF7A  }
0x26: {  	[smem:$0x3F99] =	sst s1;
	(tag) =	ssettag s2;
	_ =	strace s9  }
0x27: {  	s1 =	sld [smem:$0x3FA9]  }
0x28: {  	s2 =	sld [smem:$0x3FAA]  }
0x29: {  	s4 =	sld [smem:$0x3FAC]  }
0x2a: {  	p0 =	seq.s32 s5, $0x0;
	s5 =	sld [smem:$0x3FAD]  }
0x2b: {  	s6 =	sld [smem:$0x3FAE]  }
0x2c: {  	s7 =	sld [smem:$0x3FAF]  }
0x2d: {  	s3 =	simm.s32 $0x108;
	s8 =	sld [smem:$0x3FB0]  }
0x2e: {  	s3 =	simm.s32 @!p0 $0x1082;
	s9 =	sld [smem:$0x3FB1]  }
0x2f: {  	lr =	sadd.s32 s0, s3;
	s0 =	sld [smem:$0x3FA8]  }
0x30: {  	s3 =	sld [smem:$0x3FAB]  }
0x31: {  	[smem:$0x3FB4] =	sst s10  }
0x32: {  	s10 =	sld [smem:$0x3FB2];
	_ =	sdelay $0x3  }
0x33: {  	p0 =	seq.s32 s10, $0x1;
	s10 =	sld [smem:$0x3FB4];
	_ =	sdelay $0x3  }
0x34: {  	[smem:$0x3FB4] =	sst s10  }
0x35: {  	s10 =	sld [smem:$0x3FB3];
	_ =	sdelay $0x3  }
0x36: {  	p1 =	seq.s32 s10, $0x1;
	s10 =	sld [smem:$0x3FB4];
	_ =	sdelay $0x3  }
0x37: {  	[smem:$0x3FB4] =	sst s10  }
0x38: {  	s10 =	sld [smem:$0x3FB5]  }
0x39: {  	_ = 	snop;
	(pc) =	sbr.ind lr, $3  }
0x3a: {  	_ = 	snop  }
0x3b: {  	_ = 	snop  }
0x3c: {  	p2 =	seq.s32 s10, $0x1;
	s10 =	sld [smem:$0x3FB4]  }
0x3d: {  	_ =	shalt  }
0x3e: {  	_ =	shalt  }
0x3f: {  	_ =	shalt  }
0x40: {  	_ =	shalt  }
0x41: {  	_ =	shalt  }
0x42: {  	_ =	shalt  }
0x43: {  	_ =	shalt  }
0x44: {  	_ =	shalt  }
0x45: {  	_ =	shalt  }
0x46: {  	_ =	shalt  }
0x47: {  	_ =	shalt  }
0x48: {  	_ =	shalt  }
0x49: {  	_ =	shalt  }
0x4a: {  	_ =	shalt  }
0x4b: {  	_ =	shalt  }
0x4c: {  	_ =	shalt  }
0x4d: {  	_ =	shalt  }
0x4e: {  	_ =	shalt  }
0x4f: {  	_ =	shalt  }
0x50: {  	_ =	shalt  }
0x51: {  	_ =	shalt  }
0x52: {  	_ =	shalt  }
0x53: {  	_ =	shalt  }
0x54: {  	_ =	shalt  }
0x55: {  	_ =	shalt  }
0x56: {  	_ =	shalt  }
0x57: {  	_ =	shalt  }
0x58: {  	_ =	shalt  }
0x59: {  	_ =	shalt  }
0x5a: {  	_ =	shalt  }
0x5b: {  	_ =	shalt  }
0x5c: {  	_ =	shalt  }
0x5d: {  	_ =	shalt  }
0x5e: {  	_ =	shalt  }
0x5f: {  	_ =	shalt  }
0x60: {  	_ =	shalt  }
0x61: {  	_ =	shalt  }
0x62: {  	_ =	shalt  }
0x63: {  	_ =	shalt  }
0x64: {  	_ =	shalt  }
0x65: {  	_ =	shalt  }
0x66: {  	_ =	shalt  }
0x67: {  	_ =	shalt  }
0x68: {  	_ =	shalt  }
0x69: {  	_ =	shalt  }
0x6a: {  	_ =	shalt  }
0x6b: {  	_ =	shalt  }
0x6c: {  	_ =	shalt  }
0x6d: {  	_ =	shalt  }
0x6e: {  	_ =	shalt  }
0x6f: {  	_ =	shalt  }
0x70: {  	_ =	shalt  }
0x71: {  	_ =	shalt  }
0x72: {  	_ =	shalt  }
0x73: {  	_ =	shalt  }
0x74: {  	_ =	shalt  }
0x75: {  	_ =	shalt  }
0x76: {  	_ =	shalt  }
0x77: {  	_ =	shalt  }
0x78: {  	_ =	shalt  }
0x79: {  	_ =	shalt  }
0x7a: {  	_ =	shalt  }
0x7b: {  	_ =	shalt  }
0x7c: {  	_ =	shalt  }
0x7d: {  	_ =	shalt  }
0x7e: {  	_ =	shalt  }
0x7f: {  	_ =	shalt  }
0x80: {  	_ =	shalt  }
0x81: {  	_ =	shalt  }
0x82: {  	_ =	shalt  }
0x83: {  	_ =	shalt  }
0x84: {  	_ =	shalt  }
0x85: {  	_ =	shalt  }
0x86: {  	_ =	shalt  }
0x87: {  	_ =	shalt  }
.Lfunc_end0:
.L_simem_size_0:
called_computation.1_lowered:
.L_overlay_start_0:
0x88: {  	s2 =	sld [smem:$0x3FD9]  }
0x89: {  	s3 =	sld [smem:$0x3FFE];
	_ =	sdelay $0x1  }
0x8a: {  	s1 =	srdreg.scid  }
0x8b: {  	s0 =	sand.u32 $0x1, s1  }
0x8c: {  	s16 =	sshll.u32 s0, $0xA;
	s2 =	sadd.s32 s3, s2  }
0x8d: {  	s2 =	sadd.s32 s2, s16  }
0x8e: {  	[smem:$0x3FC0] =	sst s2  }
0x8f: {  	_ = 	snop  }
0x90: {  	(tm) =	ssettm $0x1  }
0x91: {  	s17 =	sld [smem:$0x3FFB];
	_ =	sdelay $0x3  }
0x92: {  	_ =	strace s17  }
0x93: {  	s2 =	sld [smem:$0x3FFC];
	_ =	sdelay $0x3  }
0x94: {  	_ =	strace s2  }
0x95: {  	s2 =	sld [smem:$0x3FFD];
	_ =	sdelay $0x3  }
0x96: {  	_ =	strace s2  }
0x97: {  	_ =	strace $0x8FFFFFFF  }
0x98: {  	s18 =	sld [smem:$0x3FDB];
	_ =	sdelay $0x1  }
0x99: {  	s19 =	simm.s32 $_scs_section_size  }
0x9a: {  	s4 =	simm.s32 $_size__tile_overlayer_lowered;
	s5 =	simm.s32 $_tile_overlayer_lowered  }
0x9b: {  	s22 =	simm.s32 $0x1BFF;
	s21 =	sshll.u32 s5, $0x1;
	s2 =	sadd.s32 s19, s18  }
0x9c: {  	s6 =	simm.s32 $0x0;
	s20 =	sshll.u32 s4, $0x1;
	s4 =	sadd.s32 s21, s2  }
0x9d: {  	[timem:s6], [sflag:s22] =	dma.local [hbm:s4], s20  }
0x9e: {  	_ =	swait.ge [sflag:s22], s20  }
0x9f: {  	s3 =	ssub.s32 $0x0, s20;
	[sflag:s22] =	ssyncset.done $0x0  }
0xa0: {  	[sflag:s22] =	ssyncadd.s32 s3;
	_ =	sdelay $0x1  }
0xa1: {  	s23 =	simm.s32 $0x1B8B  }
0xa2: {  	_ =	swait.ge [sflag:s23], $0x1  }
0xa3: {  	[sflag:s23] =	ssyncset.done $0x0  }
0xa4: {  	s25 =	simm.s32 $0x1B8E;
	s24 =	sld [smem:$0x3FFE];
	[sflag:s23] =	ssyncadd.s32 $0xFFFFFFFF  }
0xa5: {  	s26 =	simm.s32 $execute0_lowered;
	[smem:$0x3FD2] =	sst s25  }
0xa6: {  	s4 =	sshll.u32 s26, $0x1;
	_ =	strace $0x80000049;
	[dreg:$0x1] =	wrdreg $0xFFFFFFFF  }
0xa7: {  	s28 =	simm.s32 $_size_execute0_lowered;
	s2 =	sadd.s32 s2, s4;
	[dreg:$0x0] =	wrdreg $0x0  }
0xa8: {  	s4 =	sshll.u32 s28, $0x1;
	[dreg:$0x2] =	wrdreg s2  }
0xa9: {  	[dreg:$0x3] =	wrdreg s4  }
0xaa: {  	[dreg:$0x4] =	wrdreg $0xC0  }
0xab: {  	_ =	task [dreg:s6], $0x5FFFF  }
0xac: {  	[dreg:$0x1] =	wrdreg $0xFFFFFFFF  }
0xad: {  	[dreg:$0x0] =	wrdreg $0x60  }
0xae: {  	[dreg:$0x2] =	wrdreg s24  }
0xaf: {  	[dreg:$0x3] =	wrdreg $0xCD100  }
0xb0: {  	[dreg:$0x4] =	wrdreg $0x9  }
0xb1: {  	_ =	task.clear_ibuf [dreg:s6], $0x5FFFF;
	_ =	strace $0x90000049  }
0xb2: {  	s29 =	simm.s32 $0x9;
	_ =	strace $0x8000004B  }
0xb3: {  	_ =	swait.ge [sflag:s29], $0x1  }
0xb4: {  	[sflag:s29] =	ssyncadd.s32 $0xFFFFFFFF  }
0xb5: {  	_ =	strace $0x9000004B  }
0xb6: {  	_ =	sfence  }
0xb7: {  	s30 =	sld [smem:$0x0];
	_ =	sdelay $0x2  }
0xb8: {  	s31 =	sshll.u32 s1, $0xD;
	s1 =	sshrl.u32 s1, $0x2  }
0xb9: {  	s3 =	sand.u32 $0x4000, s31;
	s1 =	sadd.s32 s1, s30  }
0xba: {  	s0 =	sor.u32 s3, s0;
	s1 =	sshll.u32 s1, $0x11  }
0xbb: {  	s0 =	sor.u32 s1, s0  }
0xbc: {  	s0 =	sadd.s32 $0x8F2B, s0  }
0xbd: {  	[sflag:s0] =	ssyncadd.remote.s32 $0x1  }
0xbe: {  	_ =	sfence.sel $0xFFFF  }
0xbf: {  	[dreg:$0x0] =	wrdreg $0xFFFFFFFF;
	(pc) =	sbr.abs _section_cstart, $3  }
0xc0: {  	[dreg:$0x1] =	wrdreg $0xFFFFFFFF  }
0xc1: {  	_ =	task.clear_ibuf [dreg:s6], $0x2FFFF;
	_ =	strace $0x9FFFFFFF  }
0xc2: {  	(tm) =	ssettm $0x7FFFFFFF  }
0xc3: {  	_ =	shalt  }
tec
execute0_lowered:
.L_overlay_start_1:
0x0: {  	(tag) =	ssettag $0x1  }
0x1: {  	s0 =	srdreg.scid;
	s5 =	rddreg [dreg:$0x0]  }
0x2: {  	s7 =	stileid.u32;
	s2 =	rddreg [dreg:$0x1]  }
0x3: {  	s3 =	simm.s32 $0x0;
	s28 =	simm.s32 $0x6F40;
	s30 =	simm.s32 $0x8E80  }
0x4: {  	s29 =	simm.s32 $0x2;
	s31 =	simm.s32 $0x6;
	s0 =	sand.u32 $0x1, s0  }
0x5: {  	[smem:$0x7FF] =	sst s3;
	s6 =	smul.u32 $0xA000, s7;
	s4 =	sadd.s32 $0x2F200, s5  }
0x6: {  	s1 =	sshll.u32 s0, $0x4;
	_ =	strace $0x8000004A;
	s9 =	ssub.s32 $0x2, s0  }
0x7: {  	s0 =	sshll.u32 s0, $0x5;
	s1 =	sor.u32 s7, s1;
	s8 =	sshrl.u32 s6, $0x3  }
0x8: {  	s7 =	sshll.u32 s7, $0x1;
	s14 =	sshrl.u32 s9, $0x1;
	s17 =	sor.u32 $0x1E00, s6  }
0x9: {  	s19 =	sadd.s32 $0x3C00, s6;
	s23 =	sadd.s32 $0x5A00, s6;
	s24 =	sadd.s32 $0x7800, s6  }
0xa: {  	s26 =	sadd.s32 $0x9600, s6;
	s1 =	smul.u32 $0x2800, s1;
	s10 =	sadd.s32 s8, s5  }
0xb: {  	s9 =	ssub.s32 s9, s14;
	s8 =	sadd.s32 s4, s8;
	s18 =	sshrl.u32 s17, $0x3  }
0xc: {  	s21 =	sshrl.u32 s19, $0x3;
	s22 =	sadd.s32 s19, s2;
	s14 =	sadd.s32 s23, s2  }
0xd: {  	s25 =	sshrl.u32 s24, $0x3;
	s16 =	sadd.s32 $0x1B200, s10;
	[dreg:$0x6] =	wrdreg s8  }
0xe: {  	s20 =	sadd.s32 s4, s18;
	[dreg:$0x9] =	wrdreg s22;
	s13 =	sadd.s32 s4, s21  }
0xf: {  	s18 =	sadd.s32 s26, s2;
	s21 =	smax.u32 s9, $0x1;
	s22 =	simm.s32 $0x9  }
0x10: {  	s8 =	simm.s32 $0x8;
	s9 =	simm.s32 $0x0;
	[dreg:$0x5] =	wrdreg s16  }
0x11: {  	s1 =	sshrl.u32 s1, $0x3;
	[dreg:$0x8] =	wrdreg s20;
	s16 =	sadd.s32 s24, s2  }
0x12: {  	s24 =	simm.s32 $0x7D;
	s1 =	sadd.s32 s1, s5;
	s5 =	sadd.s32 s7, s5  }
0x13: {  	s7 =	sadd.s32 s6, s2;
	s6 =	simm.s32 $0x4;
	s15 =	sadd.s32 $0x2200, s1  }
0x14: {  	s1 =	sadd.s32 $0xC200, s1;
	s0 =	sadd.s32 s0, s5;
	[dreg:$0x3] =	wrdreg s15  }
0x15: {  	s5 =	simm.s32 $0x7;
	[dreg:$0x4] =	wrdreg s1;
	s1 =	sadd.s32 s17, s2  }
0x16: {  	s17 =	sadd.s32 s4, s25;
	s20 =	sadd.s32 $0x2000, s0;
	s25 =	simm.s32 $0x5000  }
0x17: {  	s0 =	simm.s32 $0x3;
	[dreg:$0x7] =	wrdreg s1;
	s1 =	sshrl.u32 s23, $0x3  }
0x18: {  	s23 =	simm.s32 $0x1;
	s15 =	sadd.s32 s4, s1;
	s1 =	sshrl.u32 s26, $0x3  }
0x19: {  	s26 =	simm.s32 $0x5;
	s19 =	sadd.s32 s4, s1;
	s1 =	simm.s32 $0xADC0  }
.LBB2_1:
0x1a: {  	s10 =	rddreg [dreg:$0x3]  }
0x1b: {  	[tilespmem:s3], [sflag:$0x9] =	stream.linear.gather [hbm4b:s10+s3], $0x2800, $0x38;
	[tilespmem:$0x16D10] =	vst v63  }
0x1c: {  	_ =	swait.ge [sflag:s22], $0x2800  }
0x1d: {  	[sflag:s22] =	ssyncset.done $0x0  }
0x1e: {  	s11 =	simm.s32 $0x2800;
	s12 =	rddreg [dreg:$0x4];
	[sflag:s22] =	ssyncadd.s32 $0xFFFFD800  }
0x1f: {  	[tilespmem:s11], [sflag:$0x9] =	stream.linear.gather [hbm4b:s12+s3], $0x2800, $0x38;
	[tilespmem:$0x16D10] =	vst v63  }
0x20: {  	s12 =	stileid.u32;
	_ =	swait.ge [sflag:s22], $0x2800  }
0x21: {  	s11 =	sshrl.u32 s7, $0x3;
	s10 =	sshll.u32 s12, $0x6;
	[sflag:s22] =	ssyncset.done $0x0  }
0x22: {  	s10 =	sor.u32 $0x1C09, s10;
	s12 =	rddreg [dreg:$0x5];
	[sflag:s22] =	ssyncadd.s32 $0xFFFFD800  }
0x23: {  	[spmem:s11], [sflag:s10] =	dma.local [hbm:s12], $0x1400  }
0x24: {  	_ =	swait.ge [sflag:s22], $0x1400  }
0x25: {  	[sflag:s22] =	ssyncset.done $0x0  }
0x26: {  	[sflag:s22] =	ssyncadd.s32 $0xFFFFEC00  }
0x27: {  	[bflag:$0x0] =	sbarrier.arrive $0xFFFF  }
0x28: {  	[tilespmem:s25], [sflag:$0x1] =	stream.indirect.gather [hbm4b:s4+s24], $0x40, s3, s24, $0xb8;
	[tilespmem:$0x16D10] =	vst v63  }
0x29: {  	s11 =	simm.s32 $0x80  }
0x2a: {  	[tilespmem:s28], [sflag:$0x2] =	stream.indirect.gather [hbm4b:s4+s24], $0x40, s11, s24, $0xb8;
	[tilespmem:$0x16D10] =	vst v63  }
0x2b: {  	s12 =	simm.s32 $0x100  }
0x2c: {  	[tilespmem:s30], [sflag:$0x3] =	stream.indirect.gather [hbm4b:s4+s24], $0x40, s12, s24, $0xb8;
	[tilespmem:$0x16D10] =	vst v63  }
0x2d: {  	s11 =	simm.s32 $0x180  }
0x2e: {  	[tilespmem:s1], [sflag:$0x4] =	stream.indirect.gather [hbm4b:s4+s24], $0x40, s11, s24, $0xb8;
	[tilespmem:$0x16D10] =	vst v63  }
0x2f: {  	_ =	swait.ge [sflag:s23], $0x1F40  }
0x30: {  	[sflag:s23] =	ssyncset.done $0x0  }
0x31: {  	s12 =	simm.s32 $0x2800;
	[sflag:s23] =	ssyncadd.s32 $0xFFFFE0C0  }
0x32: {  	[spmem:s2] =	stream.indirect.scatter.add.f32 [tilespmem:s25], [sflag:$0x5], $0x40, s12, s24, $0xb8;
	[tilespmem:$0x16D10] =	vst v63  }
0x33: {  	_ =	swait.ge [sflag:s26], $0x1F40  }
0x34: {  	[sflag:s26] =	ssyncset.done $0x0  }
0x35: {  	s11 =	simm.s32 $0x200;
	[sflag:s26] =	ssyncadd.s32 $0xFFFFE0C0  }
0x36: {  	[tilespmem:s25], [sflag:$0x1] =	stream.indirect.gather [hbm4b:s4+s24], $0x40, s11, s24, $0xb8;
	[tilespmem:$0x16D10] =	vst v63  }
0x37: {  	_ =	swait.ge [sflag:s29], $0x1F40  }
0x38: {  	[sflag:s29] =	ssyncset.done $0x0  }
0x39: {  	s12 =	simm.s32 $0x2880;
	[sflag:s29] =	ssyncadd.s32 $0xFFFFE0C0  }
0x3a: {  	[spmem:s2] =	stream.indirect.scatter.add.f32 [tilespmem:s28], [sflag:$0x6], $0x40, s12, s24, $0xb8;
	[tilespmem:$0x16D10] =	vst v63  }
0x3b: {  	_ =	swait.ge [sflag:s31], $0x1F40  }
0x3c: {  	[sflag:s31] =	ssyncset.done $0x0  }
0x3d: {  	s11 =	simm.s32 $0x280;
	[sflag:s31] =	ssyncadd.s32 $0xFFFFE0C0  }
0x3e: {  	[tilespmem:s28], [sflag:$0x2] =	stream.indirect.gather [hbm4b:s4+s24], $0x40, s11, s24, $0xb8;
	[tilespmem:$0x16D10] =	vst v63  }
0x3f: {  	_ =	swait.ge [sflag:s0], $0x1F40  }
0x40: {  	[sflag:s0] =	ssyncset.done $0x0  }
0x41: {  	s12 =	simm.s32 $0x2900;
	[sflag:s0] =	ssyncadd.s32 $0xFFFFE0C0  }
0x42: {  	[spmem:s2] =	stream.indirect.scatter.add.f32 [tilespmem:s30], [sflag:$0x7], $0x40, s12, s24, $0xb8;
	[tilespmem:$0x16D10] =	vst v63  }
0x43: {  	_ =	swait.ge [sflag:s5], $0x1F40  }
0x44: {  	[sflag:s5] =	ssyncset.done $0x0  }
0x45: {  	s11 =	simm.s32 $0x300;
	[sflag:s5] =	ssyncadd.s32 $0xFFFFE0C0  }
0x46: {  	[tilespmem:s30], [sflag:$0x3] =	stream.indirect.gather [hbm4b:s4+s24], $0x40, s11, s24, $0xb8;
	[tilespmem:$0x16D10] =	vst v63  }
0x47: {  	_ =	swait.ge [sflag:s6], $0x1F40  }
0x48: {  	[sflag:s6] =	ssyncset.done $0x0  }
0x49: {  	s12 =	simm.s32 $0x2980;
	[sflag:s6] =	ssyncadd.s32 $0xFFFFE0C0  }
0x4a: {  	[spmem:s2] =	stream.indirect.scatter.add.f32 [tilespmem:s1], [sflag:$0x8], $0x40, s12, s24, $0xb8;
	[tilespmem:$0x16D10] =	vst v63  }
0x4b: {  	_ =	swait.ge [sflag:s8], $0x1F40  }
0x4c: {  	[sflag:s8] =	ssyncset.done $0x0  }
0x4d: {  	s10 =	simm.s32 $0x800;
	s11 =	simm.s32 $0x380;
	[sflag:s8] =	ssyncadd.s32 $0xFFFFE0C0  }
.LBB2_2:
0x4e: {  	[tilespmem:s1], [sflag:$0x4] =	stream.indirect.gather [hbm4b:s4+s24], $0x40, s11, s24, $0xb8;
	[tilespmem:$0x16D10] =	vst v63  }
0x4f: {  	s11 =	smov.u32 s10  }
0x50: {  	p0 =	sne.s32 s10, $0x9000;
	s10 =	sadd.s32 $0x800, s10;
	_ =	swait.ge [sflag:s23], $0x1F40  }
0x51: {  	s11 =	sshra.s32 s11, $0x2;
	[sflag:s23] =	ssyncset.done $0x0  }
0x52: {  	s12 =	sadd.s32 $0x2800, s11;
	[sflag:s23] =	ssyncadd.s32 $0xFFFFE0C0  }
0x53: {  	[spmem:s2] =	stream.indirect.scatter.add.f32 [tilespmem:s25], [sflag:$0x5], $0x40, s12, s24, $0xb8;
	[tilespmem:$0x16D10] =	vst v63  }
0x54: {  	_ =	swait.ge [sflag:s26], $0x1F40  }
0x55: {  	[sflag:s26] =	ssyncset.done $0x0  }
0x56: {  	s12 =	sadd.s32 $0x200, s11;
	[sflag:s26] =	ssyncadd.s32 $0xFFFFE0C0  }
0x57: {  	[tilespmem:s25], [sflag:$0x1] =	stream.indirect.gather [hbm4b:s4+s24], $0x40, s12, s24, $0xb8;
	[tilespmem:$0x16D10] =	vst v63  }
0x58: {  	_ =	swait.ge [sflag:s29], $0x1F40  }
0x59: {  	[sflag:s29] =	ssyncset.done $0x0  }
0x5a: {  	s12 =	sadd.s32 $0x2880, s11;
	[sflag:s29] =	ssyncadd.s32 $0xFFFFE0C0  }
0x5b: {  	[spmem:s2] =	stream.indirect.scatter.add.f32 [tilespmem:s28], [sflag:$0x6], $0x40, s12, s24, $0xb8;
	[tilespmem:$0x16D10] =	vst v63  }
0x5c: {  	_ =	swait.ge [sflag:s31], $0x1F40  }
0x5d: {  	[sflag:s31] =	ssyncset.done $0x0  }
0x5e: {  	s12 =	sadd.s32 $0x280, s11;
	[sflag:s31] =	ssyncadd.s32 $0xFFFFE0C0  }
0x5f: {  	[tilespmem:s28], [sflag:$0x2] =	stream.indirect.gather [hbm4b:s4+s24], $0x40, s12, s24, $0xb8;
	[tilespmem:$0x16D10] =	vst v63  }
0x60: {  	_ =	swait.ge [sflag:s0], $0x1F40  }
0x61: {  	[sflag:s0] =	ssyncset.done $0x0  }
0x62: {  	s12 =	sadd.s32 $0x2900, s11;
	[sflag:s0] =	ssyncadd.s32 $0xFFFFE0C0  }
0x63: {  	[spmem:s2] =	stream.indirect.scatter.add.f32 [tilespmem:s30], [sflag:$0x7], $0x40, s12, s24, $0xb8;
	[tilespmem:$0x16D10] =	vst v63  }
0x64: {  	_ =	swait.ge [sflag:s5], $0x1F40  }
0x65: {  	[sflag:s5] =	ssyncset.done $0x0  }
0x66: {  	s12 =	sadd.s32 $0x300, s11;
	[sflag:s5] =	ssyncadd.s32 $0xFFFFE0C0  }
0x67: {  	[tilespmem:s30], [sflag:$0x3] =	stream.indirect.gather [hbm4b:s4+s24], $0x40, s12, s24, $0xb8;
	[tilespmem:$0x16D10] =	vst v63  }
0x68: {  	_ =	swait.ge [sflag:s6], $0x1F40  }
0x69: {  	[sflag:s6] =	ssyncset.done $0x0  }
.Ltmp0:
0x6a: {  	s12 =	sadd.s32 $0x2980, s11;
	[sflag:s6] =	ssyncadd.s32 $0xFFFFE0C0;
	(pc) =	sbr.rel @p0 .LBB2_2-.Ltmp0, $4  }
0x6b: {  	[spmem:s2] =	stream.indirect.scatter.add.f32 [tilespmem:s1], [sflag:$0x8], $0x40, s12, s24, $0xb8;
	[tilespmem:$0x16D10] =	vst v63  }
0x6c: {  	_ =	swait.ge [sflag:s8], $0x1F40  }
0x6d: {  	[sflag:s8] =	ssyncset.done $0x0  }
0x6e: {  	s11 =	sadd.s32 $0x380, s11;
	[sflag:s8] =	ssyncadd.s32 $0xFFFFE0C0  }
0x6f: {  	[tilespmem:s1], [sflag:$0x4] =	stream.indirect.gather [hbm4b:s4+s24], $0x40, s11, s24, $0xb8;
	[tilespmem:$0x16D10] =	vst v63  }
0x70: {  	_ =	swait.ge [sflag:s23], $0x1F40  }
0x71: {  	[sflag:s23] =	ssyncset.done $0x0  }
0x72: {  	s10 =	simm.s32 $0x4E00;
	[sflag:s23] =	ssyncadd.s32 $0xFFFFE0C0  }
0x73: {  	[spmem:s2] =	stream.indirect.scatter.add.f32 [tilespmem:s25], [sflag:$0x5], $0x40, s10, s24, $0xb8;
	[tilespmem:$0x16D10] =	vst v63  }
0x74: {  	_ =	swait.ge [sflag:s29], $0x1F40  }
0x75: {  	[sflag:s29] =	ssyncset.done $0x0  }
0x76: {  	s12 =	simm.s32 $0x4E80;
	[sflag:s29] =	ssyncadd.s32 $0xFFFFE0C0  }
0x77: {  	[spmem:s2] =	stream.indirect.scatter.add.f32 [tilespmem:s28], [sflag:$0x6], $0x40, s12, s24, $0xb8;
	[tilespmem:$0x16D10] =	vst v63  }
0x78: {  	_ =	swait.ge [sflag:s0], $0x1F40  }
0x79: {  	[sflag:s0] =	ssyncset.done $0x0  }
0x7a: {  	s11 =	simm.s32 $0x4F00;
	[sflag:s0] =	ssyncadd.s32 $0xFFFFE0C0  }
0x7b: {  	[spmem:s2] =	stream.indirect.scatter.add.f32 [tilespmem:s30], [sflag:$0x7], $0x40, s11, s24, $0xb8;
	[tilespmem:$0x16D10] =	vst v63  }
0x7c: {  	_ =	swait.ge [sflag:s6], $0x1F40  }
0x7d: {  	[sflag:s6] =	ssyncset.done $0x0  }
0x7e: {  	s12 =	simm.s32 $0x4F80;
	[sflag:s6] =	ssyncadd.s32 $0xFFFFE0C0  }
0x7f: {  	[spmem:s2] =	stream.indirect.scatter.add.f32 [tilespmem:s1], [sflag:$0x8], $0x40, s12, s24, $0xb8;
	[tilespmem:$0x16D10] =	vst v63  }
0x80: {  	_ =	swait.ge [sflag:s26], $0x1F40  }
0x81: {  	[sflag:s26] =	ssyncset.done $0x0  }
0x82: {  	[sflag:s26] =	ssyncadd.s32 $0xFFFFE0C0  }
0x83: {  	_ =	swait.ge [sflag:s31], $0x1F40  }
0x84: {  	[sflag:s31] =	ssyncset.done $0x0  }
0x85: {  	[sflag:s31] =	ssyncadd.s32 $0xFFFFE0C0  }
0x86: {  	_ =	swait.ge [sflag:s5], $0x1F40  }
0x87: {  	[sflag:s5] =	ssyncset.done $0x0  }
0x88: {  	[sflag:s5] =	ssyncadd.s32 $0xFFFFE0C0  }
0x89: {  	_ =	swait.ge [sflag:s8], $0x1F40  }
0x8a: {  	[sflag:s8] =	ssyncset.done $0x0  }
0x8b: {  	[sflag:s8] =	ssyncadd.s32 $0xFFFFE0C0  }
0x8c: {  	[bflag:$0x0] =	sbarrier.arrive $0xFFFF  }
0x8d: {  	[tilespmem:s25], [sflag:$0x9] =	stream.linear.gather [spmem:s7], $0x1E00, $0x38;
	[tilespmem:$0x16D10] =	vst v63  }
0x8e: {  	_ =	swait.ge [sflag:s22], $0x1E00  }
0x8f: {  	[sflag:s22] =	ssyncset.done $0x0  }
0x90: {  	s11 =	simm.s32 $0x0;
	s12 =	rddreg [dreg:$0x6];
	[sflag:s22] =	ssyncadd.s32 $0xFFFFE200  }
0x91: {  	[tilespmem:s28], [sflag:$0x9] =	stream.linear.gather [hbm4b:s12+s11], $0x1E00, $0x38;
	[tilespmem:$0x16D10] =	vst v63  }
0x92: {  	_ =	swait.ge [sflag:s22], $0x1E00  }
0x93: {  	[sflag:s22] =	ssyncset.done $0x0  }
0x94: {  	s10 =	simm.s32 $0x0;
	[sflag:s22] =	ssyncadd.s32 $0xFFFFE200  }
0x95: {  	v7 =	vld [tilespmem:s10+$0x50C0]  }
0x96: {  	v8 =	vld [tilespmem:s10+$0x7000]  }
0x97: {  	v9 =	vld [tilespmem:s10+$0x50D0]  }
0x98: {  	v17 =	vld [tilespmem:s10+$0x7010]  }
0x99: {  	v0 =	vld [tilespmem:s10+$0x50E0]  }
0x9a: {  	v1 =	vld [tilespmem:s10+$0x7020]  }
0x9b: {  	v23 =	vld [tilespmem:s10+$0x5080]  }
0x9c: {  	v26 =	vld [tilespmem:s10+$0x6FC0]  }
0x9d: {  	v27 =	vld [tilespmem:s10+$0x5090]  }
0x9e: {  	v28 =	vld [tilespmem:s10+$0x6FD0]  }
0x9f: {  	v2 =	vld [tilespmem:s10+$0x50A0]  }
0xa0: {  	v3 =	vld [tilespmem:s10+$0x6FE0]  }
0xa1: {  	v30 =	vld [tilespmem:s10+$0x5040]  }
0xa2: {  	v31 =	vld [tilespmem:s10+$0x6F80]  }
0xa3: {  	v32 =	vld [tilespmem:s10+$0x5050]  }
0xa4: {  	v33 =	vld [tilespmem:s10+$0x6F90]  }
0xa5: {  	v24 =	vld [tilespmem:s10+$0x5060]  }
0xa6: {  	v25 =	vld [tilespmem:s10+$0x6FA0]  }
0xa7: {  	v34 =	vld [tilespmem:s10+$0x5000]  }
0xa8: {  	v36 =	vld [tilespmem:s10+$0x6F40]  }
0xa9: {  	v37 =	vld [tilespmem:s10+$0x5010]  }
0xaa: {  	v39 =	vld [tilespmem:s10+$0x6F50]  }
0xab: {  	v38 =	vld [tilespmem:s10+$0x5020]  }
0xac: {  	v16 =	vimm.f32 $0.0e+00;
	v40 =	vld [tilespmem:s10+$0x6F60]  }
0xad: {  	v20 =	vimm.f32 $0.0e+00;
	v10 =	vimm.f32 $0.0e+00;
	v15 =	vimm.f32 $0.0e+00;
	s11 =	simm.s32 $0x400;
	v41 =	vld [tilespmem:s10+$0x5030]  }
.LBB2_4:
0xae: {  	p0 =	sne.s32 s11, $0x7400;
	v4 =	vld [tilespmem:s10+$0x6F70]  }
0xaf: {  	v6 =	vmul.f32 v8, v7;
	v11 =	vmul.f32 v17, v9;
	v5 =	vld [tilespmem:s10+$0x5070]  }
0xb0: {  	v12 =	vmul.f32 v26, v23;
	v13 =	vmul.f32 v28, v27;
	v8 =	vld [tilespmem:s10+$0x6FB0]  }
0xb1: {  	v9 =	vmul.f32 v31, v30;
	v14 =	vmul.f32 v33, v32;
	v17 =	vld [tilespmem:s10+$0x50B0]  }
0xb2: {  	v7 =	vmul.f32 v36, v34;
	v18 =	vmul.f32 v39, v37;
	v19 =	vld [tilespmem:s10+$0x6FF0]  }
0xb3: {  	v21 =	vmul.f32 v40, v38;
	v4 =	vmul.f32 v4, v41;
	v22 =	vld [tilespmem:s10+$0x50F0]  }
0xb4: {  	v16 =	vadd.f32 v7, v16;
	v18 =	vadd.f32 v18, v20;
	v20 =	vmul.f32 v25, v24;
	v23 =	vld [tilespmem:s10+$0x7030];
	s10 =	sshra.s32 s11, $0x2  }
0xb5: {  	v10 =	vadd.f32 v21, v10;
	v7 =	vld [tilespmem:s10+$0x50C0];
	v4 =	vadd.f32 v4, v15;
	v5 =	vmul.f32 v8, v5  }
0xb6: {  	v2 =	vmul.f32 v3, v2;
	v14 =	vadd.f32 v14, v18;
	v15 =	vadd.f32 v9, v16;
	v8 =	vld [tilespmem:s10+$0x7000]  }
0xb7: {  	v3 =	vadd.f32 v20, v10;
	v9 =	vld [tilespmem:s10+$0x50D0];
	v4 =	vadd.f32 v5, v4;
	v5 =	vmul.f32 v19, v17  }
0xb8: {  	v10 =	vadd.f32 v12, v15;
	v12 =	vadd.f32 v13, v14;
	v13 =	vmul.f32 v1, v0;
	v17 =	vld [tilespmem:s10+$0x7010]  }
0xb9: {  	v2 =	vadd.f32 v2, v3;
	v0 =	vld [tilespmem:s10+$0x50E0];
	v3 =	vadd.f32 v5, v4;
	v4 =	vmul.f32 v23, v22  }
0xba: {  	v16 =	vadd.f32 v6, v10;
	v20 =	vadd.f32 v11, v12;
	v1 =	vld [tilespmem:s10+$0x7020]  }
0xbb: {  	v10 =	vadd.f32 v13, v2;
	v23 =	vld [tilespmem:s10+$0x5080];
	v15 =	vadd.f32 v4, v3  }
0xbc: {  	v26 =	vld [tilespmem:s10+$0x6FC0]  }
0xbd: {  	v27 =	vld [tilespmem:s10+$0x5090]  }
0xbe: {  	v28 =	vld [tilespmem:s10+$0x6FD0]  }
0xbf: {  	v2 =	vld [tilespmem:s10+$0x50A0]  }
0xc0: {  	v3 =	vld [tilespmem:s10+$0x6FE0]  }
0xc1: {  	v30 =	vld [tilespmem:s10+$0x5040]  }
0xc2: {  	v31 =	vld [tilespmem:s10+$0x6F80]  }
0xc3: {  	v32 =	vld [tilespmem:s10+$0x5050]  }
0xc4: {  	v33 =	vld [tilespmem:s10+$0x6F90]  }
0xc5: {  	v24 =	vld [tilespmem:s10+$0x5060]  }
0xc6: {  	v25 =	vld [tilespmem:s10+$0x6FA0]  }
0xc7: {  	v34 =	vld [tilespmem:s10+$0x5000]  }
0xc8: {  	v36 =	vld [tilespmem:s10+$0x6F40]  }
.Ltmp1:
0xc9: {  	v37 =	vld [tilespmem:s10+$0x5010];
	(pc) =	sbr.rel @p0 .LBB2_4-.Ltmp1, $4  }
0xca: {  	v39 =	vld [tilespmem:s10+$0x6F50]  }
0xcb: {  	v38 =	vld [tilespmem:s10+$0x5020]  }
0xcc: {  	v40 =	vld [tilespmem:s10+$0x6F60]  }
0xcd: {  	s11 =	sadd.s32 $0x400, s11;
	v41 =	vld [tilespmem:s10+$0x5030]  }
0xce: {  	v42 =	vld [tilespmem:s10+$0x6F70]  }
0xcf: {  	v43 =	vld [tilespmem:s10+$0x5070]  }
0xd0: {  	v44 =	vld [tilespmem:s10+$0x6FB0]  }
0xd1: {  	v45 =	vld [tilespmem:s10+$0x50B0]  }
0xd2: {  	v46 =	vld [tilespmem:s10+$0x6FF0]  }
0xd3: {  	v47 =	vld [tilespmem:s10+$0x50F0];
	s11 =	rddreg [dreg:$0x7]  }
0xd4: {  	v48 =	vld [tilespmem:s10+$0x7030];
	[tilespmem:s25], [sflag:$0x9] =	stream.linear.gather [spmem:s11], $0x1E00, $0x38  }
0xd5: {  	_ =	swait.ge [sflag:s22], $0x1E00  }
0xd6: {  	[sflag:s22] =	ssyncset.done $0x0  }
0xd7: {  	s12 =	simm.s32 $0x0;
	s11 =	rddreg [dreg:$0x8];
	[sflag:s22] =	ssyncadd.s32 $0xFFFFE200  }
0xd8: {  	[tilespmem:s28], [sflag:$0x9] =	stream.linear.gather [hbm4b:s11+s12], $0x1E00, $0x38;
	[tilespmem:$0x16D10] =	vst v63  }
0xd9: {  	_ =	swait.ge [sflag:s22], $0x1E00  }
0xda: {  	[sflag:s22] =	ssyncset.done $0x0  }
0xdb: {  	s10 =	simm.s32 $0x0;
	[sflag:s22] =	ssyncadd.s32 $0xFFFFE200  }
0xdc: {  	v11 =	vld [tilespmem:s10+$0x50C0]  }
0xdd: {  	v12 =	vld [tilespmem:s10+$0x7000]  }
0xde: {  	v13 =	vld [tilespmem:s10+$0x50D0]  }
0xdf: {  	v14 =	vld [tilespmem:s10+$0x7010]  }
0xe0: {  	v4 =	vld [tilespmem:s10+$0x50E0]  }
0xe1: {  	v5 =	vld [tilespmem:s10+$0x7020]  }
0xe2: {  	v18 =	vld [tilespmem:s10+$0x5080]  }
0xe3: {  	v19 =	vld [tilespmem:s10+$0x6FC0]  }
0xe4: {  	v21 =	vld [tilespmem:s10+$0x5090]  }
0xe5: {  	v22 =	vld [tilespmem:s10+$0x6FD0]  }
0xe6: {  	v6 =	vld [tilespmem:s10+$0x50A0]  }
0xe7: {  	v8 =	vmul.f32 v8, v7;
	v7 =	vld [tilespmem:s10+$0x6FE0]  }
0xe8: {  	v9 =	vmul.f32 v17, v9;
	v17 =	vmul.f32 v26, v23;
	v29 =	vld [tilespmem:s10+$0x5040]  }
0xe9: {  	v23 =	vmul.f32 v28, v27;
	v28 =	vmul.f32 v36, v34;
	v35 =	vld [tilespmem:s10+$0x6F80]  }
0xea: {  	v26 =	vmul.f32 v31, v30;
	v27 =	vmul.f32 v33, v32;
	v36 =	vld [tilespmem:s10+$0x5050]  }
0xeb: {  	v24 =	vmul.f32 v25, v24;
	v30 =	vmul.f32 v39, v37;
	v16 =	vadd.f32 v28, v16;
	v37 =	vld [tilespmem:s10+$0x6F90]  }
0xec: {  	v31 =	vmul.f32 v40, v38;
	v63 =	vmul.f32 v42, v41;
	v25 =	vld [tilespmem:s10+$0x5060]  }
0xed: {  	v2 =	vmul.f32 v3, v2;
	v20 =	vadd.f32 v30, v20;
	v16 =	vadd.f32 v26, v16;
	v32 =	vld [tilespmem:s10+$0x6FA0]  }
0xee: {  	v10 =	vadd.f32 v31, v10;
	v28 =	vmul.f32 v44, v43;
	v15 =	vadd.f32 v63, v15;
	v38 =	vld [tilespmem:s10+$0x5000]  }
0xef: {  	v34 =	vimm.f32 $0.0e+00;
	v20 =	vadd.f32 v27, v20;
	v16 =	vadd.f32 v17, v16;
	v40 =	vld [tilespmem:s10+$0x6F40]  }
0xf0: {  	v3 =	vadd.f32 v24, v10;
	v10 =	vadd.f32 v28, v15;
	v15 =	vmul.f32 v46, v45;
	v41 =	vld [tilespmem:s10+$0x5010]  }
0xf1: {  	v17 =	vadd.f32 v23, v20;
	v20 =	vmul.f32 v1, v0;
	v0 =	vadd.f32 v8, v16;
	v42 =	vld [tilespmem:s10+$0x6F50]  }
0xf2: {  	v2 =	vadd.f32 v2, v3;
	v43 =	vld [tilespmem:s10+$0x5020];
	v3 =	vadd.f32 v15, v10;
	v10 =	vmul.f32 v48, v47  }
0xf3: {  	v30 =	vimm.f32 $0.0e+00;
	v31 =	vimm.f32 $0.0e+00;
	v1 =	vadd.f32 v9, v17;
	v44 =	vld [tilespmem:s10+$0x6F60]  }
0xf4: {  	s11 =	simm.s32 $0x400;
	v45 =	vld [tilespmem:s10+$0x5030];
	v28 =	vimm.f32 $0.0e+00;
	[tilespmem:$0x1FFF0] =	vst v0;
	v2 =	vadd.f32 v20, v2;
	v3 =	vadd.f32 v10, v3  }
.LBB2_6:
0xf5: {  	p0 =	sne.s32 s11, $0x7400;
	v8 =	vld [tilespmem:s10+$0x6F70]  }
0xf6: {  	v10 =	vmul.f32 v12, v11;
	v15 =	vmul.f32 v14, v13;
	v9 =	vld [tilespmem:s10+$0x5070]  }
0xf7: {  	v16 =	vmul.f32 v19, v18;
	v17 =	vmul.f32 v22, v21;
	v12 =	vld [tilespmem:s10+$0x6FB0]  }
0xf8: {  	v13 =	vmul.f32 v35, v29;
	v14 =	vmul.f32 v37, v36;
	v18 =	vld [tilespmem:s10+$0x50B0]  }
0xf9: {  	v11 =	vmul.f32 v40, v38;
	v19 =	vmul.f32 v42, v41;
	v20 =	vld [tilespmem:s10+$0x6FF0]  }
0xfa: {  	v21 =	vmul.f32 v44, v43;
	v8 =	vmul.f32 v8, v45;
	v22 =	vld [tilespmem:s10+$0x50F0]  }
0xfb: {  	v24 =	vmul.f32 v32, v25;
	v23 =	vadd.f32 v11, v31;
	v19 =	vadd.f32 v19, v34;
	v25 =	vld [tilespmem:s10+$0x7030];
	s10 =	sshra.s32 s11, $0x2  }
0xfc: {  	v21 =	vadd.f32 v21, v28;
	v11 =	vld [tilespmem:s10+$0x50C0];
	v8 =	vadd.f32 v8, v30;
	v9 =	vmul.f32 v12, v9  }
0xfd: {  	v6 =	vmul.f32 v7, v6;
	v23 =	vadd.f32 v13, v23;
	v19 =	vadd.f32 v14, v19;
	v12 =	vld [tilespmem:s10+$0x7000]  }
0xfe: {  	v7 =	vadd.f32 v24, v21;
	v13 =	vld [tilespmem:s10+$0x50D0];
	v8 =	vadd.f32 v9, v8;
	v9 =	vmul.f32 v20, v18  }
0xff: {  	v16 =	vadd.f32 v16, v23;
	v17 =	vadd.f32 v17, v19;
	v19 =	vmul.f32 v5, v4;
	v14 =	vld [tilespmem:s10+$0x7010]  }
0x100: {  	v6 =	vadd.f32 v6, v7;
	v4 =	vld [tilespmem:s10+$0x50E0];
	v7 =	vadd.f32 v9, v8;
	v8 =	vmul.f32 v25, v22  }
0x101: {  	v31 =	vadd.f32 v10, v16;
	v34 =	vadd.f32 v15, v17;
	v5 =	vld [tilespmem:s10+$0x7020]  }
0x102: {  	v28 =	vadd.f32 v19, v6;
	v18 =	vld [tilespmem:s10+$0x5080];
	v30 =	vadd.f32 v8, v7  }
0x103: {  	v19 =	vld [tilespmem:s10+$0x6FC0]  }
0x104: {  	v21 =	vld [tilespmem:s10+$0x5090]  }
0x105: {  	v22 =	vld [tilespmem:s10+$0x6FD0]  }
0x106: {  	v6 =	vld [tilespmem:s10+$0x50A0]  }
0x107: {  	v7 =	vld [tilespmem:s10+$0x6FE0]  }
0x108: {  	v29 =	vld [tilespmem:s10+$0x5040]  }
0x109: {  	v35 =	vld [tilespmem:s10+$0x6F80]  }
0x10a: {  	v36 =	vld [tilespmem:s10+$0x5050]  }
0x10b: {  	v37 =	vld [tilespmem:s10+$0x6F90]  }
0x10c: {  	v25 =	vld [tilespmem:s10+$0x5060]  }
0x10d: {  	v32 =	vld [tilespmem:s10+$0x6FA0]  }
0x10e: {  	v38 =	vld [tilespmem:s10+$0x5000]  }
0x10f: {  	v40 =	vld [tilespmem:s10+$0x6F40]  }
.Ltmp2:
0x110: {  	v41 =	vld [tilespmem:s10+$0x5010];
	(pc) =	sbr.rel @p0 .LBB2_6-.Ltmp2, $4  }
0x111: {  	v42 =	vld [tilespmem:s10+$0x6F50]  }
0x112: {  	v43 =	vld [tilespmem:s10+$0x5020]  }
0x113: {  	v44 =	vld [tilespmem:s10+$0x6F60]  }
0x114: {  	s11 =	sadd.s32 $0x400, s11;
	v45 =	vld [tilespmem:s10+$0x5030]  }
0x115: {  	v46 =	vld [tilespmem:s10+$0x6F70]  }
0x116: {  	v47 =	vld [tilespmem:s10+$0x5070]  }
0x117: {  	v48 =	vld [tilespmem:s10+$0x6FB0]  }
0x118: {  	v49 =	vld [tilespmem:s10+$0x50B0]  }
0x119: {  	v50 =	vld [tilespmem:s10+$0x6FF0]  }
0x11a: {  	v51 =	vld [tilespmem:s10+$0x50F0];
	s11 =	rddreg [dreg:$0x9]  }
0x11b: {  	v52 =	vld [tilespmem:s10+$0x7030];
	[tilespmem:s25], [sflag:$0x9] =	stream.linear.gather [spmem:s11], $0x1E00, $0x38  }
0x11c: {  	_ =	swait.ge [sflag:s22], $0x1E00  }
0x11d: {  	[sflag:s22] =	ssyncset.done $0x0  }
0x11e: {  	s12 =	simm.s32 $0x0;
	[sflag:s22] =	ssyncadd.s32 $0xFFFFE200  }
0x11f: {  	[tilespmem:s28], [sflag:$0x9] =	stream.linear.gather [hbm4b:s13+s12], $0x1E00, $0x38;
	[tilespmem:$0x16D10] =	vst v63  }
0x120: {  	_ =	swait.ge [sflag:s22], $0x1E00  }
0x121: {  	[sflag:s22] =	ssyncset.done $0x0  }
0x122: {  	s10 =	simm.s32 $0x0;
	[sflag:s22] =	ssyncadd.s32 $0xFFFFE200  }
0x123: {  	v15 =	vld [tilespmem:s10+$0x50C0]  }
0x124: {  	v16 =	vld [tilespmem:s10+$0x7000]  }
0x125: {  	v17 =	vld [tilespmem:s10+$0x50D0]  }
0x126: {  	v20 =	vld [tilespmem:s10+$0x7010]  }
0x127: {  	v8 =	vld [tilespmem:s10+$0x50E0]  }
0x128: {  	v9 =	vld [tilespmem:s10+$0x7020]  }
0x129: {  	v23 =	vld [tilespmem:s10+$0x5080]  }
0x12a: {  	v24 =	vld [tilespmem:s10+$0x6FC0]  }
0x12b: {  	v26 =	vld [tilespmem:s10+$0x5090]  }
0x12c: {  	v27 =	vld [tilespmem:s10+$0x6FD0]  }
0x12d: {  	v10 =	vld [tilespmem:s10+$0x50A0]  }
0x12e: {  	v12 =	vmul.f32 v12, v11;
	v11 =	vld [tilespmem:s10+$0x6FE0]  }
0x12f: {  	v13 =	vmul.f32 v14, v13;
	v14 =	vmul.f32 v19, v18;
	v33 =	vld [tilespmem:s10+$0x5040]  }
0x130: {  	v18 =	vmul.f32 v22, v21;
	v22 =	vmul.f32 v40, v38;
	v39 =	vld [tilespmem:s10+$0x6F80]  }
0x131: {  	v19 =	vmul.f32 v35, v29;
	v29 =	vmul.f32 v42, v41;
	v40 =	vld [tilespmem:s10+$0x5050]  }
0x132: {  	v21 =	vmul.f32 v37, v36;
	v22 =	vadd.f32 v22, v31;
	v41 =	vld [tilespmem:s10+$0x6F90]  }
0x133: {  	v61 =	vmul.f32 v44, v43;
	v31 =	vadd.f32 v29, v34;
	v62 =	vmul.f32 v46, v45;
	v29 =	vld [tilespmem:s10+$0x5060]  }
0x134: {  	v25 =	vmul.f32 v32, v25;
	v6 =	vmul.f32 v7, v6;
	v35 =	vimm.f32 $0.0e+00;
	v36 =	vld [tilespmem:s10+$0x6FA0]  }
0x135: {  	v28 =	vadd.f32 v61, v28;
	v63 =	vmul.f32 v48, v47;
	v30 =	vadd.f32 v62, v30;
	v42 =	vld [tilespmem:s10+$0x5000]  }
0x136: {  	v38 =	vimm.f32 $0.0e+00;
	v19 =	vadd.f32 v19, v22;
	v21 =	vadd.f32 v21, v31;
	v44 =	vld [tilespmem:s10+$0x6F40]  }
0x137: {  	v7 =	vadd.f32 v25, v28;
	v25 =	vmul.f32 v50, v49;
	v22 =	vadd.f32 v63, v30;
	v45 =	vld [tilespmem:s10+$0x5010]  }
0x138: {  	v14 =	vadd.f32 v14, v19;
	v19 =	vmul.f32 v5, v4;
	v18 =	vadd.f32 v18, v21;
	v46 =	vld [tilespmem:s10+$0x6F50]  }
0x139: {  	v21 =	vmul.f32 v52, v51;
	v6 =	vadd.f32 v6, v7;
	v47 =	vld [tilespmem:s10+$0x5020];
	v7 =	vadd.f32 v25, v22  }
0x13a: {  	v32 =	vimm.f32 $0.0e+00;
	v4 =	vadd.f32 v12, v14;
	v5 =	vadd.f32 v13, v18;
	v48 =	vld [tilespmem:s10+$0x6F60]  }
0x13b: {  	s11 =	simm.s32 $0x400;
	v31 =	vimm.f32 $0.0e+00;
	v49 =	vld [tilespmem:s10+$0x5030];
	v6 =	vadd.f32 v19, v6;
	v7 =	vadd.f32 v21, v7  }
.LBB2_8:
0x13c: {  	p0 =	sne.s32 s11, $0x7400;
	v12 =	vld [tilespmem:s10+$0x6F70]  }
0x13d: {  	v14 =	vmul.f32 v16, v15;
	v18 =	vmul.f32 v20, v17;
	v13 =	vld [tilespmem:s10+$0x5070]  }
0x13e: {  	v19 =	vmul.f32 v24, v23;
	v21 =	vmul.f32 v27, v26;
	v16 =	vld [tilespmem:s10+$0x6FB0]  }
0x13f: {  	v17 =	vmul.f32 v39, v33;
	v20 =	vmul.f32 v41, v40;
	v22 =	vld [tilespmem:s10+$0x50B0]  }
0x140: {  	v15 =	vmul.f32 v44, v42;
	v23 =	vmul.f32 v46, v45;
	v24 =	vld [tilespmem:s10+$0x6FF0]  }
0x141: {  	v25 =	vmul.f32 v48, v47;
	v12 =	vmul.f32 v12, v49;
	v26 =	vld [tilespmem:s10+$0x50F0]  }
0x142: {  	v28 =	vmul.f32 v36, v29;
	v27 =	vadd.f32 v15, v35;
	v23 =	vadd.f32 v23, v38;
	v29 =	vld [tilespmem:s10+$0x7030];
	s10 =	sshra.s32 s11, $0x2  }
0x143: {  	v25 =	vadd.f32 v25, v31;
	v15 =	vld [tilespmem:s10+$0x50C0];
	v12 =	vadd.f32 v12, v32;
	v13 =	vmul.f32 v16, v13  }
0x144: {  	v10 =	vmul.f32 v11, v10;
	v27 =	vadd.f32 v17, v27;
	v23 =	vadd.f32 v20, v23;
	v16 =	vld [tilespmem:s10+$0x7000]  }
0x145: {  	v11 =	vadd.f32 v28, v25;
	v17 =	vld [tilespmem:s10+$0x50D0];
	v12 =	vadd.f32 v13, v12;
	v13 =	vmul.f32 v24, v22  }
0x146: {  	v19 =	vadd.f32 v19, v27;
	v21 =	vadd.f32 v21, v23;
	v22 =	vmul.f32 v9, v8;
	v20 =	vld [tilespmem:s10+$0x7010]  }
0x147: {  	v10 =	vadd.f32 v10, v11;
	v8 =	vld [tilespmem:s10+$0x50E0];
	v11 =	vadd.f32 v13, v12;
	v12 =	vmul.f32 v29, v26  }
0x148: {  	v35 =	vadd.f32 v14, v19;
	v38 =	vadd.f32 v18, v21;
	v9 =	vld [tilespmem:s10+$0x7020]  }
0x149: {  	v31 =	vadd.f32 v22, v10;
	v23 =	vld [tilespmem:s10+$0x5080];
	v32 =	vadd.f32 v12, v11  }
0x14a: {  	v24 =	vld [tilespmem:s10+$0x6FC0]  }
0x14b: {  	v26 =	vld [tilespmem:s10+$0x5090]  }
0x14c: {  	v27 =	vld [tilespmem:s10+$0x6FD0]  }
0x14d: {  	v10 =	vld [tilespmem:s10+$0x50A0]  }
0x14e: {  	v11 =	vld [tilespmem:s10+$0x6FE0]  }
0x14f: {  	v33 =	vld [tilespmem:s10+$0x5040]  }
0x150: {  	v39 =	vld [tilespmem:s10+$0x6F80]  }
0x151: {  	v40 =	vld [tilespmem:s10+$0x5050]  }
0x152: {  	v41 =	vld [tilespmem:s10+$0x6F90]  }
0x153: {  	v29 =	vld [tilespmem:s10+$0x5060]  }
0x154: {  	v36 =	vld [tilespmem:s10+$0x6FA0]  }
0x155: {  	v42 =	vld [tilespmem:s10+$0x5000]  }
0x156: {  	v44 =	vld [tilespmem:s10+$0x6F40]  }
.Ltmp3:
0x157: {  	v45 =	vld [tilespmem:s10+$0x5010];
	(pc) =	sbr.rel @p0 .LBB2_8-.Ltmp3, $4  }
0x158: {  	v46 =	vld [tilespmem:s10+$0x6F50]  }
0x159: {  	v47 =	vld [tilespmem:s10+$0x5020]  }
0x15a: {  	v48 =	vld [tilespmem:s10+$0x6F60]  }
0x15b: {  	s11 =	sadd.s32 $0x400, s11;
	v49 =	vld [tilespmem:s10+$0x5030]  }
0x15c: {  	v50 =	vld [tilespmem:s10+$0x6F70]  }
0x15d: {  	v51 =	vld [tilespmem:s10+$0x5070]  }
0x15e: {  	v52 =	vld [tilespmem:s10+$0x6FB0]  }
0x15f: {  	v53 =	vld [tilespmem:s10+$0x50B0]  }
0x160: {  	v54 =	vld [tilespmem:s10+$0x6FF0]  }
0x161: {  	v55 =	vld [tilespmem:s10+$0x50F0]  }
0x162: {  	v56 =	vld [tilespmem:s10+$0x7030];
	[tilespmem:s25], [sflag:$0x9] =	stream.linear.gather [spmem:s14], $0x1E00, $0x38  }
0x163: {  	_ =	swait.ge [sflag:s22], $0x1E00  }
0x164: {  	[sflag:s22] =	ssyncset.done $0x0  }
0x165: {  	s12 =	simm.s32 $0x0;
	[sflag:s22] =	ssyncadd.s32 $0xFFFFE200  }
0x166: {  	[tilespmem:s28], [sflag:$0x9] =	stream.linear.gather [hbm4b:s15+s12], $0x1E00, $0x38;
	[tilespmem:$0x16D10] =	vst v63  }
0x167: {  	_ =	swait.ge [sflag:s22], $0x1E00  }
0x168: {  	[sflag:s22] =	ssyncset.done $0x0  }
0x169: {  	s10 =	simm.s32 $0x0;
	[sflag:s22] =	ssyncadd.s32 $0xFFFFE200  }
0x16a: {  	v18 =	vld [tilespmem:s10+$0x50C0]  }
0x16b: {  	v19 =	vld [tilespmem:s10+$0x7000]  }
0x16c: {  	v21 =	vld [tilespmem:s10+$0x50D0]  }
0x16d: {  	v22 =	vld [tilespmem:s10+$0x7010]  }
0x16e: {  	v12 =	vld [tilespmem:s10+$0x50E0]  }
0x16f: {  	v13 =	vld [tilespmem:s10+$0x7020]  }
0x170: {  	v25 =	vld [tilespmem:s10+$0x5080]  }
0x171: {  	v28 =	vld [tilespmem:s10+$0x6FC0]  }
0x172: {  	v30 =	vld [tilespmem:s10+$0x5090]  }
0x173: {  	v34 =	vld [tilespmem:s10+$0x6FD0]  }
0x174: {  	v14 =	vld [tilespmem:s10+$0x50A0]  }
0x175: {  	v16 =	vmul.f32 v16, v15;
	v15 =	vld [tilespmem:s10+$0x6FE0]  }
0x176: {  	v17 =	vmul.f32 v20, v17;
	v20 =	vmul.f32 v24, v23;
	v37 =	vld [tilespmem:s10+$0x5040]  }
0x177: {  	v24 =	vmul.f32 v27, v26;
	v26 =	vmul.f32 v39, v33;
	v43 =	vld [tilespmem:s10+$0x6F80]  }
0x178: {  	v27 =	vmul.f32 v41, v40;
	v23 =	vmul.f32 v44, v42;
	v44 =	vld [tilespmem:s10+$0x5050]  }
0x179: {  	v29 =	vmul.f32 v36, v29;
	v60 =	vmul.f32 v46, v45;
	v45 =	vld [tilespmem:s10+$0x6F90]  }
0x17a: {  	v35 =	vadd.f32 v23, v35;
	v61 =	vmul.f32 v48, v47;
	v62 =	vmul.f32 v50, v49;
	v23 =	vld [tilespmem:s10+$0x5060]  }
0x17b: {  	v10 =	vmul.f32 v11, v10;
	v39 =	vimm.f32 $0.0e+00;
	v33 =	vadd.f32 v60, v38;
	v40 =	vld [tilespmem:s10+$0x6FA0]  }
0x17c: {  	v31 =	vadd.f32 v61, v31;
	v63 =	vmul.f32 v52, v51;
	v32 =	vadd.f32 v62, v32;
	v47 =	vld [tilespmem:s10+$0x5000]  }
0x17d: {  	v42 =	vimm.f32 $0.0e+00;
	v26 =	vadd.f32 v26, v35;
	v27 =	vadd.f32 v27, v33;
	v48 =	vld [tilespmem:s10+$0x6F40]  }
0x17e: {  	v11 =	vadd.f32 v29, v31;
	v31 =	vmul.f32 v54, v53;
	v49 =	vld [tilespmem:s10+$0x5010];
	v29 =	vadd.f32 v63, v32  }
0x17f: {  	v20 =	vadd.f32 v20, v26;
	v26 =	vmul.f32 v9, v8;
	v24 =	vadd.f32 v24, v27;
	v50 =	vld [tilespmem:s10+$0x6F50]  }
0x180: {  	v27 =	vmul.f32 v56, v55;
	v51 =	vld [tilespmem:s10+$0x5020];
	v10 =	vadd.f32 v10, v11;
	v11 =	vadd.f32 v31, v29  }
0x181: {  	v36 =	vimm.f32 $0.0e+00;
	v8 =	vadd.f32 v16, v20;
	v52 =	vld [tilespmem:s10+$0x6F60];
	v9 =	vadd.f32 v17, v24  }
0x182: {  	s11 =	simm.s32 $0x400;
	v38 =	vimm.f32 $0.0e+00;
	v53 =	vld [tilespmem:s10+$0x5030];
	v10 =	vadd.f32 v26, v10;
	v11 =	vadd.f32 v27, v11  }
.LBB2_10:
0x183: {  	p0 =	sne.s32 s11, $0x7400;
	v16 =	vld [tilespmem:s10+$0x6F70]  }
0x184: {  	v20 =	vmul.f32 v19, v18;
	v24 =	vmul.f32 v22, v21;
	v17 =	vld [tilespmem:s10+$0x5070]  }
0x185: {  	v25 =	vmul.f32 v28, v25;
	v26 =	vmul.f32 v34, v30;
	v19 =	vld [tilespmem:s10+$0x6FB0]  }
0x186: {  	v21 =	vmul.f32 v43, v37;
	v22 =	vmul.f32 v45, v44;
	v27 =	vld [tilespmem:s10+$0x50B0]  }
0x187: {  	v18 =	vmul.f32 v48, v47;
	v28 =	vmul.f32 v50, v49;
	v29 =	vld [tilespmem:s10+$0x6FF0]  }
0x188: {  	v30 =	vmul.f32 v52, v51;
	v16 =	vmul.f32 v16, v53;
	v31 =	vld [tilespmem:s10+$0x50F0]  }
0x189: {  	v23 =	vmul.f32 v40, v23;
	v32 =	vadd.f32 v18, v39;
	v28 =	vadd.f32 v28, v42;
	v33 =	vld [tilespmem:s10+$0x7030];
	s10 =	sshra.s32 s11, $0x2  }
0x18a: {  	v30 =	vadd.f32 v30, v36;
	v18 =	vld [tilespmem:s10+$0x50C0];
	v16 =	vadd.f32 v16, v38;
	v17 =	vmul.f32 v19, v17  }
0x18b: {  	v14 =	vmul.f32 v15, v14;
	v32 =	vadd.f32 v21, v32;
	v28 =	vadd.f32 v22, v28;
	v19 =	vld [tilespmem:s10+$0x7000]  }
0x18c: {  	v15 =	vadd.f32 v23, v30;
	v21 =	vld [tilespmem:s10+$0x50D0];
	v16 =	vadd.f32 v17, v16;
	v17 =	vmul.f32 v29, v27  }
0x18d: {  	v23 =	vadd.f32 v25, v32;
	v25 =	vadd.f32 v26, v28;
	v26 =	vmul.f32 v13, v12;
	v22 =	vld [tilespmem:s10+$0x7010]  }
0x18e: {  	v14 =	vadd.f32 v14, v15;
	v12 =	vld [tilespmem:s10+$0x50E0];
	v15 =	vadd.f32 v17, v16;
	v16 =	vmul.f32 v33, v31  }
0x18f: {  	v39 =	vadd.f32 v20, v23;
	v42 =	vadd.f32 v24, v25;
	v13 =	vld [tilespmem:s10+$0x7020]  }
0x190: {  	v36 =	vadd.f32 v26, v14;
	v25 =	vld [tilespmem:s10+$0x5080];
	v38 =	vadd.f32 v16, v15  }
0x191: {  	v28 =	vld [tilespmem:s10+$0x6FC0]  }
0x192: {  	v30 =	vld [tilespmem:s10+$0x5090]  }
0x193: {  	v34 =	vld [tilespmem:s10+$0x6FD0]  }
0x194: {  	v14 =	vld [tilespmem:s10+$0x50A0]  }
0x195: {  	v15 =	vld [tilespmem:s10+$0x6FE0]  }
0x196: {  	v37 =	vld [tilespmem:s10+$0x5040]  }
0x197: {  	v43 =	vld [tilespmem:s10+$0x6F80]  }
0x198: {  	v44 =	vld [tilespmem:s10+$0x5050]  }
0x199: {  	v45 =	vld [tilespmem:s10+$0x6F90]  }
0x19a: {  	v23 =	vld [tilespmem:s10+$0x5060]  }
0x19b: {  	v40 =	vld [tilespmem:s10+$0x6FA0]  }
0x19c: {  	v47 =	vld [tilespmem:s10+$0x5000]  }
0x19d: {  	v48 =	vld [tilespmem:s10+$0x6F40]  }
.Ltmp4:
0x19e: {  	v49 =	vld [tilespmem:s10+$0x5010];
	(pc) =	sbr.rel @p0 .LBB2_10-.Ltmp4, $4  }
0x19f: {  	v50 =	vld [tilespmem:s10+$0x6F50]  }
0x1a0: {  	v51 =	vld [tilespmem:s10+$0x5020]  }
0x1a1: {  	v52 =	vld [tilespmem:s10+$0x6F60]  }
0x1a2: {  	s11 =	sadd.s32 $0x400, s11;
	v53 =	vld [tilespmem:s10+$0x5030]  }
0x1a3: {  	v54 =	vld [tilespmem:s10+$0x6F70]  }
0x1a4: {  	v55 =	vld [tilespmem:s10+$0x5070]  }
0x1a5: {  	v56 =	vld [tilespmem:s10+$0x6FB0]  }
0x1a6: {  	v57 =	vld [tilespmem:s10+$0x50B0]  }
0x1a7: {  	v58 =	vld [tilespmem:s10+$0x6FF0]  }
0x1a8: {  	v59 =	vld [tilespmem:s10+$0x50F0]  }
0x1a9: {  	v60 =	vld [tilespmem:s10+$0x7030];
	[tilespmem:s25], [sflag:$0x9] =	stream.linear.gather [spmem:s16], $0x1E00, $0x38  }
0x1aa: {  	_ =	swait.ge [sflag:s22], $0x1E00  }
0x1ab: {  	[sflag:s22] =	ssyncset.done $0x0  }
0x1ac: {  	s12 =	simm.s32 $0x0;
	[sflag:s22] =	ssyncadd.s32 $0xFFFFE200  }
0x1ad: {  	[tilespmem:s28], [sflag:$0x9] =	stream.linear.gather [hbm4b:s17+s12], $0x1E00, $0x38;
	[tilespmem:$0x16D10] =	vst v63  }
0x1ae: {  	_ =	swait.ge [sflag:s22], $0x1E00  }
0x1af: {  	[sflag:s22] =	ssyncset.done $0x0  }
0x1b0: {  	s10 =	simm.s32 $0x0;
	[sflag:s22] =	ssyncadd.s32 $0xFFFFE200  }
0x1b1: {  	v24 =	vld [tilespmem:s10+$0x50C0]  }
0x1b2: {  	v26 =	vld [tilespmem:s10+$0x7000]  }
0x1b3: {  	v27 =	vld [tilespmem:s10+$0x50D0]  }
0x1b4: {  	v29 =	vld [tilespmem:s10+$0x7010]  }
0x1b5: {  	v16 =	vld [tilespmem:s10+$0x50E0]  }
0x1b6: {  	v17 =	vld [tilespmem:s10+$0x7020]  }
0x1b7: {  	v31 =	vld [tilespmem:s10+$0x5080]  }
0x1b8: {  	v32 =	vld [tilespmem:s10+$0x6FC0]  }
0x1b9: {  	v33 =	vld [tilespmem:s10+$0x5090]  }
0x1ba: {  	v35 =	vld [tilespmem:s10+$0x6FD0]  }
0x1bb: {  	v20 =	vld [tilespmem:s10+$0x50A0]  }
0x1bc: {  	v18 =	vmul.f32 v19, v18;
	v19 =	vmul.f32 v22, v21;
	v22 =	vld [tilespmem:s10+$0x6FE0]  }
0x1bd: {  	v21 =	vmul.f32 v28, v25;
	v25 =	vmul.f32 v34, v30;
	v41 =	vld [tilespmem:s10+$0x5040]  }
0x1be: {  	v28 =	vmul.f32 v43, v37;
	v30 =	vmul.f32 v45, v44;
	v46 =	vld [tilespmem:s10+$0x6F80]  }
0x1bf: {  	v62 =	vmul.f32 v48, v47;
	v23 =	vmul.f32 v40, v23;
	v47 =	vld [tilespmem:s10+$0x5050]  }
0x1c0: {  	v14 =	vmul.f32 v15, v14;
	v63 =	vmul.f32 v50, v49;
	v48 =	vld [tilespmem:s10+$0x6F90]  }
0x1c1: {  	v52 =	vmul.f32 v52, v51;
	v54 =	vmul.f32 v54, v53;
	v37 =	vld [tilespmem:s10+$0x5060]  }
0x1c2: {  	v12 =	vmul.f32 v13, v12;
	v34 =	vadd.f32 v62, v39;
	v61 =	vadd.f32 v63, v42;
	v44 =	vld [tilespmem:s10+$0x6FA0]  }
0x1c3: {  	v36 =	vadd.f32 v52, v36;
	v62 =	vmul.f32 v56, v55;
	v38 =	vadd.f32 v54, v38;
	v49 =	vld [tilespmem:s10+$0x5000]  }
0x1c4: {  	v45 =	vimm.f32 $0.0e+00;
	v28 =	vadd.f32 v28, v34;
	v30 =	vadd.f32 v30, v61;
	v50 =	vld [tilespmem:s10+$0x6F40]  }
0x1c5: {  	v63 =	vmul.f32 v58, v57;
	v15 =	vadd.f32 v23, v36;
	v51 =	vld [tilespmem:s10+$0x5010];
	v23 =	vadd.f32 v62, v38  }
0x1c6: {  	v40 =	vimm.f32 $0.0e+00;
	v21 =	vadd.f32 v21, v28;
	v25 =	vadd.f32 v25, v30;
	v52 =	vld [tilespmem:s10+$0x6F50]  }
0x1c7: {  	v28 =	vmul.f32 v60, v59;
	v53 =	vld [tilespmem:s10+$0x5020];
	v15 =	vadd.f32 v14, v15;
	v23 =	vadd.f32 v63, v23  }
0x1c8: {  	v39 =	vimm.f32 $0.0e+00;
	v13 =	vadd.f32 v18, v21;
	v54 =	vld [tilespmem:s10+$0x6F60];
	v14 =	vadd.f32 v19, v25  }
0x1c9: {  	s11 =	simm.s32 $0x400;
	v42 =	vimm.f32 $0.0e+00;
	v55 =	vld [tilespmem:s10+$0x5030];
	v15 =	vadd.f32 v12, v15;
	v12 =	vadd.f32 v28, v23  }
.LBB2_12:
0x1ca: {  	p0 =	sne.s32 s11, $0x7400;
	v18 =	vld [tilespmem:s10+$0x6F70]  }
0x1cb: {  	v21 =	vmul.f32 v26, v24;
	v23 =	vmul.f32 v29, v27;
	v19 =	vld [tilespmem:s10+$0x5070]  }
0x1cc: {  	v28 =	vmul.f32 v32, v31;
	v30 =	vmul.f32 v35, v33;
	v25 =	vld [tilespmem:s10+$0x6FB0]  }
0x1cd: {  	v27 =	vmul.f32 v46, v41;
	v29 =	vmul.f32 v48, v47;
	v31 =	vld [tilespmem:s10+$0x50B0]  }
0x1ce: {  	v24 =	vmul.f32 v50, v49;
	v26 =	vmul.f32 v52, v51;
	v32 =	vld [tilespmem:s10+$0x6FF0]  }
0x1cf: {  	v33 =	vmul.f32 v54, v53;
	v18 =	vmul.f32 v18, v55;
	v34 =	vld [tilespmem:s10+$0x50F0]  }
0x1d0: {  	v37 =	vmul.f32 v44, v37;
	v35 =	vadd.f32 v24, v42;
	v36 =	vadd.f32 v26, v45;
	v38 =	vld [tilespmem:s10+$0x7030];
	s10 =	sshra.s32 s11, $0x2  }
0x1d1: {  	v33 =	vadd.f32 v33, v39;
	v24 =	vld [tilespmem:s10+$0x50C0];
	v18 =	vadd.f32 v18, v40;
	v19 =	vmul.f32 v25, v19  }
0x1d2: {  	v20 =	vmul.f32 v22, v20;
	v25 =	vadd.f32 v27, v35;
	v35 =	vadd.f32 v29, v36;
	v26 =	vld [tilespmem:s10+$0x7000]  }
0x1d3: {  	v22 =	vadd.f32 v37, v33;
	v27 =	vld [tilespmem:s10+$0x50D0];
	v18 =	vadd.f32 v19, v18;
	v19 =	vmul.f32 v32, v31  }
0x1d4: {  	v25 =	vadd.f32 v28, v25;
	v28 =	vadd.f32 v30, v35;
	v30 =	vmul.f32 v17, v16;
	v29 =	vld [tilespmem:s10+$0x7010]  }
0x1d5: {  	v20 =	vadd.f32 v20, v22;
	v16 =	vld [tilespmem:s10+$0x50E0];
	v18 =	vadd.f32 v19, v18;
	v19 =	vmul.f32 v38, v34  }
0x1d6: {  	v42 =	vadd.f32 v21, v25;
	v45 =	vadd.f32 v23, v28;
	v17 =	vld [tilespmem:s10+$0x7020]  }
0x1d7: {  	v39 =	vadd.f32 v30, v20;
	v31 =	vld [tilespmem:s10+$0x5080];
	v40 =	vadd.f32 v19, v18  }
0x1d8: {  	v32 =	vld [tilespmem:s10+$0x6FC0]  }
0x1d9: {  	v33 =	vld [tilespmem:s10+$0x5090]  }
0x1da: {  	v35 =	vld [tilespmem:s10+$0x6FD0]  }
0x1db: {  	v20 =	vld [tilespmem:s10+$0x50A0]  }
0x1dc: {  	v22 =	vld [tilespmem:s10+$0x6FE0]  }
0x1dd: {  	v41 =	vld [tilespmem:s10+$0x5040]  }
0x1de: {  	v46 =	vld [tilespmem:s10+$0x6F80]  }
0x1df: {  	v47 =	vld [tilespmem:s10+$0x5050]  }
0x1e0: {  	v48 =	vld [tilespmem:s10+$0x6F90]  }
0x1e1: {  	v37 =	vld [tilespmem:s10+$0x5060]  }
0x1e2: {  	v44 =	vld [tilespmem:s10+$0x6FA0]  }
0x1e3: {  	v49 =	vld [tilespmem:s10+$0x5000]  }
0x1e4: {  	v50 =	vld [tilespmem:s10+$0x6F40]  }
.Ltmp5:
0x1e5: {  	v51 =	vld [tilespmem:s10+$0x5010];
	(pc) =	sbr.rel @p0 .LBB2_12-.Ltmp5, $4  }
0x1e6: {  	v52 =	vld [tilespmem:s10+$0x6F50]  }
0x1e7: {  	v53 =	vld [tilespmem:s10+$0x5020]  }
0x1e8: {  	v54 =	vld [tilespmem:s10+$0x6F60]  }
0x1e9: {  	s11 =	sadd.s32 $0x400, s11;
	v55 =	vld [tilespmem:s10+$0x5030]  }
0x1ea: {  	v56 =	vld [tilespmem:s10+$0x6F70]  }
0x1eb: {  	v57 =	vld [tilespmem:s10+$0x5070]  }
0x1ec: {  	v58 =	vld [tilespmem:s10+$0x6FB0]  }
0x1ed: {  	v59 =	vld [tilespmem:s10+$0x50B0]  }
0x1ee: {  	v60 =	vld [tilespmem:s10+$0x6FF0]  }
0x1ef: {  	v61 =	vld [tilespmem:s10+$0x50F0]  }
0x1f0: {  	v62 =	vld [tilespmem:s10+$0x7030];
	[tilespmem:s25], [sflag:$0x9] =	stream.linear.gather [spmem:s18], $0xA00, $0x38  }
0x1f1: {  	_ =	swait.ge [sflag:s22], $0xA00  }
0x1f2: {  	[sflag:s22] =	ssyncset.done $0x0  }
0x1f3: {  	s12 =	simm.s32 $0x0;
	[sflag:s22] =	ssyncadd.s32 $0xFFFFF600  }
0x1f4: {  	[tilespmem:s28], [sflag:$0x9] =	stream.linear.gather [hbm4b:s19+s12], $0xA00, $0x38;
	[tilespmem:$0x16D10] =	vst v63  }
0x1f5: {  	_ =	swait.ge [sflag:s22], $0xA00  }
0x1f6: {  	[sflag:s22] =	ssyncset.done $0x0  }
0x1f7: {  	s10 =	simm.s32 $0x0;
	[sflag:s22] =	ssyncadd.s32 $0xFFFFF600  }
0x1f8: {  	v28 =	vld [tilespmem:s10+$0x50C0]  }
0x1f9: {  	v30 =	vld [tilespmem:s10+$0x7000]  }
0x1fa: {  	v21 =	vld [tilespmem:s10+$0x50D0]  }
0x1fb: {  	v23 =	vld [tilespmem:s10+$0x7010]  }
0x1fc: {  	v18 =	vld [tilespmem:s10+$0x50E0]  }
0x1fd: {  	v19 =	vld [tilespmem:s10+$0x7020]  }
0x1fe: {  	v38 =	vld [tilespmem:s10+$0x5080]  }
0x1ff: {  	v43 =	vld [tilespmem:s10+$0x6FC0]  }
0x200: {  	v34 =	vld [tilespmem:s10+$0x5090]  }
0x201: {  	v36 =	vld [tilespmem:s10+$0x6FD0]  }
0x202: {  	v25 =	vld [tilespmem:s10+$0x50A0]  }
0x203: {  	v63 =	vmul.f32 v26, v24;
	v24 =	vld [tilespmem:s10+$0x6FE0]  }
0x204: {  	v27 =	vmul.f32 v29, v27;
	v32 =	vmul.f32 v32, v31;
	v31 =	vld [tilespmem:s10+$0x5040]  }
0x205: {  	v35 =	vmul.f32 v35, v33;
	v0 =	vmul.f32 v46, v41;
	v41 =	vld [tilespmem:s10+$0x6F80]  }
0x206: {  	v47 =	vmul.f32 v48, v47;
	v26 =	vmul.f32 v50, v49;
	v33 =	vld [tilespmem:s10+$0x5050]  }
0x207: {  	v37 =	vmul.f32 v44, v37;
	v29 =	vmul.f32 v52, v51;
	v46 =	vld [tilespmem:s10+$0x6F90]  }
0x208: {  	v42 =	vadd.f32 v26, v42;
	v52 =	vmul.f32 v54, v53;
	v53 =	vmul.f32 v56, v55;
	v26 =	vld [tilespmem:s10+$0x5060]  }
0x209: {  	v20 =	vmul.f32 v22, v20;
	v16 =	vmul.f32 v17, v16;
	v45 =	vadd.f32 v29, v45;
	v29 =	vld [tilespmem:s10+$0x6FA0]  }
0x20a: {  	v54 =	vadd.f32 v52, v39;
	v55 =	vmul.f32 v58, v57;
	v40 =	vadd.f32 v53, v40;
	v39 =	vld [tilespmem:s10+$0x5000]  }
0x20b: {  	v0 =	vadd.f32 v0, v42;
	v56 =	vadd.f32 v47, v45;
	v58 =	vmul.f32 v60, v59;
	v42 =	vld [tilespmem:s10+$0x5010]  }
0x20c: {  	v62 =	vmul.f32 v62, v61;
	v22 =	vadd.f32 v37, v54;
	v44 =	vld [tilespmem:s10+$0x6F50];
	v57 =	vadd.f32 v55, v40  }
0x20d: {  	v0 =	vadd.f32 v32, v0;
	v32 =	vimm.f32 $0.0e+00;
	v59 =	vadd.f32 v35, v56;
	v45 =	vld [tilespmem:s10+$0x5020]  }
0x20e: {  	v35 =	vimm.f32 $0.0e+00;
	v48 =	vld [tilespmem:s10+$0x6F60];
	v17 =	vadd.f32 v20, v22;
	v60 =	vadd.f32 v58, v57  }
0x20f: {  	v37 =	vimm.f32 $0.0e+00;
	v47 =	vld [tilespmem:s10+$0x5030];
	v22 =	vadd.f32 v63, v0;
	v20 =	vadd.f32 v27, v59  }
0x210: {  	s11 =	simm.s32 $0x400;
	v40 =	vld [tilespmem:s10+$0x6F40];
	v27 =	vimm.f32 $0.0e+00;
	v17 =	vadd.f32 v16, v17;
	v16 =	vadd.f32 v62, v60  }
.LBB2_14:
0x211: {  	p0 =	sne.s32 s11, $0x2400;
	v0 =	vld [tilespmem:s10+$0x6F70]  }
0x212: {  	v50 =	vmul.f32 v30, v28;
	v51 =	vmul.f32 v23, v21;
	v49 =	vld [tilespmem:s10+$0x5070]  }
0x213: {  	v38 =	vmul.f32 v43, v38;
	v34 =	vmul.f32 v36, v34;
	v21 =	vld [tilespmem:s10+$0x6FB0]  }
0x214: {  	v23 =	vmul.f32 v41, v31;
	v31 =	vmul.f32 v46, v33;
	v33 =	vld [tilespmem:s10+$0x50B0]  }
0x215: {  	v28 =	vmul.f32 v40, v39;
	v30 =	vmul.f32 v44, v42;
	v36 =	vld [tilespmem:s10+$0x6FF0]  }
0x216: {  	v39 =	vmul.f32 v48, v45;
	v0 =	vmul.f32 v0, v47;
	v40 =	vld [tilespmem:s10+$0x50F0]  }
0x217: {  	v26 =	vmul.f32 v29, v26;
	v35 =	vadd.f32 v28, v35;
	v37 =	vadd.f32 v30, v37;
	v29 =	vld [tilespmem:s10+$0x7030];
	s10 =	sshra.s32 s11, $0x2  }
0x218: {  	v32 =	vadd.f32 v39, v32;
	v28 =	vld [tilespmem:s10+$0x50C0];
	v0 =	vadd.f32 v0, v27;
	v27 =	vmul.f32 v21, v49  }
0x219: {  	v24 =	vmul.f32 v24, v25;
	v35 =	vadd.f32 v23, v35;
	v31 =	vadd.f32 v31, v37;
	v30 =	vld [tilespmem:s10+$0x7000]  }
0x21a: {  	v25 =	vadd.f32 v26, v32;
	v21 =	vld [tilespmem:s10+$0x50D0];
	v0 =	vadd.f32 v27, v0;
	v26 =	vmul.f32 v36, v33  }
0x21b: {  	v31 =	vadd.f32 v34, v31;
	v32 =	vmul.f32 v19, v18;
	v27 =	vadd.f32 v38, v35;
	v23 =	vld [tilespmem:s10+$0x7010]  }
0x21c: {  	v24 =	vadd.f32 v24, v25;
	v18 =	vld [tilespmem:s10+$0x50E0];
	v0 =	vadd.f32 v26, v0;
	v25 =	vmul.f32 v29, v40  }
0x21d: {  	v37 =	vadd.f32 v51, v31;
	v35 =	vadd.f32 v50, v27;
	v19 =	vld [tilespmem:s10+$0x7020]  }
0x21e: {  	v32 =	vadd.f32 v32, v24;
	v38 =	vld [tilespmem:s10+$0x5080];
	v27 =	vadd.f32 v25, v0  }
0x21f: {  	v43 =	vld [tilespmem:s10+$0x6FC0]  }
0x220: {  	v34 =	vld [tilespmem:s10+$0x5090]  }
0x221: {  	v36 =	vld [tilespmem:s10+$0x6FD0]  }
0x222: {  	v25 =	vld [tilespmem:s10+$0x50A0]  }
0x223: {  	v24 =	vld [tilespmem:s10+$0x6FE0]  }
0x224: {  	v31 =	vld [tilespmem:s10+$0x5040]  }
0x225: {  	v41 =	vld [tilespmem:s10+$0x6F80]  }
0x226: {  	v33 =	vld [tilespmem:s10+$0x5050]  }
0x227: {  	v46 =	vld [tilespmem:s10+$0x6F90]  }
0x228: {  	v26 =	vld [tilespmem:s10+$0x5060]  }
0x229: {  	v29 =	vld [tilespmem:s10+$0x6FA0]  }
0x22a: {  	v39 =	vld [tilespmem:s10+$0x5000]  }
0x22b: {  	v40 =	vld [tilespmem:s10+$0x6F40]  }
.Ltmp6:
0x22c: {  	v42 =	vld [tilespmem:s10+$0x5010];
	(pc) =	sbr.rel @p0 .LBB2_14-.Ltmp6, $4  }
0x22d: {  	v44 =	vld [tilespmem:s10+$0x6F50]  }
0x22e: {  	v45 =	vld [tilespmem:s10+$0x5020]  }
0x22f: {  	v48 =	vld [tilespmem:s10+$0x6F60]  }
0x230: {  	s11 =	sadd.s32 $0x400, s11;
	v47 =	vld [tilespmem:s10+$0x5030]  }
0x231: {  	v0 =	vld [tilespmem:$0x1FFF0];
	_ =	sdelay $0x4  }
0x232: {  	v0 =	vadd.f32 $0.0e+00, v0;
	_ =	sdelay $0x1  }
0x233: {  	v0 =	vadd.f32 v1, v0;
	_ =	sdelay $0x1  }
0x234: {  	v0 =	vadd.f32 v2, v0;
	_ =	sdelay $0x1  }
0x235: {  	v0 =	vadd.f32 v3, v0;
	_ =	sdelay $0x1  }
0x236: {  	v0 =	vadd.f32 v4, v0;
	_ =	sdelay $0x1  }
0x237: {  	v0 =	vadd.f32 v5, v0;
	_ =	sdelay $0x1  }
0x238: {  	v0 =	vadd.f32 v6, v0;
	_ =	sdelay $0x1  }
0x239: {  	v0 =	vadd.f32 v7, v0;
	_ =	sdelay $0x1  }
0x23a: {  	v0 =	vadd.f32 v8, v0;
	_ =	sdelay $0x1  }
0x23b: {  	v0 =	vadd.f32 v9, v0;
	_ =	sdelay $0x1  }
0x23c: {  	v0 =	vadd.f32 v10, v0;
	_ =	sdelay $0x1  }
0x23d: {  	v0 =	vadd.f32 v11, v0;
	_ =	sdelay $0x1  }
0x23e: {  	v0 =	vadd.f32 v13, v0;
	_ =	sdelay $0x1  }
0x23f: {  	v62 =	vld [tilespmem:s10+$0x6F70];
	v0 =	vadd.f32 v14, v0;
	_ =	sdelay $0x1  }
0x240: {  	v63 =	vmul.f32 v30, v28;
	v28 =	vmul.f32 v43, v38;
	v0 =	vadd.f32 v15, v0  }
0x241: {  	v38 =	vmul.f32 v41, v31;
	v41 =	vmul.f32 v40, v39  }
0x242: {  	v0 =	vadd.f32 v12, v0  }
0x243: {  	v30 =	vld [tilespmem:s10+$0x5070];
	v1 =	vmul.f32 v62, v47;
	v6 =	vadd.f32 v41, v35  }
0x244: {  	v43 =	vld [tilespmem:s10+$0x6FB0];
	v49 =	vmul.f32 v46, v33;
	v44 =	vmul.f32 v44, v42;
	v0 =	vadd.f32 v22, v0  }
0x245: {  	v50 =	vld [tilespmem:s10+$0x50B0];
	v48 =	vmul.f32 v48, v45;
	v1 =	vadd.f32 v1, v27;
	v5 =	vadd.f32 v38, v6  }
0x246: {  	v51 =	vmul.f32 v36, v34;
	v52 =	vld [tilespmem:s10+$0x6FF0];
	v8 =	vadd.f32 v44, v37;
	v0 =	vadd.f32 v20, v0  }
0x247: {  	v53 =	vmul.f32 v29, v26;
	v3 =	vadd.f32 v28, v5;
	v9 =	vadd.f32 v48, v32  }
0x248: {  	v54 =	vld [tilespmem:s10+$0x50F0];
	v56 =	vmul.f32 v24, v25;
	v8 =	vadd.f32 v49, v8;
	v0 =	vadd.f32 v17, v0  }
0x249: {  	v55 =	vld [tilespmem:s10+$0x7030];
	v4 =	vmul.f32 v43, v30;
	v2 =	vadd.f32 v63, v3;
	v6 =	vadd.f32 v53, v9  }
0x24a: {  	v57 =	vmul.f32 v23, v21;
	v8 =	vadd.f32 v51, v8;
	v0 =	vadd.f32 v16, v0  }
0x24b: {  	v58 =	vmul.f32 v52, v50;
	v1 =	vadd.f32 v4, v1;
	v59 =	vadd.f32 v56, v6  }
0x24c: {  	v60 =	vmul.f32 v19, v18;
	v61 =	vadd.f32 v57, v8;
	v0 =	vadd.f32 v2, v0  }
0x24d: {  	v1 =	vadd.f32 v58, v1  }
0x24e: {  	v62 =	vmul.f32 v55, v54;
	v63 =	vadd.f32 v60, v59;
	v0 =	vadd.f32 v61, v0;
	_ =	sdelay $0x1  }
0x24f: {  	v1 =	vadd.f32 v62, v1;
	v0 =	vadd.f32 v63, v0;
	_ =	sdelay $0x1  }
0x250: {  	s9 =	sadd.s32 $0x1, s9;
	v0 =	vadd.f32 v1, v0  }
0x251: {  	p0 =	sne.s32 s9, s21  }
.Ltmp7:
0x252: {  	s12 =	simm.s32 $0xCD00;
	[tilespmem:$0xCD00] =	vst v0;
	(pc) =	sbr.rel @p0 .LBB2_1-.Ltmp7, $4  }
0x253: {  	[hbm4b:s20+s3] =	stream.linear.scatter [tilespmem:s12], [sflag:$0x9], $0x10, $0x38;
	[tilespmem:$0x16D10] =	vst v63  }
0x254: {  	_ =	swait.ge [sflag:s22], $0x10  }
0x255: {  	[sflag:s22] =	ssyncset.done $0x0  }
0x256: {  	[sflag:s22] =	ssyncadd.s32 $0xFFFFFFF0  }
0x257: {  	_ =	sfence.sel $0x180000  }
0x258: {  	[bflag:$0x0] =	sbarrier.arrive $0xFFFF  }
0x259: {  	_ =	strace $0x9000004A  }
0x25a: {  	s0 =	stileid.u32;
	[bflag:$0x2] =	sbarrier.arrive $0xFFFF  }
0x25b: {  	p0 =	sne.s32 s0, $0x0;
	s0 =	rddreg [dreg:$0x2]  }
0x25c: {  	s0 =	sadd.s32 @!p0 $0x100000, s0  }
0x25d: {  	[sflag:s0] =	ssyncadd.tile.s32 @!p0 $0x1;
	_ =	shalt  }
.Lfunc_end2:
_tile_overlayer_lowered:
.L_overlay_start_2:
0x25e: {  	(tag) =	ssettag $0x2  }
0x25f: {  	s0 =	rddreg [dreg:$0x0];
	s2 =	stileid.u32  }
0x260: {  	s1 =	rddreg [dreg:$0x1];
	p0 =	sne.s32 s2, $0x0  }
0x261: {  	s3 =	rddreg [dreg:$0x2];
	[bflag:$0x3] =	sbarrier.arrive $0xFFFF;
	s2 =	simm.s32 @!p0 $0x1C09  }
0x262: {  	[timem:s3], [sflag:s2] =	dma.local @!p0 [hbm:s0], s1  }
0x263: {  	s0 =	simm.s32 @!p0 $0x9  }
0x264: {  	_ =	swait.ge @!p0 [sflag:s0], s1  }
0x265: {  	s1 =	ssub.s32 @!p0 $0x0, s1;
	[sflag:s0] =	ssyncset.done @!p0 $0x0  }
0x266: {  	[sflag:s0] =	ssyncadd.s32 @!p0 s1  }
0x267: {  	[bflag:$0x3] =	sbarrier.arrive $0xFFFF  }
0x268: {  	_ =	shalt  }

// kernel: kernel.8.cloned.1.call-start
scs
__scs_entry_jumppad:
0x0: {  	(pc) =	sbr.rel $0x88, $3  }
0x1: {  	(tag) =	ssettag $0x0;
	lr =	simm.s32 $0x1  }
0x2: {  	[smem:$0x3F99] =	sst lr;
	_ =	strace $0xD0000000  }
0x3: {  	_ = 	snop  }
0x4: {  	_ = 	snop  }
0x5: {  	_ = 	snop  }
0x6: {  	_ = 	snop  }
0x7: {  	_ = 	snop  }
__scs_overlays_trampoline_lowered:
0x8: {  	[smem:$0x3FA8] =	sst s0  }
0x9: {  	[smem:$0x3FA9] =	sst s1  }
0xa: {  	[smem:$0x3FAA] =	sst s2  }
0xb: {  	[smem:$0x3FAB] =	sst s3  }
0xc: {  	[smem:$0x3FAC] =	sst s4  }
0xd: {  	[smem:$0x3FAD] =	sst s5  }
0xe: {  	[smem:$0x3FAE] =	sst s6  }
0xf: {  	[smem:$0x3FAF] =	sst s7  }
0x10: {  	[smem:$0x3FB0] =	sst s8  }
0x11: {  	[smem:$0x3FB1] =	sst s9;
	s0 =	simm.s32 @!p0 $0x0  }
0x12: {  	s1 =	sld [smem:$0x3F97];
	s0 =	simm.s32 @p0 $0x1  }
0x13: {  	[smem:$0x3FB2] =	sst s0;
	s0 =	simm.s32 @!p1 $0x0  }
0x14: {  	s2 =	sld [smem:$0x3F96];
	s0 =	simm.s32 @p1 $0x1  }
0x15: {  	[smem:$0x3FB3] =	sst s0;
	s0 =	simm.s32 @!p2 $0x0  }
0x16: {  	s3 =	sld [smem:$0x3FDB];
	s0 =	simm.s32 @p2 $0x1  }
0x17: {  	s4 =	simm.s32 $0x1BF5;
	[smem:$0x3FB5] =	sst s0  }
0x18: {  	s0 =	sld [smem:$0x3F98];
	_ =	swait.ge [sflag:s4], $0x0  }
0x19: {  	s7 =	sld [smem:$0x3F99]  }
0x1a: {  	s8 =	sadd.s32 $0xFFFFE003, lr  }
0x1b: {  	s9 =	sadd.s32 $0xFFFFFEF7, lr;
	s5 =	simm.s32 $0xFFFFFFFF;
	p2 =	slt.u32 s8, $0xFFFFF086  }
0x1c: {  	p1 =	slt.u32 s9, $0xF7A;
	s5 =	simm.s32 @!p2 $0x0  }
0x1d: {  	s5 =	simm.s32 @p1 $0x1;
	p0 =	seq.s32 s7, s2  }
0x1e: {  	s7 =	smul.u32 @!p0 $0xF7A, s2;
	p2 =	seq.s32 @!p0 s5, $0x0  }
0x1f: {  	s9 =	smul.u32 $0xF7A, s1;
	s8 =	simm.s32 @!p0 $0x1BF5;
	p2 =	por !p2, p0  }
0x20: {  	[sflag:s8] =	ssyncset.s32 @!p0 $0xFFFFF086;
	s6 =	sadd.s32 @!p0 s3, s7;
	s7 =	simm.s32 @!p0 $0x108  }
0x21: {  	s3 =	sadd.s32 s3, s9;
	s6 =	sadd.s32 @!p0 $0x88, s6;
	s7 =	simm.s32 @p2 $0x1082  }
0x22: {  	[simem:s7], [sflag:s8] =	dma.local @!p0 [hbm:s6], $0xF7A  }
0x23: {  	s9 =	sor.u32 $0xD0000000, s2;
	s6 =	simm.s32 $0x108;
	_ =	swait.ge @!p0 [sflag:s8], $0x0  }
0x24: {  	s3 =	sadd.s32 $0x88, s3;
	s6 =	simm.s32 @!p1 $0x1082;
	[sflag:s4] =	ssyncset.s32 $0xFFFFF086  }
0x25: {  	[simem:s6], [sflag:s4] =	dma.local [hbm:s3], $0xF7A  }
0x26: {  	[smem:$0x3F99] =	sst s1;
	(tag) =	ssettag s2;
	_ =	strace s9  }
0x27: {  	s1 =	sld [smem:$0x3FA9]  }
0x28: {  	s2 =	sld [smem:$0x3FAA]  }
0x29: {  	s4 =	sld [smem:$0x3FAC]  }
0x2a: {  	p0 =	seq.s32 s5, $0x0;
	s5 =	sld [smem:$0x3FAD]  }
0x2b: {  	s6 =	sld [smem:$0x3FAE]  }
0x2c: {  	s7 =	sld [smem:$0x3FAF]  }
0x2d: {  	s3 =	simm.s32 $0x108;
	s8 =	sld [smem:$0x3FB0]  }
0x2e: {  	s3 =	simm.s32 @!p0 $0x1082;
	s9 =	sld [smem:$0x3FB1]  }
0x2f: {  	lr =	sadd.s32 s0, s3;
	s0 =	sld [smem:$0x3FA8]  }
0x30: {  	s3 =	sld [smem:$0x3FAB]  }
0x31: {  	[smem:$0x3FB4] =	sst s10  }
0x32: {  	s10 =	sld [smem:$0x3FB2];
	_ =	sdelay $0x3  }
0x33: {  	p0 =	seq.s32 s10, $0x1;
	s10 =	sld [smem:$0x3FB4];
	_ =	sdelay $0x3  }
0x34: {  	[smem:$0x3FB4] =	sst s10  }
0x35: {  	s10 =	sld [smem:$0x3FB3];
	_ =	sdelay $0x3  }
0x36: {  	p1 =	seq.s32 s10, $0x1;
	s10 =	sld [smem:$0x3FB4];
	_ =	sdelay $0x3  }
0x37: {  	[smem:$0x3FB4] =	sst s10  }
0x38: {  	s10 =	sld [smem:$0x3FB5]  }
0x39: {  	_ = 	snop;
	(pc) =	sbr.ind lr, $3  }
0x3a: {  	_ = 	snop  }
0x3b: {  	_ = 	snop  }
0x3c: {  	p2 =	seq.s32 s10, $0x1;
	s10 =	sld [smem:$0x3FB4]  }
0x3d: {  	_ =	shalt  }
0x3e: {  	_ =	shalt  }
0x3f: {  	_ =	shalt  }
0x40: {  	_ =	shalt  }
0x41: {  	_ =	shalt  }
0x42: {  	_ =	shalt  }
0x43: {  	_ =	shalt  }
0x44: {  	_ =	shalt  }
0x45: {  	_ =	shalt  }
0x46: {  	_ =	shalt  }
0x47: {  	_ =	shalt  }
0x48: {  	_ =	shalt  }
0x49: {  	_ =	shalt  }
0x4a: {  	_ =	shalt  }
0x4b: {  	_ =	shalt  }
0x4c: {  	_ =	shalt  }
0x4d: {  	_ =	shalt  }
0x4e: {  	_ =	shalt  }
0x4f: {  	_ =	shalt  }
0x50: {  	_ =	shalt  }
0x51: {  	_ =	shalt  }
0x52: {  	_ =	shalt  }
0x53: {  	_ =	shalt  }
0x54: {  	_ =	shalt  }
0x55: {  	_ =	shalt  }
0x56: {  	_ =	shalt  }
0x57: {  	_ =	shalt  }
0x58: {  	_ =	shalt  }
0x59: {  	_ =	shalt  }
0x5a: {  	_ =	shalt  }
0x5b: {  	_ =	shalt  }
0x5c: {  	_ =	shalt  }
0x5d: {  	_ =	shalt  }
0x5e: {  	_ =	shalt  }
0x5f: {  	_ =	shalt  }
0x60: {  	_ =	shalt  }
0x61: {  	_ =	shalt  }
0x62: {  	_ =	shalt  }
0x63: {  	_ =	shalt  }
0x64: {  	_ =	shalt  }
0x65: {  	_ =	shalt  }
0x66: {  	_ =	shalt  }
0x67: {  	_ =	shalt  }
0x68: {  	_ =	shalt  }
0x69: {  	_ =	shalt  }
0x6a: {  	_ =	shalt  }
0x6b: {  	_ =	shalt  }
0x6c: {  	_ =	shalt  }
0x6d: {  	_ =	shalt  }
0x6e: {  	_ =	shalt  }
0x6f: {  	_ =	shalt  }
0x70: {  	_ =	shalt  }
0x71: {  	_ =	shalt  }
0x72: {  	_ =	shalt  }
0x73: {  	_ =	shalt  }
0x74: {  	_ =	shalt  }
0x75: {  	_ =	shalt  }
0x76: {  	_ =	shalt  }
0x77: {  	_ =	shalt  }
0x78: {  	_ =	shalt  }
0x79: {  	_ =	shalt  }
0x7a: {  	_ =	shalt  }
0x7b: {  	_ =	shalt  }
0x7c: {  	_ =	shalt  }
0x7d: {  	_ =	shalt  }
0x7e: {  	_ =	shalt  }
0x7f: {  	_ =	shalt  }
0x80: {  	_ =	shalt  }
0x81: {  	_ =	shalt  }
0x82: {  	_ =	shalt  }
0x83: {  	_ =	shalt  }
0x84: {  	_ =	shalt  }
0x85: {  	_ =	shalt  }
0x86: {  	_ =	shalt  }
0x87: {  	_ =	shalt  }
.Lfunc_end0:
.L_simem_size_0:
called_computation_lowered:
.L_overlay_start_0:
0x88: {  	s2 =	sld [smem:$0x3FD9]  }
0x89: {  	s3 =	sld [smem:$0x3FFE];
	_ =	sdelay $0x1  }
0x8a: {  	s1 =	srdreg.scid  }
0x8b: {  	s0 =	sand.u32 $0x1, s1  }
0x8c: {  	s14 =	sshll.u32 s0, $0xA;
	s2 =	sadd.s32 s3, s2  }
0x8d: {  	s2 =	sadd.s32 s2, s14  }
0x8e: {  	[smem:$0x3FC0] =	sst s2  }
0x8f: {  	_ = 	snop  }
0x90: {  	s2 =	sld [smem:$0x3FD0];
	_ =	sdelay $0x2  }
0x91: {  	s15 =	simm.s32 $0xA;
	s4 =	simm.s32 $0x10  }
0x92: {  	[smem:s4], [sflag:s15] =	dma.local [hbm:s2], $0x1  }
0x93: {  	_ =	swait.eq [sflag:s15], $0x1  }
0x94: {  	[sflag:s15] =	ssyncset.done $0x0  }
0x95: {  	[sflag:s15] =	ssyncadd.s32 $0xFFFFFFFF  }
0x96: {  	s16 =	sld [smem:$0x10];
	(tm) =	ssettm $0x1  }
0x97: {  	s17 =	sld [smem:$0x3FFB];
	_ =	sdelay $0x3  }
0x98: {  	_ =	strace s17  }
0x99: {  	s3 =	sld [smem:$0x3FFC];
	_ =	sdelay $0x3  }
0x9a: {  	_ =	strace s3  }
0x9b: {  	s3 =	sld [smem:$0x3FFD];
	_ =	sdelay $0x3  }
0x9c: {  	_ =	strace s3  }
0x9d: {  	_ =	strace $0x8FFFFFFF  }
0x9e: {  	s18 =	sld [smem:$0x3FDB];
	_ =	sdelay $0x1  }
0x9f: {  	s19 =	simm.s32 $_scs_section_size  }
0xa0: {  	s5 =	simm.s32 $_size__tile_overlayer_lowered;
	s6 =	simm.s32 $_tile_overlayer_lowered  }
0xa1: {  	s22 =	simm.s32 $0x1BFF;
	s21 =	sshll.u32 s6, $0x1;
	s3 =	sadd.s32 s19, s18  }
0xa2: {  	s7 =	simm.s32 $0x0;
	s20 =	sshll.u32 s5, $0x1;
	s5 =	sadd.s32 s21, s3  }
0xa3: {  	[timem:s7], [sflag:s22] =	dma.local [hbm:s5], s20  }
0xa4: {  	_ =	swait.ge [sflag:s22], s20  }
0xa5: {  	s4 =	ssub.s32 $0x0, s20;
	[sflag:s22] =	ssyncset.done $0x0  }
0xa6: {  	[sflag:s22] =	ssyncadd.s32 s4;
	_ =	sdelay $0x1  }
0xa7: {  	s23 =	simm.s32 $0x1B8B  }
0xa8: {  	_ =	swait.ge [sflag:s23], $0x1  }
0xa9: {  	[sflag:s23] =	ssyncset.done $0x0  }
0xaa: {  	s25 =	simm.s32 $0x1B8E;
	s24 =	sld [smem:$0x3FFE];
	[sflag:s23] =	ssyncadd.s32 $0xFFFFFFFF  }
0xab: {  	s26 =	simm.s32 $execute0_lowered;
	[smem:$0x3FD2] =	sst s25  }
0xac: {  	s5 =	sshll.u32 s26, $0x1;
	_ =	strace $0x80000046;
	[dreg:$0x1] =	wrdreg $0xFFFFFFFF  }
0xad: {  	s28 =	simm.s32 $_size_execute0_lowered;
	s3 =	sadd.s32 s3, s5;
	[dreg:$0x0] =	wrdreg $0x0  }
0xae: {  	s5 =	sshll.u32 s28, $0x1;
	[dreg:$0x2] =	wrdreg s3  }
0xaf: {  	[dreg:$0x3] =	wrdreg s5  }
0xb0: {  	[dreg:$0x4] =	wrdreg $0xC0  }
0xb1: {  	_ =	task [dreg:s7], $0x5FFFF  }
0xb2: {  	[dreg:$0x1] =	wrdreg $0xFFFFFFFF  }
0xb3: {  	[dreg:$0x0] =	wrdreg $0x60  }
0xb4: {  	[dreg:$0x2] =	wrdreg s16  }
0xb5: {  	[dreg:$0x3] =	wrdreg s24  }
0xb6: {  	[dreg:$0x4] =	wrdreg $0xD4D00  }
0xb7: {  	[dreg:$0x5] =	wrdreg $0x174D00  }
0xb8: {  	[dreg:$0x6] =	wrdreg $0x9  }
0xb9: {  	_ =	task.clear_ibuf [dreg:s7], $0x7FFFF;
	_ =	strace $0x90000046  }
0xba: {  	s29 =	simm.s32 $0x9;
	_ =	strace $0x80000048  }
0xbb: {  	_ =	swait.ge [sflag:s29], $0x1  }
0xbc: {  	[sflag:s29] =	ssyncadd.s32 $0xFFFFFFFF  }
0xbd: {  	_ =	strace $0x90000048  }
0xbe: {  	_ =	sfence  }
0xbf: {  	s30 =	sld [smem:$0x0];
	_ =	sdelay $0x2  }
0xc0: {  	s31 =	sshll.u32 s1, $0xD;
	s1 =	sshrl.u32 s1, $0x2  }
0xc1: {  	s3 =	sand.u32 $0x4000, s31;
	s1 =	sadd.s32 s1, s30  }
0xc2: {  	s0 =	sor.u32 s3, s0;
	s1 =	sshll.u32 s1, $0x11  }
0xc3: {  	s0 =	sor.u32 s1, s0  }
0xc4: {  	s0 =	sadd.s32 $0x8F2B, s0  }
0xc5: {  	[sflag:s0] =	ssyncadd.remote.s32 $0x1  }
0xc6: {  	_ =	sfence.sel $0xFFFF  }
0xc7: {  	[dreg:$0x0] =	wrdreg $0xFFFFFFFF;
	(pc) =	sbr.abs _section_cstart, $3  }
0xc8: {  	[dreg:$0x1] =	wrdreg $0xFFFFFFFF  }
0xc9: {  	_ =	task.clear_ibuf [dreg:s7], $0x2FFFF;
	_ =	strace $0x9FFFFFFF  }
0xca: {  	(tm) =	ssettm $0x7FFFFFFF  }
0xcb: {  	_ =	shalt  }
tec
execute0_lowered:
.L_overlay_start_1:
0x0: {  	(tag) =	ssettag $0x1  }
0x1: {  	s1 =	srdreg.scid;
	s0 =	rddreg [dreg:$0x0]  }
0x2: {  	s5 =	rddreg [dreg:$0x1];
	s6 =	stileid.u32  }
0x3: {  	s2 =	rddreg [dreg:$0x2];
	s13 =	simm.s32 $0xA;
	s14 =	simm.s32 $0x2800  }
0x4: {  	s17 =	simm.s32 $0xCD00;
	s19 =	simm.s32 $0x7D;
	s20 =	simm.s32 $0x5000  }
0x5: {  	s28 =	simm.s32 $0x1;
	s29 =	simm.s32 $0x5;
	s31 =	simm.s32 $0x2  }
0x6: {  	s1 =	sand.u32 $0x1, s1;
	s8 =	smul.u32 $0xA000, s6;
	s11 =	sadd.s32 $0x16200, s5  }
0x7: {  	s12 =	sadd.s32 $0x2000, s5;
	p0 =	sne.s32 s6, $0x0;
	s10 =	smul.u32 $0xA0000, s1  }
0x8: {  	s30 =	sshll.u32 s6, $0x6;
	s3 =	sshll.u32 s1, $0x4;
	s21 =	smul.u32 $0x5000, s1  }
0x9: {  	s1 =	ssub.s32 $0x2, s1;
	s15 =	sor.u32 $0x1C0A, s30;
	s4 =	sor.u32 s6, s3  }
0xa: {  	s3 =	rddreg [dreg:$0x3];
	s9 =	sshrl.u32 s8, $0x3;
	s22 =	sshrl.u32 s1, $0x1  }
0xb: {  	s24 =	sadd.s32 s8, s2;
	s7 =	smul.u32 $0x2800, s4;
	s4 =	simm.s32 $0x0  }
0xc: {  	s9 =	sadd.s32 s9, s5;
	s10 =	sadd.s32 s8, s10;
	s1 =	ssub.s32 s1, s22  }
0xd: {  	s16 =	sshrl.u32 s24, $0x3;
	s18 =	sshrl.u32 @!p0 s3, $0x3;
	s22 =	simm.s32 $0x6F40  }
0xe: {  	s24 =	simm.s32 $0x8E80;
	s8 =	simm.s32 $0x9;
	[smem:$0x7FF] =	sst s4  }
0xf: {  	s10 =	sshrl.u32 s10, $0x3;
	_ =	strace $0x80000047;
	[dreg:$0x5] =	wrdreg s11  }
0x10: {  	s25 =	sadd.s32 $0x1B200, s9;
	s1 =	smax.u32 s1, $0x1;
	[dreg:$0x6] =	wrdreg s12  }
0x11: {  	s7 =	sshrl.u32 s7, $0x3;
	s10 =	sadd.s32 s10, s5;
	[dreg:$0x9] =	wrdreg s25  }
0x12: {  	[dreg:$0xc] =	wrdreg s1;
	s25 =	simm.s32 $0x3;
	s11 =	simm.s32 $0x4F00  }
0x13: {  	s12 =	simm.s32 $0x4F80;
	s7 =	sadd.s32 s7, s5;
	s26 =	sadd.s32 $0x2F200, s10  }
0x14: {  	s1 =	simm.s32 $0x0;
	s23 =	sadd.s32 $0x2200, s7;
	[dreg:$0xa] =	wrdreg s26  }
0x15: {  	s5 =	sadd.s32 s21, s5;
	s7 =	sadd.s32 $0xC200, s7;
	[dreg:$0x7] =	wrdreg s23  }
0x16: {  	s21 =	simm.s32 $0x6;
	s5 =	sadd.s32 $0x57200, s5;
	[dreg:$0x8] =	wrdreg s7  }
0x17: {  	s10 =	simm.s32 $0x4E80;
	s26 =	simm.s32 $0xADC0;
	[dreg:$0xb] =	wrdreg s5  }
0x18: {  	s23 =	simm.s32 $0x7;
	s5 =	simm.s32 $0x4;
	s7 =	simm.s32 $0x8  }
.LBB2_1:
0x19: {  	s6 =	rddreg [dreg:$0x7]  }
0x1a: {  	[tilespmem:s4], [sflag:$0xA] =	stream.linear.gather [hbm4b:s6+s4], $0x2800, $0x38;
	[tilespmem:$0x19CD0] =	vst v63  }
0x1b: {  	_ =	swait.ge [sflag:s13], $0x2800  }
0x1c: {  	[sflag:s13] =	ssyncset.done $0x0  }
0x1d: {  	s9 =	rddreg [dreg:$0x8];
	[sflag:s13] =	ssyncadd.s32 $0xFFFFD800  }
0x1e: {  	[tilespmem:s14], [sflag:$0xA] =	stream.linear.gather [hbm4b:s9+s4], $0x2800, $0x38;
	[tilespmem:$0x19CD0] =	vst v63  }
0x1f: {  	_ =	swait.ge [sflag:s13], $0x2800  }
0x20: {  	[sflag:s13] =	ssyncset.done $0x0  }
0x21: {  	s9 =	rddreg [dreg:$0x9];
	[sflag:s13] =	ssyncadd.s32 $0xFFFFD800  }
0x22: {  	[spmem:s16], [sflag:s15] =	dma.local [hbm:s9], $0x1400  }
0x23: {  	_ =	swait.ge [sflag:s13], $0x1400  }
0x24: {  	[sflag:s13] =	ssyncset.done $0x0  }
0x25: {  	s9 =	rddreg [dreg:$0x6];
	[sflag:s13] =	ssyncadd.s32 $0xFFFFEC00  }
0x26: {  	[tilespmem:s17], [sflag:$0xA] =	stream.linear.gather [hbm4b:s9+s4], $0x7D0, $0x38;
	[tilespmem:$0x19CD0] =	vst v63  }
0x27: {  	_ =	swait.ge [sflag:s13], $0x7D0  }
0x28: {  	[sflag:s13] =	ssyncset.done $0x0  }
0x29: {  	s6 =	rddreg [dreg:$0x5];
	[sflag:s13] =	ssyncadd.s32 $0xFFFFF830  }
0x2a: {  	[spmem:s18], [sflag:s15] =	dma.local @!p0 [hbm:s6], $0x5000  }
0x2b: {  	s6 =	simm.s32 @!p0 $0xA  }
0x2c: {  	_ =	swait.ge @!p0 [sflag:s6], $0x5000  }
0x2d: {  	[sflag:s6] =	ssyncset.done @!p0 $0x0  }
0x2e: {  	[sflag:s6] =	ssyncadd.s32 @!p0 $0xFFFFB000  }
0x2f: {  	[bflag:$0x0] =	sbarrier.arrive $0xFFFF  }
0x30: {  	[tilespmem:s20], [sflag:$0x1] =	stream.indirect.gather [hbm4b:s0+s19], $0x40, s4, s19, $0xb8;
	[tilespmem:$0x19CD0] =	vst v63  }
0x31: {  	s9 =	simm.s32 $0x80  }
0x32: {  	[tilespmem:s22], [sflag:$0x2] =	stream.indirect.gather [hbm4b:s0+s19], $0x40, s9, s19, $0xb8;
	[tilespmem:$0x19CD0] =	vst v63  }
0x33: {  	s9 =	simm.s32 $0x100  }
0x34: {  	[tilespmem:s24], [sflag:$0x3] =	stream.indirect.gather [hbm4b:s0+s19], $0x40, s9, s19, $0xb8;
	[tilespmem:$0x19CD0] =	vst v63  }
0x35: {  	s9 =	simm.s32 $0x180  }
0x36: {  	[tilespmem:s26], [sflag:$0x4] =	stream.indirect.gather [hbm4b:s0+s19], $0x40, s9, s19, $0xb8;
	[tilespmem:$0x19CD0] =	vst v63  }
0x37: {  	_ =	swait.ge [sflag:s28], $0x1F40  }
0x38: {  	[sflag:s28] =	ssyncset.done $0x0  }
0x39: {  	[sflag:s28] =	ssyncadd.s32 $0xFFFFE0C0  }
0x3a: {  	[spmem:s2] =	stream.indirect.scatter.add.f32 [tilespmem:s20], [sflag:$0x5], $0x40, s14, s19, $0xb8;
	[tilespmem:$0x19CD0] =	vst v63  }
0x3b: {  	_ = 	snop  }
0x3c: {  	[spmem:s3] =	stream.indirect.scatter.add.f32 [tilespmem:s17], [sflag:$0x9], $0x10, s14, s19, $0xb8;
	[tilespmem:$0x19CD0] =	vst v63  }
0x3d: {  	_ =	swait.ge [sflag:s29], $0x1F40  }
0x3e: {  	[sflag:s29] =	ssyncset.done $0x0  }
0x3f: {  	s9 =	simm.s32 $0x200;
	[sflag:s29] =	ssyncadd.s32 $0xFFFFE0C0  }
0x40: {  	[tilespmem:s20], [sflag:$0x1] =	stream.indirect.gather [hbm4b:s0+s19], $0x40, s9, s19, $0xb8;
	[tilespmem:$0x19CD0] =	vst v63  }
0x41: {  	_ =	swait.ge [sflag:s31], $0x1F40  }
0x42: {  	[sflag:s31] =	ssyncset.done $0x0  }
0x43: {  	s9 =	simm.s32 $0x2880;
	[sflag:s31] =	ssyncadd.s32 $0xFFFFE0C0  }
0x44: {  	[spmem:s2] =	stream.indirect.scatter.add.f32 [tilespmem:s22], [sflag:$0x6], $0x40, s9, s19, $0xb8;
	[tilespmem:$0x19CD0] =	vst v63  }
0x45: {  	_ = 	snop  }
0x46: {  	[spmem:s3] =	stream.indirect.scatter.add.f32 [tilespmem:s17], [sflag:$0x9], $0x10, s9, s19, $0xb8;
	[tilespmem:$0x19CD0] =	vst v63  }
0x47: {  	_ =	swait.ge [sflag:s21], $0x1F40  }
0x48: {  	[sflag:s21] =	ssyncset.done $0x0  }
0x49: {  	s9 =	simm.s32 $0x280;
	[sflag:s21] =	ssyncadd.s32 $0xFFFFE0C0  }
0x4a: {  	[tilespmem:s22], [sflag:$0x2] =	stream.indirect.gather [hbm4b:s0+s19], $0x40, s9, s19, $0xb8;
	[tilespmem:$0x19CD0] =	vst v63  }
0x4b: {  	_ =	swait.ge [sflag:s25], $0x1F40  }
0x4c: {  	[sflag:s25] =	ssyncset.done $0x0  }
0x4d: {  	s9 =	simm.s32 $0x2900;
	[sflag:s25] =	ssyncadd.s32 $0xFFFFE0C0  }
0x4e: {  	[spmem:s2] =	stream.indirect.scatter.add.f32 [tilespmem:s24], [sflag:$0x7], $0x40, s9, s19, $0xb8;
	[tilespmem:$0x19CD0] =	vst v63  }
0x4f: {  	_ = 	snop  }
0x50: {  	[spmem:s3] =	stream.indirect.scatter.add.f32 [tilespmem:s17], [sflag:$0x9], $0x10, s9, s19, $0xb8;
	[tilespmem:$0x19CD0] =	vst v63  }
0x51: {  	_ =	swait.ge [sflag:s23], $0x1F40  }
0x52: {  	[sflag:s23] =	ssyncset.done $0x0  }
0x53: {  	s9 =	simm.s32 $0x300;
	[sflag:s23] =	ssyncadd.s32 $0xFFFFE0C0  }
0x54: {  	[tilespmem:s24], [sflag:$0x3] =	stream.indirect.gather [hbm4b:s0+s19], $0x40, s9, s19, $0xb8;
	[tilespmem:$0x19CD0] =	vst v63  }
0x55: {  	_ =	swait.ge [sflag:s5], $0x1F40  }
0x56: {  	[sflag:s5] =	ssyncset.done $0x0  }
0x57: {  	s9 =	simm.s32 $0x2980;
	[sflag:s5] =	ssyncadd.s32 $0xFFFFE0C0  }
0x58: {  	[spmem:s2] =	stream.indirect.scatter.add.f32 [tilespmem:s26], [sflag:$0x8], $0x40, s9, s19, $0xb8;
	[tilespmem:$0x19CD0] =	vst v63  }
0x59: {  	_ = 	snop  }
0x5a: {  	[spmem:s3] =	stream.indirect.scatter.add.f32 [tilespmem:s17], [sflag:$0x9], $0x10, s9, s19, $0xb8;
	[tilespmem:$0x19CD0] =	vst v63  }
0x5b: {  	_ =	swait.ge [sflag:s7], $0x1F40  }
0x5c: {  	[sflag:s7] =	ssyncset.done $0x0  }
0x5d: {  	s9 =	simm.s32 $0x380;
	[sflag:s7] =	ssyncadd.s32 $0xFFFFE0C0  }
0x5e: {  	[tilespmem:s26], [sflag:$0x4] =	stream.indirect.gather [hbm4b:s0+s19], $0x40, s9, s19, $0xb8;
	[tilespmem:$0x19CD0] =	vst v63  }
0x5f: {  	_ =	swait.ge [sflag:s28], $0x1F40  }
0x60: {  	[sflag:s28] =	ssyncset.done $0x0  }
0x61: {  	s9 =	simm.s32 $0x2A00;
	[sflag:s28] =	ssyncadd.s32 $0xFFFFE0C0  }
0x62: {  	[spmem:s2] =	stream.indirect.scatter.add.f32 [tilespmem:s20], [sflag:$0x5], $0x40, s9, s19, $0xb8;
	[tilespmem:$0x19CD0] =	vst v63  }
0x63: {  	_ = 	snop  }
0x64: {  	[spmem:s3] =	stream.indirect.scatter.add.f32 [tilespmem:s17], [sflag:$0x9], $0x10, s9, s19, $0xb8;
	[tilespmem:$0x19CD0] =	vst v63  }
0x65: {  	_ =	swait.ge [sflag:s29], $0x1F40  }
0x66: {  	[sflag:s29] =	ssyncset.done $0x0  }
0x67: {  	s9 =	simm.s32 $0x400;
	[sflag:s29] =	ssyncadd.s32 $0xFFFFE0C0  }
0x68: {  	[tilespmem:s20], [sflag:$0x1] =	stream.indirect.gather [hbm4b:s0+s19], $0x40, s9, s19, $0xb8;
	[tilespmem:$0x19CD0] =	vst v63  }
0x69: {  	_ =	swait.ge [sflag:s8], $0x7D0  }
0x6a: {  	[sflag:s8] =	ssyncset.done $0x0  }
0x6b: {  	[sflag:s8] =	ssyncadd.s32 $0xFFFFF830  }
0x6c: {  	_ =	swait.ge [sflag:s31], $0x1F40  }
0x6d: {  	[sflag:s31] =	ssyncset.done $0x0  }
0x6e: {  	s9 =	simm.s32 $0x2A80;
	[sflag:s31] =	ssyncadd.s32 $0xFFFFE0C0  }
0x6f: {  	[spmem:s2] =	stream.indirect.scatter.add.f32 [tilespmem:s22], [sflag:$0x6], $0x40, s9, s19, $0xb8;
	[tilespmem:$0x19CD0] =	vst v63  }
0x70: {  	_ = 	snop  }
0x71: {  	[spmem:s3] =	stream.indirect.scatter.add.f32 [tilespmem:s17], [sflag:$0x9], $0x10, s9, s19, $0xb8;
	[tilespmem:$0x19CD0] =	vst v63  }
0x72: {  	_ =	swait.ge [sflag:s21], $0x1F40  }
0x73: {  	[sflag:s21] =	ssyncset.done $0x0  }
0x74: {  	s9 =	simm.s32 $0x480;
	[sflag:s21] =	ssyncadd.s32 $0xFFFFE0C0  }
0x75: {  	[tilespmem:s22], [sflag:$0x2] =	stream.indirect.gather [hbm4b:s0+s19], $0x40, s9, s19, $0xb8;
	[tilespmem:$0x19CD0] =	vst v63  }
0x76: {  	_ =	swait.ge [sflag:s8], $0x7D0  }
0x77: {  	[sflag:s8] =	ssyncset.done $0x0  }
0x78: {  	[sflag:s8] =	ssyncadd.s32 $0xFFFFF830  }
0x79: {  	_ =	swait.ge [sflag:s25], $0x1F40  }
0x7a: {  	[sflag:s25] =	ssyncset.done $0x0  }
0x7b: {  	s9 =	simm.s32 $0x2B00;
	[sflag:s25] =	ssyncadd.s32 $0xFFFFE0C0  }
0x7c: {  	[spmem:s2] =	stream.indirect.scatter.add.f32 [tilespmem:s24], [sflag:$0x7], $0x40, s9, s19, $0xb8;
	[tilespmem:$0x19CD0] =	vst v63  }
0x7d: {  	_ = 	snop  }
0x7e: {  	[spmem:s3] =	stream.indirect.scatter.add.f32 [tilespmem:s17], [sflag:$0x9], $0x10, s9, s19, $0xb8;
	[tilespmem:$0x19CD0] =	vst v63  }
0x7f: {  	_ =	swait.ge [sflag:s23], $0x1F40  }
0x80: {  	[sflag:s23] =	ssyncset.done $0x0  }
0x81: {  	s9 =	simm.s32 $0x500;
	[sflag:s23] =	ssyncadd.s32 $0xFFFFE0C0  }
0x82: {  	[tilespmem:s24], [sflag:$0x3] =	stream.indirect.gather [hbm4b:s0+s19], $0x40, s9, s19, $0xb8;
	[tilespmem:$0x19CD0] =	vst v63  }
0x83: {  	_ =	swait.ge [sflag:s8], $0x7D0  }
0x84: {  	[sflag:s8] =	ssyncset.done $0x0  }
0x85: {  	[sflag:s8] =	ssyncadd.s32 $0xFFFFF830  }
0x86: {  	_ =	swait.ge [sflag:s5], $0x1F40  }
0x87: {  	[sflag:s5] =	ssyncset.done $0x0  }
0x88: {  	s9 =	simm.s32 $0x2B80;
	[sflag:s5] =	ssyncadd.s32 $0xFFFFE0C0  }
0x89: {  	[spmem:s2] =	stream.indirect.scatter.add.f32 [tilespmem:s26], [sflag:$0x8], $0x40, s9, s19, $0xb8;
	[tilespmem:$0x19CD0] =	vst v63  }
0x8a: {  	_ = 	snop  }
0x8b: {  	[spmem:s3] =	stream.indirect.scatter.add.f32 [tilespmem:s17], [sflag:$0x9], $0x10, s9, s19, $0xb8;
	[tilespmem:$0x19CD0] =	vst v63  }
0x8c: {  	_ =	swait.ge [sflag:s7], $0x1F40  }
0x8d: {  	[sflag:s7] =	ssyncset.done $0x0  }
0x8e: {  	s9 =	simm.s32 $0x580;
	[sflag:s7] =	ssyncadd.s32 $0xFFFFE0C0  }
0x8f: {  	[tilespmem:s26], [sflag:$0x4] =	stream.indirect.gather [hbm4b:s0+s19], $0x40, s9, s19, $0xb8;
	[tilespmem:$0x19CD0] =	vst v63  }
0x90: {  	_ =	swait.ge [sflag:s8], $0x7D0  }
0x91: {  	s30 =	simm.s32 $0x800;
	[sflag:s8] =	ssyncset.done $0x0  }
.LBB2_2:
0x92: {  	p1 =	sne.s32 s30, $0x8800  }
0x93: {  	[sflag:s8] =	ssyncadd.s32 $0xFFFFF830;
	s6 =	smov.u32 s30;
	s30 =	sadd.s32 $0x800, s30  }
0x94: {  	_ =	swait.ge [sflag:s28], $0x1F40  }
0x95: {  	s6 =	sshra.s32 s6, $0x2;
	[sflag:s28] =	ssyncset.done $0x0  }
0x96: {  	s9 =	sadd.s32 $0x2A00, s6;
	[sflag:s28] =	ssyncadd.s32 $0xFFFFE0C0  }
0x97: {  	[spmem:s2] =	stream.indirect.scatter.add.f32 [tilespmem:s20], [sflag:$0x5], $0x40, s9, s19, $0xb8;
	[tilespmem:$0x19CD0] =	vst v63  }
0x98: {  	_ = 	snop  }
0x99: {  	[spmem:s3] =	stream.indirect.scatter.add.f32 [tilespmem:s17], [sflag:$0x9], $0x10, s9, s19, $0xb8;
	[tilespmem:$0x19CD0] =	vst v63  }
0x9a: {  	_ =	swait.ge [sflag:s29], $0x1F40  }
0x9b: {  	[sflag:s29] =	ssyncset.done $0x0  }
0x9c: {  	s9 =	sadd.s32 $0x400, s6;
	[sflag:s29] =	ssyncadd.s32 $0xFFFFE0C0  }
0x9d: {  	[tilespmem:s20], [sflag:$0x1] =	stream.indirect.gather [hbm4b:s0+s19], $0x40, s9, s19, $0xb8;
	[tilespmem:$0x19CD0] =	vst v63  }
0x9e: {  	_ =	swait.ge [sflag:s8], $0x7D0  }
0x9f: {  	[sflag:s8] =	ssyncset.done $0x0  }
0xa0: {  	[sflag:s8] =	ssyncadd.s32 $0xFFFFF830  }
0xa1: {  	_ =	swait.ge [sflag:s31], $0x1F40  }
0xa2: {  	[sflag:s31] =	ssyncset.done $0x0  }
0xa3: {  	s9 =	sadd.s32 $0x2A80, s6;
	[sflag:s31] =	ssyncadd.s32 $0xFFFFE0C0  }
0xa4: {  	[spmem:s2] =	stream.indirect.scatter.add.f32 [tilespmem:s22], [sflag:$0x6], $0x40, s9, s19, $0xb8;
	[tilespmem:$0x19CD0] =	vst v63  }
0xa5: {  	_ = 	snop  }
0xa6: {  	[spmem:s3] =	stream.indirect.scatter.add.f32 [tilespmem:s17], [sflag:$0x9], $0x10, s9, s19, $0xb8;
	[tilespmem:$0x19CD0] =	vst v63  }
0xa7: {  	_ =	swait.ge [sflag:s21], $0x1F40  }
0xa8: {  	[sflag:s21] =	ssyncset.done $0x0  }
0xa9: {  	s9 =	sadd.s32 $0x480, s6;
	[sflag:s21] =	ssyncadd.s32 $0xFFFFE0C0  }
0xaa: {  	[tilespmem:s22], [sflag:$0x2] =	stream.indirect.gather [hbm4b:s0+s19], $0x40, s9, s19, $0xb8;
	[tilespmem:$0x19CD0] =	vst v63  }
0xab: {  	_ =	swait.ge [sflag:s8], $0x7D0  }
0xac: {  	[sflag:s8] =	ssyncset.done $0x0  }
0xad: {  	[sflag:s8] =	ssyncadd.s32 $0xFFFFF830  }
0xae: {  	_ =	swait.ge [sflag:s25], $0x1F40  }
0xaf: {  	[sflag:s25] =	ssyncset.done $0x0  }
0xb0: {  	s9 =	sadd.s32 $0x2B00, s6;
	[sflag:s25] =	ssyncadd.s32 $0xFFFFE0C0  }
0xb1: {  	[spmem:s2] =	stream.indirect.scatter.add.f32 [tilespmem:s24], [sflag:$0x7], $0x40, s9, s19, $0xb8;
	[tilespmem:$0x19CD0] =	vst v63  }
0xb2: {  	_ = 	snop  }
0xb3: {  	[spmem:s3] =	stream.indirect.scatter.add.f32 [tilespmem:s17], [sflag:$0x9], $0x10, s9, s19, $0xb8;
	[tilespmem:$0x19CD0] =	vst v63  }
0xb4: {  	_ =	swait.ge [sflag:s23], $0x1F40  }
0xb5: {  	[sflag:s23] =	ssyncset.done $0x0  }
0xb6: {  	s9 =	sadd.s32 $0x500, s6;
	[sflag:s23] =	ssyncadd.s32 $0xFFFFE0C0  }
0xb7: {  	[tilespmem:s24], [sflag:$0x3] =	stream.indirect.gather [hbm4b:s0+s19], $0x40, s9, s19, $0xb8;
	[tilespmem:$0x19CD0] =	vst v63  }
0xb8: {  	_ =	swait.ge [sflag:s8], $0x7D0  }
0xb9: {  	[sflag:s8] =	ssyncset.done $0x0  }
0xba: {  	[sflag:s8] =	ssyncadd.s32 $0xFFFFF830  }
0xbb: {  	_ =	swait.ge [sflag:s5], $0x1F40  }
0xbc: {  	[sflag:s5] =	ssyncset.done $0x0  }
0xbd: {  	s9 =	sadd.s32 $0x2B80, s6;
	[sflag:s5] =	ssyncadd.s32 $0xFFFFE0C0  }
0xbe: {  	[spmem:s2] =	stream.indirect.scatter.add.f32 [tilespmem:s26], [sflag:$0x8], $0x40, s9, s19, $0xb8;
	[tilespmem:$0x19CD0] =	vst v63  }
0xbf: {  	_ = 	snop  }
0xc0: {  	[spmem:s3] =	stream.indirect.scatter.add.f32 [tilespmem:s17], [sflag:$0x9], $0x10, s9, s19, $0xb8;
	[tilespmem:$0x19CD0] =	vst v63  }
0xc1: {  	_ =	swait.ge [sflag:s7], $0x1F40  }
.Ltmp0:
0xc2: {  	[sflag:s7] =	ssyncset.done $0x0;
	(pc) =	sbr.rel @p1 .LBB2_2-.Ltmp0, $4  }
0xc3: {  	s6 =	sadd.s32 $0x580, s6;
	[sflag:s7] =	ssyncadd.s32 $0xFFFFE0C0  }
0xc4: {  	[tilespmem:s26], [sflag:$0x4] =	stream.indirect.gather [hbm4b:s0+s19], $0x40, s6, s19, $0xb8;
	[tilespmem:$0x19CD0] =	vst v63  }
0xc5: {  	_ =	swait.ge [sflag:s8], $0x7D0  }
0xc6: {  	[sflag:s8] =	ssyncset.done $0x0  }
0xc7: {  	[sflag:s8] =	ssyncadd.s32 $0xFFFFF830  }
0xc8: {  	_ =	swait.ge [sflag:s28], $0x1F40  }
0xc9: {  	[sflag:s28] =	ssyncset.done $0x0  }
0xca: {  	s6 =	simm.s32 $0x4E00;
	[sflag:s28] =	ssyncadd.s32 $0xFFFFE0C0  }
0xcb: {  	[spmem:s2] =	stream.indirect.scatter.add.f32 [tilespmem:s20], [sflag:$0x5], $0x40, s6, s19, $0xb8;
	[tilespmem:$0x19CD0] =	vst v63  }
0xcc: {  	_ = 	snop  }
0xcd: {  	[spmem:s3] =	stream.indirect.scatter.add.f32 [tilespmem:s17], [sflag:$0x9], $0x10, s6, s19, $0xb8;
	[tilespmem:$0x19CD0] =	vst v63  }
0xce: {  	_ =	swait.ge [sflag:s8], $0x7D0  }
0xcf: {  	[sflag:s8] =	ssyncset.done $0x0  }
0xd0: {  	[sflag:s8] =	ssyncadd.s32 $0xFFFFF830  }
0xd1: {  	_ =	swait.ge [sflag:s31], $0x1F40  }
0xd2: {  	[sflag:s31] =	ssyncset.done $0x0  }
0xd3: {  	[sflag:s31] =	ssyncadd.s32 $0xFFFFE0C0  }
0xd4: {  	[spmem:s2] =	stream.indirect.scatter.add.f32 [tilespmem:s22], [sflag:$0x6], $0x40, s10, s19, $0xb8;
	[tilespmem:$0x19CD0] =	vst v63  }
0xd5: {  	_ = 	snop  }
0xd6: {  	[spmem:s3] =	stream.indirect.scatter.add.f32 [tilespmem:s17], [sflag:$0x9], $0x10, s10, s19, $0xb8;
	[tilespmem:$0x19CD0] =	vst v63  }
0xd7: {  	_ =	swait.ge [sflag:s8], $0x7D0  }
0xd8: {  	[sflag:s8] =	ssyncset.done $0x0  }
0xd9: {  	[sflag:s8] =	ssyncadd.s32 $0xFFFFF830  }
0xda: {  	_ =	swait.ge [sflag:s25], $0x1F40  }
0xdb: {  	[sflag:s25] =	ssyncset.done $0x0  }
0xdc: {  	[sflag:s25] =	ssyncadd.s32 $0xFFFFE0C0  }
0xdd: {  	[spmem:s2] =	stream.indirect.scatter.add.f32 [tilespmem:s24], [sflag:$0x7], $0x40, s11, s19, $0xb8;
	[tilespmem:$0x19CD0] =	vst v63  }
0xde: {  	_ = 	snop  }
0xdf: {  	[spmem:s3] =	stream.indirect.scatter.add.f32 [tilespmem:s17], [sflag:$0x9], $0x10, s11, s19, $0xb8;
	[tilespmem:$0x19CD0] =	vst v63  }
0xe0: {  	_ =	swait.ge [sflag:s8], $0x7D0  }
0xe1: {  	[sflag:s8] =	ssyncset.done $0x0  }
0xe2: {  	[sflag:s8] =	ssyncadd.s32 $0xFFFFF830  }
0xe3: {  	_ =	swait.ge [sflag:s5], $0x1F40  }
0xe4: {  	[sflag:s5] =	ssyncset.done $0x0  }
0xe5: {  	[sflag:s5] =	ssyncadd.s32 $0xFFFFE0C0  }
0xe6: {  	[spmem:s2] =	stream.indirect.scatter.add.f32 [tilespmem:s26], [sflag:$0x8], $0x40, s12, s19, $0xb8;
	[tilespmem:$0x19CD0] =	vst v63  }
0xe7: {  	_ = 	snop  }
0xe8: {  	[spmem:s3] =	stream.indirect.scatter.add.f32 [tilespmem:s17], [sflag:$0x9], $0x10, s12, s19, $0xb8;
	[tilespmem:$0x19CD0] =	vst v63  }
0xe9: {  	_ =	swait.ge [sflag:s8], $0x7D0  }
0xea: {  	[sflag:s8] =	ssyncset.done $0x0  }
0xeb: {  	[sflag:s8] =	ssyncadd.s32 $0xFFFFF830  }
0xec: {  	_ =	swait.ge [sflag:s29], $0x1F40  }
0xed: {  	[sflag:s29] =	ssyncset.done $0x0  }
0xee: {  	[sflag:s29] =	ssyncadd.s32 $0xFFFFE0C0  }
0xef: {  	_ =	swait.ge [sflag:s8], $0x7D0  }
0xf0: {  	[sflag:s8] =	ssyncset.done $0x0  }
0xf1: {  	[sflag:s8] =	ssyncadd.s32 $0xFFFFF830  }
0xf2: {  	_ =	swait.ge [sflag:s21], $0x1F40  }
0xf3: {  	[sflag:s21] =	ssyncset.done $0x0  }
0xf4: {  	[sflag:s21] =	ssyncadd.s32 $0xFFFFE0C0  }
0xf5: {  	_ =	swait.ge [sflag:s8], $0x7D0  }
0xf6: {  	[sflag:s8] =	ssyncset.done $0x0  }
0xf7: {  	[sflag:s8] =	ssyncadd.s32 $0xFFFFF830  }
0xf8: {  	_ =	swait.ge [sflag:s23], $0x1F40  }
0xf9: {  	[sflag:s23] =	ssyncset.done $0x0  }
0xfa: {  	[sflag:s23] =	ssyncadd.s32 $0xFFFFE0C0  }
0xfb: {  	_ =	swait.ge [sflag:s8], $0x7D0  }
0xfc: {  	[sflag:s8] =	ssyncset.done $0x0  }
0xfd: {  	[sflag:s8] =	ssyncadd.s32 $0xFFFFF830  }
0xfe: {  	_ =	swait.ge [sflag:s7], $0x1F40  }
0xff: {  	[sflag:s7] =	ssyncset.done $0x0  }
0x100: {  	[sflag:s7] =	ssyncadd.s32 $0xFFFFE0C0  }
0x101: {  	_ =	swait.ge [sflag:s8], $0x7D0  }
0x102: {  	[sflag:s8] =	ssyncset.done $0x0  }
0x103: {  	[sflag:s8] =	ssyncadd.s32 $0xFFFFF830  }
0x104: {  	[bflag:$0x0] =	sbarrier.arrive $0xFFFF  }
0x105: {  	s30 =	rddreg [dreg:$0xa]  }
0x106: {  	[hbm:s30], [sflag:s15] =	dma.local [spmem:s16], $0x1400  }
0x107: {  	_ =	swait.ge [sflag:s13], $0x1400  }
0x108: {  	[sflag:s13] =	ssyncset.done $0x0  }
0x109: {  	s6 =	rddreg [dreg:$0xb];
	[sflag:s13] =	ssyncadd.s32 $0xFFFFEC00  }
0x10a: {  	[hbm:s6], [sflag:s15] =	dma.local @!p0 [spmem:s18], $0x5000  }
0x10b: {  	s6 =	simm.s32 @!p0 $0xA  }
0x10c: {  	_ =	swait.ge @!p0 [sflag:s6], $0x5000  }
0x10d: {  	s1 =	sadd.s32 $0x1, s1;
	s9 =	rddreg [dreg:$0xc]  }
0x10e: {  	p1 =	sne.s32 s1, s9  }
.Ltmp1:
0x10f: {  	_ = 	snop;
	(pc) =	sbr.rel @p1 .LBB2_1-.Ltmp1, $3  }
0x110: {  	_ =	sdelay $0x1  }
0x111: {  	[sflag:s6] =	ssyncset.done @!p0 $0x0  }
0x112: {  	[sflag:s6] =	ssyncadd.s32 @!p0 $0xFFFFB000  }
0x113: {  	_ =	sfence.sel $0x180000  }
0x114: {  	[bflag:$0x0] =	sbarrier.arrive $0xFFFF  }
0x115: {  	_ =	strace $0x90000047  }
0x116: {  	[bflag:$0x2] =	sbarrier.arrive $0xFFFF  }
0x117: {  	s0 =	rddreg [dreg:$0x4]  }
0x118: {  	s0 =	sadd.s32 @!p0 $0x100000, s0  }
0x119: {  	[sflag:s0] =	ssyncadd.tile.s32 @!p0 $0x1;
	_ =	shalt  }
.Lfunc_end2:
_tile_overlayer_lowered:
.L_overlay_start_2:
0x11a: {  	(tag) =	ssettag $0x2  }
0x11b: {  	s0 =	rddreg [dreg:$0x0];
	s2 =	stileid.u32  }
0x11c: {  	s1 =	rddreg [dreg:$0x1];
	p0 =	sne.s32 s2, $0x0  }
0x11d: {  	s3 =	rddreg [dreg:$0x2];
	[bflag:$0x3] =	sbarrier.arrive $0xFFFF;
	s2 =	simm.s32 @!p0 $0x1C0A  }
0x11e: {  	[timem:s3], [sflag:s2] =	dma.local @!p0 [hbm:s0], s1  }
0x11f: {  	s0 =	simm.s32 @!p0 $0xA  }
0x120: {  	_ =	swait.ge @!p0 [sflag:s0], s1  }
0x121: {  	s1 =	ssub.s32 @!p0 $0x0, s1;
	[sflag:s0] =	ssyncset.done @!p0 $0x0  }
0x122: {  	[sflag:s0] =	ssyncadd.s32 @!p0 s1  }
0x123: {  	[bflag:$0x3] =	sbarrier.arrive $0xFFFF  }
0x124: {  	_ =	shalt  }

</sc_bundles>
